<compile_context>
chip_gen: v7x
topology: tpu7x:2x2x1
jax: 0.10.2.dev20260603
libtpu: 0.0.44.dev20260713+nightly
codegen_flags: <defaults>
</compile_context>

<pallas_src>
import math

import jax
import jax.numpy as jnp
import numpy as np
from jax.experimental import pallas as pl

_M = 64
_FLOOR = 1e-06
_OFFS = np.array([[0, 0, 0], [0, 0, 1], [0, 1, 0], [0, 1, 1],
                  [1, 0, 0], [1, 0, 1], [1, 1, 0], [1, 1, 1]], dtype=np.int32)


def _green_mul_body(mr_ref, mi_ref, g_ref, or_ref, oi_ref):
    g = g_ref[...]
    or_ref[...] = mr_ref[...] * g
    oi_ref[...] = mi_ref[...] * g


def kernel(pos, source, cell):
    m = _M
    inv_cell = jnp.linalg.inv(cell)
    frac = pos @ inv_cell
    frac = frac - jnp.floor(frac)
    scaled = frac * float(m)
    base = jnp.floor(scaled).astype(jnp.int32)
    fo = scaled - base.astype(scaled.dtype)
    wx0 = 1.0 - fo[:, 0]; wy0 = 1.0 - fo[:, 1]; wz0 = 1.0 - fo[:, 2]
    wx1 = fo[:, 0]; wy1 = fo[:, 1]; wz1 = fo[:, 2]
    w = jnp.stack([wx0 * wy0 * wz0, wx0 * wy0 * wz1, wx0 * wy1 * wz0,
                   wx0 * wy1 * wz1, wx1 * wy0 * wz0, wx1 * wy0 * wz1,
                   wx1 * wy1 * wz0, wx1 * wy1 * wz1], axis=1)
    offs = jnp.asarray(_OFFS)
    c = source.shape[1]
    flat = jnp.zeros((m * m * m, c), dtype=source.dtype)
    flat_idx = []
    for corner in range(8):
        idx = jnp.mod(base + offs[corner], m)
        fi = (idx[:, 0] * m + idx[:, 1]) * m + idx[:, 2]
        flat_idx.append(fi)
        flat = flat.at[fi].add(source * w[:, corner:corner + 1])
    mesh = flat.reshape(m, m, m, c)
    freq = jnp.fft.fftfreq(m).astype(jnp.float32) * float(m)
    kx, ky, kz = jnp.meshgrid(freq, freq, freq, indexing='ij')
    ik = jnp.stack([kx, ky, kz], axis=-1).reshape(-1, 3)
    kcart = 2.0 * math.pi * (ik @ inv_cell)
    knorm = jnp.linalg.norm(kcart, axis=-1).reshape(m, m, m)
    vol = jnp.maximum(jnp.abs(jnp.linalg.det(cell)), _FLOOR)
    safe = jnp.maximum(knorm, _FLOOR)
    green = 4.0 * math.pi / (safe * safe)
    green = green.at[0, 0, 0].set(0.0)
    mh = jnp.fft.fftn(mesh, axes=(0, 1, 2))
    mr = jnp.real(mh)[..., 0]
    mi = jnp.imag(mh)[..., 0]
    pr, pi = pl.pallas_call(
        _green_mul_body,
        out_shape=[jax.ShapeDtypeStruct((m, m, m), jnp.float32),
                   jax.ShapeDtypeStruct((m, m, m), jnp.float32)],
    )(mr, mi, green)
    ph = (pr + 1j * pi)[..., None]
    pot = jnp.real(jnp.fft.ifftn(ph, axes=(0, 1, 2))) / vol
    flat_pot = pot.reshape(-1, c).astype(source.dtype)
    gathered = jnp.zeros((pos.shape[0], c), dtype=source.dtype)
    for corner in range(8):
        gathered = gathered + flat_pot[flat_idx[corner]] * w[:, corner:corner + 1]
    energy = 0.5 * jnp.sum(source * gathered, axis=-1)
    return energy

# --- scband reference (transcript-rebuilt; emitter-appended) ---
"""Pipeline reference for scband-mesh-long-range-kernel3-d-66881230733962 (READ-ONLY COPY).

The authoritative reference and input builder live on the scoring server;
editing this copy changes nothing except your own understanding.
"""

import math
import jax, jax.numpy as jnp
import numpy as np

MESH_SIZE = 64
K_NORM_FLOOR = 1e-06
CORNER_OFFSETS = np.array([[0,0,0],[0,0,1],[0,1,0],[0,1,1],[1,0,0],[1,0,1],[1,1,0],[1,1,1]], dtype=np.int32)


def _corner_weights(fo):
    wx0 = 1.0 - fo[:, 0]; wy0 = 1.0 - fo[:, 1]; wz0 = 1.0 - fo[:, 2]
    wx1 = fo[:, 0]; wy1 = fo[:, 1]; wz1 = fo[:, 2]
    return jnp.stack([wx0*wy0*wz0, wx0*wy0*wz1, wx0*wy1*wz0, wx0*wy1*wz1,
                      wx1*wy0*wz0, wx1*wy0*wz1, wx1*wy1*wz0, wx1*wy1*wz1], axis=1)


def setup_inputs(seed: int = 0) -> dict:
    key = jax.random.key(seed)
    k1, k2, k3 = jax.random.split(key, 3)
    n = 500000
    pos = jax.random.uniform(k1, (n, 3), dtype=jnp.float32) * 18.0
    source = jax.random.normal(k2, (n, 1), dtype=jnp.float32)
    cell = 18.0 * jnp.eye(3, dtype=jnp.float32) + 0.05 * jax.random.normal(k3, (3, 3), dtype=jnp.float32)
    return {"pos": pos, "source": source, "cell": cell}


def reference(pos, source, cell):
    m = MESH_SIZE
    inv_cell = jnp.linalg.inv(cell)
    # _prepare_frac_for_boundary (periodic)
    frac = pos @ inv_cell
    frac = frac - jnp.floor(frac)
    scaled = frac * float(m)
    base = jnp.floor(scaled).astype(jnp.int32)
    fo = scaled - base.astype(scaled.dtype)
    w = _corner_weights(fo)
    offs = jnp.asarray(CORNER_OFFSETS)
    c = source.shape[1]
    # _spread_source_to_mesh (CIC scatter-add over 8 corners)
    flat = jnp.zeros((m * m * m, c), dtype=source.dtype)
    flat_idx = []
    for corner in range(8):
        idx = jnp.mod(base + offs[corner], m)
        fi = (idx[:, 0] * m + idx[:, 1]) * m + idx[:, 2]
        flat_idx.append(fi)
        flat = flat.at[fi].add(source * w[:, corner:corner + 1])
    mesh = flat.reshape(m, m, m, c)
    # build_k_norms (periodic -> effective_cell == cell)
    freq = jnp.fft.fftfreq(m).astype(jnp.float32) * float(m)
    kx, ky, kz = jnp.meshgrid(freq, freq, freq, indexing='ij')
    ik = jnp.stack([kx, ky, kz], axis=-1).reshape(-1, 3)
    kcart = 2.0 * math.pi * (ik @ inv_cell)
    knorm = jnp.linalg.norm(kcart, axis=-1).reshape(m, m, m)
    vol = jnp.maximum(jnp.abs(jnp.linalg.det(cell)), K_NORM_FLOOR)
    # ReciprocalGreenKernel (green_mode='poisson'), include_k0=False
    safe = jnp.maximum(knorm, K_NORM_FLOOR)
    green = 4.0 * math.pi / (safe * safe)
    green = green.at[0, 0, 0].set(0.0)
    # apply_green_kernel: FFT -> multiply -> iFFT, normalized by cell volume
    mh = jnp.fft.fftn(mesh, axes=(0, 1, 2))
    pot = jnp.real(jnp.fft.ifftn(mh * green[..., None], axes=(0, 1, 2))) / vol
    # _gather_source_from_mesh (CIC gather over same 8 corners)
    flat_pot = pot.reshape(-1, c).astype(source.dtype)
    gathered = jnp.zeros((pos.shape[0], c), dtype=source.dtype)
    for corner in range(8):
        gathered = gathered + flat_pot[flat_idx[corner]] * w[:, corner:corner + 1]
    # energy_partition='potential': per-particle reciprocal energy
    energy = 0.5 * jnp.sum(source * gathered, axis=-1)
    return energy

if __name__ == "__main__":
    import jax
    _d = setup_inputs()
    print(jax.jit(kernel)(*tuple(_d.values())))

</pallas_src>

<mosaic_0001>
module attributes {stable_mosaic.version = 14 : i64} {
  func.func @_green_mul_body(%arg0: memref<64x64x64xf32, #tpu.memory_space<vmem>>, %arg1: memref<64x64x64xf32, #tpu.memory_space<vmem>>, %arg2: memref<64x64x64xf32, #tpu.memory_space<vmem>>, %arg3: memref<64x64x64xf32, #tpu.memory_space<vmem>>, %arg4: memref<64x64x64xf32, #tpu.memory_space<vmem>>) attributes {dimension_semantics = [], scalar_prefetch = 0 : i64, scratch_operands = 0 : i64, tpu.core_type = #tpu.core_type<tc>} {
    %get3A = arith.constant 0 : index
    %get3A_0 = arith.constant 0 : index
    %get3A_1 = arith.constant 0 : index
    %get3A_2 = vector.load %arg2[%get3A, %get3A_0, %get3A_1] : memref<64x64x64xf32, #tpu.memory_space<vmem>>, vector<64x64x64xf32>
    %get3A_3 = arith.constant 0 : index
    %get3A_4 = arith.constant 0 : index
    %get3A_5 = arith.constant 0 : index
    %get3A_6 = vector.load %arg0[%get3A_3, %get3A_4, %get3A_5] : memref<64x64x64xf32, #tpu.memory_space<vmem>>, vector<64x64x64xf32>
    %mul3A = arith.mulf %get3A_6, %get3A_2 : vector<64x64x64xf32>
    %swap3A = arith.constant 0 : index
    %swap3A_7 = arith.constant 0 : index
    %swap3A_8 = arith.constant 0 : index
    %swap3A_9 = vector.load %arg3[%swap3A, %swap3A_7, %swap3A_8] : memref<64x64x64xf32, #tpu.memory_space<vmem>>, vector<64x64x64xf32>
    tpu.vector_store %arg3[%swap3A, %swap3A_7, %swap3A_8], %mul3A {strides = array<i32>} : memref<64x64x64xf32, #tpu.memory_space<vmem>>, vector<64x64x64xf32>,
    %get3A_10 = arith.constant 0 : index
    %get3A_11 = arith.constant 0 : index
    %get3A_12 = arith.constant 0 : index
    %get3A_13 = vector.load %arg1[%get3A_10, %get3A_11, %get3A_12] : memref<64x64x64xf32, #tpu.memory_space<vmem>>, vector<64x64x64xf32>
    %mul3A_14 = arith.mulf %get3A_13, %get3A_2 : vector<64x64x64xf32>
    %swap3A_15 = arith.constant 0 : index
    %swap3A_16 = arith.constant 0 : index
    %swap3A_17 = arith.constant 0 : index
    %swap3A_18 = vector.load %arg4[%swap3A_15, %swap3A_16, %swap3A_17] : memref<64x64x64xf32, #tpu.memory_space<vmem>>, vector<64x64x64xf32>
    tpu.vector_store %arg4[%swap3A_15, %swap3A_16, %swap3A_17], %mul3A_14 {strides = array<i32>} : memref<64x64x64xf32, #tpu.memory_space<vmem>>, vector<64x64x64xf32>,
    return
  }
}

</mosaic_0001>

<sc_bundles>
// kernel: gather_offload_async_start.1
scs
__scs_entry_jumppad:
0x0: {  	(pc) =	sbr.rel $0x88, $3  }
0x1: {  	(tag) =	ssettag $0x0;
	lr =	simm.s32 $0x1  }
0x2: {  	[smem:$0x3F9E] =	sst lr;
	_ =	strace $0xD0000000  }
0x3: {  	_ = 	snop  }
0x4: {  	_ = 	snop  }
0x5: {  	_ = 	snop  }
0x6: {  	_ = 	snop  }
0x7: {  	_ = 	snop  }
__scs_overlays_trampoline_lowered:
0x8: {  	[smem:$0x3FAD] =	sst s0  }
0x9: {  	[smem:$0x3FAE] =	sst s1  }
0xa: {  	[smem:$0x3FAF] =	sst s2  }
0xb: {  	[smem:$0x3FB0] =	sst s3  }
0xc: {  	[smem:$0x3FB1] =	sst s4  }
0xd: {  	[smem:$0x3FB2] =	sst s5  }
0xe: {  	[smem:$0x3FB3] =	sst s6  }
0xf: {  	[smem:$0x3FB4] =	sst s7  }
0x10: {  	[smem:$0x3FB5] =	sst s8  }
0x11: {  	[smem:$0x3FB6] =	sst s9;
	s0 =	simm.s32 @!p0 $0x0  }
0x12: {  	s1 =	sld [smem:$0x3F9C];
	s0 =	simm.s32 @p0 $0x1  }
0x13: {  	[smem:$0x3FB7] =	sst s0;
	s0 =	simm.s32 @!p1 $0x0  }
0x14: {  	s2 =	sld [smem:$0x3F9B];
	s0 =	simm.s32 @p1 $0x1  }
0x15: {  	[smem:$0x3FB8] =	sst s0;
	s0 =	simm.s32 @!p2 $0x0  }
0x16: {  	s3 =	sld [smem:$0x3FDB];
	s0 =	simm.s32 @p2 $0x1  }
0x17: {  	s4 =	simm.s32 $0x1BF5;
	[smem:$0x3FBA] =	sst s0  }
0x18: {  	s0 =	sld [smem:$0x3F9D];
	_ =	swait.ge [sflag:s4], $0x0  }
0x19: {  	s7 =	sld [smem:$0x3F9E]  }
0x1a: {  	s8 =	sadd.s32 $0xFFFFE003, lr  }
0x1b: {  	s9 =	sadd.s32 $0xFFFFFEF7, lr;
	s5 =	simm.s32 $0xFFFFFFFF;
	p2 =	slt.u32 s8, $0xFFFFF086  }
0x1c: {  	p1 =	slt.u32 s9, $0xF7A;
	s5 =	simm.s32 @!p2 $0x0  }
0x1d: {  	s5 =	simm.s32 @p1 $0x1;
	p0 =	seq.s32 s7, s2  }
0x1e: {  	s7 =	smul.u32 @!p0 $0xF7A, s2;
	p2 =	seq.s32 @!p0 s5, $0x0  }
0x1f: {  	s9 =	smul.u32 $0xF7A, s1;
	s8 =	simm.s32 @!p0 $0x1BF5;
	p2 =	por !p2, p0  }
0x20: {  	[sflag:s8] =	ssyncset.s32 @!p0 $0xFFFFF086;
	s6 =	sadd.s32 @!p0 s3, s7;
	s7 =	simm.s32 @!p0 $0x108  }
0x21: {  	s3 =	sadd.s32 s3, s9;
	s6 =	sadd.s32 @!p0 $0x88, s6;
	s7 =	simm.s32 @p2 $0x1082  }
0x22: {  	[simem:s7], [sflag:s8] =	dma.local @!p0 [hbm:s6], $0xF7A  }
0x23: {  	s9 =	sor.u32 $0xD0000000, s2;
	s6 =	simm.s32 $0x108;
	_ =	swait.ge @!p0 [sflag:s8], $0x0  }
0x24: {  	s3 =	sadd.s32 $0x88, s3;
	s6 =	simm.s32 @!p1 $0x1082;
	[sflag:s4] =	ssyncset.s32 $0xFFFFF086  }
0x25: {  	[simem:s6], [sflag:s4] =	dma.local [hbm:s3], $0xF7A  }
0x26: {  	[smem:$0x3F9E] =	sst s1;
	(tag) =	ssettag s2;
	_ =	strace s9  }
0x27: {  	s1 =	sld [smem:$0x3FAE]  }
0x28: {  	s2 =	sld [smem:$0x3FAF]  }
0x29: {  	s4 =	sld [smem:$0x3FB1]  }
0x2a: {  	p0 =	seq.s32 s5, $0x0;
	s5 =	sld [smem:$0x3FB2]  }
0x2b: {  	s6 =	sld [smem:$0x3FB3]  }
0x2c: {  	s7 =	sld [smem:$0x3FB4]  }
0x2d: {  	s3 =	simm.s32 $0x108;
	s8 =	sld [smem:$0x3FB5]  }
0x2e: {  	s3 =	simm.s32 @!p0 $0x1082;
	s9 =	sld [smem:$0x3FB6]  }
0x2f: {  	lr =	sadd.s32 s0, s3;
	s0 =	sld [smem:$0x3FAD]  }
0x30: {  	s3 =	sld [smem:$0x3FB0]  }
0x31: {  	[smem:$0x3FB9] =	sst s10  }
0x32: {  	s10 =	sld [smem:$0x3FB7];
	_ =	sdelay $0x3  }
0x33: {  	p0 =	seq.s32 s10, $0x1;
	s10 =	sld [smem:$0x3FB9];
	_ =	sdelay $0x3  }
0x34: {  	[smem:$0x3FB9] =	sst s10  }
0x35: {  	s10 =	sld [smem:$0x3FB8];
	_ =	sdelay $0x3  }
0x36: {  	p1 =	seq.s32 s10, $0x1;
	s10 =	sld [smem:$0x3FB9];
	_ =	sdelay $0x3  }
0x37: {  	[smem:$0x3FB9] =	sst s10  }
0x38: {  	s10 =	sld [smem:$0x3FBA]  }
0x39: {  	_ = 	snop;
	(pc) =	sbr.ind lr, $3  }
0x3a: {  	_ = 	snop  }
0x3b: {  	_ = 	snop  }
0x3c: {  	p2 =	seq.s32 s10, $0x1;
	s10 =	sld [smem:$0x3FB9]  }
0x3d: {  	_ =	shalt  }
0x3e: {  	_ =	shalt  }
0x3f: {  	_ =	shalt  }
0x40: {  	_ =	shalt  }
0x41: {  	_ =	shalt  }
0x42: {  	_ =	shalt  }
0x43: {  	_ =	shalt  }
0x44: {  	_ =	shalt  }
0x45: {  	_ =	shalt  }
0x46: {  	_ =	shalt  }
0x47: {  	_ =	shalt  }
0x48: {  	_ =	shalt  }
0x49: {  	_ =	shalt  }
0x4a: {  	_ =	shalt  }
0x4b: {  	_ =	shalt  }
0x4c: {  	_ =	shalt  }
0x4d: {  	_ =	shalt  }
0x4e: {  	_ =	shalt  }
0x4f: {  	_ =	shalt  }
0x50: {  	_ =	shalt  }
0x51: {  	_ =	shalt  }
0x52: {  	_ =	shalt  }
0x53: {  	_ =	shalt  }
0x54: {  	_ =	shalt  }
0x55: {  	_ =	shalt  }
0x56: {  	_ =	shalt  }
0x57: {  	_ =	shalt  }
0x58: {  	_ =	shalt  }
0x59: {  	_ =	shalt  }
0x5a: {  	_ =	shalt  }
0x5b: {  	_ =	shalt  }
0x5c: {  	_ =	shalt  }
0x5d: {  	_ =	shalt  }
0x5e: {  	_ =	shalt  }
0x5f: {  	_ =	shalt  }
0x60: {  	_ =	shalt  }
0x61: {  	_ =	shalt  }
0x62: {  	_ =	shalt  }
0x63: {  	_ =	shalt  }
0x64: {  	_ =	shalt  }
0x65: {  	_ =	shalt  }
0x66: {  	_ =	shalt  }
0x67: {  	_ =	shalt  }
0x68: {  	_ =	shalt  }
0x69: {  	_ =	shalt  }
0x6a: {  	_ =	shalt  }
0x6b: {  	_ =	shalt  }
0x6c: {  	_ =	shalt  }
0x6d: {  	_ =	shalt  }
0x6e: {  	_ =	shalt  }
0x6f: {  	_ =	shalt  }
0x70: {  	_ =	shalt  }
0x71: {  	_ =	shalt  }
0x72: {  	_ =	shalt  }
0x73: {  	_ =	shalt  }
0x74: {  	_ =	shalt  }
0x75: {  	_ =	shalt  }
0x76: {  	_ =	shalt  }
0x77: {  	_ =	shalt  }
0x78: {  	_ =	shalt  }
0x79: {  	_ =	shalt  }
0x7a: {  	_ =	shalt  }
0x7b: {  	_ =	shalt  }
0x7c: {  	_ =	shalt  }
0x7d: {  	_ =	shalt  }
0x7e: {  	_ =	shalt  }
0x7f: {  	_ =	shalt  }
0x80: {  	_ =	shalt  }
0x81: {  	_ =	shalt  }
0x82: {  	_ =	shalt  }
0x83: {  	_ =	shalt  }
0x84: {  	_ =	shalt  }
0x85: {  	_ =	shalt  }
0x86: {  	_ =	shalt  }
0x87: {  	_ =	shalt  }
.Lfunc_end0:
.L_simem_size_0:
called_computation.9_lowered:
.L_overlay_start_0:
0x88: {  	s2 =	sld [smem:$0x3FD9]  }
0x89: {  	s3 =	sld [smem:$0x3FFE];
	_ =	sdelay $0x1  }
0x8a: {  	s1 =	srdreg.scid  }
0x8b: {  	s0 =	sand.u32 $0x1, s1  }
0x8c: {  	s17 =	sshll.u32 s0, $0xA;
	s2 =	sadd.s32 s3, s2  }
0x8d: {  	s2 =	sadd.s32 s2, s17  }
0x8e: {  	[smem:$0x3FC5] =	sst s2  }
0x8f: {  	_ = 	snop  }
0x90: {  	s18 =	sld [smem:$0x3FD0];
	(tm) =	ssettm $0x1  }
0x91: {  	s19 =	sld [smem:$0x3FFB];
	_ =	sdelay $0x3  }
0x92: {  	_ =	strace s19  }
0x93: {  	s2 =	sld [smem:$0x3FFC];
	_ =	sdelay $0x3  }
0x94: {  	_ =	strace s2  }
0x95: {  	s2 =	sld [smem:$0x3FFD];
	_ =	sdelay $0x3  }
0x96: {  	_ =	strace s2  }
0x97: {  	_ =	strace $0x8FFFFFFF  }
0x98: {  	s20 =	sld [smem:$0x3FDB];
	_ =	sdelay $0x1  }
0x99: {  	s4 =	simm.s32 $_scs_section_size  }
0x9a: {  	s5 =	simm.s32 $_size__tile_overlayer_lowered;
	s6 =	simm.s32 $_tile_overlayer_lowered  }
0x9b: {  	s7 =	simm.s32 $0x1BFF;
	s21 =	sshll.u32 s6, $0x1;
	s4 =	sadd.s32 s4, s20  }
0x9c: {  	s22 =	simm.s32 $0x0;
	s5 =	sshll.u32 s5, $0x1;
	s6 =	sadd.s32 s21, s4  }
0x9d: {  	[timem:s22], [sflag:s7] =	dma.local [hbm:s6], s5  }
0x9e: {  	_ =	swait.ge [sflag:s7], s5  }
0x9f: {  	s5 =	ssub.s32 $0x0, s5;
	[sflag:s7] =	ssyncset.done $0x0  }
0xa0: {  	[sflag:s7] =	ssyncadd.s32 s5;
	_ =	sdelay $0x1  }
0xa1: {  	s23 =	simm.s32 $0x1B8B  }
0xa2: {  	_ =	swait.ge [sflag:s23], $0x1  }
0xa3: {  	[sflag:s23] =	ssyncset.done $0x0  }
0xa4: {  	[sflag:s23] =	ssyncadd.s32 $0xFFFFFFFF  }
0xa5: {  	s5 =	sld [smem:$0x0]  }
0xa6: {  	s6 =	sand.u32 $0xFFFFFFFE, s1  }
0xa7: {  	p0 =	sne.s32 s1, s6  }
0xa8: {  	s6 =	sshll.u32 @p0 s6, $0xE  }
0xa9: {  	s6 =	sadd.s32 @p0 $0x11B8D, s6;
	s7 =	sshll.u32 @p0 s5, $0x11  }
0xaa: {  	s6 =	sor.u32 @p0 s7, s6  }
0xab: {  	[sflag:s6] =	ssyncadd.remote.s32 @p0 $0x1;
	_ =	sdelay $0x1  }
0xac: {  	s6 =	simm.s32 @p0 $0x1B8D  }
0xad: {  	_ =	swait.eq @p0 [sflag:s6], $0x1  }
0xae: {  	[sflag:s6] =	ssyncadd.s32 @p0 $0xFFFFFFFF  }
0xaf: {  	s7 =	sshll.u32 @!p0 s1, $0xE  }
0xb0: {  	s7 =	sor.u32 @!p0 $0x4000, s7;
	s6 =	simm.s32 @!p0 $0x1B8D  }
0xb1: {  	s5 =	sshll.u32 @!p0 s5, $0x11;
	s7 =	sadd.s32 @!p0 $0x11B8D, s7;
	_ =	swait.eq @!p0 [sflag:s6], $0x1  }
0xb2: {  	s5 =	sor.u32 @!p0 s5, s7;
	[sflag:s6] =	ssyncadd.s32 @!p0 $0xFFFFFFFF  }
0xb3: {  	s25 =	simm.s32 $0x1B8E;
	s24 =	sld [smem:$0x3FFE];
	[sflag:s5] =	ssyncadd.remote.s32 @!p0 $0x1  }
0xb4: {  	s26 =	simm.s32 $execute0_lowered;
	[smem:$0x3FD2] =	sst s25  }
0xb5: {  	s6 =	sshll.u32 s26, $0x1;
	_ =	strace $0x80000070;
	[dreg:$0x1] =	wrdreg $0xFFFFFFFF  }
0xb6: {  	s28 =	simm.s32 $_size_execute0_lowered;
	s4 =	sadd.s32 s4, s6;
	[dreg:$0x0] =	wrdreg $0x0  }
0xb7: {  	s6 =	sshll.u32 s28, $0x1;
	[dreg:$0x2] =	wrdreg s4  }
0xb8: {  	[dreg:$0x3] =	wrdreg s6  }
0xb9: {  	[dreg:$0x4] =	wrdreg $0xC0  }
0xba: {  	_ =	task [dreg:s22], $0x5FFFF  }
0xbb: {  	[dreg:$0x1] =	wrdreg $0xFFFFFFFF  }
0xbc: {  	[dreg:$0x0] =	wrdreg $0x60  }
0xbd: {  	[dreg:$0x2] =	wrdreg s18  }
0xbe: {  	[dreg:$0x3] =	wrdreg s24  }
0xbf: {  	[dreg:$0x4] =	wrdreg $0xA  }
0xc0: {  	_ =	task.clear_ibuf [dreg:s22], $0x5FFFF;
	_ =	strace $0x90000070  }
0xc1: {  	s29 =	simm.s32 $0xA;
	_ =	strace $0x80000072  }
0xc2: {  	_ =	swait.ge [sflag:s29], $0x1  }
0xc3: {  	[sflag:s29] =	ssyncadd.s32 $0xFFFFFFFF  }
0xc4: {  	_ =	strace $0x90000072  }
0xc5: {  	_ =	sfence  }
0xc6: {  	s30 =	sld [smem:$0x0];
	_ =	sdelay $0x2  }
0xc7: {  	s31 =	sshll.u32 s1, $0xD;
	s1 =	sshrl.u32 s1, $0x2  }
0xc8: {  	s4 =	sand.u32 $0x4000, s31;
	s1 =	sadd.s32 s1, s30  }
0xc9: {  	s0 =	sor.u32 s4, s0;
	s1 =	sshll.u32 s1, $0x11  }
0xca: {  	s0 =	sor.u32 s1, s0  }
0xcb: {  	s0 =	sadd.s32 $0x8F2B, s0  }
0xcc: {  	[sflag:s0] =	ssyncadd.remote.s32 $0x1  }
0xcd: {  	_ =	sfence.sel $0xFFFF  }
0xce: {  	[dreg:$0x0] =	wrdreg $0xFFFFFFFF;
	(pc) =	sbr.abs _section_cstart, $3  }
0xcf: {  	[dreg:$0x1] =	wrdreg $0xFFFFFFFF  }
0xd0: {  	_ =	task.clear_ibuf [dreg:s22], $0x2FFFF;
	_ =	strace $0x9FFFFFFF  }
0xd1: {  	(tm) =	ssettm $0x7FFFFFFF  }
tec
execute0_lowered:
.L_overlay_start_1:
0x0: {  	(tag) =	ssettag $0x1  }
0x1: {  	s2 =	rddreg [dreg:$0x0];
	s0 =	stileid.u32  }
0x2: {  	s1 =	srdreg.scid;
	s8 =	rddreg [dreg:$0x1]  }
0x3: {  	s5 =	simm.s32 $0x1;
	s9 =	simm.s32 $0x1;
	s10 =	simm.s32 $0x3  }
0x4: {  	s13 =	simm.s32 $0x0;
	s3 =	sand.u32 $0x1, s1;
	s4 =	sshll.u32 s0, $0x1  }
0x5: {  	s12 =	simm.s32 $0x0;
	s1 =	rddreg [dreg:$0x2];
	s6 =	sor.u32 s4, s3  }
0x6: {  	_ =	strace $0x80000071;
	s3 =	sadd.s32 $0x7BA00, s8;
	s4 =	smul.u32 $0x2710, s6  }
0x7: {  	[sflag:s5] =	ssyncpa.u1 $0x0;
	p0 =	slt.u32 s6, $0x13;
	s6 =	simm.s32 $0x4E200  }
.Ltmp0:
0x8: {  	s6 =	simm.s32 @!p0 $0x0;
	s7 =	ssub.s32 $0x7A120, s4;
	(pc) =	sbr.rel .LBB2_1-.Ltmp0, $4  }
0x9: {  	s9 =	simm.s32 @!p0 $0x0;
	p0 =	sne.s32 s7, s6;
	s7 =	simm.s32 $0x1  }
0xa: {  	s8 =	sadd.s32 $0x124600, s8;
	s6 =	simm.s32 $0x2;
	s7 =	simm.s32 @!p0 $0x0  }
0xb: {  	s11 =	smov.u32 s4;
	[sflag:s6] =	ssyncpa.u1 $0x0;
	s7 =	sadd.s32 s9, s7  }
0xc: {  	vm0 =	vmmov $0xffff;
	[sflag:s10] =	ssyncpa.u1 $0x0;
	s10 =	simm.s32 $0x0;
	s9 =	sadd.s32 $0x1, s7  }
.LBB2_4:
0xd: {  	v2 =	vnsel vm1, $0x0, v2  }
0xe: {  	vm1 =	vgt.s32 v0, $0x0;
	v2 =	vmin.u32 v2, $0x3FFFF  }
0xf: {  	v0 =	vnsel vm1, $0x0, v0  }
0x10: {  	v0 =	vmin.u32 v0, $0x3FFFF  }
0x11: {  	[tilespmem:s18], [sflag:$0x1] =	stream.indirect_vreg.gather [hbm4b:s2+s10], $0x1, v1, vm0, $0x4038;
	[tilespmem:$0x9C40] =	vst v63  }
0x12: {  	(ifvalue) =	ssetifvalue $0x7FFFFFFF  }
0x13: {  	[tilespmem:s15], [sflag:$0x1] =	stream.indirect_vreg.gather [hbm4b:s2+s10], $0x1, v2, vm0, $0x4038;
	[tilespmem:$0x9C40] =	vst v63  }
0x14: {  	s29 =	sadd.s32 $0x10, s15;
	(ifvalue) =	ssetifvalue $0x7FFFFFFF  }
0x15: {  	[tilespmem:s29], [sflag:$0x1] =	stream.indirect_vreg.gather [hbm4b:s2+s10], $0x1, v0, vm0, $0x4038;
	[tilespmem:$0x9C40] =	vst v63  }
0x16: {  	_ =	swait.ge [sflag:s5], $0x2710  }
0x17: {  	s30 =	sshrl.u32 s13, $0x3;
	[sflag:s5] =	ssyncset.done $0x0  }
0x18: {  	s31 =	sand.u32 $0x7, s13;
	s15 =	sadd.s32 s8, s30;
	[sflag:s5] =	ssyncadd.s32 $0xFFFFD8F0  }
0x19: {  	[hbm4b:s15+s31] =	stream.linear.scatter [tilespmem:s14], [sflag:$0x3], $0x2710, $0x38;
	[tilespmem:$0x9C40] =	vst v63  }
.LBB2_5:
0x1a: {  	s15 =	sadd.s32 $0x4E200, s11  }
0x1b: {  	p1 =	sgt.s32 s15, $0x7A11F  }
0x1c: {  	s15 =	smov.u32 @p1 s4;
	p1 =	sne.s32 s12, s9  }
.Ltmp1:
0x1d: {  	p0 =	slt.u32 s12, $0x2;
	(pc) =	sbr.rel @!p1 .LBB2_6-.Ltmp1, $4  }
0x1e: {  	s14 =	simm.s32 @!p0 $0x3  }
0x1f: {  	_ =	swait.ge @!p0 [sflag:s14], $0x2710  }
0x20: {  	s16 =	sadd.s32 $0x1, s12;
	s13 =	smov.u32 s11;
	[sflag:s14] =	ssyncset.done @!p0 $0x0  }
0x21: {  	s12 =	smov.u32 s16;
	s11 =	smov.u32 s15;
	[sflag:s14] =	ssyncadd.s32 @!p0 $0xFFFFD8F0  }
.LBB2_1:
0x22: {  	p0 =	sge.u32 s12, s7  }
0x23: {  	s14 =	sxor.u32 @!p0 $0x1, s12  }
0x24: {  	s14 =	smul.u32 @!p0 $0x9C40, s14  }
0x25: {  	s31 =	sadd.s32 $0xFFFFFFFF, s12;
	s15 =	sshrl.u32 @!p0 s11, $0x3  }
0x26: {  	s16 =	sand.u32 @!p0 $0x7, s11;
	s15 =	sadd.s32 @!p0 s3, s15;
	s14 =	sshra.s32 @!p0 s14, $0x2  }
0x27: {  	[tilespmem:s14], [sflag:$0x2] =	stream.linear.gather @!p0 [hbm4b:s15+s16], $0x2710, $0x38;
	[tilespmem:$0x9C40] =	vst v63  }
0x28: {  	p0 =	sge.u32 s31, s7  }
.Ltmp2:
0x29: {  	_ = 	snop;
	(pc) =	sbr.rel @p0 .LBB2_5-.Ltmp2, $1  }
0x2a: {  	_ =	sdelay $0x3  }
0x2b: {  	s14 =	sand.u32 $0x1, s12  }
0x2c: {  	_ =	swait.ge [sflag:s6], $0x2710;
	p0 =	seq.s32 s14, $0x1;
	s14 =	simm.s32 $0x2710  }
0x2d: {  	[sflag:s6] =	ssyncset.done $0x0;
	s14 =	simm.s32 @!p0 $0x0  }
0x2e: {  	[sflag:s6] =	ssyncadd.s32 $0xFFFFD8F0;
	(ifvalue) =	ssetifvalue $0x7FFFFFFF;
	v0 =	vld.msk [tilespmem:s14+$0x0 ss:$0x1], $0xffff;
	_ =	sdelay $0x4  }
0x2f: {  	s15 =	sadd.s32 $0x10, s14;
	vm1 =	vgt.s32 v0, $0x0  }
0x30: {  	v2 =	vld.msk [tilespmem:s15+$0x0 ss:$0x1], $0xffff;
	v1 =	vnsel vm1, $0x0, v0  }
0x31: {  	v1 =	vmin.u32 v1, $0x3FFFF;
	_ =	sdelay $0x2  }
0x32: {  	s17 =	simm.s32 $0x20;
	s14 =	sadd.s32 $0x4E20, s14;
	s16 =	sadd.s32 $0x10, s15  }
0x33: {  	s15 =	sadd.s32 $0x10, s14;
	s18 =	smov.u32 s14;
	v0 =	vld.msk [tilespmem:s16+$0x0 ss:$0x1], $0xffff;
	vm1 =	vgt.s32 v2, $0x0;
	(ifvalue) =	ssetifvalue $0x7FFFFFFF  }
.LBB2_3:
0x34: {  	[tilespmem:s18], [sflag:$0x1] =	stream.indirect_vreg.gather [hbm4b:s2+s10], $0x1, v1, vm0, $0x4038;
	[tilespmem:$0x9C40] =	vst v63  }
0x35: {  	s17 =	sadd.s32 $0x10, s17  }
0x36: {  	v2 =	vnsel vm1, $0x0, v2;
	p0 =	slt.u32 s17, $0x2700  }
.Ltmp3:
0x37: {  	s18 =	smov.u32 s15;
	v1 =	vmin.u32 v2, $0x3FFFF;
	(pc) =	sbr.rel @p0 .LBB2_3-.Ltmp3, $3  }
0x38: {  	_ =	sdelay $0x1  }
0x39: {  	s16 =	sadd.s32 $0x10, s16  }
0x3a: {  	vm1 =	vgt.s32 v0, $0x0;
	s15 =	sadd.s32 $0x10, s15;
	v2 =	vmov v0;
	(ifvalue) =	ssetifvalue $0x7FFFFFFF;
	v0 =	vld.msk [tilespmem:s16+$0x0 ss:$0x1], $0xffff  }
.Ltmp4:
0x3b: {  	_ = 	snop;
	(pc) =	sbr.rel .LBB2_4-.Ltmp4, $1  }
0x3c: {  	_ =	sdelay $0x3  }
.LBB2_6:
0x3d: {  	_ =	sfence.sel $0x180000  }
0x3e: {  	s2 =	simm.s32 $0x2;
	[bflag:$0x0] =	sbarrier.arrive $0xFFFF  }
0x3f: {  	s30 =	simm.s32 $0x3;
	[sflag:s2] =	ssyncpa.u1 $0x1  }
0x40: {  	s31 =	simm.s32 $0x1;
	[sflag:s30] =	ssyncpa.u1 $0x1  }
0x41: {  	[sflag:s31] =	ssyncpa.u1 $0x1  }
0x42: {  	p0 =	sne.s32 s0, $0x0;
	_ =	strace $0x90000071  }
0x43: {  	s0 =	sadd.s32 @!p0 $0x100000, s1;
	[bflag:$0x2] =	sbarrier.arrive $0xFFFF  }
0x44: {  	[sflag:s0] =	ssyncadd.tile.s32 @!p0 $0x1;
	_ =	shalt  }
.Lfunc_end2:
_tile_overlayer_lowered:
.L_overlay_start_2:
0x45: {  	(tag) =	ssettag $0x2  }
0x46: {  	s0 =	rddreg [dreg:$0x0];
	s2 =	stileid.u32  }
0x47: {  	s1 =	rddreg [dreg:$0x1];
	p0 =	sne.s32 s2, $0x0  }
0x48: {  	s3 =	rddreg [dreg:$0x2];
	[bflag:$0x3] =	sbarrier.arrive $0xFFFF;
	s2 =	simm.s32 @!p0 $0x1C01  }
0x49: {  	[timem:s3], [sflag:s2] =	dma.local @!p0 [hbm:s0], s1  }
0x4a: {  	s0 =	simm.s32 @!p0 $0x1  }
0x4b: {  	_ =	swait.ge @!p0 [sflag:s0], s1  }
0x4c: {  	s1 =	ssub.s32 @!p0 $0x0, s1;
	[sflag:s0] =	ssyncset.done @!p0 $0x0  }
0x4d: {  	[sflag:s0] =	ssyncadd.s32 @!p0 s1  }
0x4e: {  	[bflag:$0x3] =	sbarrier.arrive $0xFFFF  }
0x4f: {  	_ =	shalt  }

// kernel: gather_offload_async_start.2
scs
__scs_entry_jumppad:
0x0: {  	(pc) =	sbr.rel $0x88, $3  }
0x1: {  	(tag) =	ssettag $0x0;
	lr =	simm.s32 $0x1  }
0x2: {  	[smem:$0x3F9E] =	sst lr;
	_ =	strace $0xD0000000  }
0x3: {  	_ = 	snop  }
0x4: {  	_ = 	snop  }
0x5: {  	_ = 	snop  }
0x6: {  	_ = 	snop  }
0x7: {  	_ = 	snop  }
__scs_overlays_trampoline_lowered:
0x8: {  	[smem:$0x3FAD] =	sst s0  }
0x9: {  	[smem:$0x3FAE] =	sst s1  }
0xa: {  	[smem:$0x3FAF] =	sst s2  }
0xb: {  	[smem:$0x3FB0] =	sst s3  }
0xc: {  	[smem:$0x3FB1] =	sst s4  }
0xd: {  	[smem:$0x3FB2] =	sst s5  }
0xe: {  	[smem:$0x3FB3] =	sst s6  }
0xf: {  	[smem:$0x3FB4] =	sst s7  }
0x10: {  	[smem:$0x3FB5] =	sst s8  }
0x11: {  	[smem:$0x3FB6] =	sst s9;
	s0 =	simm.s32 @!p0 $0x0  }
0x12: {  	s1 =	sld [smem:$0x3F9C];
	s0 =	simm.s32 @p0 $0x1  }
0x13: {  	[smem:$0x3FB7] =	sst s0;
	s0 =	simm.s32 @!p1 $0x0  }
0x14: {  	s2 =	sld [smem:$0x3F9B];
	s0 =	simm.s32 @p1 $0x1  }
0x15: {  	[smem:$0x3FB8] =	sst s0;
	s0 =	simm.s32 @!p2 $0x0  }
0x16: {  	s3 =	sld [smem:$0x3FDB];
	s0 =	simm.s32 @p2 $0x1  }
0x17: {  	s4 =	simm.s32 $0x1BF5;
	[smem:$0x3FBA] =	sst s0  }
0x18: {  	s0 =	sld [smem:$0x3F9D];
	_ =	swait.ge [sflag:s4], $0x0  }
0x19: {  	s7 =	sld [smem:$0x3F9E]  }
0x1a: {  	s8 =	sadd.s32 $0xFFFFE003, lr  }
0x1b: {  	s9 =	sadd.s32 $0xFFFFFEF7, lr;
	s5 =	simm.s32 $0xFFFFFFFF;
	p2 =	slt.u32 s8, $0xFFFFF086  }
0x1c: {  	p1 =	slt.u32 s9, $0xF7A;
	s5 =	simm.s32 @!p2 $0x0  }
0x1d: {  	s5 =	simm.s32 @p1 $0x1;
	p0 =	seq.s32 s7, s2  }
0x1e: {  	s7 =	smul.u32 @!p0 $0xF7A, s2;
	p2 =	seq.s32 @!p0 s5, $0x0  }
0x1f: {  	s9 =	smul.u32 $0xF7A, s1;
	s8 =	simm.s32 @!p0 $0x1BF5;
	p2 =	por !p2, p0  }
0x20: {  	[sflag:s8] =	ssyncset.s32 @!p0 $0xFFFFF086;
	s6 =	sadd.s32 @!p0 s3, s7;
	s7 =	simm.s32 @!p0 $0x108  }
0x21: {  	s3 =	sadd.s32 s3, s9;
	s6 =	sadd.s32 @!p0 $0x88, s6;
	s7 =	simm.s32 @p2 $0x1082  }
0x22: {  	[simem:s7], [sflag:s8] =	dma.local @!p0 [hbm:s6], $0xF7A  }
0x23: {  	s9 =	sor.u32 $0xD0000000, s2;
	s6 =	simm.s32 $0x108;
	_ =	swait.ge @!p0 [sflag:s8], $0x0  }
0x24: {  	s3 =	sadd.s32 $0x88, s3;
	s6 =	simm.s32 @!p1 $0x1082;
	[sflag:s4] =	ssyncset.s32 $0xFFFFF086  }
0x25: {  	[simem:s6], [sflag:s4] =	dma.local [hbm:s3], $0xF7A  }
0x26: {  	[smem:$0x3F9E] =	sst s1;
	(tag) =	ssettag s2;
	_ =	strace s9  }
0x27: {  	s1 =	sld [smem:$0x3FAE]  }
0x28: {  	s2 =	sld [smem:$0x3FAF]  }
0x29: {  	s4 =	sld [smem:$0x3FB1]  }
0x2a: {  	p0 =	seq.s32 s5, $0x0;
	s5 =	sld [smem:$0x3FB2]  }
0x2b: {  	s6 =	sld [smem:$0x3FB3]  }
0x2c: {  	s7 =	sld [smem:$0x3FB4]  }
0x2d: {  	s3 =	simm.s32 $0x108;
	s8 =	sld [smem:$0x3FB5]  }
0x2e: {  	s3 =	simm.s32 @!p0 $0x1082;
	s9 =	sld [smem:$0x3FB6]  }
0x2f: {  	lr =	sadd.s32 s0, s3;
	s0 =	sld [smem:$0x3FAD]  }
0x30: {  	s3 =	sld [smem:$0x3FB0]  }
0x31: {  	[smem:$0x3FB9] =	sst s10  }
0x32: {  	s10 =	sld [smem:$0x3FB7];
	_ =	sdelay $0x3  }
0x33: {  	p0 =	seq.s32 s10, $0x1;
	s10 =	sld [smem:$0x3FB9];
	_ =	sdelay $0x3  }
0x34: {  	[smem:$0x3FB9] =	sst s10  }
0x35: {  	s10 =	sld [smem:$0x3FB8];
	_ =	sdelay $0x3  }
0x36: {  	p1 =	seq.s32 s10, $0x1;
	s10 =	sld [smem:$0x3FB9];
	_ =	sdelay $0x3  }
0x37: {  	[smem:$0x3FB9] =	sst s10  }
0x38: {  	s10 =	sld [smem:$0x3FBA]  }
0x39: {  	_ = 	snop;
	(pc) =	sbr.ind lr, $3  }
0x3a: {  	_ = 	snop  }
0x3b: {  	_ = 	snop  }
0x3c: {  	p2 =	seq.s32 s10, $0x1;
	s10 =	sld [smem:$0x3FB9]  }
0x3d: {  	_ =	shalt  }
0x3e: {  	_ =	shalt  }
0x3f: {  	_ =	shalt  }
0x40: {  	_ =	shalt  }
0x41: {  	_ =	shalt  }
0x42: {  	_ =	shalt  }
0x43: {  	_ =	shalt  }
0x44: {  	_ =	shalt  }
0x45: {  	_ =	shalt  }
0x46: {  	_ =	shalt  }
0x47: {  	_ =	shalt  }
0x48: {  	_ =	shalt  }
0x49: {  	_ =	shalt  }
0x4a: {  	_ =	shalt  }
0x4b: {  	_ =	shalt  }
0x4c: {  	_ =	shalt  }
0x4d: {  	_ =	shalt  }
0x4e: {  	_ =	shalt  }
0x4f: {  	_ =	shalt  }
0x50: {  	_ =	shalt  }
0x51: {  	_ =	shalt  }
0x52: {  	_ =	shalt  }
0x53: {  	_ =	shalt  }
0x54: {  	_ =	shalt  }
0x55: {  	_ =	shalt  }
0x56: {  	_ =	shalt  }
0x57: {  	_ =	shalt  }
0x58: {  	_ =	shalt  }
0x59: {  	_ =	shalt  }
0x5a: {  	_ =	shalt  }
0x5b: {  	_ =	shalt  }
0x5c: {  	_ =	shalt  }
0x5d: {  	_ =	shalt  }
0x5e: {  	_ =	shalt  }
0x5f: {  	_ =	shalt  }
0x60: {  	_ =	shalt  }
0x61: {  	_ =	shalt  }
0x62: {  	_ =	shalt  }
0x63: {  	_ =	shalt  }
0x64: {  	_ =	shalt  }
0x65: {  	_ =	shalt  }
0x66: {  	_ =	shalt  }
0x67: {  	_ =	shalt  }
0x68: {  	_ =	shalt  }
0x69: {  	_ =	shalt  }
0x6a: {  	_ =	shalt  }
0x6b: {  	_ =	shalt  }
0x6c: {  	_ =	shalt  }
0x6d: {  	_ =	shalt  }
0x6e: {  	_ =	shalt  }
0x6f: {  	_ =	shalt  }
0x70: {  	_ =	shalt  }
0x71: {  	_ =	shalt  }
0x72: {  	_ =	shalt  }
0x73: {  	_ =	shalt  }
0x74: {  	_ =	shalt  }
0x75: {  	_ =	shalt  }
0x76: {  	_ =	shalt  }
0x77: {  	_ =	shalt  }
0x78: {  	_ =	shalt  }
0x79: {  	_ =	shalt  }
0x7a: {  	_ =	shalt  }
0x7b: {  	_ =	shalt  }
0x7c: {  	_ =	shalt  }
0x7d: {  	_ =	shalt  }
0x7e: {  	_ =	shalt  }
0x7f: {  	_ =	shalt  }
0x80: {  	_ =	shalt  }
0x81: {  	_ =	shalt  }
0x82: {  	_ =	shalt  }
0x83: {  	_ =	shalt  }
0x84: {  	_ =	shalt  }
0x85: {  	_ =	shalt  }
0x86: {  	_ =	shalt  }
0x87: {  	_ =	shalt  }
.Lfunc_end0:
.L_simem_size_0:
called_computation.10_lowered:
.L_overlay_start_0:
0x88: {  	s2 =	sld [smem:$0x3FD9]  }
0x89: {  	s3 =	sld [smem:$0x3FFE];
	_ =	sdelay $0x1  }
0x8a: {  	s1 =	srdreg.scid  }
0x8b: {  	s0 =	sand.u32 $0x1, s1  }
0x8c: {  	s17 =	sshll.u32 s0, $0xA;
	s2 =	sadd.s32 s3, s2  }
0x8d: {  	s2 =	sadd.s32 s2, s17  }
0x8e: {  	[smem:$0x3FC5] =	sst s2  }
0x8f: {  	_ = 	snop  }
0x90: {  	s18 =	sld [smem:$0x3FD0];
	(tm) =	ssettm $0x1  }
0x91: {  	s19 =	sld [smem:$0x3FFB];
	_ =	sdelay $0x3  }
0x92: {  	_ =	strace s19  }
0x93: {  	s2 =	sld [smem:$0x3FFC];
	_ =	sdelay $0x3  }
0x94: {  	_ =	strace s2  }
0x95: {  	s2 =	sld [smem:$0x3FFD];
	_ =	sdelay $0x3  }
0x96: {  	_ =	strace s2  }
0x97: {  	_ =	strace $0x8FFFFFFF  }
0x98: {  	s20 =	sld [smem:$0x3FDB];
	_ =	sdelay $0x1  }
0x99: {  	s4 =	simm.s32 $_scs_section_size  }
0x9a: {  	s5 =	simm.s32 $_size__tile_overlayer_lowered;
	s6 =	simm.s32 $_tile_overlayer_lowered  }
0x9b: {  	s7 =	simm.s32 $0x1BFF;
	s21 =	sshll.u32 s6, $0x1;
	s4 =	sadd.s32 s4, s20  }
0x9c: {  	s22 =	simm.s32 $0x0;
	s5 =	sshll.u32 s5, $0x1;
	s6 =	sadd.s32 s21, s4  }
0x9d: {  	[timem:s22], [sflag:s7] =	dma.local [hbm:s6], s5  }
0x9e: {  	_ =	swait.ge [sflag:s7], s5  }
0x9f: {  	s5 =	ssub.s32 $0x0, s5;
	[sflag:s7] =	ssyncset.done $0x0  }
0xa0: {  	[sflag:s7] =	ssyncadd.s32 s5;
	_ =	sdelay $0x1  }
0xa1: {  	s23 =	simm.s32 $0x1B8B  }
0xa2: {  	_ =	swait.ge [sflag:s23], $0x1  }
0xa3: {  	[sflag:s23] =	ssyncset.done $0x0  }
0xa4: {  	[sflag:s23] =	ssyncadd.s32 $0xFFFFFFFF  }
0xa5: {  	s5 =	sld [smem:$0x0]  }
0xa6: {  	s6 =	sand.u32 $0xFFFFFFFE, s1  }
0xa7: {  	p0 =	sne.s32 s1, s6  }
0xa8: {  	s6 =	sshll.u32 @p0 s6, $0xE  }
0xa9: {  	s6 =	sadd.s32 @p0 $0x11B8D, s6;
	s7 =	sshll.u32 @p0 s5, $0x11  }
0xaa: {  	s6 =	sor.u32 @p0 s7, s6  }
0xab: {  	[sflag:s6] =	ssyncadd.remote.s32 @p0 $0x1;
	_ =	sdelay $0x1  }
0xac: {  	s6 =	simm.s32 @p0 $0x1B8D  }
0xad: {  	_ =	swait.eq @p0 [sflag:s6], $0x1  }
0xae: {  	[sflag:s6] =	ssyncadd.s32 @p0 $0xFFFFFFFF  }
0xaf: {  	s7 =	sshll.u32 @!p0 s1, $0xE  }
0xb0: {  	s7 =	sor.u32 @!p0 $0x4000, s7;
	s6 =	simm.s32 @!p0 $0x1B8D  }
0xb1: {  	s5 =	sshll.u32 @!p0 s5, $0x11;
	s7 =	sadd.s32 @!p0 $0x11B8D, s7;
	_ =	swait.eq @!p0 [sflag:s6], $0x1  }
0xb2: {  	s5 =	sor.u32 @!p0 s5, s7;
	[sflag:s6] =	ssyncadd.s32 @!p0 $0xFFFFFFFF  }
0xb3: {  	s25 =	simm.s32 $0x1B8E;
	s24 =	sld [smem:$0x3FFE];
	[sflag:s5] =	ssyncadd.remote.s32 @!p0 $0x1  }
0xb4: {  	s26 =	simm.s32 $execute0_lowered;
	[smem:$0x3FD2] =	sst s25  }
0xb5: {  	s6 =	sshll.u32 s26, $0x1;
	_ =	strace $0x8000006D;
	[dreg:$0x1] =	wrdreg $0xFFFFFFFF  }
0xb6: {  	s28 =	simm.s32 $_size_execute0_lowered;
	s4 =	sadd.s32 s4, s6;
	[dreg:$0x0] =	wrdreg $0x0  }
0xb7: {  	s6 =	sshll.u32 s28, $0x1;
	[dreg:$0x2] =	wrdreg s4  }
0xb8: {  	[dreg:$0x3] =	wrdreg s6  }
0xb9: {  	[dreg:$0x4] =	wrdreg $0xC0  }
0xba: {  	_ =	task [dreg:s22], $0x5FFFF  }
0xbb: {  	[dreg:$0x1] =	wrdreg $0xFFFFFFFF  }
0xbc: {  	[dreg:$0x0] =	wrdreg $0x60  }
0xbd: {  	[dreg:$0x2] =	wrdreg s18  }
0xbe: {  	[dreg:$0x3] =	wrdreg s24  }
0xbf: {  	[dreg:$0x4] =	wrdreg $0xB  }
0xc0: {  	_ =	task.clear_ibuf [dreg:s22], $0x5FFFF;
	_ =	strace $0x9000006D  }
0xc1: {  	s29 =	simm.s32 $0xB;
	_ =	strace $0x8000006F  }
0xc2: {  	_ =	swait.ge [sflag:s29], $0x1  }
0xc3: {  	[sflag:s29] =	ssyncadd.s32 $0xFFFFFFFF  }
0xc4: {  	_ =	strace $0x9000006F  }
0xc5: {  	_ =	sfence  }
0xc6: {  	s30 =	sld [smem:$0x0];
	_ =	sdelay $0x2  }
0xc7: {  	s31 =	sshll.u32 s1, $0xD;
	s1 =	sshrl.u32 s1, $0x2  }
0xc8: {  	s4 =	sand.u32 $0x4000, s31;
	s1 =	sadd.s32 s1, s30  }
0xc9: {  	s0 =	sor.u32 s4, s0;
	s1 =	sshll.u32 s1, $0x11  }
0xca: {  	s0 =	sor.u32 s1, s0  }
0xcb: {  	s0 =	sadd.s32 $0x8F2B, s0  }
0xcc: {  	[sflag:s0] =	ssyncadd.remote.s32 $0x1  }
0xcd: {  	_ =	sfence.sel $0xFFFF  }
0xce: {  	[dreg:$0x0] =	wrdreg $0xFFFFFFFF;
	(pc) =	sbr.abs _section_cstart, $3  }
0xcf: {  	[dreg:$0x1] =	wrdreg $0xFFFFFFFF  }
0xd0: {  	_ =	task.clear_ibuf [dreg:s22], $0x2FFFF;
	_ =	strace $0x9FFFFFFF  }
0xd1: {  	(tm) =	ssettm $0x7FFFFFFF  }
tec
execute0_lowered:
.L_overlay_start_1:
0x0: {  	(tag) =	ssettag $0x1  }
0x1: {  	s2 =	rddreg [dreg:$0x0];
	s0 =	stileid.u32  }
0x2: {  	s1 =	srdreg.scid;
	s8 =	rddreg [dreg:$0x1]  }
0x3: {  	s5 =	simm.s32 $0x1;
	s9 =	simm.s32 $0x1;
	s10 =	simm.s32 $0x3  }
0x4: {  	s13 =	simm.s32 $0x0;
	s3 =	sand.u32 $0x1, s1;
	s4 =	sshll.u32 s0, $0x1  }
0x5: {  	s12 =	simm.s32 $0x0;
	s1 =	rddreg [dreg:$0x2];
	s6 =	sor.u32 s4, s3  }
0x6: {  	_ =	strace $0x8000006E;
	s3 =	sadd.s32 $0x4D800, s8;
	s4 =	smul.u32 $0x2710, s6  }
0x7: {  	[sflag:s5] =	ssyncpa.u1 $0x0;
	p0 =	slt.u32 s6, $0x13;
	s6 =	simm.s32 $0x4E200  }
.Ltmp0:
0x8: {  	s6 =	simm.s32 @!p0 $0x0;
	s7 =	ssub.s32 $0x7A120, s4;
	(pc) =	sbr.rel .LBB2_1-.Ltmp0, $4  }
0x9: {  	s9 =	simm.s32 @!p0 $0x0;
	p0 =	sne.s32 s7, s6;
	s7 =	simm.s32 $0x1  }
0xa: {  	s8 =	sadd.s32 $0x115000, s8;
	s6 =	simm.s32 $0x2;
	s7 =	simm.s32 @!p0 $0x0  }
0xb: {  	s11 =	smov.u32 s4;
	[sflag:s6] =	ssyncpa.u1 $0x0;
	s7 =	sadd.s32 s9, s7  }
0xc: {  	vm0 =	vmmov $0xffff;
	[sflag:s10] =	ssyncpa.u1 $0x0;
	s10 =	simm.s32 $0x0;
	s9 =	sadd.s32 $0x1, s7  }
.LBB2_4:
0xd: {  	v2 =	vnsel vm1, $0x0, v2  }
0xe: {  	vm1 =	vgt.s32 v0, $0x0;
	v2 =	vmin.u32 v2, $0x3FFFF  }
0xf: {  	v0 =	vnsel vm1, $0x0, v0  }
0x10: {  	v0 =	vmin.u32 v0, $0x3FFFF  }
0x11: {  	[tilespmem:s18], [sflag:$0x1] =	stream.indirect_vreg.gather [hbm4b:s2+s10], $0x1, v1, vm0, $0x4038;
	[tilespmem:$0x9C40] =	vst v63  }
0x12: {  	(ifvalue) =	ssetifvalue $0x7FFFFFFF  }
0x13: {  	[tilespmem:s15], [sflag:$0x1] =	stream.indirect_vreg.gather [hbm4b:s2+s10], $0x1, v2, vm0, $0x4038;
	[tilespmem:$0x9C40] =	vst v63  }
0x14: {  	s29 =	sadd.s32 $0x10, s15;
	(ifvalue) =	ssetifvalue $0x7FFFFFFF  }
0x15: {  	[tilespmem:s29], [sflag:$0x1] =	stream.indirect_vreg.gather [hbm4b:s2+s10], $0x1, v0, vm0, $0x4038;
	[tilespmem:$0x9C40] =	vst v63  }
0x16: {  	_ =	swait.ge [sflag:s5], $0x2710  }
0x17: {  	s30 =	sshrl.u32 s13, $0x3;
	[sflag:s5] =	ssyncset.done $0x0  }
0x18: {  	s31 =	sand.u32 $0x7, s13;
	s15 =	sadd.s32 s8, s30;
	[sflag:s5] =	ssyncadd.s32 $0xFFFFD8F0  }
0x19: {  	[hbm4b:s15+s31] =	stream.linear.scatter [tilespmem:s14], [sflag:$0x3], $0x2710, $0x38;
	[tilespmem:$0x9C40] =	vst v63  }
.LBB2_5:
0x1a: {  	s15 =	sadd.s32 $0x4E200, s11  }
0x1b: {  	p1 =	sgt.s32 s15, $0x7A11F  }
0x1c: {  	s15 =	smov.u32 @p1 s4;
	p1 =	sne.s32 s12, s9  }
.Ltmp1:
0x1d: {  	p0 =	slt.u32 s12, $0x2;
	(pc) =	sbr.rel @!p1 .LBB2_6-.Ltmp1, $4  }
0x1e: {  	s14 =	simm.s32 @!p0 $0x3  }
0x1f: {  	_ =	swait.ge @!p0 [sflag:s14], $0x2710  }
0x20: {  	s16 =	sadd.s32 $0x1, s12;
	s13 =	smov.u32 s11;
	[sflag:s14] =	ssyncset.done @!p0 $0x0  }
0x21: {  	s12 =	smov.u32 s16;
	s11 =	smov.u32 s15;
	[sflag:s14] =	ssyncadd.s32 @!p0 $0xFFFFD8F0  }
.LBB2_1:
0x22: {  	p0 =	sge.u32 s12, s7  }
0x23: {  	s14 =	sxor.u32 @!p0 $0x1, s12  }
0x24: {  	s14 =	smul.u32 @!p0 $0x9C40, s14  }
0x25: {  	s31 =	sadd.s32 $0xFFFFFFFF, s12;
	s15 =	sshrl.u32 @!p0 s11, $0x3  }
0x26: {  	s16 =	sand.u32 @!p0 $0x7, s11;
	s15 =	sadd.s32 @!p0 s3, s15;
	s14 =	sshra.s32 @!p0 s14, $0x2  }
0x27: {  	[tilespmem:s14], [sflag:$0x2] =	stream.linear.gather @!p0 [hbm4b:s15+s16], $0x2710, $0x38;
	[tilespmem:$0x9C40] =	vst v63  }
0x28: {  	p0 =	sge.u32 s31, s7  }
.Ltmp2:
0x29: {  	_ = 	snop;
	(pc) =	sbr.rel @p0 .LBB2_5-.Ltmp2, $1  }
0x2a: {  	_ =	sdelay $0x3  }
0x2b: {  	s14 =	sand.u32 $0x1, s12  }
0x2c: {  	_ =	swait.ge [sflag:s6], $0x2710;
	p0 =	seq.s32 s14, $0x1;
	s14 =	simm.s32 $0x2710  }
0x2d: {  	[sflag:s6] =	ssyncset.done $0x0;
	s14 =	simm.s32 @!p0 $0x0  }
0x2e: {  	[sflag:s6] =	ssyncadd.s32 $0xFFFFD8F0;
	(ifvalue) =	ssetifvalue $0x7FFFFFFF;
	v0 =	vld.msk [tilespmem:s14+$0x0 ss:$0x1], $0xffff;
	_ =	sdelay $0x4  }
0x2f: {  	s15 =	sadd.s32 $0x10, s14;
	vm1 =	vgt.s32 v0, $0x0  }
0x30: {  	v2 =	vld.msk [tilespmem:s15+$0x0 ss:$0x1], $0xffff;
	v1 =	vnsel vm1, $0x0, v0  }
0x31: {  	v1 =	vmin.u32 v1, $0x3FFFF;
	_ =	sdelay $0x2  }
0x32: {  	s17 =	simm.s32 $0x20;
	s14 =	sadd.s32 $0x4E20, s14;
	s16 =	sadd.s32 $0x10, s15  }
0x33: {  	s15 =	sadd.s32 $0x10, s14;
	s18 =	smov.u32 s14;
	v0 =	vld.msk [tilespmem:s16+$0x0 ss:$0x1], $0xffff;
	vm1 =	vgt.s32 v2, $0x0;
	(ifvalue) =	ssetifvalue $0x7FFFFFFF  }
.LBB2_3:
0x34: {  	[tilespmem:s18], [sflag:$0x1] =	stream.indirect_vreg.gather [hbm4b:s2+s10], $0x1, v1, vm0, $0x4038;
	[tilespmem:$0x9C40] =	vst v63  }
0x35: {  	s17 =	sadd.s32 $0x10, s17  }
0x36: {  	v2 =	vnsel vm1, $0x0, v2;
	p0 =	slt.u32 s17, $0x2700  }
.Ltmp3:
0x37: {  	s18 =	smov.u32 s15;
	v1 =	vmin.u32 v2, $0x3FFFF;
	(pc) =	sbr.rel @p0 .LBB2_3-.Ltmp3, $3  }
0x38: {  	_ =	sdelay $0x1  }
0x39: {  	s16 =	sadd.s32 $0x10, s16  }
0x3a: {  	vm1 =	vgt.s32 v0, $0x0;
	s15 =	sadd.s32 $0x10, s15;
	v2 =	vmov v0;
	(ifvalue) =	ssetifvalue $0x7FFFFFFF;
	v0 =	vld.msk [tilespmem:s16+$0x0 ss:$0x1], $0xffff  }
.Ltmp4:
0x3b: {  	_ = 	snop;
	(pc) =	sbr.rel .LBB2_4-.Ltmp4, $1  }
0x3c: {  	_ =	sdelay $0x3  }
.LBB2_6:
0x3d: {  	_ =	sfence.sel $0x180000  }
0x3e: {  	s2 =	simm.s32 $0x2;
	[bflag:$0x0] =	sbarrier.arrive $0xFFFF  }
0x3f: {  	s30 =	simm.s32 $0x3;
	[sflag:s2] =	ssyncpa.u1 $0x1  }
0x40: {  	s31 =	simm.s32 $0x1;
	[sflag:s30] =	ssyncpa.u1 $0x1  }
0x41: {  	[sflag:s31] =	ssyncpa.u1 $0x1  }
0x42: {  	p0 =	sne.s32 s0, $0x0;
	_ =	strace $0x9000006E  }
0x43: {  	s0 =	sadd.s32 @!p0 $0x100000, s1;
	[bflag:$0x2] =	sbarrier.arrive $0xFFFF  }
0x44: {  	[sflag:s0] =	ssyncadd.tile.s32 @!p0 $0x1;
	_ =	shalt  }
.Lfunc_end2:
_tile_overlayer_lowered:
.L_overlay_start_2:
0x45: {  	(tag) =	ssettag $0x2  }
0x46: {  	s0 =	rddreg [dreg:$0x0];
	s2 =	stileid.u32  }
0x47: {  	s1 =	rddreg [dreg:$0x1];
	p0 =	sne.s32 s2, $0x0  }
0x48: {  	s3 =	rddreg [dreg:$0x2];
	[bflag:$0x3] =	sbarrier.arrive $0xFFFF;
	s2 =	simm.s32 @!p0 $0x1C01  }
0x49: {  	[timem:s3], [sflag:s2] =	dma.local @!p0 [hbm:s0], s1  }
0x4a: {  	s0 =	simm.s32 @!p0 $0x1  }
0x4b: {  	_ =	swait.ge @!p0 [sflag:s0], s1  }
0x4c: {  	s1 =	ssub.s32 @!p0 $0x0, s1;
	[sflag:s0] =	ssyncset.done @!p0 $0x0  }
0x4d: {  	[sflag:s0] =	ssyncadd.s32 @!p0 s1  }
0x4e: {  	[bflag:$0x3] =	sbarrier.arrive $0xFFFF  }
0x4f: {  	_ =	shalt  }

// kernel: gather_offload_async_start.3
scs
__scs_entry_jumppad:
0x0: {  	(pc) =	sbr.rel $0x88, $3  }
0x1: {  	(tag) =	ssettag $0x0;
	lr =	simm.s32 $0x1  }
0x2: {  	[smem:$0x3F9E] =	sst lr;
	_ =	strace $0xD0000000  }
0x3: {  	_ = 	snop  }
0x4: {  	_ = 	snop  }
0x5: {  	_ = 	snop  }
0x6: {  	_ = 	snop  }
0x7: {  	_ = 	snop  }
__scs_overlays_trampoline_lowered:
0x8: {  	[smem:$0x3FAD] =	sst s0  }
0x9: {  	[smem:$0x3FAE] =	sst s1  }
0xa: {  	[smem:$0x3FAF] =	sst s2  }
0xb: {  	[smem:$0x3FB0] =	sst s3  }
0xc: {  	[smem:$0x3FB1] =	sst s4  }
0xd: {  	[smem:$0x3FB2] =	sst s5  }
0xe: {  	[smem:$0x3FB3] =	sst s6  }
0xf: {  	[smem:$0x3FB4] =	sst s7  }
0x10: {  	[smem:$0x3FB5] =	sst s8  }
0x11: {  	[smem:$0x3FB6] =	sst s9;
	s0 =	simm.s32 @!p0 $0x0  }
0x12: {  	s1 =	sld [smem:$0x3F9C];
	s0 =	simm.s32 @p0 $0x1  }
0x13: {  	[smem:$0x3FB7] =	sst s0;
	s0 =	simm.s32 @!p1 $0x0  }
0x14: {  	s2 =	sld [smem:$0x3F9B];
	s0 =	simm.s32 @p1 $0x1  }
0x15: {  	[smem:$0x3FB8] =	sst s0;
	s0 =	simm.s32 @!p2 $0x0  }
0x16: {  	s3 =	sld [smem:$0x3FDB];
	s0 =	simm.s32 @p2 $0x1  }
0x17: {  	s4 =	simm.s32 $0x1BF5;
	[smem:$0x3FBA] =	sst s0  }
0x18: {  	s0 =	sld [smem:$0x3F9D];
	_ =	swait.ge [sflag:s4], $0x0  }
0x19: {  	s7 =	sld [smem:$0x3F9E]  }
0x1a: {  	s8 =	sadd.s32 $0xFFFFE003, lr  }
0x1b: {  	s9 =	sadd.s32 $0xFFFFFEF7, lr;
	s5 =	simm.s32 $0xFFFFFFFF;
	p2 =	slt.u32 s8, $0xFFFFF086  }
0x1c: {  	p1 =	slt.u32 s9, $0xF7A;
	s5 =	simm.s32 @!p2 $0x0  }
0x1d: {  	s5 =	simm.s32 @p1 $0x1;
	p0 =	seq.s32 s7, s2  }
0x1e: {  	s7 =	smul.u32 @!p0 $0xF7A, s2;
	p2 =	seq.s32 @!p0 s5, $0x0  }
0x1f: {  	s9 =	smul.u32 $0xF7A, s1;
	s8 =	simm.s32 @!p0 $0x1BF5;
	p2 =	por !p2, p0  }
0x20: {  	[sflag:s8] =	ssyncset.s32 @!p0 $0xFFFFF086;
	s6 =	sadd.s32 @!p0 s3, s7;
	s7 =	simm.s32 @!p0 $0x108  }
0x21: {  	s3 =	sadd.s32 s3, s9;
	s6 =	sadd.s32 @!p0 $0x88, s6;
	s7 =	simm.s32 @p2 $0x1082  }
0x22: {  	[simem:s7], [sflag:s8] =	dma.local @!p0 [hbm:s6], $0xF7A  }
0x23: {  	s9 =	sor.u32 $0xD0000000, s2;
	s6 =	simm.s32 $0x108;
	_ =	swait.ge @!p0 [sflag:s8], $0x0  }
0x24: {  	s3 =	sadd.s32 $0x88, s3;
	s6 =	simm.s32 @!p1 $0x1082;
	[sflag:s4] =	ssyncset.s32 $0xFFFFF086  }
0x25: {  	[simem:s6], [sflag:s4] =	dma.local [hbm:s3], $0xF7A  }
0x26: {  	[smem:$0x3F9E] =	sst s1;
	(tag) =	ssettag s2;
	_ =	strace s9  }
0x27: {  	s1 =	sld [smem:$0x3FAE]  }
0x28: {  	s2 =	sld [smem:$0x3FAF]  }
0x29: {  	s4 =	sld [smem:$0x3FB1]  }
0x2a: {  	p0 =	seq.s32 s5, $0x0;
	s5 =	sld [smem:$0x3FB2]  }
0x2b: {  	s6 =	sld [smem:$0x3FB3]  }
0x2c: {  	s7 =	sld [smem:$0x3FB4]  }
0x2d: {  	s3 =	simm.s32 $0x108;
	s8 =	sld [smem:$0x3FB5]  }
0x2e: {  	s3 =	simm.s32 @!p0 $0x1082;
	s9 =	sld [smem:$0x3FB6]  }
0x2f: {  	lr =	sadd.s32 s0, s3;
	s0 =	sld [smem:$0x3FAD]  }
0x30: {  	s3 =	sld [smem:$0x3FB0]  }
0x31: {  	[smem:$0x3FB9] =	sst s10  }
0x32: {  	s10 =	sld [smem:$0x3FB7];
	_ =	sdelay $0x3  }
0x33: {  	p0 =	seq.s32 s10, $0x1;
	s10 =	sld [smem:$0x3FB9];
	_ =	sdelay $0x3  }
0x34: {  	[smem:$0x3FB9] =	sst s10  }
0x35: {  	s10 =	sld [smem:$0x3FB8];
	_ =	sdelay $0x3  }
0x36: {  	p1 =	seq.s32 s10, $0x1;
	s10 =	sld [smem:$0x3FB9];
	_ =	sdelay $0x3  }
0x37: {  	[smem:$0x3FB9] =	sst s10  }
0x38: {  	s10 =	sld [smem:$0x3FBA]  }
0x39: {  	_ = 	snop;
	(pc) =	sbr.ind lr, $3  }
0x3a: {  	_ = 	snop  }
0x3b: {  	_ = 	snop  }
0x3c: {  	p2 =	seq.s32 s10, $0x1;
	s10 =	sld [smem:$0x3FB9]  }
0x3d: {  	_ =	shalt  }
0x3e: {  	_ =	shalt  }
0x3f: {  	_ =	shalt  }
0x40: {  	_ =	shalt  }
0x41: {  	_ =	shalt  }
0x42: {  	_ =	shalt  }
0x43: {  	_ =	shalt  }
0x44: {  	_ =	shalt  }
0x45: {  	_ =	shalt  }
0x46: {  	_ =	shalt  }
0x47: {  	_ =	shalt  }
0x48: {  	_ =	shalt  }
0x49: {  	_ =	shalt  }
0x4a: {  	_ =	shalt  }
0x4b: {  	_ =	shalt  }
0x4c: {  	_ =	shalt  }
0x4d: {  	_ =	shalt  }
0x4e: {  	_ =	shalt  }
0x4f: {  	_ =	shalt  }
0x50: {  	_ =	shalt  }
0x51: {  	_ =	shalt  }
0x52: {  	_ =	shalt  }
0x53: {  	_ =	shalt  }
0x54: {  	_ =	shalt  }
0x55: {  	_ =	shalt  }
0x56: {  	_ =	shalt  }
0x57: {  	_ =	shalt  }
0x58: {  	_ =	shalt  }
0x59: {  	_ =	shalt  }
0x5a: {  	_ =	shalt  }
0x5b: {  	_ =	shalt  }
0x5c: {  	_ =	shalt  }
0x5d: {  	_ =	shalt  }
0x5e: {  	_ =	shalt  }
0x5f: {  	_ =	shalt  }
0x60: {  	_ =	shalt  }
0x61: {  	_ =	shalt  }
0x62: {  	_ =	shalt  }
0x63: {  	_ =	shalt  }
0x64: {  	_ =	shalt  }
0x65: {  	_ =	shalt  }
0x66: {  	_ =	shalt  }
0x67: {  	_ =	shalt  }
0x68: {  	_ =	shalt  }
0x69: {  	_ =	shalt  }
0x6a: {  	_ =	shalt  }
0x6b: {  	_ =	shalt  }
0x6c: {  	_ =	shalt  }
0x6d: {  	_ =	shalt  }
0x6e: {  	_ =	shalt  }
0x6f: {  	_ =	shalt  }
0x70: {  	_ =	shalt  }
0x71: {  	_ =	shalt  }
0x72: {  	_ =	shalt  }
0x73: {  	_ =	shalt  }
0x74: {  	_ =	shalt  }
0x75: {  	_ =	shalt  }
0x76: {  	_ =	shalt  }
0x77: {  	_ =	shalt  }
0x78: {  	_ =	shalt  }
0x79: {  	_ =	shalt  }
0x7a: {  	_ =	shalt  }
0x7b: {  	_ =	shalt  }
0x7c: {  	_ =	shalt  }
0x7d: {  	_ =	shalt  }
0x7e: {  	_ =	shalt  }
0x7f: {  	_ =	shalt  }
0x80: {  	_ =	shalt  }
0x81: {  	_ =	shalt  }
0x82: {  	_ =	shalt  }
0x83: {  	_ =	shalt  }
0x84: {  	_ =	shalt  }
0x85: {  	_ =	shalt  }
0x86: {  	_ =	shalt  }
0x87: {  	_ =	shalt  }
.Lfunc_end0:
.L_simem_size_0:
called_computation.11_lowered:
.L_overlay_start_0:
0x88: {  	s2 =	sld [smem:$0x3FD9]  }
0x89: {  	s3 =	sld [smem:$0x3FFE];
	_ =	sdelay $0x1  }
0x8a: {  	s1 =	srdreg.scid  }
0x8b: {  	s0 =	sand.u32 $0x1, s1  }
0x8c: {  	s17 =	sshll.u32 s0, $0xA;
	s2 =	sadd.s32 s3, s2  }
0x8d: {  	s2 =	sadd.s32 s2, s17  }
0x8e: {  	[smem:$0x3FC5] =	sst s2  }
0x8f: {  	_ = 	snop  }
0x90: {  	s18 =	sld [smem:$0x3FD0];
	(tm) =	ssettm $0x1  }
0x91: {  	s19 =	sld [smem:$0x3FFB];
	_ =	sdelay $0x3  }
0x92: {  	_ =	strace s19  }
0x93: {  	s2 =	sld [smem:$0x3FFC];
	_ =	sdelay $0x3  }
0x94: {  	_ =	strace s2  }
0x95: {  	s2 =	sld [smem:$0x3FFD];
	_ =	sdelay $0x3  }
0x96: {  	_ =	strace s2  }
0x97: {  	_ =	strace $0x8FFFFFFF  }
0x98: {  	s20 =	sld [smem:$0x3FDB];
	_ =	sdelay $0x1  }
0x99: {  	s4 =	simm.s32 $_scs_section_size  }
0x9a: {  	s5 =	simm.s32 $_size__tile_overlayer_lowered;
	s6 =	simm.s32 $_tile_overlayer_lowered  }
0x9b: {  	s7 =	simm.s32 $0x1BFF;
	s21 =	sshll.u32 s6, $0x1;
	s4 =	sadd.s32 s4, s20  }
0x9c: {  	s22 =	simm.s32 $0x0;
	s5 =	sshll.u32 s5, $0x1;
	s6 =	sadd.s32 s21, s4  }
0x9d: {  	[timem:s22], [sflag:s7] =	dma.local [hbm:s6], s5  }
0x9e: {  	_ =	swait.ge [sflag:s7], s5  }
0x9f: {  	s5 =	ssub.s32 $0x0, s5;
	[sflag:s7] =	ssyncset.done $0x0  }
0xa0: {  	[sflag:s7] =	ssyncadd.s32 s5;
	_ =	sdelay $0x1  }
0xa1: {  	s23 =	simm.s32 $0x1B8B  }
0xa2: {  	_ =	swait.ge [sflag:s23], $0x1  }
0xa3: {  	[sflag:s23] =	ssyncset.done $0x0  }
0xa4: {  	[sflag:s23] =	ssyncadd.s32 $0xFFFFFFFF  }
0xa5: {  	s5 =	sld [smem:$0x0]  }
0xa6: {  	s6 =	sand.u32 $0xFFFFFFFE, s1  }
0xa7: {  	p0 =	sne.s32 s1, s6  }
0xa8: {  	s6 =	sshll.u32 @p0 s6, $0xE  }
0xa9: {  	s6 =	sadd.s32 @p0 $0x11B8D, s6;
	s7 =	sshll.u32 @p0 s5, $0x11  }
0xaa: {  	s6 =	sor.u32 @p0 s7, s6  }
0xab: {  	[sflag:s6] =	ssyncadd.remote.s32 @p0 $0x1;
	_ =	sdelay $0x1  }
0xac: {  	s6 =	simm.s32 @p0 $0x1B8D  }
0xad: {  	_ =	swait.eq @p0 [sflag:s6], $0x1  }
0xae: {  	[sflag:s6] =	ssyncadd.s32 @p0 $0xFFFFFFFF  }
0xaf: {  	s7 =	sshll.u32 @!p0 s1, $0xE  }
0xb0: {  	s7 =	sor.u32 @!p0 $0x4000, s7;
	s6 =	simm.s32 @!p0 $0x1B8D  }
0xb1: {  	s5 =	sshll.u32 @!p0 s5, $0x11;
	s7 =	sadd.s32 @!p0 $0x11B8D, s7;
	_ =	swait.eq @!p0 [sflag:s6], $0x1  }
0xb2: {  	s5 =	sor.u32 @!p0 s5, s7;
	[sflag:s6] =	ssyncadd.s32 @!p0 $0xFFFFFFFF  }
0xb3: {  	s25 =	simm.s32 $0x1B8E;
	s24 =	sld [smem:$0x3FFE];
	[sflag:s5] =	ssyncadd.remote.s32 @!p0 $0x1  }
0xb4: {  	s26 =	simm.s32 $execute0_lowered;
	[smem:$0x3FD2] =	sst s25  }
0xb5: {  	s6 =	sshll.u32 s26, $0x1;
	_ =	strace $0x8000006A;
	[dreg:$0x1] =	wrdreg $0xFFFFFFFF  }
0xb6: {  	s28 =	simm.s32 $_size_execute0_lowered;
	s4 =	sadd.s32 s4, s6;
	[dreg:$0x0] =	wrdreg $0x0  }
0xb7: {  	s6 =	sshll.u32 s28, $0x1;
	[dreg:$0x2] =	wrdreg s4  }
0xb8: {  	[dreg:$0x3] =	wrdreg s6  }
0xb9: {  	[dreg:$0x4] =	wrdreg $0xC0  }
0xba: {  	_ =	task [dreg:s22], $0x5FFFF  }
0xbb: {  	[dreg:$0x1] =	wrdreg $0xFFFFFFFF  }
0xbc: {  	[dreg:$0x0] =	wrdreg $0x60  }
0xbd: {  	[dreg:$0x2] =	wrdreg s18  }
0xbe: {  	[dreg:$0x3] =	wrdreg s24  }
0xbf: {  	[dreg:$0x4] =	wrdreg $0xC  }
0xc0: {  	_ =	task.clear_ibuf [dreg:s22], $0x5FFFF;
	_ =	strace $0x9000006A  }
0xc1: {  	s29 =	simm.s32 $0xC;
	_ =	strace $0x8000006C  }
0xc2: {  	_ =	swait.ge [sflag:s29], $0x1  }
0xc3: {  	[sflag:s29] =	ssyncadd.s32 $0xFFFFFFFF  }
0xc4: {  	_ =	strace $0x9000006C  }
0xc5: {  	_ =	sfence  }
0xc6: {  	s30 =	sld [smem:$0x0];
	_ =	sdelay $0x2  }
0xc7: {  	s31 =	sshll.u32 s1, $0xD;
	s1 =	sshrl.u32 s1, $0x2  }
0xc8: {  	s4 =	sand.u32 $0x4000, s31;
	s1 =	sadd.s32 s1, s30  }
0xc9: {  	s0 =	sor.u32 s4, s0;
	s1 =	sshll.u32 s1, $0x11  }
0xca: {  	s0 =	sor.u32 s1, s0  }
0xcb: {  	s0 =	sadd.s32 $0x8F2B, s0  }
0xcc: {  	[sflag:s0] =	ssyncadd.remote.s32 $0x1  }
0xcd: {  	_ =	sfence.sel $0xFFFF  }
0xce: {  	[dreg:$0x0] =	wrdreg $0xFFFFFFFF;
	(pc) =	sbr.abs _section_cstart, $3  }
0xcf: {  	[dreg:$0x1] =	wrdreg $0xFFFFFFFF  }
0xd0: {  	_ =	task.clear_ibuf [dreg:s22], $0x2FFFF;
	_ =	strace $0x9FFFFFFF  }
0xd1: {  	(tm) =	ssettm $0x7FFFFFFF  }
tec
execute0_lowered:
.L_overlay_start_1:
0x0: {  	(tag) =	ssettag $0x1  }
0x1: {  	s2 =	rddreg [dreg:$0x0];
	s0 =	stileid.u32  }
0x2: {  	s1 =	srdreg.scid;
	s8 =	rddreg [dreg:$0x1]  }
0x3: {  	s5 =	simm.s32 $0x1;
	s9 =	simm.s32 $0x1;
	s10 =	simm.s32 $0x3  }
0x4: {  	s13 =	simm.s32 $0x0;
	s3 =	sand.u32 $0x1, s1;
	s4 =	sshll.u32 s0, $0x1  }
0x5: {  	s12 =	simm.s32 $0x0;
	s1 =	rddreg [dreg:$0x2];
	s6 =	sor.u32 s4, s3  }
0x6: {  	_ =	strace $0x8000006B;
	s3 =	sadd.s32 $0x5CE00, s8;
	s4 =	smul.u32 $0x2710, s6  }
0x7: {  	[sflag:s5] =	ssyncpa.u1 $0x0;
	p0 =	slt.u32 s6, $0x13;
	s6 =	simm.s32 $0x4E200  }
.Ltmp0:
0x8: {  	s6 =	simm.s32 @!p0 $0x0;
	s7 =	ssub.s32 $0x7A120, s4;
	(pc) =	sbr.rel .LBB2_1-.Ltmp0, $4  }
0x9: {  	s9 =	simm.s32 @!p0 $0x0;
	p0 =	sne.s32 s7, s6;
	s7 =	simm.s32 $0x1  }
0xa: {  	s8 =	sadd.s32 $0x105A00, s8;
	s6 =	simm.s32 $0x2;
	s7 =	simm.s32 @!p0 $0x0  }
0xb: {  	s11 =	smov.u32 s4;
	[sflag:s6] =	ssyncpa.u1 $0x0;
	s7 =	sadd.s32 s9, s7  }
0xc: {  	vm0 =	vmmov $0xffff;
	[sflag:s10] =	ssyncpa.u1 $0x0;
	s10 =	simm.s32 $0x0;
	s9 =	sadd.s32 $0x1, s7  }
.LBB2_4:
0xd: {  	v2 =	vnsel vm1, $0x0, v2  }
0xe: {  	vm1 =	vgt.s32 v0, $0x0;
	v2 =	vmin.u32 v2, $0x3FFFF  }
0xf: {  	v0 =	vnsel vm1, $0x0, v0  }
0x10: {  	v0 =	vmin.u32 v0, $0x3FFFF  }
0x11: {  	[tilespmem:s18], [sflag:$0x1] =	stream.indirect_vreg.gather [hbm4b:s2+s10], $0x1, v1, vm0, $0x4038;
	[tilespmem:$0x9C40] =	vst v63  }
0x12: {  	(ifvalue) =	ssetifvalue $0x7FFFFFFF  }
0x13: {  	[tilespmem:s15], [sflag:$0x1] =	stream.indirect_vreg.gather [hbm4b:s2+s10], $0x1, v2, vm0, $0x4038;
	[tilespmem:$0x9C40] =	vst v63  }
0x14: {  	s29 =	sadd.s32 $0x10, s15;
	(ifvalue) =	ssetifvalue $0x7FFFFFFF  }
0x15: {  	[tilespmem:s29], [sflag:$0x1] =	stream.indirect_vreg.gather [hbm4b:s2+s10], $0x1, v0, vm0, $0x4038;
	[tilespmem:$0x9C40] =	vst v63  }
0x16: {  	_ =	swait.ge [sflag:s5], $0x2710  }
0x17: {  	s30 =	sshrl.u32 s13, $0x3;
	[sflag:s5] =	ssyncset.done $0x0  }
0x18: {  	s31 =	sand.u32 $0x7, s13;
	s15 =	sadd.s32 s8, s30;
	[sflag:s5] =	ssyncadd.s32 $0xFFFFD8F0  }
0x19: {  	[hbm4b:s15+s31] =	stream.linear.scatter [tilespmem:s14], [sflag:$0x3], $0x2710, $0x38;
	[tilespmem:$0x9C40] =	vst v63  }
.LBB2_5:
0x1a: {  	s15 =	sadd.s32 $0x4E200, s11  }
0x1b: {  	p1 =	sgt.s32 s15, $0x7A11F  }
0x1c: {  	s15 =	smov.u32 @p1 s4;
	p1 =	sne.s32 s12, s9  }
.Ltmp1:
0x1d: {  	p0 =	slt.u32 s12, $0x2;
	(pc) =	sbr.rel @!p1 .LBB2_6-.Ltmp1, $4  }
0x1e: {  	s14 =	simm.s32 @!p0 $0x3  }
0x1f: {  	_ =	swait.ge @!p0 [sflag:s14], $0x2710  }
0x20: {  	s16 =	sadd.s32 $0x1, s12;
	s13 =	smov.u32 s11;
	[sflag:s14] =	ssyncset.done @!p0 $0x0  }
0x21: {  	s12 =	smov.u32 s16;
	s11 =	smov.u32 s15;
	[sflag:s14] =	ssyncadd.s32 @!p0 $0xFFFFD8F0  }
.LBB2_1:
0x22: {  	p0 =	sge.u32 s12, s7  }
0x23: {  	s14 =	sxor.u32 @!p0 $0x1, s12  }
0x24: {  	s14 =	smul.u32 @!p0 $0x9C40, s14  }
0x25: {  	s31 =	sadd.s32 $0xFFFFFFFF, s12;
	s15 =	sshrl.u32 @!p0 s11, $0x3  }
0x26: {  	s16 =	sand.u32 @!p0 $0x7, s11;
	s15 =	sadd.s32 @!p0 s3, s15;
	s14 =	sshra.s32 @!p0 s14, $0x2  }
0x27: {  	[tilespmem:s14], [sflag:$0x2] =	stream.linear.gather @!p0 [hbm4b:s15+s16], $0x2710, $0x38;
	[tilespmem:$0x9C40] =	vst v63  }
0x28: {  	p0 =	sge.u32 s31, s7  }
.Ltmp2:
0x29: {  	_ = 	snop;
	(pc) =	sbr.rel @p0 .LBB2_5-.Ltmp2, $1  }
0x2a: {  	_ =	sdelay $0x3  }
0x2b: {  	s14 =	sand.u32 $0x1, s12  }
0x2c: {  	_ =	swait.ge [sflag:s6], $0x2710;
	p0 =	seq.s32 s14, $0x1;
	s14 =	simm.s32 $0x2710  }
0x2d: {  	[sflag:s6] =	ssyncset.done $0x0;
	s14 =	simm.s32 @!p0 $0x0  }
0x2e: {  	[sflag:s6] =	ssyncadd.s32 $0xFFFFD8F0;
	(ifvalue) =	ssetifvalue $0x7FFFFFFF;
	v0 =	vld.msk [tilespmem:s14+$0x0 ss:$0x1], $0xffff;
	_ =	sdelay $0x4  }
0x2f: {  	s15 =	sadd.s32 $0x10, s14;
	vm1 =	vgt.s32 v0, $0x0  }
0x30: {  	v2 =	vld.msk [tilespmem:s15+$0x0 ss:$0x1], $0xffff;
	v1 =	vnsel vm1, $0x0, v0  }
0x31: {  	v1 =	vmin.u32 v1, $0x3FFFF;
	_ =	sdelay $0x2  }
0x32: {  	s17 =	simm.s32 $0x20;
	s14 =	sadd.s32 $0x4E20, s14;
	s16 =	sadd.s32 $0x10, s15  }
0x33: {  	s15 =	sadd.s32 $0x10, s14;
	s18 =	smov.u32 s14;
	v0 =	vld.msk [tilespmem:s16+$0x0 ss:$0x1], $0xffff;
	vm1 =	vgt.s32 v2, $0x0;
	(ifvalue) =	ssetifvalue $0x7FFFFFFF  }
.LBB2_3:
0x34: {  	[tilespmem:s18], [sflag:$0x1] =	stream.indirect_vreg.gather [hbm4b:s2+s10], $0x1, v1, vm0, $0x4038;
	[tilespmem:$0x9C40] =	vst v63  }
0x35: {  	s17 =	sadd.s32 $0x10, s17  }
0x36: {  	v2 =	vnsel vm1, $0x0, v2;
	p0 =	slt.u32 s17, $0x2700  }
.Ltmp3:
0x37: {  	s18 =	smov.u32 s15;
	v1 =	vmin.u32 v2, $0x3FFFF;
	(pc) =	sbr.rel @p0 .LBB2_3-.Ltmp3, $3  }
0x38: {  	_ =	sdelay $0x1  }
0x39: {  	s16 =	sadd.s32 $0x10, s16  }
0x3a: {  	vm1 =	vgt.s32 v0, $0x0;
	s15 =	sadd.s32 $0x10, s15;
	v2 =	vmov v0;
	(ifvalue) =	ssetifvalue $0x7FFFFFFF;
	v0 =	vld.msk [tilespmem:s16+$0x0 ss:$0x1], $0xffff  }
.Ltmp4:
0x3b: {  	_ = 	snop;
	(pc) =	sbr.rel .LBB2_4-.Ltmp4, $1  }
0x3c: {  	_ =	sdelay $0x3  }
.LBB2_6:
0x3d: {  	_ =	sfence.sel $0x180000  }
0x3e: {  	s2 =	simm.s32 $0x2;
	[bflag:$0x0] =	sbarrier.arrive $0xFFFF  }
0x3f: {  	s30 =	simm.s32 $0x3;
	[sflag:s2] =	ssyncpa.u1 $0x1  }
0x40: {  	s31 =	simm.s32 $0x1;
	[sflag:s30] =	ssyncpa.u1 $0x1  }
0x41: {  	[sflag:s31] =	ssyncpa.u1 $0x1  }
0x42: {  	p0 =	sne.s32 s0, $0x0;
	_ =	strace $0x9000006B  }
0x43: {  	s0 =	sadd.s32 @!p0 $0x100000, s1;
	[bflag:$0x2] =	sbarrier.arrive $0xFFFF  }
0x44: {  	[sflag:s0] =	ssyncadd.tile.s32 @!p0 $0x1;
	_ =	shalt  }
.Lfunc_end2:
_tile_overlayer_lowered:
.L_overlay_start_2:
0x45: {  	(tag) =	ssettag $0x2  }
0x46: {  	s0 =	rddreg [dreg:$0x0];
	s2 =	stileid.u32  }
0x47: {  	s1 =	rddreg [dreg:$0x1];
	p0 =	sne.s32 s2, $0x0  }
0x48: {  	s3 =	rddreg [dreg:$0x2];
	[bflag:$0x3] =	sbarrier.arrive $0xFFFF;
	s2 =	simm.s32 @!p0 $0x1C01  }
0x49: {  	[timem:s3], [sflag:s2] =	dma.local @!p0 [hbm:s0], s1  }
0x4a: {  	s0 =	simm.s32 @!p0 $0x1  }
0x4b: {  	_ =	swait.ge @!p0 [sflag:s0], s1  }
0x4c: {  	s1 =	ssub.s32 @!p0 $0x0, s1;
	[sflag:s0] =	ssyncset.done @!p0 $0x0  }
0x4d: {  	[sflag:s0] =	ssyncadd.s32 @!p0 s1  }
0x4e: {  	[bflag:$0x3] =	sbarrier.arrive $0xFFFF  }
0x4f: {  	_ =	shalt  }

// kernel: gather_offload_async_start.4
scs
__scs_entry_jumppad:
0x0: {  	(pc) =	sbr.rel $0x88, $3  }
0x1: {  	(tag) =	ssettag $0x0;
	lr =	simm.s32 $0x1  }
0x2: {  	[smem:$0x3F9E] =	sst lr;
	_ =	strace $0xD0000000  }
0x3: {  	_ = 	snop  }
0x4: {  	_ = 	snop  }
0x5: {  	_ = 	snop  }
0x6: {  	_ = 	snop  }
0x7: {  	_ = 	snop  }
__scs_overlays_trampoline_lowered:
0x8: {  	[smem:$0x3FAD] =	sst s0  }
0x9: {  	[smem:$0x3FAE] =	sst s1  }
0xa: {  	[smem:$0x3FAF] =	sst s2  }
0xb: {  	[smem:$0x3FB0] =	sst s3  }
0xc: {  	[smem:$0x3FB1] =	sst s4  }
0xd: {  	[smem:$0x3FB2] =	sst s5  }
0xe: {  	[smem:$0x3FB3] =	sst s6  }
0xf: {  	[smem:$0x3FB4] =	sst s7  }
0x10: {  	[smem:$0x3FB5] =	sst s8  }
0x11: {  	[smem:$0x3FB6] =	sst s9;
	s0 =	simm.s32 @!p0 $0x0  }
0x12: {  	s1 =	sld [smem:$0x3F9C];
	s0 =	simm.s32 @p0 $0x1  }
0x13: {  	[smem:$0x3FB7] =	sst s0;
	s0 =	simm.s32 @!p1 $0x0  }
0x14: {  	s2 =	sld [smem:$0x3F9B];
	s0 =	simm.s32 @p1 $0x1  }
0x15: {  	[smem:$0x3FB8] =	sst s0;
	s0 =	simm.s32 @!p2 $0x0  }
0x16: {  	s3 =	sld [smem:$0x3FDB];
	s0 =	simm.s32 @p2 $0x1  }
0x17: {  	s4 =	simm.s32 $0x1BF5;
	[smem:$0x3FBA] =	sst s0  }
0x18: {  	s0 =	sld [smem:$0x3F9D];
	_ =	swait.ge [sflag:s4], $0x0  }
0x19: {  	s7 =	sld [smem:$0x3F9E]  }
0x1a: {  	s8 =	sadd.s32 $0xFFFFE003, lr  }
0x1b: {  	s9 =	sadd.s32 $0xFFFFFEF7, lr;
	s5 =	simm.s32 $0xFFFFFFFF;
	p2 =	slt.u32 s8, $0xFFFFF086  }
0x1c: {  	p1 =	slt.u32 s9, $0xF7A;
	s5 =	simm.s32 @!p2 $0x0  }
0x1d: {  	s5 =	simm.s32 @p1 $0x1;
	p0 =	seq.s32 s7, s2  }
0x1e: {  	s7 =	smul.u32 @!p0 $0xF7A, s2;
	p2 =	seq.s32 @!p0 s5, $0x0  }
0x1f: {  	s9 =	smul.u32 $0xF7A, s1;
	s8 =	simm.s32 @!p0 $0x1BF5;
	p2 =	por !p2, p0  }
0x20: {  	[sflag:s8] =	ssyncset.s32 @!p0 $0xFFFFF086;
	s6 =	sadd.s32 @!p0 s3, s7;
	s7 =	simm.s32 @!p0 $0x108  }
0x21: {  	s3 =	sadd.s32 s3, s9;
	s6 =	sadd.s32 @!p0 $0x88, s6;
	s7 =	simm.s32 @p2 $0x1082  }
0x22: {  	[simem:s7], [sflag:s8] =	dma.local @!p0 [hbm:s6], $0xF7A  }
0x23: {  	s9 =	sor.u32 $0xD0000000, s2;
	s6 =	simm.s32 $0x108;
	_ =	swait.ge @!p0 [sflag:s8], $0x0  }
0x24: {  	s3 =	sadd.s32 $0x88, s3;
	s6 =	simm.s32 @!p1 $0x1082;
	[sflag:s4] =	ssyncset.s32 $0xFFFFF086  }
0x25: {  	[simem:s6], [sflag:s4] =	dma.local [hbm:s3], $0xF7A  }
0x26: {  	[smem:$0x3F9E] =	sst s1;
	(tag) =	ssettag s2;
	_ =	strace s9  }
0x27: {  	s1 =	sld [smem:$0x3FAE]  }
0x28: {  	s2 =	sld [smem:$0x3FAF]  }
0x29: {  	s4 =	sld [smem:$0x3FB1]  }
0x2a: {  	p0 =	seq.s32 s5, $0x0;
	s5 =	sld [smem:$0x3FB2]  }
0x2b: {  	s6 =	sld [smem:$0x3FB3]  }
0x2c: {  	s7 =	sld [smem:$0x3FB4]  }
0x2d: {  	s3 =	simm.s32 $0x108;
	s8 =	sld [smem:$0x3FB5]  }
0x2e: {  	s3 =	simm.s32 @!p0 $0x1082;
	s9 =	sld [smem:$0x3FB6]  }
0x2f: {  	lr =	sadd.s32 s0, s3;
	s0 =	sld [smem:$0x3FAD]  }
0x30: {  	s3 =	sld [smem:$0x3FB0]  }
0x31: {  	[smem:$0x3FB9] =	sst s10  }
0x32: {  	s10 =	sld [smem:$0x3FB7];
	_ =	sdelay $0x3  }
0x33: {  	p0 =	seq.s32 s10, $0x1;
	s10 =	sld [smem:$0x3FB9];
	_ =	sdelay $0x3  }
0x34: {  	[smem:$0x3FB9] =	sst s10  }
0x35: {  	s10 =	sld [smem:$0x3FB8];
	_ =	sdelay $0x3  }
0x36: {  	p1 =	seq.s32 s10, $0x1;
	s10 =	sld [smem:$0x3FB9];
	_ =	sdelay $0x3  }
0x37: {  	[smem:$0x3FB9] =	sst s10  }
0x38: {  	s10 =	sld [smem:$0x3FBA]  }
0x39: {  	_ = 	snop;
	(pc) =	sbr.ind lr, $3  }
0x3a: {  	_ = 	snop  }
0x3b: {  	_ = 	snop  }
0x3c: {  	p2 =	seq.s32 s10, $0x1;
	s10 =	sld [smem:$0x3FB9]  }
0x3d: {  	_ =	shalt  }
0x3e: {  	_ =	shalt  }
0x3f: {  	_ =	shalt  }
0x40: {  	_ =	shalt  }
0x41: {  	_ =	shalt  }
0x42: {  	_ =	shalt  }
0x43: {  	_ =	shalt  }
0x44: {  	_ =	shalt  }
0x45: {  	_ =	shalt  }
0x46: {  	_ =	shalt  }
0x47: {  	_ =	shalt  }
0x48: {  	_ =	shalt  }
0x49: {  	_ =	shalt  }
0x4a: {  	_ =	shalt  }
0x4b: {  	_ =	shalt  }
0x4c: {  	_ =	shalt  }
0x4d: {  	_ =	shalt  }
0x4e: {  	_ =	shalt  }
0x4f: {  	_ =	shalt  }
0x50: {  	_ =	shalt  }
0x51: {  	_ =	shalt  }
0x52: {  	_ =	shalt  }
0x53: {  	_ =	shalt  }
0x54: {  	_ =	shalt  }
0x55: {  	_ =	shalt  }
0x56: {  	_ =	shalt  }
0x57: {  	_ =	shalt  }
0x58: {  	_ =	shalt  }
0x59: {  	_ =	shalt  }
0x5a: {  	_ =	shalt  }
0x5b: {  	_ =	shalt  }
0x5c: {  	_ =	shalt  }
0x5d: {  	_ =	shalt  }
0x5e: {  	_ =	shalt  }
0x5f: {  	_ =	shalt  }
0x60: {  	_ =	shalt  }
0x61: {  	_ =	shalt  }
0x62: {  	_ =	shalt  }
0x63: {  	_ =	shalt  }
0x64: {  	_ =	shalt  }
0x65: {  	_ =	shalt  }
0x66: {  	_ =	shalt  }
0x67: {  	_ =	shalt  }
0x68: {  	_ =	shalt  }
0x69: {  	_ =	shalt  }
0x6a: {  	_ =	shalt  }
0x6b: {  	_ =	shalt  }
0x6c: {  	_ =	shalt  }
0x6d: {  	_ =	shalt  }
0x6e: {  	_ =	shalt  }
0x6f: {  	_ =	shalt  }
0x70: {  	_ =	shalt  }
0x71: {  	_ =	shalt  }
0x72: {  	_ =	shalt  }
0x73: {  	_ =	shalt  }
0x74: {  	_ =	shalt  }
0x75: {  	_ =	shalt  }
0x76: {  	_ =	shalt  }
0x77: {  	_ =	shalt  }
0x78: {  	_ =	shalt  }
0x79: {  	_ =	shalt  }
0x7a: {  	_ =	shalt  }
0x7b: {  	_ =	shalt  }
0x7c: {  	_ =	shalt  }
0x7d: {  	_ =	shalt  }
0x7e: {  	_ =	shalt  }
0x7f: {  	_ =	shalt  }
0x80: {  	_ =	shalt  }
0x81: {  	_ =	shalt  }
0x82: {  	_ =	shalt  }
0x83: {  	_ =	shalt  }
0x84: {  	_ =	shalt  }
0x85: {  	_ =	shalt  }
0x86: {  	_ =	shalt  }
0x87: {  	_ =	shalt  }
.Lfunc_end0:
.L_simem_size_0:
called_computation.12_lowered:
.L_overlay_start_0:
0x88: {  	s2 =	sld [smem:$0x3FD9]  }
0x89: {  	s3 =	sld [smem:$0x3FFE];
	_ =	sdelay $0x1  }
0x8a: {  	s1 =	srdreg.scid  }
0x8b: {  	s0 =	sand.u32 $0x1, s1  }
0x8c: {  	s17 =	sshll.u32 s0, $0xA;
	s2 =	sadd.s32 s3, s2  }
0x8d: {  	s2 =	sadd.s32 s2, s17  }
0x8e: {  	[smem:$0x3FC5] =	sst s2  }
0x8f: {  	_ = 	snop  }
0x90: {  	s18 =	sld [smem:$0x3FD0];
	(tm) =	ssettm $0x1  }
0x91: {  	s19 =	sld [smem:$0x3FFB];
	_ =	sdelay $0x3  }
0x92: {  	_ =	strace s19  }
0x93: {  	s2 =	sld [smem:$0x3FFC];
	_ =	sdelay $0x3  }
0x94: {  	_ =	strace s2  }
0x95: {  	s2 =	sld [smem:$0x3FFD];
	_ =	sdelay $0x3  }
0x96: {  	_ =	strace s2  }
0x97: {  	_ =	strace $0x8FFFFFFF  }
0x98: {  	s20 =	sld [smem:$0x3FDB];
	_ =	sdelay $0x1  }
0x99: {  	s4 =	simm.s32 $_scs_section_size  }
0x9a: {  	s5 =	simm.s32 $_size__tile_overlayer_lowered;
	s6 =	simm.s32 $_tile_overlayer_lowered  }
0x9b: {  	s7 =	simm.s32 $0x1BFF;
	s21 =	sshll.u32 s6, $0x1;
	s4 =	sadd.s32 s4, s20  }
0x9c: {  	s22 =	simm.s32 $0x0;
	s5 =	sshll.u32 s5, $0x1;
	s6 =	sadd.s32 s21, s4  }
0x9d: {  	[timem:s22], [sflag:s7] =	dma.local [hbm:s6], s5  }
0x9e: {  	_ =	swait.ge [sflag:s7], s5  }
0x9f: {  	s5 =	ssub.s32 $0x0, s5;
	[sflag:s7] =	ssyncset.done $0x0  }
0xa0: {  	[sflag:s7] =	ssyncadd.s32 s5;
	_ =	sdelay $0x1  }
0xa1: {  	s23 =	simm.s32 $0x1B8B  }
0xa2: {  	_ =	swait.ge [sflag:s23], $0x1  }
0xa3: {  	[sflag:s23] =	ssyncset.done $0x0  }
0xa4: {  	[sflag:s23] =	ssyncadd.s32 $0xFFFFFFFF  }
0xa5: {  	s5 =	sld [smem:$0x0]  }
0xa6: {  	s6 =	sand.u32 $0xFFFFFFFE, s1  }
0xa7: {  	p0 =	sne.s32 s1, s6  }
0xa8: {  	s6 =	sshll.u32 @p0 s6, $0xE  }
0xa9: {  	s6 =	sadd.s32 @p0 $0x11B8D, s6;
	s7 =	sshll.u32 @p0 s5, $0x11  }
0xaa: {  	s6 =	sor.u32 @p0 s7, s6  }
0xab: {  	[sflag:s6] =	ssyncadd.remote.s32 @p0 $0x1;
	_ =	sdelay $0x1  }
0xac: {  	s6 =	simm.s32 @p0 $0x1B8D  }
0xad: {  	_ =	swait.eq @p0 [sflag:s6], $0x1  }
0xae: {  	[sflag:s6] =	ssyncadd.s32 @p0 $0xFFFFFFFF  }
0xaf: {  	s7 =	sshll.u32 @!p0 s1, $0xE  }
0xb0: {  	s7 =	sor.u32 @!p0 $0x4000, s7;
	s6 =	simm.s32 @!p0 $0x1B8D  }
0xb1: {  	s5 =	sshll.u32 @!p0 s5, $0x11;
	s7 =	sadd.s32 @!p0 $0x11B8D, s7;
	_ =	swait.eq @!p0 [sflag:s6], $0x1  }
0xb2: {  	s5 =	sor.u32 @!p0 s5, s7;
	[sflag:s6] =	ssyncadd.s32 @!p0 $0xFFFFFFFF  }
0xb3: {  	s25 =	simm.s32 $0x1B8E;
	s24 =	sld [smem:$0x3FFE];
	[sflag:s5] =	ssyncadd.remote.s32 @!p0 $0x1  }
0xb4: {  	s26 =	simm.s32 $execute0_lowered;
	[smem:$0x3FD2] =	sst s25  }
0xb5: {  	s6 =	sshll.u32 s26, $0x1;
	_ =	strace $0x80000067;
	[dreg:$0x1] =	wrdreg $0xFFFFFFFF  }
0xb6: {  	s28 =	simm.s32 $_size_execute0_lowered;
	s4 =	sadd.s32 s4, s6;
	[dreg:$0x0] =	wrdreg $0x0  }
0xb7: {  	s6 =	sshll.u32 s28, $0x1;
	[dreg:$0x2] =	wrdreg s4  }
0xb8: {  	[dreg:$0x3] =	wrdreg s6  }
0xb9: {  	[dreg:$0x4] =	wrdreg $0xC0  }
0xba: {  	_ =	task [dreg:s22], $0x5FFFF  }
0xbb: {  	[dreg:$0x1] =	wrdreg $0xFFFFFFFF  }
0xbc: {  	[dreg:$0x0] =	wrdreg $0x60  }
0xbd: {  	[dreg:$0x2] =	wrdreg s18  }
0xbe: {  	[dreg:$0x3] =	wrdreg s24  }
0xbf: {  	[dreg:$0x4] =	wrdreg $0xD  }
0xc0: {  	_ =	task.clear_ibuf [dreg:s22], $0x5FFFF;
	_ =	strace $0x90000067  }
0xc1: {  	s29 =	simm.s32 $0xD;
	_ =	strace $0x80000069  }
0xc2: {  	_ =	swait.ge [sflag:s29], $0x1  }
0xc3: {  	[sflag:s29] =	ssyncadd.s32 $0xFFFFFFFF  }
0xc4: {  	_ =	strace $0x90000069  }
0xc5: {  	_ =	sfence  }
0xc6: {  	s30 =	sld [smem:$0x0];
	_ =	sdelay $0x2  }
0xc7: {  	s31 =	sshll.u32 s1, $0xD;
	s1 =	sshrl.u32 s1, $0x2  }
0xc8: {  	s4 =	sand.u32 $0x4000, s31;
	s1 =	sadd.s32 s1, s30  }
0xc9: {  	s0 =	sor.u32 s4, s0;
	s1 =	sshll.u32 s1, $0x11  }
0xca: {  	s0 =	sor.u32 s1, s0  }
0xcb: {  	s0 =	sadd.s32 $0x8F2B, s0  }
0xcc: {  	[sflag:s0] =	ssyncadd.remote.s32 $0x1  }
0xcd: {  	_ =	sfence.sel $0xFFFF  }
0xce: {  	[dreg:$0x0] =	wrdreg $0xFFFFFFFF;
	(pc) =	sbr.abs _section_cstart, $3  }
0xcf: {  	[dreg:$0x1] =	wrdreg $0xFFFFFFFF  }
0xd0: {  	_ =	task.clear_ibuf [dreg:s22], $0x2FFFF;
	_ =	strace $0x9FFFFFFF  }
0xd1: {  	(tm) =	ssettm $0x7FFFFFFF  }
tec
execute0_lowered:
.L_overlay_start_1:
0x0: {  	(tag) =	ssettag $0x1  }
0x1: {  	s2 =	rddreg [dreg:$0x0];
	s0 =	stileid.u32  }
0x2: {  	s1 =	srdreg.scid;
	s8 =	rddreg [dreg:$0x1]  }
0x3: {  	s5 =	simm.s32 $0x1;
	s9 =	simm.s32 $0x1;
	s10 =	simm.s32 $0x3  }
0x4: {  	s13 =	simm.s32 $0x0;
	s3 =	sand.u32 $0x1, s1;
	s4 =	sshll.u32 s0, $0x1  }
0x5: {  	s12 =	simm.s32 $0x0;
	s1 =	rddreg [dreg:$0x2];
	s6 =	sor.u32 s4, s3  }
0x6: {  	_ =	strace $0x80000068;
	s3 =	sadd.s32 $0x2EC00, s8;
	s4 =	smul.u32 $0x2710, s6  }
0x7: {  	[sflag:s5] =	ssyncpa.u1 $0x0;
	p0 =	slt.u32 s6, $0x13;
	s6 =	simm.s32 $0x4E200  }
.Ltmp0:
0x8: {  	s6 =	simm.s32 @!p0 $0x0;
	s7 =	ssub.s32 $0x7A120, s4;
	(pc) =	sbr.rel .LBB2_1-.Ltmp0, $4  }
0x9: {  	s9 =	simm.s32 @!p0 $0x0;
	p0 =	sne.s32 s7, s6;
	s7 =	simm.s32 $0x1  }
0xa: {  	s8 =	sadd.s32 $0xE6E00, s8;
	s6 =	simm.s32 $0x2;
	s7 =	simm.s32 @!p0 $0x0  }
0xb: {  	s11 =	smov.u32 s4;
	[sflag:s6] =	ssyncpa.u1 $0x0;
	s7 =	sadd.s32 s9, s7  }
0xc: {  	vm0 =	vmmov $0xffff;
	[sflag:s10] =	ssyncpa.u1 $0x0;
	s10 =	simm.s32 $0x0;
	s9 =	sadd.s32 $0x1, s7  }
.LBB2_4:
0xd: {  	v2 =	vnsel vm1, $0x0, v2  }
0xe: {  	vm1 =	vgt.s32 v0, $0x0;
	v2 =	vmin.u32 v2, $0x3FFFF  }
0xf: {  	v0 =	vnsel vm1, $0x0, v0  }
0x10: {  	v0 =	vmin.u32 v0, $0x3FFFF  }
0x11: {  	[tilespmem:s18], [sflag:$0x1] =	stream.indirect_vreg.gather [hbm4b:s2+s10], $0x1, v1, vm0, $0x4038;
	[tilespmem:$0x9C40] =	vst v63  }
0x12: {  	(ifvalue) =	ssetifvalue $0x7FFFFFFF  }
0x13: {  	[tilespmem:s15], [sflag:$0x1] =	stream.indirect_vreg.gather [hbm4b:s2+s10], $0x1, v2, vm0, $0x4038;
	[tilespmem:$0x9C40] =	vst v63  }
0x14: {  	s29 =	sadd.s32 $0x10, s15;
	(ifvalue) =	ssetifvalue $0x7FFFFFFF  }
0x15: {  	[tilespmem:s29], [sflag:$0x1] =	stream.indirect_vreg.gather [hbm4b:s2+s10], $0x1, v0, vm0, $0x4038;
	[tilespmem:$0x9C40] =	vst v63  }
0x16: {  	_ =	swait.ge [sflag:s5], $0x2710  }
0x17: {  	s30 =	sshrl.u32 s13, $0x3;
	[sflag:s5] =	ssyncset.done $0x0  }
0x18: {  	s31 =	sand.u32 $0x7, s13;
	s15 =	sadd.s32 s8, s30;
	[sflag:s5] =	ssyncadd.s32 $0xFFFFD8F0  }
0x19: {  	[hbm4b:s15+s31] =	stream.linear.scatter [tilespmem:s14], [sflag:$0x3], $0x2710, $0x38;
	[tilespmem:$0x9C40] =	vst v63  }
.LBB2_5:
0x1a: {  	s15 =	sadd.s32 $0x4E200, s11  }
0x1b: {  	p1 =	sgt.s32 s15, $0x7A11F  }
0x1c: {  	s15 =	smov.u32 @p1 s4;
	p1 =	sne.s32 s12, s9  }
.Ltmp1:
0x1d: {  	p0 =	slt.u32 s12, $0x2;
	(pc) =	sbr.rel @!p1 .LBB2_6-.Ltmp1, $4  }
0x1e: {  	s14 =	simm.s32 @!p0 $0x3  }
0x1f: {  	_ =	swait.ge @!p0 [sflag:s14], $0x2710  }
0x20: {  	s16 =	sadd.s32 $0x1, s12;
	s13 =	smov.u32 s11;
	[sflag:s14] =	ssyncset.done @!p0 $0x0  }
0x21: {  	s12 =	smov.u32 s16;
	s11 =	smov.u32 s15;
	[sflag:s14] =	ssyncadd.s32 @!p0 $0xFFFFD8F0  }
.LBB2_1:
0x22: {  	p0 =	sge.u32 s12, s7  }
0x23: {  	s14 =	sxor.u32 @!p0 $0x1, s12  }
0x24: {  	s14 =	smul.u32 @!p0 $0x9C40, s14  }
0x25: {  	s31 =	sadd.s32 $0xFFFFFFFF, s12;
	s15 =	sshrl.u32 @!p0 s11, $0x3  }
0x26: {  	s16 =	sand.u32 @!p0 $0x7, s11;
	s15 =	sadd.s32 @!p0 s3, s15;
	s14 =	sshra.s32 @!p0 s14, $0x2  }
0x27: {  	[tilespmem:s14], [sflag:$0x2] =	stream.linear.gather @!p0 [hbm4b:s15+s16], $0x2710, $0x38;
	[tilespmem:$0x9C40] =	vst v63  }
0x28: {  	p0 =	sge.u32 s31, s7  }
.Ltmp2:
0x29: {  	_ = 	snop;
	(pc) =	sbr.rel @p0 .LBB2_5-.Ltmp2, $1  }
0x2a: {  	_ =	sdelay $0x3  }
0x2b: {  	s14 =	sand.u32 $0x1, s12  }
0x2c: {  	_ =	swait.ge [sflag:s6], $0x2710;
	p0 =	seq.s32 s14, $0x1;
	s14 =	simm.s32 $0x2710  }
0x2d: {  	[sflag:s6] =	ssyncset.done $0x0;
	s14 =	simm.s32 @!p0 $0x0  }
0x2e: {  	[sflag:s6] =	ssyncadd.s32 $0xFFFFD8F0;
	(ifvalue) =	ssetifvalue $0x7FFFFFFF;
	v0 =	vld.msk [tilespmem:s14+$0x0 ss:$0x1], $0xffff;
	_ =	sdelay $0x4  }
0x2f: {  	s15 =	sadd.s32 $0x10, s14;
	vm1 =	vgt.s32 v0, $0x0  }
0x30: {  	v2 =	vld.msk [tilespmem:s15+$0x0 ss:$0x1], $0xffff;
	v1 =	vnsel vm1, $0x0, v0  }
0x31: {  	v1 =	vmin.u32 v1, $0x3FFFF;
	_ =	sdelay $0x2  }
0x32: {  	s17 =	simm.s32 $0x20;
	s14 =	sadd.s32 $0x4E20, s14;
	s16 =	sadd.s32 $0x10, s15  }
0x33: {  	s15 =	sadd.s32 $0x10, s14;
	s18 =	smov.u32 s14;
	v0 =	vld.msk [tilespmem:s16+$0x0 ss:$0x1], $0xffff;
	vm1 =	vgt.s32 v2, $0x0;
	(ifvalue) =	ssetifvalue $0x7FFFFFFF  }
.LBB2_3:
0x34: {  	[tilespmem:s18], [sflag:$0x1] =	stream.indirect_vreg.gather [hbm4b:s2+s10], $0x1, v1, vm0, $0x4038;
	[tilespmem:$0x9C40] =	vst v63  }
0x35: {  	s17 =	sadd.s32 $0x10, s17  }
0x36: {  	v2 =	vnsel vm1, $0x0, v2;
	p0 =	slt.u32 s17, $0x2700  }
.Ltmp3:
0x37: {  	s18 =	smov.u32 s15;
	v1 =	vmin.u32 v2, $0x3FFFF;
	(pc) =	sbr.rel @p0 .LBB2_3-.Ltmp3, $3  }
0x38: {  	_ =	sdelay $0x1  }
0x39: {  	s16 =	sadd.s32 $0x10, s16  }
0x3a: {  	vm1 =	vgt.s32 v0, $0x0;
	s15 =	sadd.s32 $0x10, s15;
	v2 =	vmov v0;
	(ifvalue) =	ssetifvalue $0x7FFFFFFF;
	v0 =	vld.msk [tilespmem:s16+$0x0 ss:$0x1], $0xffff  }
.Ltmp4:
0x3b: {  	_ = 	snop;
	(pc) =	sbr.rel .LBB2_4-.Ltmp4, $1  }
0x3c: {  	_ =	sdelay $0x3  }
.LBB2_6:
0x3d: {  	_ =	sfence.sel $0x180000  }
0x3e: {  	s2 =	simm.s32 $0x2;
	[bflag:$0x0] =	sbarrier.arrive $0xFFFF  }
0x3f: {  	s30 =	simm.s32 $0x3;
	[sflag:s2] =	ssyncpa.u1 $0x1  }
0x40: {  	s31 =	simm.s32 $0x1;
	[sflag:s30] =	ssyncpa.u1 $0x1  }
0x41: {  	[sflag:s31] =	ssyncpa.u1 $0x1  }
0x42: {  	p0 =	sne.s32 s0, $0x0;
	_ =	strace $0x90000068  }
0x43: {  	s0 =	sadd.s32 @!p0 $0x100000, s1;
	[bflag:$0x2] =	sbarrier.arrive $0xFFFF  }
0x44: {  	[sflag:s0] =	ssyncadd.tile.s32 @!p0 $0x1;
	_ =	shalt  }
.Lfunc_end2:
_tile_overlayer_lowered:
.L_overlay_start_2:
0x45: {  	(tag) =	ssettag $0x2  }
0x46: {  	s0 =	rddreg [dreg:$0x0];
	s2 =	stileid.u32  }
0x47: {  	s1 =	rddreg [dreg:$0x1];
	p0 =	sne.s32 s2, $0x0  }
0x48: {  	s3 =	rddreg [dreg:$0x2];
	[bflag:$0x3] =	sbarrier.arrive $0xFFFF;
	s2 =	simm.s32 @!p0 $0x1C01  }
0x49: {  	[timem:s3], [sflag:s2] =	dma.local @!p0 [hbm:s0], s1  }
0x4a: {  	s0 =	simm.s32 @!p0 $0x1  }
0x4b: {  	_ =	swait.ge @!p0 [sflag:s0], s1  }
0x4c: {  	s1 =	ssub.s32 @!p0 $0x0, s1;
	[sflag:s0] =	ssyncset.done @!p0 $0x0  }
0x4d: {  	[sflag:s0] =	ssyncadd.s32 @!p0 s1  }
0x4e: {  	[bflag:$0x3] =	sbarrier.arrive $0xFFFF  }
0x4f: {  	_ =	shalt  }

// kernel: gather_offload_async_start.5
scs
__scs_entry_jumppad:
0x0: {  	(pc) =	sbr.rel $0x88, $3  }
0x1: {  	(tag) =	ssettag $0x0;
	lr =	simm.s32 $0x1  }
0x2: {  	[smem:$0x3F9E] =	sst lr;
	_ =	strace $0xD0000000  }
0x3: {  	_ = 	snop  }
0x4: {  	_ = 	snop  }
0x5: {  	_ = 	snop  }
0x6: {  	_ = 	snop  }
0x7: {  	_ = 	snop  }
__scs_overlays_trampoline_lowered:
0x8: {  	[smem:$0x3FAD] =	sst s0  }
0x9: {  	[smem:$0x3FAE] =	sst s1  }
0xa: {  	[smem:$0x3FAF] =	sst s2  }
0xb: {  	[smem:$0x3FB0] =	sst s3  }
0xc: {  	[smem:$0x3FB1] =	sst s4  }
0xd: {  	[smem:$0x3FB2] =	sst s5  }
0xe: {  	[smem:$0x3FB3] =	sst s6  }
0xf: {  	[smem:$0x3FB4] =	sst s7  }
0x10: {  	[smem:$0x3FB5] =	sst s8  }
0x11: {  	[smem:$0x3FB6] =	sst s9;
	s0 =	simm.s32 @!p0 $0x0  }
0x12: {  	s1 =	sld [smem:$0x3F9C];
	s0 =	simm.s32 @p0 $0x1  }
0x13: {  	[smem:$0x3FB7] =	sst s0;
	s0 =	simm.s32 @!p1 $0x0  }
0x14: {  	s2 =	sld [smem:$0x3F9B];
	s0 =	simm.s32 @p1 $0x1  }
0x15: {  	[smem:$0x3FB8] =	sst s0;
	s0 =	simm.s32 @!p2 $0x0  }
0x16: {  	s3 =	sld [smem:$0x3FDB];
	s0 =	simm.s32 @p2 $0x1  }
0x17: {  	s4 =	simm.s32 $0x1BF5;
	[smem:$0x3FBA] =	sst s0  }
0x18: {  	s0 =	sld [smem:$0x3F9D];
	_ =	swait.ge [sflag:s4], $0x0  }
0x19: {  	s7 =	sld [smem:$0x3F9E]  }
0x1a: {  	s8 =	sadd.s32 $0xFFFFE003, lr  }
0x1b: {  	s9 =	sadd.s32 $0xFFFFFEF7, lr;
	s5 =	simm.s32 $0xFFFFFFFF;
	p2 =	slt.u32 s8, $0xFFFFF086  }
0x1c: {  	p1 =	slt.u32 s9, $0xF7A;
	s5 =	simm.s32 @!p2 $0x0  }
0x1d: {  	s5 =	simm.s32 @p1 $0x1;
	p0 =	seq.s32 s7, s2  }
0x1e: {  	s7 =	smul.u32 @!p0 $0xF7A, s2;
	p2 =	seq.s32 @!p0 s5, $0x0  }
0x1f: {  	s9 =	smul.u32 $0xF7A, s1;
	s8 =	simm.s32 @!p0 $0x1BF5;
	p2 =	por !p2, p0  }
0x20: {  	[sflag:s8] =	ssyncset.s32 @!p0 $0xFFFFF086;
	s6 =	sadd.s32 @!p0 s3, s7;
	s7 =	simm.s32 @!p0 $0x108  }
0x21: {  	s3 =	sadd.s32 s3, s9;
	s6 =	sadd.s32 @!p0 $0x88, s6;
	s7 =	simm.s32 @p2 $0x1082  }
0x22: {  	[simem:s7], [sflag:s8] =	dma.local @!p0 [hbm:s6], $0xF7A  }
0x23: {  	s9 =	sor.u32 $0xD0000000, s2;
	s6 =	simm.s32 $0x108;
	_ =	swait.ge @!p0 [sflag:s8], $0x0  }
0x24: {  	s3 =	sadd.s32 $0x88, s3;
	s6 =	simm.s32 @!p1 $0x1082;
	[sflag:s4] =	ssyncset.s32 $0xFFFFF086  }
0x25: {  	[simem:s6], [sflag:s4] =	dma.local [hbm:s3], $0xF7A  }
0x26: {  	[smem:$0x3F9E] =	sst s1;
	(tag) =	ssettag s2;
	_ =	strace s9  }
0x27: {  	s1 =	sld [smem:$0x3FAE]  }
0x28: {  	s2 =	sld [smem:$0x3FAF]  }
0x29: {  	s4 =	sld [smem:$0x3FB1]  }
0x2a: {  	p0 =	seq.s32 s5, $0x0;
	s5 =	sld [smem:$0x3FB2]  }
0x2b: {  	s6 =	sld [smem:$0x3FB3]  }
0x2c: {  	s7 =	sld [smem:$0x3FB4]  }
0x2d: {  	s3 =	simm.s32 $0x108;
	s8 =	sld [smem:$0x3FB5]  }
0x2e: {  	s3 =	simm.s32 @!p0 $0x1082;
	s9 =	sld [smem:$0x3FB6]  }
0x2f: {  	lr =	sadd.s32 s0, s3;
	s0 =	sld [smem:$0x3FAD]  }
0x30: {  	s3 =	sld [smem:$0x3FB0]  }
0x31: {  	[smem:$0x3FB9] =	sst s10  }
0x32: {  	s10 =	sld [smem:$0x3FB7];
	_ =	sdelay $0x3  }
0x33: {  	p0 =	seq.s32 s10, $0x1;
	s10 =	sld [smem:$0x3FB9];
	_ =	sdelay $0x3  }
0x34: {  	[smem:$0x3FB9] =	sst s10  }
0x35: {  	s10 =	sld [smem:$0x3FB8];
	_ =	sdelay $0x3  }
0x36: {  	p1 =	seq.s32 s10, $0x1;
	s10 =	sld [smem:$0x3FB9];
	_ =	sdelay $0x3  }
0x37: {  	[smem:$0x3FB9] =	sst s10  }
0x38: {  	s10 =	sld [smem:$0x3FBA]  }
0x39: {  	_ = 	snop;
	(pc) =	sbr.ind lr, $3  }
0x3a: {  	_ = 	snop  }
0x3b: {  	_ = 	snop  }
0x3c: {  	p2 =	seq.s32 s10, $0x1;
	s10 =	sld [smem:$0x3FB9]  }
0x3d: {  	_ =	shalt  }
0x3e: {  	_ =	shalt  }
0x3f: {  	_ =	shalt  }
0x40: {  	_ =	shalt  }
0x41: {  	_ =	shalt  }
0x42: {  	_ =	shalt  }
0x43: {  	_ =	shalt  }
0x44: {  	_ =	shalt  }
0x45: {  	_ =	shalt  }
0x46: {  	_ =	shalt  }
0x47: {  	_ =	shalt  }
0x48: {  	_ =	shalt  }
0x49: {  	_ =	shalt  }
0x4a: {  	_ =	shalt  }
0x4b: {  	_ =	shalt  }
0x4c: {  	_ =	shalt  }
0x4d: {  	_ =	shalt  }
0x4e: {  	_ =	shalt  }
0x4f: {  	_ =	shalt  }
0x50: {  	_ =	shalt  }
0x51: {  	_ =	shalt  }
0x52: {  	_ =	shalt  }
0x53: {  	_ =	shalt  }
0x54: {  	_ =	shalt  }
0x55: {  	_ =	shalt  }
0x56: {  	_ =	shalt  }
0x57: {  	_ =	shalt  }
0x58: {  	_ =	shalt  }
0x59: {  	_ =	shalt  }
0x5a: {  	_ =	shalt  }
0x5b: {  	_ =	shalt  }
0x5c: {  	_ =	shalt  }
0x5d: {  	_ =	shalt  }
0x5e: {  	_ =	shalt  }
0x5f: {  	_ =	shalt  }
0x60: {  	_ =	shalt  }
0x61: {  	_ =	shalt  }
0x62: {  	_ =	shalt  }
0x63: {  	_ =	shalt  }
0x64: {  	_ =	shalt  }
0x65: {  	_ =	shalt  }
0x66: {  	_ =	shalt  }
0x67: {  	_ =	shalt  }
0x68: {  	_ =	shalt  }
0x69: {  	_ =	shalt  }
0x6a: {  	_ =	shalt  }
0x6b: {  	_ =	shalt  }
0x6c: {  	_ =	shalt  }
0x6d: {  	_ =	shalt  }
0x6e: {  	_ =	shalt  }
0x6f: {  	_ =	shalt  }
0x70: {  	_ =	shalt  }
0x71: {  	_ =	shalt  }
0x72: {  	_ =	shalt  }
0x73: {  	_ =	shalt  }
0x74: {  	_ =	shalt  }
0x75: {  	_ =	shalt  }
0x76: {  	_ =	shalt  }
0x77: {  	_ =	shalt  }
0x78: {  	_ =	shalt  }
0x79: {  	_ =	shalt  }
0x7a: {  	_ =	shalt  }
0x7b: {  	_ =	shalt  }
0x7c: {  	_ =	shalt  }
0x7d: {  	_ =	shalt  }
0x7e: {  	_ =	shalt  }
0x7f: {  	_ =	shalt  }
0x80: {  	_ =	shalt  }
0x81: {  	_ =	shalt  }
0x82: {  	_ =	shalt  }
0x83: {  	_ =	shalt  }
0x84: {  	_ =	shalt  }
0x85: {  	_ =	shalt  }
0x86: {  	_ =	shalt  }
0x87: {  	_ =	shalt  }
.Lfunc_end0:
.L_simem_size_0:
called_computation.13_lowered:
.L_overlay_start_0:
0x88: {  	s2 =	sld [smem:$0x3FD9]  }
0x89: {  	s3 =	sld [smem:$0x3FFE];
	_ =	sdelay $0x1  }
0x8a: {  	s1 =	srdreg.scid  }
0x8b: {  	s0 =	sand.u32 $0x1, s1  }
0x8c: {  	s17 =	sshll.u32 s0, $0xA;
	s2 =	sadd.s32 s3, s2  }
0x8d: {  	s2 =	sadd.s32 s2, s17  }
0x8e: {  	[smem:$0x3FC5] =	sst s2  }
0x8f: {  	_ = 	snop  }
0x90: {  	s18 =	sld [smem:$0x3FD0];
	(tm) =	ssettm $0x1  }
0x91: {  	s19 =	sld [smem:$0x3FFB];
	_ =	sdelay $0x3  }
0x92: {  	_ =	strace s19  }
0x93: {  	s2 =	sld [smem:$0x3FFC];
	_ =	sdelay $0x3  }
0x94: {  	_ =	strace s2  }
0x95: {  	s2 =	sld [smem:$0x3FFD];
	_ =	sdelay $0x3  }
0x96: {  	_ =	strace s2  }
0x97: {  	_ =	strace $0x8FFFFFFF  }
0x98: {  	s20 =	sld [smem:$0x3FDB];
	_ =	sdelay $0x1  }
0x99: {  	s4 =	simm.s32 $_scs_section_size  }
0x9a: {  	s5 =	simm.s32 $_size__tile_overlayer_lowered;
	s6 =	simm.s32 $_tile_overlayer_lowered  }
0x9b: {  	s7 =	simm.s32 $0x1BFF;
	s21 =	sshll.u32 s6, $0x1;
	s4 =	sadd.s32 s4, s20  }
0x9c: {  	s22 =	simm.s32 $0x0;
	s5 =	sshll.u32 s5, $0x1;
	s6 =	sadd.s32 s21, s4  }
0x9d: {  	[timem:s22], [sflag:s7] =	dma.local [hbm:s6], s5  }
0x9e: {  	_ =	swait.ge [sflag:s7], s5  }
0x9f: {  	s5 =	ssub.s32 $0x0, s5;
	[sflag:s7] =	ssyncset.done $0x0  }
0xa0: {  	[sflag:s7] =	ssyncadd.s32 s5;
	_ =	sdelay $0x1  }
0xa1: {  	s23 =	simm.s32 $0x1B8B  }
0xa2: {  	_ =	swait.ge [sflag:s23], $0x1  }
0xa3: {  	[sflag:s23] =	ssyncset.done $0x0  }
0xa4: {  	[sflag:s23] =	ssyncadd.s32 $0xFFFFFFFF  }
0xa5: {  	s5 =	sld [smem:$0x0]  }
0xa6: {  	s6 =	sand.u32 $0xFFFFFFFE, s1  }
0xa7: {  	p0 =	sne.s32 s1, s6  }
0xa8: {  	s6 =	sshll.u32 @p0 s6, $0xE  }
0xa9: {  	s6 =	sadd.s32 @p0 $0x11B8D, s6;
	s7 =	sshll.u32 @p0 s5, $0x11  }
0xaa: {  	s6 =	sor.u32 @p0 s7, s6  }
0xab: {  	[sflag:s6] =	ssyncadd.remote.s32 @p0 $0x1;
	_ =	sdelay $0x1  }
0xac: {  	s6 =	simm.s32 @p0 $0x1B8D  }
0xad: {  	_ =	swait.eq @p0 [sflag:s6], $0x1  }
0xae: {  	[sflag:s6] =	ssyncadd.s32 @p0 $0xFFFFFFFF  }
0xaf: {  	s7 =	sshll.u32 @!p0 s1, $0xE  }
0xb0: {  	s7 =	sor.u32 @!p0 $0x4000, s7;
	s6 =	simm.s32 @!p0 $0x1B8D  }
0xb1: {  	s5 =	sshll.u32 @!p0 s5, $0x11;
	s7 =	sadd.s32 @!p0 $0x11B8D, s7;
	_ =	swait.eq @!p0 [sflag:s6], $0x1  }
0xb2: {  	s5 =	sor.u32 @!p0 s5, s7;
	[sflag:s6] =	ssyncadd.s32 @!p0 $0xFFFFFFFF  }
0xb3: {  	s25 =	simm.s32 $0x1B8E;
	s24 =	sld [smem:$0x3FFE];
	[sflag:s5] =	ssyncadd.remote.s32 @!p0 $0x1  }
0xb4: {  	s26 =	simm.s32 $execute0_lowered;
	[smem:$0x3FD2] =	sst s25  }
0xb5: {  	s6 =	sshll.u32 s26, $0x1;
	_ =	strace $0x80000064;
	[dreg:$0x1] =	wrdreg $0xFFFFFFFF  }
0xb6: {  	s28 =	simm.s32 $_size_execute0_lowered;
	s4 =	sadd.s32 s4, s6;
	[dreg:$0x0] =	wrdreg $0x0  }
0xb7: {  	s6 =	sshll.u32 s28, $0x1;
	[dreg:$0x2] =	wrdreg s4  }
0xb8: {  	[dreg:$0x3] =	wrdreg s6  }
0xb9: {  	[dreg:$0x4] =	wrdreg $0xC0  }
0xba: {  	_ =	task [dreg:s22], $0x5FFFF  }
0xbb: {  	[dreg:$0x1] =	wrdreg $0xFFFFFFFF  }
0xbc: {  	[dreg:$0x0] =	wrdreg $0x60  }
0xbd: {  	[dreg:$0x2] =	wrdreg s18  }
0xbe: {  	[dreg:$0x3] =	wrdreg s24  }
0xbf: {  	[dreg:$0x4] =	wrdreg $0xE  }
0xc0: {  	_ =	task.clear_ibuf [dreg:s22], $0x5FFFF;
	_ =	strace $0x90000064  }
0xc1: {  	s29 =	simm.s32 $0xE;
	_ =	strace $0x80000066  }
0xc2: {  	_ =	swait.ge [sflag:s29], $0x1  }
0xc3: {  	[sflag:s29] =	ssyncadd.s32 $0xFFFFFFFF  }
0xc4: {  	_ =	strace $0x90000066  }
0xc5: {  	_ =	sfence  }
0xc6: {  	s30 =	sld [smem:$0x0];
	_ =	sdelay $0x2  }
0xc7: {  	s31 =	sshll.u32 s1, $0xD;
	s1 =	sshrl.u32 s1, $0x2  }
0xc8: {  	s4 =	sand.u32 $0x4000, s31;
	s1 =	sadd.s32 s1, s30  }
0xc9: {  	s0 =	sor.u32 s4, s0;
	s1 =	sshll.u32 s1, $0x11  }
0xca: {  	s0 =	sor.u32 s1, s0  }
0xcb: {  	s0 =	sadd.s32 $0x8F2B, s0  }
0xcc: {  	[sflag:s0] =	ssyncadd.remote.s32 $0x1  }
0xcd: {  	_ =	sfence.sel $0xFFFF  }
0xce: {  	[dreg:$0x0] =	wrdreg $0xFFFFFFFF;
	(pc) =	sbr.abs _section_cstart, $3  }
0xcf: {  	[dreg:$0x1] =	wrdreg $0xFFFFFFFF  }
0xd0: {  	_ =	task.clear_ibuf [dreg:s22], $0x2FFFF;
	_ =	strace $0x9FFFFFFF  }
0xd1: {  	(tm) =	ssettm $0x7FFFFFFF  }
tec
execute0_lowered:
.L_overlay_start_1:
0x0: {  	(tag) =	ssettag $0x1  }
0x1: {  	s2 =	rddreg [dreg:$0x0];
	s0 =	stileid.u32  }
0x2: {  	s1 =	srdreg.scid;
	s8 =	rddreg [dreg:$0x1]  }
0x3: {  	s5 =	simm.s32 $0x1;
	s9 =	simm.s32 $0x1;
	s10 =	simm.s32 $0x3  }
0x4: {  	s13 =	simm.s32 $0x0;
	s3 =	sand.u32 $0x1, s1;
	s4 =	sshll.u32 s0, $0x1  }
0x5: {  	s12 =	simm.s32 $0x0;
	s1 =	rddreg [dreg:$0x2];
	s6 =	sor.u32 s4, s3  }
0x6: {  	_ =	strace $0x80000065;
	s3 =	sadd.s32 $0x3E200, s8;
	s4 =	smul.u32 $0x2710, s6  }
0x7: {  	[sflag:s5] =	ssyncpa.u1 $0x0;
	p0 =	slt.u32 s6, $0x13;
	s6 =	simm.s32 $0x4E200  }
.Ltmp0:
0x8: {  	s6 =	simm.s32 @!p0 $0x0;
	s7 =	ssub.s32 $0x7A120, s4;
	(pc) =	sbr.rel .LBB2_1-.Ltmp0, $4  }
0x9: {  	s9 =	simm.s32 @!p0 $0x0;
	p0 =	sne.s32 s7, s6;
	s7 =	simm.s32 $0x1  }
0xa: {  	s8 =	sadd.s32 $0xD7800, s8;
	s6 =	simm.s32 $0x2;
	s7 =	simm.s32 @!p0 $0x0  }
0xb: {  	s11 =	smov.u32 s4;
	[sflag:s6] =	ssyncpa.u1 $0x0;
	s7 =	sadd.s32 s9, s7  }
0xc: {  	vm0 =	vmmov $0xffff;
	[sflag:s10] =	ssyncpa.u1 $0x0;
	s10 =	simm.s32 $0x0;
	s9 =	sadd.s32 $0x1, s7  }
.LBB2_4:
0xd: {  	v2 =	vnsel vm1, $0x0, v2  }
0xe: {  	vm1 =	vgt.s32 v0, $0x0;
	v2 =	vmin.u32 v2, $0x3FFFF  }
0xf: {  	v0 =	vnsel vm1, $0x0, v0  }
0x10: {  	v0 =	vmin.u32 v0, $0x3FFFF  }
0x11: {  	[tilespmem:s18], [sflag:$0x1] =	stream.indirect_vreg.gather [hbm4b:s2+s10], $0x1, v1, vm0, $0x4038;
	[tilespmem:$0x9C40] =	vst v63  }
0x12: {  	(ifvalue) =	ssetifvalue $0x7FFFFFFF  }
0x13: {  	[tilespmem:s15], [sflag:$0x1] =	stream.indirect_vreg.gather [hbm4b:s2+s10], $0x1, v2, vm0, $0x4038;
	[tilespmem:$0x9C40] =	vst v63  }
0x14: {  	s29 =	sadd.s32 $0x10, s15;
	(ifvalue) =	ssetifvalue $0x7FFFFFFF  }
0x15: {  	[tilespmem:s29], [sflag:$0x1] =	stream.indirect_vreg.gather [hbm4b:s2+s10], $0x1, v0, vm0, $0x4038;
	[tilespmem:$0x9C40] =	vst v63  }
0x16: {  	_ =	swait.ge [sflag:s5], $0x2710  }
0x17: {  	s30 =	sshrl.u32 s13, $0x3;
	[sflag:s5] =	ssyncset.done $0x0  }
0x18: {  	s31 =	sand.u32 $0x7, s13;
	s15 =	sadd.s32 s8, s30;
	[sflag:s5] =	ssyncadd.s32 $0xFFFFD8F0  }
0x19: {  	[hbm4b:s15+s31] =	stream.linear.scatter [tilespmem:s14], [sflag:$0x3], $0x2710, $0x38;
	[tilespmem:$0x9C40] =	vst v63  }
.LBB2_5:
0x1a: {  	s15 =	sadd.s32 $0x4E200, s11  }
0x1b: {  	p1 =	sgt.s32 s15, $0x7A11F  }
0x1c: {  	s15 =	smov.u32 @p1 s4;
	p1 =	sne.s32 s12, s9  }
.Ltmp1:
0x1d: {  	p0 =	slt.u32 s12, $0x2;
	(pc) =	sbr.rel @!p1 .LBB2_6-.Ltmp1, $4  }
0x1e: {  	s14 =	simm.s32 @!p0 $0x3  }
0x1f: {  	_ =	swait.ge @!p0 [sflag:s14], $0x2710  }
0x20: {  	s16 =	sadd.s32 $0x1, s12;
	s13 =	smov.u32 s11;
	[sflag:s14] =	ssyncset.done @!p0 $0x0  }
0x21: {  	s12 =	smov.u32 s16;
	s11 =	smov.u32 s15;
	[sflag:s14] =	ssyncadd.s32 @!p0 $0xFFFFD8F0  }
.LBB2_1:
0x22: {  	p0 =	sge.u32 s12, s7  }
0x23: {  	s14 =	sxor.u32 @!p0 $0x1, s12  }
0x24: {  	s14 =	smul.u32 @!p0 $0x9C40, s14  }
0x25: {  	s31 =	sadd.s32 $0xFFFFFFFF, s12;
	s15 =	sshrl.u32 @!p0 s11, $0x3  }
0x26: {  	s16 =	sand.u32 @!p0 $0x7, s11;
	s15 =	sadd.s32 @!p0 s3, s15;
	s14 =	sshra.s32 @!p0 s14, $0x2  }
0x27: {  	[tilespmem:s14], [sflag:$0x2] =	stream.linear.gather @!p0 [hbm4b:s15+s16], $0x2710, $0x38;
	[tilespmem:$0x9C40] =	vst v63  }
0x28: {  	p0 =	sge.u32 s31, s7  }
.Ltmp2:
0x29: {  	_ = 	snop;
	(pc) =	sbr.rel @p0 .LBB2_5-.Ltmp2, $1  }
0x2a: {  	_ =	sdelay $0x3  }
0x2b: {  	s14 =	sand.u32 $0x1, s12  }
0x2c: {  	_ =	swait.ge [sflag:s6], $0x2710;
	p0 =	seq.s32 s14, $0x1;
	s14 =	simm.s32 $0x2710  }
0x2d: {  	[sflag:s6] =	ssyncset.done $0x0;
	s14 =	simm.s32 @!p0 $0x0  }
0x2e: {  	[sflag:s6] =	ssyncadd.s32 $0xFFFFD8F0;
	(ifvalue) =	ssetifvalue $0x7FFFFFFF;
	v0 =	vld.msk [tilespmem:s14+$0x0 ss:$0x1], $0xffff;
	_ =	sdelay $0x4  }
0x2f: {  	s15 =	sadd.s32 $0x10, s14;
	vm1 =	vgt.s32 v0, $0x0  }
0x30: {  	v2 =	vld.msk [tilespmem:s15+$0x0 ss:$0x1], $0xffff;
	v1 =	vnsel vm1, $0x0, v0  }
0x31: {  	v1 =	vmin.u32 v1, $0x3FFFF;
	_ =	sdelay $0x2  }
0x32: {  	s17 =	simm.s32 $0x20;
	s14 =	sadd.s32 $0x4E20, s14;
	s16 =	sadd.s32 $0x10, s15  }
0x33: {  	s15 =	sadd.s32 $0x10, s14;
	s18 =	smov.u32 s14;
	v0 =	vld.msk [tilespmem:s16+$0x0 ss:$0x1], $0xffff;
	vm1 =	vgt.s32 v2, $0x0;
	(ifvalue) =	ssetifvalue $0x7FFFFFFF  }
.LBB2_3:
0x34: {  	[tilespmem:s18], [sflag:$0x1] =	stream.indirect_vreg.gather [hbm4b:s2+s10], $0x1, v1, vm0, $0x4038;
	[tilespmem:$0x9C40] =	vst v63  }
0x35: {  	s17 =	sadd.s32 $0x10, s17  }
0x36: {  	v2 =	vnsel vm1, $0x0, v2;
	p0 =	slt.u32 s17, $0x2700  }
.Ltmp3:
0x37: {  	s18 =	smov.u32 s15;
	v1 =	vmin.u32 v2, $0x3FFFF;
	(pc) =	sbr.rel @p0 .LBB2_3-.Ltmp3, $3  }
0x38: {  	_ =	sdelay $0x1  }
0x39: {  	s16 =	sadd.s32 $0x10, s16  }
0x3a: {  	vm1 =	vgt.s32 v0, $0x0;
	s15 =	sadd.s32 $0x10, s15;
	v2 =	vmov v0;
	(ifvalue) =	ssetifvalue $0x7FFFFFFF;
	v0 =	vld.msk [tilespmem:s16+$0x0 ss:$0x1], $0xffff  }
.Ltmp4:
0x3b: {  	_ = 	snop;
	(pc) =	sbr.rel .LBB2_4-.Ltmp4, $1  }
0x3c: {  	_ =	sdelay $0x3  }
.LBB2_6:
0x3d: {  	_ =	sfence.sel $0x180000  }
0x3e: {  	s2 =	simm.s32 $0x2;
	[bflag:$0x0] =	sbarrier.arrive $0xFFFF  }
0x3f: {  	s30 =	simm.s32 $0x3;
	[sflag:s2] =	ssyncpa.u1 $0x1  }
0x40: {  	s31 =	simm.s32 $0x1;
	[sflag:s30] =	ssyncpa.u1 $0x1  }
0x41: {  	[sflag:s31] =	ssyncpa.u1 $0x1  }
0x42: {  	p0 =	sne.s32 s0, $0x0;
	_ =	strace $0x90000065  }
0x43: {  	s0 =	sadd.s32 @!p0 $0x100000, s1;
	[bflag:$0x2] =	sbarrier.arrive $0xFFFF  }
0x44: {  	[sflag:s0] =	ssyncadd.tile.s32 @!p0 $0x1;
	_ =	shalt  }
.Lfunc_end2:
_tile_overlayer_lowered:
.L_overlay_start_2:
0x45: {  	(tag) =	ssettag $0x2  }
0x46: {  	s0 =	rddreg [dreg:$0x0];
	s2 =	stileid.u32  }
0x47: {  	s1 =	rddreg [dreg:$0x1];
	p0 =	sne.s32 s2, $0x0  }
0x48: {  	s3 =	rddreg [dreg:$0x2];
	[bflag:$0x3] =	sbarrier.arrive $0xFFFF;
	s2 =	simm.s32 @!p0 $0x1C01  }
0x49: {  	[timem:s3], [sflag:s2] =	dma.local @!p0 [hbm:s0], s1  }
0x4a: {  	s0 =	simm.s32 @!p0 $0x1  }
0x4b: {  	_ =	swait.ge @!p0 [sflag:s0], s1  }
0x4c: {  	s1 =	ssub.s32 @!p0 $0x0, s1;
	[sflag:s0] =	ssyncset.done @!p0 $0x0  }
0x4d: {  	[sflag:s0] =	ssyncadd.s32 @!p0 s1  }
0x4e: {  	[bflag:$0x3] =	sbarrier.arrive $0xFFFF  }
0x4f: {  	_ =	shalt  }

// kernel: gather_offload_async_start.6
scs
__scs_entry_jumppad:
0x0: {  	(pc) =	sbr.rel $0x88, $3  }
0x1: {  	(tag) =	ssettag $0x0;
	lr =	simm.s32 $0x1  }
0x2: {  	[smem:$0x3F9E] =	sst lr;
	_ =	strace $0xD0000000  }
0x3: {  	_ = 	snop  }
0x4: {  	_ = 	snop  }
0x5: {  	_ = 	snop  }
0x6: {  	_ = 	snop  }
0x7: {  	_ = 	snop  }
__scs_overlays_trampoline_lowered:
0x8: {  	[smem:$0x3FAD] =	sst s0  }
0x9: {  	[smem:$0x3FAE] =	sst s1  }
0xa: {  	[smem:$0x3FAF] =	sst s2  }
0xb: {  	[smem:$0x3FB0] =	sst s3  }
0xc: {  	[smem:$0x3FB1] =	sst s4  }
0xd: {  	[smem:$0x3FB2] =	sst s5  }
0xe: {  	[smem:$0x3FB3] =	sst s6  }
0xf: {  	[smem:$0x3FB4] =	sst s7  }
0x10: {  	[smem:$0x3FB5] =	sst s8  }
0x11: {  	[smem:$0x3FB6] =	sst s9;
	s0 =	simm.s32 @!p0 $0x0  }
0x12: {  	s1 =	sld [smem:$0x3F9C];
	s0 =	simm.s32 @p0 $0x1  }
0x13: {  	[smem:$0x3FB7] =	sst s0;
	s0 =	simm.s32 @!p1 $0x0  }
0x14: {  	s2 =	sld [smem:$0x3F9B];
	s0 =	simm.s32 @p1 $0x1  }
0x15: {  	[smem:$0x3FB8] =	sst s0;
	s0 =	simm.s32 @!p2 $0x0  }
0x16: {  	s3 =	sld [smem:$0x3FDB];
	s0 =	simm.s32 @p2 $0x1  }
0x17: {  	s4 =	simm.s32 $0x1BF5;
	[smem:$0x3FBA] =	sst s0  }
0x18: {  	s0 =	sld [smem:$0x3F9D];
	_ =	swait.ge [sflag:s4], $0x0  }
0x19: {  	s7 =	sld [smem:$0x3F9E]  }
0x1a: {  	s8 =	sadd.s32 $0xFFFFE003, lr  }
0x1b: {  	s9 =	sadd.s32 $0xFFFFFEF7, lr;
	s5 =	simm.s32 $0xFFFFFFFF;
	p2 =	slt.u32 s8, $0xFFFFF086  }
0x1c: {  	p1 =	slt.u32 s9, $0xF7A;
	s5 =	simm.s32 @!p2 $0x0  }
0x1d: {  	s5 =	simm.s32 @p1 $0x1;
	p0 =	seq.s32 s7, s2  }
0x1e: {  	s7 =	smul.u32 @!p0 $0xF7A, s2;
	p2 =	seq.s32 @!p0 s5, $0x0  }
0x1f: {  	s9 =	smul.u32 $0xF7A, s1;
	s8 =	simm.s32 @!p0 $0x1BF5;
	p2 =	por !p2, p0  }
0x20: {  	[sflag:s8] =	ssyncset.s32 @!p0 $0xFFFFF086;
	s6 =	sadd.s32 @!p0 s3, s7;
	s7 =	simm.s32 @!p0 $0x108  }
0x21: {  	s3 =	sadd.s32 s3, s9;
	s6 =	sadd.s32 @!p0 $0x88, s6;
	s7 =	simm.s32 @p2 $0x1082  }
0x22: {  	[simem:s7], [sflag:s8] =	dma.local @!p0 [hbm:s6], $0xF7A  }
0x23: {  	s9 =	sor.u32 $0xD0000000, s2;
	s6 =	simm.s32 $0x108;
	_ =	swait.ge @!p0 [sflag:s8], $0x0  }
0x24: {  	s3 =	sadd.s32 $0x88, s3;
	s6 =	simm.s32 @!p1 $0x1082;
	[sflag:s4] =	ssyncset.s32 $0xFFFFF086  }
0x25: {  	[simem:s6], [sflag:s4] =	dma.local [hbm:s3], $0xF7A  }
0x26: {  	[smem:$0x3F9E] =	sst s1;
	(tag) =	ssettag s2;
	_ =	strace s9  }
0x27: {  	s1 =	sld [smem:$0x3FAE]  }
0x28: {  	s2 =	sld [smem:$0x3FAF]  }
0x29: {  	s4 =	sld [smem:$0x3FB1]  }
0x2a: {  	p0 =	seq.s32 s5, $0x0;
	s5 =	sld [smem:$0x3FB2]  }
0x2b: {  	s6 =	sld [smem:$0x3FB3]  }
0x2c: {  	s7 =	sld [smem:$0x3FB4]  }
0x2d: {  	s3 =	simm.s32 $0x108;
	s8 =	sld [smem:$0x3FB5]  }
0x2e: {  	s3 =	simm.s32 @!p0 $0x1082;
	s9 =	sld [smem:$0x3FB6]  }
0x2f: {  	lr =	sadd.s32 s0, s3;
	s0 =	sld [smem:$0x3FAD]  }
0x30: {  	s3 =	sld [smem:$0x3FB0]  }
0x31: {  	[smem:$0x3FB9] =	sst s10  }
0x32: {  	s10 =	sld [smem:$0x3FB7];
	_ =	sdelay $0x3  }
0x33: {  	p0 =	seq.s32 s10, $0x1;
	s10 =	sld [smem:$0x3FB9];
	_ =	sdelay $0x3  }
0x34: {  	[smem:$0x3FB9] =	sst s10  }
0x35: {  	s10 =	sld [smem:$0x3FB8];
	_ =	sdelay $0x3  }
0x36: {  	p1 =	seq.s32 s10, $0x1;
	s10 =	sld [smem:$0x3FB9];
	_ =	sdelay $0x3  }
0x37: {  	[smem:$0x3FB9] =	sst s10  }
0x38: {  	s10 =	sld [smem:$0x3FBA]  }
0x39: {  	_ = 	snop;
	(pc) =	sbr.ind lr, $3  }
0x3a: {  	_ = 	snop  }
0x3b: {  	_ = 	snop  }
0x3c: {  	p2 =	seq.s32 s10, $0x1;
	s10 =	sld [smem:$0x3FB9]  }
0x3d: {  	_ =	shalt  }
0x3e: {  	_ =	shalt  }
0x3f: {  	_ =	shalt  }
0x40: {  	_ =	shalt  }
0x41: {  	_ =	shalt  }
0x42: {  	_ =	shalt  }
0x43: {  	_ =	shalt  }
0x44: {  	_ =	shalt  }
0x45: {  	_ =	shalt  }
0x46: {  	_ =	shalt  }
0x47: {  	_ =	shalt  }
0x48: {  	_ =	shalt  }
0x49: {  	_ =	shalt  }
0x4a: {  	_ =	shalt  }
0x4b: {  	_ =	shalt  }
0x4c: {  	_ =	shalt  }
0x4d: {  	_ =	shalt  }
0x4e: {  	_ =	shalt  }
0x4f: {  	_ =	shalt  }
0x50: {  	_ =	shalt  }
0x51: {  	_ =	shalt  }
0x52: {  	_ =	shalt  }
0x53: {  	_ =	shalt  }
0x54: {  	_ =	shalt  }
0x55: {  	_ =	shalt  }
0x56: {  	_ =	shalt  }
0x57: {  	_ =	shalt  }
0x58: {  	_ =	shalt  }
0x59: {  	_ =	shalt  }
0x5a: {  	_ =	shalt  }
0x5b: {  	_ =	shalt  }
0x5c: {  	_ =	shalt  }
0x5d: {  	_ =	shalt  }
0x5e: {  	_ =	shalt  }
0x5f: {  	_ =	shalt  }
0x60: {  	_ =	shalt  }
0x61: {  	_ =	shalt  }
0x62: {  	_ =	shalt  }
0x63: {  	_ =	shalt  }
0x64: {  	_ =	shalt  }
0x65: {  	_ =	shalt  }
0x66: {  	_ =	shalt  }
0x67: {  	_ =	shalt  }
0x68: {  	_ =	shalt  }
0x69: {  	_ =	shalt  }
0x6a: {  	_ =	shalt  }
0x6b: {  	_ =	shalt  }
0x6c: {  	_ =	shalt  }
0x6d: {  	_ =	shalt  }
0x6e: {  	_ =	shalt  }
0x6f: {  	_ =	shalt  }
0x70: {  	_ =	shalt  }
0x71: {  	_ =	shalt  }
0x72: {  	_ =	shalt  }
0x73: {  	_ =	shalt  }
0x74: {  	_ =	shalt  }
0x75: {  	_ =	shalt  }
0x76: {  	_ =	shalt  }
0x77: {  	_ =	shalt  }
0x78: {  	_ =	shalt  }
0x79: {  	_ =	shalt  }
0x7a: {  	_ =	shalt  }
0x7b: {  	_ =	shalt  }
0x7c: {  	_ =	shalt  }
0x7d: {  	_ =	shalt  }
0x7e: {  	_ =	shalt  }
0x7f: {  	_ =	shalt  }
0x80: {  	_ =	shalt  }
0x81: {  	_ =	shalt  }
0x82: {  	_ =	shalt  }
0x83: {  	_ =	shalt  }
0x84: {  	_ =	shalt  }
0x85: {  	_ =	shalt  }
0x86: {  	_ =	shalt  }
0x87: {  	_ =	shalt  }
.Lfunc_end0:
.L_simem_size_0:
called_computation.14_lowered:
.L_overlay_start_0:
0x88: {  	s2 =	sld [smem:$0x3FD9]  }
0x89: {  	s3 =	sld [smem:$0x3FFE];
	_ =	sdelay $0x1  }
0x8a: {  	s1 =	srdreg.scid  }
0x8b: {  	s0 =	sand.u32 $0x1, s1  }
0x8c: {  	s17 =	sshll.u32 s0, $0xA;
	s2 =	sadd.s32 s3, s2  }
0x8d: {  	s2 =	sadd.s32 s2, s17  }
0x8e: {  	[smem:$0x3FC5] =	sst s2  }
0x8f: {  	_ = 	snop  }
0x90: {  	s18 =	sld [smem:$0x3FD0];
	(tm) =	ssettm $0x1  }
0x91: {  	s19 =	sld [smem:$0x3FFB];
	_ =	sdelay $0x3  }
0x92: {  	_ =	strace s19  }
0x93: {  	s2 =	sld [smem:$0x3FFC];
	_ =	sdelay $0x3  }
0x94: {  	_ =	strace s2  }
0x95: {  	s2 =	sld [smem:$0x3FFD];
	_ =	sdelay $0x3  }
0x96: {  	_ =	strace s2  }
0x97: {  	_ =	strace $0x8FFFFFFF  }
0x98: {  	s20 =	sld [smem:$0x3FDB];
	_ =	sdelay $0x1  }
0x99: {  	s4 =	simm.s32 $_scs_section_size  }
0x9a: {  	s5 =	simm.s32 $_size__tile_overlayer_lowered;
	s6 =	simm.s32 $_tile_overlayer_lowered  }
0x9b: {  	s7 =	simm.s32 $0x1BFF;
	s21 =	sshll.u32 s6, $0x1;
	s4 =	sadd.s32 s4, s20  }
0x9c: {  	s22 =	simm.s32 $0x0;
	s5 =	sshll.u32 s5, $0x1;
	s6 =	sadd.s32 s21, s4  }
0x9d: {  	[timem:s22], [sflag:s7] =	dma.local [hbm:s6], s5  }
0x9e: {  	_ =	swait.ge [sflag:s7], s5  }
0x9f: {  	s5 =	ssub.s32 $0x0, s5;
	[sflag:s7] =	ssyncset.done $0x0  }
0xa0: {  	[sflag:s7] =	ssyncadd.s32 s5;
	_ =	sdelay $0x1  }
0xa1: {  	s23 =	simm.s32 $0x1B8B  }
0xa2: {  	_ =	swait.ge [sflag:s23], $0x1  }
0xa3: {  	[sflag:s23] =	ssyncset.done $0x0  }
0xa4: {  	[sflag:s23] =	ssyncadd.s32 $0xFFFFFFFF  }
0xa5: {  	s5 =	sld [smem:$0x0]  }
0xa6: {  	s6 =	sand.u32 $0xFFFFFFFE, s1  }
0xa7: {  	p0 =	sne.s32 s1, s6  }
0xa8: {  	s6 =	sshll.u32 @p0 s6, $0xE  }
0xa9: {  	s6 =	sadd.s32 @p0 $0x11B8D, s6;
	s7 =	sshll.u32 @p0 s5, $0x11  }
0xaa: {  	s6 =	sor.u32 @p0 s7, s6  }
0xab: {  	[sflag:s6] =	ssyncadd.remote.s32 @p0 $0x1;
	_ =	sdelay $0x1  }
0xac: {  	s6 =	simm.s32 @p0 $0x1B8D  }
0xad: {  	_ =	swait.eq @p0 [sflag:s6], $0x1  }
0xae: {  	[sflag:s6] =	ssyncadd.s32 @p0 $0xFFFFFFFF  }
0xaf: {  	s7 =	sshll.u32 @!p0 s1, $0xE  }
0xb0: {  	s7 =	sor.u32 @!p0 $0x4000, s7;
	s6 =	simm.s32 @!p0 $0x1B8D  }
0xb1: {  	s5 =	sshll.u32 @!p0 s5, $0x11;
	s7 =	sadd.s32 @!p0 $0x11B8D, s7;
	_ =	swait.eq @!p0 [sflag:s6], $0x1  }
0xb2: {  	s5 =	sor.u32 @!p0 s5, s7;
	[sflag:s6] =	ssyncadd.s32 @!p0 $0xFFFFFFFF  }
0xb3: {  	s25 =	simm.s32 $0x1B8E;
	s24 =	sld [smem:$0x3FFE];
	[sflag:s5] =	ssyncadd.remote.s32 @!p0 $0x1  }
0xb4: {  	s26 =	simm.s32 $execute0_lowered;
	[smem:$0x3FD2] =	sst s25  }
0xb5: {  	s6 =	sshll.u32 s26, $0x1;
	_ =	strace $0x80000061;
	[dreg:$0x1] =	wrdreg $0xFFFFFFFF  }
0xb6: {  	s28 =	simm.s32 $_size_execute0_lowered;
	s4 =	sadd.s32 s4, s6;
	[dreg:$0x0] =	wrdreg $0x0  }
0xb7: {  	s6 =	sshll.u32 s28, $0x1;
	[dreg:$0x2] =	wrdreg s4  }
0xb8: {  	[dreg:$0x3] =	wrdreg s6  }
0xb9: {  	[dreg:$0x4] =	wrdreg $0xC0  }
0xba: {  	_ =	task [dreg:s22], $0x5FFFF  }
0xbb: {  	[dreg:$0x1] =	wrdreg $0xFFFFFFFF  }
0xbc: {  	[dreg:$0x0] =	wrdreg $0x60  }
0xbd: {  	[dreg:$0x2] =	wrdreg s18  }
0xbe: {  	[dreg:$0x3] =	wrdreg s24  }
0xbf: {  	[dreg:$0x4] =	wrdreg $0xF  }
0xc0: {  	_ =	task.clear_ibuf [dreg:s22], $0x5FFFF;
	_ =	strace $0x90000061  }
0xc1: {  	s29 =	simm.s32 $0xF;
	_ =	strace $0x80000063  }
0xc2: {  	_ =	swait.ge [sflag:s29], $0x1  }
0xc3: {  	[sflag:s29] =	ssyncadd.s32 $0xFFFFFFFF  }
0xc4: {  	_ =	strace $0x90000063  }
0xc5: {  	_ =	sfence  }
0xc6: {  	s30 =	sld [smem:$0x0];
	_ =	sdelay $0x2  }
0xc7: {  	s31 =	sshll.u32 s1, $0xD;
	s1 =	sshrl.u32 s1, $0x2  }
0xc8: {  	s4 =	sand.u32 $0x4000, s31;
	s1 =	sadd.s32 s1, s30  }
0xc9: {  	s0 =	sor.u32 s4, s0;
	s1 =	sshll.u32 s1, $0x11  }
0xca: {  	s0 =	sor.u32 s1, s0  }
0xcb: {  	s0 =	sadd.s32 $0x8F2B, s0  }
0xcc: {  	[sflag:s0] =	ssyncadd.remote.s32 $0x1  }
0xcd: {  	_ =	sfence.sel $0xFFFF  }
0xce: {  	[dreg:$0x0] =	wrdreg $0xFFFFFFFF;
	(pc) =	sbr.abs _section_cstart, $3  }
0xcf: {  	[dreg:$0x1] =	wrdreg $0xFFFFFFFF  }
0xd0: {  	_ =	task.clear_ibuf [dreg:s22], $0x2FFFF;
	_ =	strace $0x9FFFFFFF  }
0xd1: {  	(tm) =	ssettm $0x7FFFFFFF  }
tec
execute0_lowered:
.L_overlay_start_1:
0x0: {  	(tag) =	ssettag $0x1  }
0x1: {  	s2 =	rddreg [dreg:$0x0];
	s0 =	stileid.u32  }
0x2: {  	s1 =	srdreg.scid;
	s8 =	rddreg [dreg:$0x1]  }
0x3: {  	s5 =	simm.s32 $0x1;
	s9 =	simm.s32 $0x1;
	s10 =	simm.s32 $0x3  }
0x4: {  	s13 =	simm.s32 $0x0;
	s3 =	sand.u32 $0x1, s1;
	s4 =	sshll.u32 s0, $0x1  }
0x5: {  	s12 =	simm.s32 $0x0;
	s1 =	rddreg [dreg:$0x2];
	s6 =	sor.u32 s4, s3  }
0x6: {  	_ =	strace $0x80000062;
	s3 =	sadd.s32 $0x10000, s8;
	s4 =	smul.u32 $0x2710, s6  }
0x7: {  	[sflag:s5] =	ssyncpa.u1 $0x0;
	p0 =	slt.u32 s6, $0x13;
	s6 =	simm.s32 $0x4E200  }
.Ltmp0:
0x8: {  	s6 =	simm.s32 @!p0 $0x0;
	s7 =	ssub.s32 $0x7A120, s4;
	(pc) =	sbr.rel .LBB2_1-.Ltmp0, $4  }
0x9: {  	s9 =	simm.s32 @!p0 $0x0;
	p0 =	sne.s32 s7, s6;
	s7 =	simm.s32 $0x1  }
0xa: {  	s8 =	sadd.s32 $0xC8200, s8;
	s6 =	simm.s32 $0x2;
	s7 =	simm.s32 @!p0 $0x0  }
0xb: {  	s11 =	smov.u32 s4;
	[sflag:s6] =	ssyncpa.u1 $0x0;
	s7 =	sadd.s32 s9, s7  }
0xc: {  	vm0 =	vmmov $0xffff;
	[sflag:s10] =	ssyncpa.u1 $0x0;
	s10 =	simm.s32 $0x0;
	s9 =	sadd.s32 $0x1, s7  }
.LBB2_4:
0xd: {  	v2 =	vnsel vm1, $0x0, v2  }
0xe: {  	vm1 =	vgt.s32 v0, $0x0;
	v2 =	vmin.u32 v2, $0x3FFFF  }
0xf: {  	v0 =	vnsel vm1, $0x0, v0  }
0x10: {  	v0 =	vmin.u32 v0, $0x3FFFF  }
0x11: {  	[tilespmem:s18], [sflag:$0x1] =	stream.indirect_vreg.gather [hbm4b:s2+s10], $0x1, v1, vm0, $0x4038;
	[tilespmem:$0x9C40] =	vst v63  }
0x12: {  	(ifvalue) =	ssetifvalue $0x7FFFFFFF  }
0x13: {  	[tilespmem:s15], [sflag:$0x1] =	stream.indirect_vreg.gather [hbm4b:s2+s10], $0x1, v2, vm0, $0x4038;
	[tilespmem:$0x9C40] =	vst v63  }
0x14: {  	s29 =	sadd.s32 $0x10, s15;
	(ifvalue) =	ssetifvalue $0x7FFFFFFF  }
0x15: {  	[tilespmem:s29], [sflag:$0x1] =	stream.indirect_vreg.gather [hbm4b:s2+s10], $0x1, v0, vm0, $0x4038;
	[tilespmem:$0x9C40] =	vst v63  }
0x16: {  	_ =	swait.ge [sflag:s5], $0x2710  }
0x17: {  	s30 =	sshrl.u32 s13, $0x3;
	[sflag:s5] =	ssyncset.done $0x0  }
0x18: {  	s31 =	sand.u32 $0x7, s13;
	s15 =	sadd.s32 s8, s30;
	[sflag:s5] =	ssyncadd.s32 $0xFFFFD8F0  }
0x19: {  	[hbm4b:s15+s31] =	stream.linear.scatter [tilespmem:s14], [sflag:$0x3], $0x2710, $0x38;
	[tilespmem:$0x9C40] =	vst v63  }
.LBB2_5:
0x1a: {  	s15 =	sadd.s32 $0x4E200, s11  }
0x1b: {  	p1 =	sgt.s32 s15, $0x7A11F  }
0x1c: {  	s15 =	smov.u32 @p1 s4;
	p1 =	sne.s32 s12, s9  }
.Ltmp1:
0x1d: {  	p0 =	slt.u32 s12, $0x2;
	(pc) =	sbr.rel @!p1 .LBB2_6-.Ltmp1, $4  }
0x1e: {  	s14 =	simm.s32 @!p0 $0x3  }
0x1f: {  	_ =	swait.ge @!p0 [sflag:s14], $0x2710  }
0x20: {  	s16 =	sadd.s32 $0x1, s12;
	s13 =	smov.u32 s11;
	[sflag:s14] =	ssyncset.done @!p0 $0x0  }
0x21: {  	s12 =	smov.u32 s16;
	s11 =	smov.u32 s15;
	[sflag:s14] =	ssyncadd.s32 @!p0 $0xFFFFD8F0  }
.LBB2_1:
0x22: {  	p0 =	sge.u32 s12, s7  }
0x23: {  	s14 =	sxor.u32 @!p0 $0x1, s12  }
0x24: {  	s14 =	smul.u32 @!p0 $0x9C40, s14  }
0x25: {  	s31 =	sadd.s32 $0xFFFFFFFF, s12;
	s15 =	sshrl.u32 @!p0 s11, $0x3  }
0x26: {  	s16 =	sand.u32 @!p0 $0x7, s11;
	s15 =	sadd.s32 @!p0 s3, s15;
	s14 =	sshra.s32 @!p0 s14, $0x2  }
0x27: {  	[tilespmem:s14], [sflag:$0x2] =	stream.linear.gather @!p0 [hbm4b:s15+s16], $0x2710, $0x38;
	[tilespmem:$0x9C40] =	vst v63  }
0x28: {  	p0 =	sge.u32 s31, s7  }
.Ltmp2:
0x29: {  	_ = 	snop;
	(pc) =	sbr.rel @p0 .LBB2_5-.Ltmp2, $1  }
0x2a: {  	_ =	sdelay $0x3  }
0x2b: {  	s14 =	sand.u32 $0x1, s12  }
0x2c: {  	_ =	swait.ge [sflag:s6], $0x2710;
	p0 =	seq.s32 s14, $0x1;
	s14 =	simm.s32 $0x2710  }
0x2d: {  	[sflag:s6] =	ssyncset.done $0x0;
	s14 =	simm.s32 @!p0 $0x0  }
0x2e: {  	[sflag:s6] =	ssyncadd.s32 $0xFFFFD8F0;
	(ifvalue) =	ssetifvalue $0x7FFFFFFF;
	v0 =	vld.msk [tilespmem:s14+$0x0 ss:$0x1], $0xffff;
	_ =	sdelay $0x4  }
0x2f: {  	s15 =	sadd.s32 $0x10, s14;
	vm1 =	vgt.s32 v0, $0x0  }
0x30: {  	v2 =	vld.msk [tilespmem:s15+$0x0 ss:$0x1], $0xffff;
	v1 =	vnsel vm1, $0x0, v0  }
0x31: {  	v1 =	vmin.u32 v1, $0x3FFFF;
	_ =	sdelay $0x2  }
0x32: {  	s17 =	simm.s32 $0x20;
	s14 =	sadd.s32 $0x4E20, s14;
	s16 =	sadd.s32 $0x10, s15  }
0x33: {  	s15 =	sadd.s32 $0x10, s14;
	s18 =	smov.u32 s14;
	v0 =	vld.msk [tilespmem:s16+$0x0 ss:$0x1], $0xffff;
	vm1 =	vgt.s32 v2, $0x0;
	(ifvalue) =	ssetifvalue $0x7FFFFFFF  }
.LBB2_3:
0x34: {  	[tilespmem:s18], [sflag:$0x1] =	stream.indirect_vreg.gather [hbm4b:s2+s10], $0x1, v1, vm0, $0x4038;
	[tilespmem:$0x9C40] =	vst v63  }
0x35: {  	s17 =	sadd.s32 $0x10, s17  }
0x36: {  	v2 =	vnsel vm1, $0x0, v2;
	p0 =	slt.u32 s17, $0x2700  }
.Ltmp3:
0x37: {  	s18 =	smov.u32 s15;
	v1 =	vmin.u32 v2, $0x3FFFF;
	(pc) =	sbr.rel @p0 .LBB2_3-.Ltmp3, $3  }
0x38: {  	_ =	sdelay $0x1  }
0x39: {  	s16 =	sadd.s32 $0x10, s16  }
0x3a: {  	vm1 =	vgt.s32 v0, $0x0;
	s15 =	sadd.s32 $0x10, s15;
	v2 =	vmov v0;
	(ifvalue) =	ssetifvalue $0x7FFFFFFF;
	v0 =	vld.msk [tilespmem:s16+$0x0 ss:$0x1], $0xffff  }
.Ltmp4:
0x3b: {  	_ = 	snop;
	(pc) =	sbr.rel .LBB2_4-.Ltmp4, $1  }
0x3c: {  	_ =	sdelay $0x3  }
.LBB2_6:
0x3d: {  	_ =	sfence.sel $0x180000  }
0x3e: {  	s2 =	simm.s32 $0x2;
	[bflag:$0x0] =	sbarrier.arrive $0xFFFF  }
0x3f: {  	s30 =	simm.s32 $0x3;
	[sflag:s2] =	ssyncpa.u1 $0x1  }
0x40: {  	s31 =	simm.s32 $0x1;
	[sflag:s30] =	ssyncpa.u1 $0x1  }
0x41: {  	[sflag:s31] =	ssyncpa.u1 $0x1  }
0x42: {  	p0 =	sne.s32 s0, $0x0;
	_ =	strace $0x90000062  }
0x43: {  	s0 =	sadd.s32 @!p0 $0x100000, s1;
	[bflag:$0x2] =	sbarrier.arrive $0xFFFF  }
0x44: {  	[sflag:s0] =	ssyncadd.tile.s32 @!p0 $0x1;
	_ =	shalt  }
.Lfunc_end2:
_tile_overlayer_lowered:
.L_overlay_start_2:
0x45: {  	(tag) =	ssettag $0x2  }
0x46: {  	s0 =	rddreg [dreg:$0x0];
	s2 =	stileid.u32  }
0x47: {  	s1 =	rddreg [dreg:$0x1];
	p0 =	sne.s32 s2, $0x0  }
0x48: {  	s3 =	rddreg [dreg:$0x2];
	[bflag:$0x3] =	sbarrier.arrive $0xFFFF;
	s2 =	simm.s32 @!p0 $0x1C01  }
0x49: {  	[timem:s3], [sflag:s2] =	dma.local @!p0 [hbm:s0], s1  }
0x4a: {  	s0 =	simm.s32 @!p0 $0x1  }
0x4b: {  	_ =	swait.ge @!p0 [sflag:s0], s1  }
0x4c: {  	s1 =	ssub.s32 @!p0 $0x0, s1;
	[sflag:s0] =	ssyncset.done @!p0 $0x0  }
0x4d: {  	[sflag:s0] =	ssyncadd.s32 @!p0 s1  }
0x4e: {  	[bflag:$0x3] =	sbarrier.arrive $0xFFFF  }
0x4f: {  	_ =	shalt  }

// kernel: gather_offload_async_start.7
scs
__scs_entry_jumppad:
0x0: {  	(pc) =	sbr.rel $0x88, $3  }
0x1: {  	(tag) =	ssettag $0x0;
	lr =	simm.s32 $0x1  }
0x2: {  	[smem:$0x3F9E] =	sst lr;
	_ =	strace $0xD0000000  }
0x3: {  	_ = 	snop  }
0x4: {  	_ = 	snop  }
0x5: {  	_ = 	snop  }
0x6: {  	_ = 	snop  }
0x7: {  	_ = 	snop  }
__scs_overlays_trampoline_lowered:
0x8: {  	[smem:$0x3FAD] =	sst s0  }
0x9: {  	[smem:$0x3FAE] =	sst s1  }
0xa: {  	[smem:$0x3FAF] =	sst s2  }
0xb: {  	[smem:$0x3FB0] =	sst s3  }
0xc: {  	[smem:$0x3FB1] =	sst s4  }
0xd: {  	[smem:$0x3FB2] =	sst s5  }
0xe: {  	[smem:$0x3FB3] =	sst s6  }
0xf: {  	[smem:$0x3FB4] =	sst s7  }
0x10: {  	[smem:$0x3FB5] =	sst s8  }
0x11: {  	[smem:$0x3FB6] =	sst s9;
	s0 =	simm.s32 @!p0 $0x0  }
0x12: {  	s1 =	sld [smem:$0x3F9C];
	s0 =	simm.s32 @p0 $0x1  }
0x13: {  	[smem:$0x3FB7] =	sst s0;
	s0 =	simm.s32 @!p1 $0x0  }
0x14: {  	s2 =	sld [smem:$0x3F9B];
	s0 =	simm.s32 @p1 $0x1  }
0x15: {  	[smem:$0x3FB8] =	sst s0;
	s0 =	simm.s32 @!p2 $0x0  }
0x16: {  	s3 =	sld [smem:$0x3FDB];
	s0 =	simm.s32 @p2 $0x1  }
0x17: {  	s4 =	simm.s32 $0x1BF5;
	[smem:$0x3FBA] =	sst s0  }
0x18: {  	s0 =	sld [smem:$0x3F9D];
	_ =	swait.ge [sflag:s4], $0x0  }
0x19: {  	s7 =	sld [smem:$0x3F9E]  }
0x1a: {  	s8 =	sadd.s32 $0xFFFFE003, lr  }
0x1b: {  	s9 =	sadd.s32 $0xFFFFFEF7, lr;
	s5 =	simm.s32 $0xFFFFFFFF;
	p2 =	slt.u32 s8, $0xFFFFF086  }
0x1c: {  	p1 =	slt.u32 s9, $0xF7A;
	s5 =	simm.s32 @!p2 $0x0  }
0x1d: {  	s5 =	simm.s32 @p1 $0x1;
	p0 =	seq.s32 s7, s2  }
0x1e: {  	s7 =	smul.u32 @!p0 $0xF7A, s2;
	p2 =	seq.s32 @!p0 s5, $0x0  }
0x1f: {  	s9 =	smul.u32 $0xF7A, s1;
	s8 =	simm.s32 @!p0 $0x1BF5;
	p2 =	por !p2, p0  }
0x20: {  	[sflag:s8] =	ssyncset.s32 @!p0 $0xFFFFF086;
	s6 =	sadd.s32 @!p0 s3, s7;
	s7 =	simm.s32 @!p0 $0x108  }
0x21: {  	s3 =	sadd.s32 s3, s9;
	s6 =	sadd.s32 @!p0 $0x88, s6;
	s7 =	simm.s32 @p2 $0x1082  }
0x22: {  	[simem:s7], [sflag:s8] =	dma.local @!p0 [hbm:s6], $0xF7A  }
0x23: {  	s9 =	sor.u32 $0xD0000000, s2;
	s6 =	simm.s32 $0x108;
	_ =	swait.ge @!p0 [sflag:s8], $0x0  }
0x24: {  	s3 =	sadd.s32 $0x88, s3;
	s6 =	simm.s32 @!p1 $0x1082;
	[sflag:s4] =	ssyncset.s32 $0xFFFFF086  }
0x25: {  	[simem:s6], [sflag:s4] =	dma.local [hbm:s3], $0xF7A  }
0x26: {  	[smem:$0x3F9E] =	sst s1;
	(tag) =	ssettag s2;
	_ =	strace s9  }
0x27: {  	s1 =	sld [smem:$0x3FAE]  }
0x28: {  	s2 =	sld [smem:$0x3FAF]  }
0x29: {  	s4 =	sld [smem:$0x3FB1]  }
0x2a: {  	p0 =	seq.s32 s5, $0x0;
	s5 =	sld [smem:$0x3FB2]  }
0x2b: {  	s6 =	sld [smem:$0x3FB3]  }
0x2c: {  	s7 =	sld [smem:$0x3FB4]  }
0x2d: {  	s3 =	simm.s32 $0x108;
	s8 =	sld [smem:$0x3FB5]  }
0x2e: {  	s3 =	simm.s32 @!p0 $0x1082;
	s9 =	sld [smem:$0x3FB6]  }
0x2f: {  	lr =	sadd.s32 s0, s3;
	s0 =	sld [smem:$0x3FAD]  }
0x30: {  	s3 =	sld [smem:$0x3FB0]  }
0x31: {  	[smem:$0x3FB9] =	sst s10  }
0x32: {  	s10 =	sld [smem:$0x3FB7];
	_ =	sdelay $0x3  }
0x33: {  	p0 =	seq.s32 s10, $0x1;
	s10 =	sld [smem:$0x3FB9];
	_ =	sdelay $0x3  }
0x34: {  	[smem:$0x3FB9] =	sst s10  }
0x35: {  	s10 =	sld [smem:$0x3FB8];
	_ =	sdelay $0x3  }
0x36: {  	p1 =	seq.s32 s10, $0x1;
	s10 =	sld [smem:$0x3FB9];
	_ =	sdelay $0x3  }
0x37: {  	[smem:$0x3FB9] =	sst s10  }
0x38: {  	s10 =	sld [smem:$0x3FBA]  }
0x39: {  	_ = 	snop;
	(pc) =	sbr.ind lr, $3  }
0x3a: {  	_ = 	snop  }
0x3b: {  	_ = 	snop  }
0x3c: {  	p2 =	seq.s32 s10, $0x1;
	s10 =	sld [smem:$0x3FB9]  }
0x3d: {  	_ =	shalt  }
0x3e: {  	_ =	shalt  }
0x3f: {  	_ =	shalt  }
0x40: {  	_ =	shalt  }
0x41: {  	_ =	shalt  }
0x42: {  	_ =	shalt  }
0x43: {  	_ =	shalt  }
0x44: {  	_ =	shalt  }
0x45: {  	_ =	shalt  }
0x46: {  	_ =	shalt  }
0x47: {  	_ =	shalt  }
0x48: {  	_ =	shalt  }
0x49: {  	_ =	shalt  }
0x4a: {  	_ =	shalt  }
0x4b: {  	_ =	shalt  }
0x4c: {  	_ =	shalt  }
0x4d: {  	_ =	shalt  }
0x4e: {  	_ =	shalt  }
0x4f: {  	_ =	shalt  }
0x50: {  	_ =	shalt  }
0x51: {  	_ =	shalt  }
0x52: {  	_ =	shalt  }
0x53: {  	_ =	shalt  }
0x54: {  	_ =	shalt  }
0x55: {  	_ =	shalt  }
0x56: {  	_ =	shalt  }
0x57: {  	_ =	shalt  }
0x58: {  	_ =	shalt  }
0x59: {  	_ =	shalt  }
0x5a: {  	_ =	shalt  }
0x5b: {  	_ =	shalt  }
0x5c: {  	_ =	shalt  }
0x5d: {  	_ =	shalt  }
0x5e: {  	_ =	shalt  }
0x5f: {  	_ =	shalt  }
0x60: {  	_ =	shalt  }
0x61: {  	_ =	shalt  }
0x62: {  	_ =	shalt  }
0x63: {  	_ =	shalt  }
0x64: {  	_ =	shalt  }
0x65: {  	_ =	shalt  }
0x66: {  	_ =	shalt  }
0x67: {  	_ =	shalt  }
0x68: {  	_ =	shalt  }
0x69: {  	_ =	shalt  }
0x6a: {  	_ =	shalt  }
0x6b: {  	_ =	shalt  }
0x6c: {  	_ =	shalt  }
0x6d: {  	_ =	shalt  }
0x6e: {  	_ =	shalt  }
0x6f: {  	_ =	shalt  }
0x70: {  	_ =	shalt  }
0x71: {  	_ =	shalt  }
0x72: {  	_ =	shalt  }
0x73: {  	_ =	shalt  }
0x74: {  	_ =	shalt  }
0x75: {  	_ =	shalt  }
0x76: {  	_ =	shalt  }
0x77: {  	_ =	shalt  }
0x78: {  	_ =	shalt  }
0x79: {  	_ =	shalt  }
0x7a: {  	_ =	shalt  }
0x7b: {  	_ =	shalt  }
0x7c: {  	_ =	shalt  }
0x7d: {  	_ =	shalt  }
0x7e: {  	_ =	shalt  }
0x7f: {  	_ =	shalt  }
0x80: {  	_ =	shalt  }
0x81: {  	_ =	shalt  }
0x82: {  	_ =	shalt  }
0x83: {  	_ =	shalt  }
0x84: {  	_ =	shalt  }
0x85: {  	_ =	shalt  }
0x86: {  	_ =	shalt  }
0x87: {  	_ =	shalt  }
.Lfunc_end0:
.L_simem_size_0:
called_computation.15_lowered:
.L_overlay_start_0:
0x88: {  	s2 =	sld [smem:$0x3FD9]  }
0x89: {  	s3 =	sld [smem:$0x3FFE];
	_ =	sdelay $0x1  }
0x8a: {  	s1 =	srdreg.scid  }
0x8b: {  	s0 =	sand.u32 $0x1, s1  }
0x8c: {  	s17 =	sshll.u32 s0, $0xA;
	s2 =	sadd.s32 s3, s2  }
0x8d: {  	s2 =	sadd.s32 s2, s17  }
0x8e: {  	[smem:$0x3FC5] =	sst s2  }
0x8f: {  	_ = 	snop  }
0x90: {  	s2 =	sld [smem:$0x3FD0];
	(tm) =	ssettm $0x1  }
0x91: {  	s18 =	sld [smem:$0x3FFB];
	_ =	sdelay $0x3  }
0x92: {  	_ =	strace s18  }
0x93: {  	s3 =	sld [smem:$0x3FFC];
	_ =	sdelay $0x3  }
0x94: {  	_ =	strace s3  }
0x95: {  	s3 =	sld [smem:$0x3FFD];
	_ =	sdelay $0x3  }
0x96: {  	_ =	strace s3  }
0x97: {  	_ =	strace $0x8FFFFFFF  }
0x98: {  	s19 =	sld [smem:$0x3FDB];
	_ =	sdelay $0x1  }
0x99: {  	s4 =	simm.s32 $_scs_section_size  }
0x9a: {  	s5 =	simm.s32 $_size__tile_overlayer_lowered;
	s6 =	simm.s32 $_tile_overlayer_lowered  }
0x9b: {  	s22 =	simm.s32 $0x1BFF;
	s21 =	sshll.u32 s6, $0x1;
	s3 =	sadd.s32 s4, s19  }
0x9c: {  	s7 =	simm.s32 $0x0;
	s20 =	sshll.u32 s5, $0x1;
	s5 =	sadd.s32 s21, s3  }
0x9d: {  	[timem:s7], [sflag:s22] =	dma.local [hbm:s5], s20  }
0x9e: {  	_ =	swait.ge [sflag:s22], s20  }
0x9f: {  	s4 =	ssub.s32 $0x0, s20;
	[sflag:s22] =	ssyncset.done $0x0  }
0xa0: {  	[sflag:s22] =	ssyncadd.s32 s4;
	_ =	sdelay $0x1  }
0xa1: {  	s23 =	simm.s32 $0x1B8B  }
0xa2: {  	_ =	swait.ge [sflag:s23], $0x1  }
0xa3: {  	[sflag:s23] =	ssyncset.done $0x0  }
0xa4: {  	s25 =	simm.s32 $0x1B8E;
	s24 =	sld [smem:$0x3FFE];
	[sflag:s23] =	ssyncadd.s32 $0xFFFFFFFF  }
0xa5: {  	s26 =	simm.s32 $execute0_lowered;
	[smem:$0x3FD2] =	sst s25  }
0xa6: {  	s5 =	sshll.u32 s26, $0x1;
	_ =	strace $0x8000005E;
	[dreg:$0x1] =	wrdreg $0xFFFFFFFF  }
0xa7: {  	s28 =	simm.s32 $_size_execute0_lowered;
	s3 =	sadd.s32 s3, s5;
	[dreg:$0x0] =	wrdreg $0x0  }
0xa8: {  	s5 =	sshll.u32 s28, $0x1;
	[dreg:$0x2] =	wrdreg s3  }
0xa9: {  	[dreg:$0x3] =	wrdreg s5  }
0xaa: {  	[dreg:$0x4] =	wrdreg $0xC0  }
0xab: {  	_ =	task [dreg:s7], $0x5FFFF  }
0xac: {  	[dreg:$0x1] =	wrdreg $0xFFFFFFFF  }
0xad: {  	[dreg:$0x0] =	wrdreg $0x60  }
0xae: {  	[dreg:$0x2] =	wrdreg s2  }
0xaf: {  	[dreg:$0x3] =	wrdreg s24  }
0xb0: {  	[dreg:$0x4] =	wrdreg $0x10  }
0xb1: {  	_ =	task.clear_ibuf [dreg:s7], $0x5FFFF;
	_ =	strace $0x9000005E  }
0xb2: {  	s29 =	simm.s32 $0x10;
	_ =	strace $0x80000060  }
0xb3: {  	_ =	swait.ge [sflag:s29], $0x1  }
0xb4: {  	[sflag:s29] =	ssyncadd.s32 $0xFFFFFFFF  }
0xb5: {  	_ =	strace $0x90000060  }
0xb6: {  	_ =	sfence  }
0xb7: {  	s30 =	sld [smem:$0x0];
	_ =	sdelay $0x2  }
0xb8: {  	s31 =	sshll.u32 s1, $0xD;
	s1 =	sshrl.u32 s1, $0x2  }
0xb9: {  	s3 =	sand.u32 $0x4000, s31;
	s1 =	sadd.s32 s1, s30  }
0xba: {  	s0 =	sor.u32 s3, s0;
	s1 =	sshll.u32 s1, $0x11  }
0xbb: {  	s0 =	sor.u32 s1, s0  }
0xbc: {  	s0 =	sadd.s32 $0x8F2B, s0  }
0xbd: {  	[sflag:s0] =	ssyncadd.remote.s32 $0x1  }
0xbe: {  	_ =	sfence.sel $0xFFFF  }
0xbf: {  	[dreg:$0x0] =	wrdreg $0xFFFFFFFF;
	(pc) =	sbr.abs _section_cstart, $3  }
0xc0: {  	[dreg:$0x1] =	wrdreg $0xFFFFFFFF  }
0xc1: {  	_ =	task.clear_ibuf [dreg:s7], $0x2FFFF;
	_ =	strace $0x9FFFFFFF  }
0xc2: {  	(tm) =	ssettm $0x7FFFFFFF  }
0xc3: {  	_ =	shalt  }
tec
execute0_lowered:
.L_overlay_start_1:
0x0: {  	(tag) =	ssettag $0x1  }
0x1: {  	s2 =	rddreg [dreg:$0x0]  }
0x2: {  	s0 =	stileid.u32;
	s1 =	srdreg.scid  }
0x3: {  	s3 =	rddreg [dreg:$0x1];
	s8 =	simm.s32 $0x1;
	s9 =	simm.s32 $0x3  }
0x4: {  	s10 =	simm.s32 $0x0;
	s4 =	sand.u32 $0x1, s1;
	s5 =	sshll.u32 s0, $0x1  }
0x5: {  	s13 =	simm.s32 $0x0;
	s12 =	simm.s32 $0x0;
	s6 =	sor.u32 s5, s4  }
0x6: {  	s1 =	rddreg [dreg:$0x2];
	_ =	strace $0x8000005F;
	s4 =	smul.u32 $0x2710, s6  }
0x7: {  	s5 =	simm.s32 $0x1;
	p0 =	slt.u32 s6, $0x13;
	s6 =	simm.s32 $0x4E200  }
.Ltmp0:
0x8: {  	s6 =	simm.s32 @!p0 $0x0;
	s7 =	ssub.s32 $0x7A120, s4;
	(pc) =	sbr.rel .LBB2_1-.Ltmp0, $4  }
0x9: {  	s8 =	simm.s32 @!p0 $0x0;
	p0 =	sne.s32 s7, s6;
	s7 =	simm.s32 $0x1  }
0xa: {  	[sflag:s5] =	ssyncpa.u1 $0x0;
	s6 =	simm.s32 $0x2;
	s7 =	simm.s32 @!p0 $0x0  }
0xb: {  	s11 =	smov.u32 s4;
	[sflag:s6] =	ssyncpa.u1 $0x0;
	s7 =	sadd.s32 s8, s7  }
0xc: {  	vm0 =	vmmov $0xffff;
	s8 =	sadd.s32 $0x1F600, s3;
	[sflag:s9] =	ssyncpa.u1 $0x0;
	s9 =	sadd.s32 $0x1, s7  }
.LBB2_4:
0xd: {  	v2 =	vnsel vm1, $0x0, v2  }
0xe: {  	vm1 =	vgt.s32 v0, $0x0;
	v2 =	vmin.u32 v2, $0x3FFFF  }
0xf: {  	v0 =	vnsel vm1, $0x0, v0  }
0x10: {  	v0 =	vmin.u32 v0, $0x3FFFF  }
0x11: {  	[tilespmem:s18], [sflag:$0x1] =	stream.indirect_vreg.gather [hbm4b:s2+s10], $0x1, v1, vm0, $0x4038;
	[tilespmem:$0x9C40] =	vst v63  }
0x12: {  	(ifvalue) =	ssetifvalue $0x7FFFFFFF  }
0x13: {  	[tilespmem:s15], [sflag:$0x1] =	stream.indirect_vreg.gather [hbm4b:s2+s10], $0x1, v2, vm0, $0x4038;
	[tilespmem:$0x9C40] =	vst v63  }
0x14: {  	s29 =	sadd.s32 $0x10, s15;
	(ifvalue) =	ssetifvalue $0x7FFFFFFF  }
0x15: {  	[tilespmem:s29], [sflag:$0x1] =	stream.indirect_vreg.gather [hbm4b:s2+s10], $0x1, v0, vm0, $0x4038;
	[tilespmem:$0x9C40] =	vst v63  }
0x16: {  	_ =	swait.ge [sflag:s5], $0x2710  }
0x17: {  	s30 =	sshrl.u32 s13, $0x3;
	[sflag:s5] =	ssyncset.done $0x0  }
0x18: {  	s31 =	sand.u32 $0x7, s13;
	s15 =	sadd.s32 s3, s30;
	[sflag:s5] =	ssyncadd.s32 $0xFFFFD8F0  }
0x19: {  	[hbm4b:s15+s31] =	stream.linear.scatter [tilespmem:s14], [sflag:$0x3], $0x2710, $0x38;
	[tilespmem:$0x9C40] =	vst v63  }
.LBB2_5:
0x1a: {  	s15 =	sadd.s32 $0x4E200, s11  }
0x1b: {  	p1 =	sgt.s32 s15, $0x7A11F  }
0x1c: {  	s15 =	smov.u32 @p1 s4;
	p1 =	sne.s32 s12, s9  }
.Ltmp1:
0x1d: {  	p0 =	slt.u32 s12, $0x2;
	(pc) =	sbr.rel @!p1 .LBB2_6-.Ltmp1, $4  }
0x1e: {  	s14 =	simm.s32 @!p0 $0x3  }
0x1f: {  	_ =	swait.ge @!p0 [sflag:s14], $0x2710  }
0x20: {  	s16 =	sadd.s32 $0x1, s12;
	s13 =	smov.u32 s11;
	[sflag:s14] =	ssyncset.done @!p0 $0x0  }
0x21: {  	s12 =	smov.u32 s16;
	s11 =	smov.u32 s15;
	[sflag:s14] =	ssyncadd.s32 @!p0 $0xFFFFD8F0  }
.LBB2_1:
0x22: {  	p0 =	sge.u32 s12, s7  }
0x23: {  	s14 =	sxor.u32 @!p0 $0x1, s12  }
0x24: {  	s14 =	smul.u32 @!p0 $0x9C40, s14  }
0x25: {  	s31 =	sadd.s32 $0xFFFFFFFF, s12;
	s15 =	sshrl.u32 @!p0 s11, $0x3  }
0x26: {  	s16 =	sand.u32 @!p0 $0x7, s11;
	s15 =	sadd.s32 @!p0 s8, s15;
	s14 =	sshra.s32 @!p0 s14, $0x2  }
0x27: {  	[tilespmem:s14], [sflag:$0x2] =	stream.linear.gather @!p0 [hbm4b:s15+s16], $0x2710, $0x38;
	[tilespmem:$0x9C40] =	vst v63  }
0x28: {  	p0 =	sge.u32 s31, s7  }
.Ltmp2:
0x29: {  	_ = 	snop;
	(pc) =	sbr.rel @p0 .LBB2_5-.Ltmp2, $1  }
0x2a: {  	_ =	sdelay $0x3  }
0x2b: {  	s14 =	sand.u32 $0x1, s12  }
0x2c: {  	_ =	swait.ge [sflag:s6], $0x2710;
	p0 =	seq.s32 s14, $0x1;
	s14 =	simm.s32 $0x2710  }
0x2d: {  	[sflag:s6] =	ssyncset.done $0x0;
	s14 =	simm.s32 @!p0 $0x0  }
0x2e: {  	[sflag:s6] =	ssyncadd.s32 $0xFFFFD8F0;
	(ifvalue) =	ssetifvalue $0x7FFFFFFF;
	v0 =	vld.msk [tilespmem:s14+$0x0 ss:$0x1], $0xffff;
	_ =	sdelay $0x4  }
0x2f: {  	s15 =	sadd.s32 $0x10, s14;
	vm1 =	vgt.s32 v0, $0x0  }
0x30: {  	v2 =	vld.msk [tilespmem:s15+$0x0 ss:$0x1], $0xffff;
	v1 =	vnsel vm1, $0x0, v0  }
0x31: {  	v1 =	vmin.u32 v1, $0x3FFFF;
	_ =	sdelay $0x2  }
0x32: {  	s17 =	simm.s32 $0x20;
	s14 =	sadd.s32 $0x4E20, s14;
	s16 =	sadd.s32 $0x10, s15  }
0x33: {  	s15 =	sadd.s32 $0x10, s14;
	s18 =	smov.u32 s14;
	v0 =	vld.msk [tilespmem:s16+$0x0 ss:$0x1], $0xffff;
	vm1 =	vgt.s32 v2, $0x0;
	(ifvalue) =	ssetifvalue $0x7FFFFFFF  }
.LBB2_3:
0x34: {  	[tilespmem:s18], [sflag:$0x1] =	stream.indirect_vreg.gather [hbm4b:s2+s10], $0x1, v1, vm0, $0x4038;
	[tilespmem:$0x9C40] =	vst v63  }
0x35: {  	s17 =	sadd.s32 $0x10, s17  }
0x36: {  	v2 =	vnsel vm1, $0x0, v2;
	p0 =	slt.u32 s17, $0x2700  }
.Ltmp3:
0x37: {  	s18 =	smov.u32 s15;
	v1 =	vmin.u32 v2, $0x3FFFF;
	(pc) =	sbr.rel @p0 .LBB2_3-.Ltmp3, $3  }
0x38: {  	_ =	sdelay $0x1  }
0x39: {  	s16 =	sadd.s32 $0x10, s16  }
0x3a: {  	vm1 =	vgt.s32 v0, $0x0;
	s15 =	sadd.s32 $0x10, s15;
	v2 =	vmov v0;
	(ifvalue) =	ssetifvalue $0x7FFFFFFF;
	v0 =	vld.msk [tilespmem:s16+$0x0 ss:$0x1], $0xffff  }
.Ltmp4:
0x3b: {  	_ = 	snop;
	(pc) =	sbr.rel .LBB2_4-.Ltmp4, $1  }
0x3c: {  	_ =	sdelay $0x3  }
.LBB2_6:
0x3d: {  	_ =	sfence.sel $0x180000  }
0x3e: {  	s2 =	simm.s32 $0x2;
	[bflag:$0x0] =	sbarrier.arrive $0xFFFF  }
0x3f: {  	s30 =	simm.s32 $0x3;
	[sflag:s2] =	ssyncpa.u1 $0x1  }
0x40: {  	s31 =	simm.s32 $0x1;
	[sflag:s30] =	ssyncpa.u1 $0x1  }
0x41: {  	[sflag:s31] =	ssyncpa.u1 $0x1  }
0x42: {  	p0 =	sne.s32 s0, $0x0;
	_ =	strace $0x9000005F  }
0x43: {  	s0 =	sadd.s32 @!p0 $0x100000, s1;
	[bflag:$0x2] =	sbarrier.arrive $0xFFFF  }
0x44: {  	[sflag:s0] =	ssyncadd.tile.s32 @!p0 $0x1;
	_ =	shalt  }
.Lfunc_end2:
_tile_overlayer_lowered:
.L_overlay_start_2:
0x45: {  	(tag) =	ssettag $0x2  }
0x46: {  	s0 =	rddreg [dreg:$0x0];
	s2 =	stileid.u32  }
0x47: {  	s1 =	rddreg [dreg:$0x1];
	p0 =	sne.s32 s2, $0x0  }
0x48: {  	s3 =	rddreg [dreg:$0x2];
	[bflag:$0x3] =	sbarrier.arrive $0xFFFF;
	s2 =	simm.s32 @!p0 $0x1C01  }
0x49: {  	[timem:s3], [sflag:s2] =	dma.local @!p0 [hbm:s0], s1  }
0x4a: {  	s0 =	simm.s32 @!p0 $0x1  }
0x4b: {  	_ =	swait.ge @!p0 [sflag:s0], s1  }
0x4c: {  	s1 =	ssub.s32 @!p0 $0x0, s1;
	[sflag:s0] =	ssyncset.done @!p0 $0x0  }
0x4d: {  	[sflag:s0] =	ssyncadd.s32 @!p0 s1  }
0x4e: {  	[bflag:$0x3] =	sbarrier.arrive $0xFFFF  }
0x4f: {  	_ =	shalt  }

// kernel: gather_offload_async_start
scs
__scs_entry_jumppad:
0x0: {  	(pc) =	sbr.rel $0x88, $3  }
0x1: {  	(tag) =	ssettag $0x0;
	lr =	simm.s32 $0x1  }
0x2: {  	[smem:$0x3F9E] =	sst lr;
	_ =	strace $0xD0000000  }
0x3: {  	_ = 	snop  }
0x4: {  	_ = 	snop  }
0x5: {  	_ = 	snop  }
0x6: {  	_ = 	snop  }
0x7: {  	_ = 	snop  }
__scs_overlays_trampoline_lowered:
0x8: {  	[smem:$0x3FAD] =	sst s0  }
0x9: {  	[smem:$0x3FAE] =	sst s1  }
0xa: {  	[smem:$0x3FAF] =	sst s2  }
0xb: {  	[smem:$0x3FB0] =	sst s3  }
0xc: {  	[smem:$0x3FB1] =	sst s4  }
0xd: {  	[smem:$0x3FB2] =	sst s5  }
0xe: {  	[smem:$0x3FB3] =	sst s6  }
0xf: {  	[smem:$0x3FB4] =	sst s7  }
0x10: {  	[smem:$0x3FB5] =	sst s8  }
0x11: {  	[smem:$0x3FB6] =	sst s9;
	s0 =	simm.s32 @!p0 $0x0  }
0x12: {  	s1 =	sld [smem:$0x3F9C];
	s0 =	simm.s32 @p0 $0x1  }
0x13: {  	[smem:$0x3FB7] =	sst s0;
	s0 =	simm.s32 @!p1 $0x0  }
0x14: {  	s2 =	sld [smem:$0x3F9B];
	s0 =	simm.s32 @p1 $0x1  }
0x15: {  	[smem:$0x3FB8] =	sst s0;
	s0 =	simm.s32 @!p2 $0x0  }
0x16: {  	s3 =	sld [smem:$0x3FDB];
	s0 =	simm.s32 @p2 $0x1  }
0x17: {  	s4 =	simm.s32 $0x1BF5;
	[smem:$0x3FBA] =	sst s0  }
0x18: {  	s0 =	sld [smem:$0x3F9D];
	_ =	swait.ge [sflag:s4], $0x0  }
0x19: {  	s7 =	sld [smem:$0x3F9E]  }
0x1a: {  	s8 =	sadd.s32 $0xFFFFE003, lr  }
0x1b: {  	s9 =	sadd.s32 $0xFFFFFEF7, lr;
	s5 =	simm.s32 $0xFFFFFFFF;
	p2 =	slt.u32 s8, $0xFFFFF086  }
0x1c: {  	p1 =	slt.u32 s9, $0xF7A;
	s5 =	simm.s32 @!p2 $0x0  }
0x1d: {  	s5 =	simm.s32 @p1 $0x1;
	p0 =	seq.s32 s7, s2  }
0x1e: {  	s7 =	smul.u32 @!p0 $0xF7A, s2;
	p2 =	seq.s32 @!p0 s5, $0x0  }
0x1f: {  	s9 =	smul.u32 $0xF7A, s1;
	s8 =	simm.s32 @!p0 $0x1BF5;
	p2 =	por !p2, p0  }
0x20: {  	[sflag:s8] =	ssyncset.s32 @!p0 $0xFFFFF086;
	s6 =	sadd.s32 @!p0 s3, s7;
	s7 =	simm.s32 @!p0 $0x108  }
0x21: {  	s3 =	sadd.s32 s3, s9;
	s6 =	sadd.s32 @!p0 $0x88, s6;
	s7 =	simm.s32 @p2 $0x1082  }
0x22: {  	[simem:s7], [sflag:s8] =	dma.local @!p0 [hbm:s6], $0xF7A  }
0x23: {  	s9 =	sor.u32 $0xD0000000, s2;
	s6 =	simm.s32 $0x108;
	_ =	swait.ge @!p0 [sflag:s8], $0x0  }
0x24: {  	s3 =	sadd.s32 $0x88, s3;
	s6 =	simm.s32 @!p1 $0x1082;
	[sflag:s4] =	ssyncset.s32 $0xFFFFF086  }
0x25: {  	[simem:s6], [sflag:s4] =	dma.local [hbm:s3], $0xF7A  }
0x26: {  	[smem:$0x3F9E] =	sst s1;
	(tag) =	ssettag s2;
	_ =	strace s9  }
0x27: {  	s1 =	sld [smem:$0x3FAE]  }
0x28: {  	s2 =	sld [smem:$0x3FAF]  }
0x29: {  	s4 =	sld [smem:$0x3FB1]  }
0x2a: {  	p0 =	seq.s32 s5, $0x0;
	s5 =	sld [smem:$0x3FB2]  }
0x2b: {  	s6 =	sld [smem:$0x3FB3]  }
0x2c: {  	s7 =	sld [smem:$0x3FB4]  }
0x2d: {  	s3 =	simm.s32 $0x108;
	s8 =	sld [smem:$0x3FB5]  }
0x2e: {  	s3 =	simm.s32 @!p0 $0x1082;
	s9 =	sld [smem:$0x3FB6]  }
0x2f: {  	lr =	sadd.s32 s0, s3;
	s0 =	sld [smem:$0x3FAD]  }
0x30: {  	s3 =	sld [smem:$0x3FB0]  }
0x31: {  	[smem:$0x3FB9] =	sst s10  }
0x32: {  	s10 =	sld [smem:$0x3FB7];
	_ =	sdelay $0x3  }
0x33: {  	p0 =	seq.s32 s10, $0x1;
	s10 =	sld [smem:$0x3FB9];
	_ =	sdelay $0x3  }
0x34: {  	[smem:$0x3FB9] =	sst s10  }
0x35: {  	s10 =	sld [smem:$0x3FB8];
	_ =	sdelay $0x3  }
0x36: {  	p1 =	seq.s32 s10, $0x1;
	s10 =	sld [smem:$0x3FB9];
	_ =	sdelay $0x3  }
0x37: {  	[smem:$0x3FB9] =	sst s10  }
0x38: {  	s10 =	sld [smem:$0x3FBA]  }
0x39: {  	_ = 	snop;
	(pc) =	sbr.ind lr, $3  }
0x3a: {  	_ = 	snop  }
0x3b: {  	_ = 	snop  }
0x3c: {  	p2 =	seq.s32 s10, $0x1;
	s10 =	sld [smem:$0x3FB9]  }
0x3d: {  	_ =	shalt  }
0x3e: {  	_ =	shalt  }
0x3f: {  	_ =	shalt  }
0x40: {  	_ =	shalt  }
0x41: {  	_ =	shalt  }
0x42: {  	_ =	shalt  }
0x43: {  	_ =	shalt  }
0x44: {  	_ =	shalt  }
0x45: {  	_ =	shalt  }
0x46: {  	_ =	shalt  }
0x47: {  	_ =	shalt  }
0x48: {  	_ =	shalt  }
0x49: {  	_ =	shalt  }
0x4a: {  	_ =	shalt  }
0x4b: {  	_ =	shalt  }
0x4c: {  	_ =	shalt  }
0x4d: {  	_ =	shalt  }
0x4e: {  	_ =	shalt  }
0x4f: {  	_ =	shalt  }
0x50: {  	_ =	shalt  }
0x51: {  	_ =	shalt  }
0x52: {  	_ =	shalt  }
0x53: {  	_ =	shalt  }
0x54: {  	_ =	shalt  }
0x55: {  	_ =	shalt  }
0x56: {  	_ =	shalt  }
0x57: {  	_ =	shalt  }
0x58: {  	_ =	shalt  }
0x59: {  	_ =	shalt  }
0x5a: {  	_ =	shalt  }
0x5b: {  	_ =	shalt  }
0x5c: {  	_ =	shalt  }
0x5d: {  	_ =	shalt  }
0x5e: {  	_ =	shalt  }
0x5f: {  	_ =	shalt  }
0x60: {  	_ =	shalt  }
0x61: {  	_ =	shalt  }
0x62: {  	_ =	shalt  }
0x63: {  	_ =	shalt  }
0x64: {  	_ =	shalt  }
0x65: {  	_ =	shalt  }
0x66: {  	_ =	shalt  }
0x67: {  	_ =	shalt  }
0x68: {  	_ =	shalt  }
0x69: {  	_ =	shalt  }
0x6a: {  	_ =	shalt  }
0x6b: {  	_ =	shalt  }
0x6c: {  	_ =	shalt  }
0x6d: {  	_ =	shalt  }
0x6e: {  	_ =	shalt  }
0x6f: {  	_ =	shalt  }
0x70: {  	_ =	shalt  }
0x71: {  	_ =	shalt  }
0x72: {  	_ =	shalt  }
0x73: {  	_ =	shalt  }
0x74: {  	_ =	shalt  }
0x75: {  	_ =	shalt  }
0x76: {  	_ =	shalt  }
0x77: {  	_ =	shalt  }
0x78: {  	_ =	shalt  }
0x79: {  	_ =	shalt  }
0x7a: {  	_ =	shalt  }
0x7b: {  	_ =	shalt  }
0x7c: {  	_ =	shalt  }
0x7d: {  	_ =	shalt  }
0x7e: {  	_ =	shalt  }
0x7f: {  	_ =	shalt  }
0x80: {  	_ =	shalt  }
0x81: {  	_ =	shalt  }
0x82: {  	_ =	shalt  }
0x83: {  	_ =	shalt  }
0x84: {  	_ =	shalt  }
0x85: {  	_ =	shalt  }
0x86: {  	_ =	shalt  }
0x87: {  	_ =	shalt  }
.Lfunc_end0:
.L_simem_size_0:
called_computation.8_lowered:
.L_overlay_start_0:
0x88: {  	s2 =	sld [smem:$0x3FD9]  }
0x89: {  	s3 =	sld [smem:$0x3FFE];
	_ =	sdelay $0x1  }
0x8a: {  	s1 =	srdreg.scid  }
0x8b: {  	s0 =	sand.u32 $0x1, s1  }
0x8c: {  	s17 =	sshll.u32 s0, $0xA;
	s2 =	sadd.s32 s3, s2  }
0x8d: {  	s2 =	sadd.s32 s2, s17  }
0x8e: {  	[smem:$0x3FC5] =	sst s2  }
0x8f: {  	_ = 	snop  }
0x90: {  	s18 =	sld [smem:$0x3FD0];
	(tm) =	ssettm $0x1  }
0x91: {  	s19 =	sld [smem:$0x3FFB];
	_ =	sdelay $0x3  }
0x92: {  	_ =	strace s19  }
0x93: {  	s2 =	sld [smem:$0x3FFC];
	_ =	sdelay $0x3  }
0x94: {  	_ =	strace s2  }
0x95: {  	s2 =	sld [smem:$0x3FFD];
	_ =	sdelay $0x3  }
0x96: {  	_ =	strace s2  }
0x97: {  	_ =	strace $0x8FFFFFFF  }
0x98: {  	s20 =	sld [smem:$0x3FDB];
	_ =	sdelay $0x1  }
0x99: {  	s4 =	simm.s32 $_scs_section_size  }
0x9a: {  	s5 =	simm.s32 $_size__tile_overlayer_lowered;
	s6 =	simm.s32 $_tile_overlayer_lowered  }
0x9b: {  	s7 =	simm.s32 $0x1BFF;
	s21 =	sshll.u32 s6, $0x1;
	s4 =	sadd.s32 s4, s20  }
0x9c: {  	s22 =	simm.s32 $0x0;
	s5 =	sshll.u32 s5, $0x1;
	s6 =	sadd.s32 s21, s4  }
0x9d: {  	[timem:s22], [sflag:s7] =	dma.local [hbm:s6], s5  }
0x9e: {  	_ =	swait.ge [sflag:s7], s5  }
0x9f: {  	s5 =	ssub.s32 $0x0, s5;
	[sflag:s7] =	ssyncset.done $0x0  }
0xa0: {  	[sflag:s7] =	ssyncadd.s32 s5;
	_ =	sdelay $0x1  }
0xa1: {  	s23 =	simm.s32 $0x1B8B  }
0xa2: {  	_ =	swait.ge [sflag:s23], $0x1  }
0xa3: {  	[sflag:s23] =	ssyncset.done $0x0  }
0xa4: {  	[sflag:s23] =	ssyncadd.s32 $0xFFFFFFFF  }
0xa5: {  	s5 =	sld [smem:$0x0]  }
0xa6: {  	s6 =	sand.u32 $0xFFFFFFFE, s1  }
0xa7: {  	p0 =	sne.s32 s1, s6  }
0xa8: {  	s6 =	sshll.u32 @p0 s6, $0xE  }
0xa9: {  	s6 =	sadd.s32 @p0 $0x11B8D, s6;
	s7 =	sshll.u32 @p0 s5, $0x11  }
0xaa: {  	s6 =	sor.u32 @p0 s7, s6  }
0xab: {  	[sflag:s6] =	ssyncadd.remote.s32 @p0 $0x1;
	_ =	sdelay $0x1  }
0xac: {  	s6 =	simm.s32 @p0 $0x1B8D  }
0xad: {  	_ =	swait.eq @p0 [sflag:s6], $0x1  }
0xae: {  	[sflag:s6] =	ssyncadd.s32 @p0 $0xFFFFFFFF  }
0xaf: {  	s7 =	sshll.u32 @!p0 s1, $0xE  }
0xb0: {  	s7 =	sor.u32 @!p0 $0x4000, s7;
	s6 =	simm.s32 @!p0 $0x1B8D  }
0xb1: {  	s5 =	sshll.u32 @!p0 s5, $0x11;
	s7 =	sadd.s32 @!p0 $0x11B8D, s7;
	_ =	swait.eq @!p0 [sflag:s6], $0x1  }
0xb2: {  	s5 =	sor.u32 @!p0 s5, s7;
	[sflag:s6] =	ssyncadd.s32 @!p0 $0xFFFFFFFF  }
0xb3: {  	s25 =	simm.s32 $0x1B8E;
	s24 =	sld [smem:$0x3FFE];
	[sflag:s5] =	ssyncadd.remote.s32 @!p0 $0x1  }
0xb4: {  	s26 =	simm.s32 $execute0_lowered;
	[smem:$0x3FD2] =	sst s25  }
0xb5: {  	s6 =	sshll.u32 s26, $0x1;
	_ =	strace $0x80000073;
	[dreg:$0x1] =	wrdreg $0xFFFFFFFF  }
0xb6: {  	s28 =	simm.s32 $_size_execute0_lowered;
	s4 =	sadd.s32 s4, s6;
	[dreg:$0x0] =	wrdreg $0x0  }
0xb7: {  	s6 =	sshll.u32 s28, $0x1;
	[dreg:$0x2] =	wrdreg s4  }
0xb8: {  	[dreg:$0x3] =	wrdreg s6  }
0xb9: {  	[dreg:$0x4] =	wrdreg $0xC0  }
0xba: {  	_ =	task [dreg:s22], $0x5FFFF  }
0xbb: {  	[dreg:$0x1] =	wrdreg $0xFFFFFFFF  }
0xbc: {  	[dreg:$0x0] =	wrdreg $0x60  }
0xbd: {  	[dreg:$0x2] =	wrdreg s18  }
0xbe: {  	[dreg:$0x3] =	wrdreg s24  }
0xbf: {  	[dreg:$0x4] =	wrdreg $0x9  }
0xc0: {  	_ =	task.clear_ibuf [dreg:s22], $0x5FFFF;
	_ =	strace $0x90000073  }
0xc1: {  	s29 =	simm.s32 $0x9;
	_ =	strace $0x80000075  }
0xc2: {  	_ =	swait.ge [sflag:s29], $0x1  }
0xc3: {  	[sflag:s29] =	ssyncadd.s32 $0xFFFFFFFF  }
0xc4: {  	_ =	strace $0x90000075  }
0xc5: {  	_ =	sfence  }
0xc6: {  	s30 =	sld [smem:$0x0];
	_ =	sdelay $0x2  }
0xc7: {  	s31 =	sshll.u32 s1, $0xD;
	s1 =	sshrl.u32 s1, $0x2  }
0xc8: {  	s4 =	sand.u32 $0x4000, s31;
	s1 =	sadd.s32 s1, s30  }
0xc9: {  	s0 =	sor.u32 s4, s0;
	s1 =	sshll.u32 s1, $0x11  }
0xca: {  	s0 =	sor.u32 s1, s0  }
0xcb: {  	s0 =	sadd.s32 $0x8F2B, s0  }
0xcc: {  	[sflag:s0] =	ssyncadd.remote.s32 $0x1  }
0xcd: {  	_ =	sfence.sel $0xFFFF  }
0xce: {  	[dreg:$0x0] =	wrdreg $0xFFFFFFFF;
	(pc) =	sbr.abs _section_cstart, $3  }
0xcf: {  	[dreg:$0x1] =	wrdreg $0xFFFFFFFF  }
0xd0: {  	_ =	task.clear_ibuf [dreg:s22], $0x2FFFF;
	_ =	strace $0x9FFFFFFF  }
0xd1: {  	(tm) =	ssettm $0x7FFFFFFF  }
tec
execute0_lowered:
.L_overlay_start_1:
0x0: {  	(tag) =	ssettag $0x1  }
0x1: {  	s2 =	rddreg [dreg:$0x0];
	s0 =	stileid.u32  }
0x2: {  	s1 =	srdreg.scid;
	s8 =	rddreg [dreg:$0x1]  }
0x3: {  	s5 =	simm.s32 $0x1;
	s9 =	simm.s32 $0x1;
	s10 =	simm.s32 $0x3  }
0x4: {  	s13 =	simm.s32 $0x0;
	s3 =	sand.u32 $0x1, s1;
	s4 =	sshll.u32 s0, $0x1  }
0x5: {  	s12 =	simm.s32 $0x0;
	s1 =	rddreg [dreg:$0x2];
	s6 =	sor.u32 s4, s3  }
0x6: {  	_ =	strace $0x80000074;
	s3 =	sadd.s32 $0x6C400, s8;
	s4 =	smul.u32 $0x2710, s6  }
0x7: {  	[sflag:s5] =	ssyncpa.u1 $0x0;
	p0 =	slt.u32 s6, $0x13;
	s6 =	simm.s32 $0x4E200  }
.Ltmp0:
0x8: {  	s6 =	simm.s32 @!p0 $0x0;
	s7 =	ssub.s32 $0x7A120, s4;
	(pc) =	sbr.rel .LBB2_1-.Ltmp0, $4  }
0x9: {  	s9 =	simm.s32 @!p0 $0x0;
	p0 =	sne.s32 s7, s6;
	s7 =	simm.s32 $0x1  }
0xa: {  	s8 =	sadd.s32 $0x133C00, s8;
	s6 =	simm.s32 $0x2;
	s7 =	simm.s32 @!p0 $0x0  }
0xb: {  	s11 =	smov.u32 s4;
	[sflag:s6] =	ssyncpa.u1 $0x0;
	s7 =	sadd.s32 s9, s7  }
0xc: {  	vm0 =	vmmov $0xffff;
	[sflag:s10] =	ssyncpa.u1 $0x0;
	s10 =	simm.s32 $0x0;
	s9 =	sadd.s32 $0x1, s7  }
.LBB2_4:
0xd: {  	v2 =	vnsel vm1, $0x0, v2  }
0xe: {  	vm1 =	vgt.s32 v0, $0x0;
	v2 =	vmin.u32 v2, $0x3FFFF  }
0xf: {  	v0 =	vnsel vm1, $0x0, v0  }
0x10: {  	v0 =	vmin.u32 v0, $0x3FFFF  }
0x11: {  	[tilespmem:s18], [sflag:$0x1] =	stream.indirect_vreg.gather [hbm4b:s2+s10], $0x1, v1, vm0, $0x4038;
	[tilespmem:$0x9C40] =	vst v63  }
0x12: {  	(ifvalue) =	ssetifvalue $0x7FFFFFFF  }
0x13: {  	[tilespmem:s15], [sflag:$0x1] =	stream.indirect_vreg.gather [hbm4b:s2+s10], $0x1, v2, vm0, $0x4038;
	[tilespmem:$0x9C40] =	vst v63  }
0x14: {  	s29 =	sadd.s32 $0x10, s15;
	(ifvalue) =	ssetifvalue $0x7FFFFFFF  }
0x15: {  	[tilespmem:s29], [sflag:$0x1] =	stream.indirect_vreg.gather [hbm4b:s2+s10], $0x1, v0, vm0, $0x4038;
	[tilespmem:$0x9C40] =	vst v63  }
0x16: {  	_ =	swait.ge [sflag:s5], $0x2710  }
0x17: {  	s30 =	sshrl.u32 s13, $0x3;
	[sflag:s5] =	ssyncset.done $0x0  }
0x18: {  	s31 =	sand.u32 $0x7, s13;
	s15 =	sadd.s32 s8, s30;
	[sflag:s5] =	ssyncadd.s32 $0xFFFFD8F0  }
0x19: {  	[hbm4b:s15+s31] =	stream.linear.scatter [tilespmem:s14], [sflag:$0x3], $0x2710, $0x38;
	[tilespmem:$0x9C40] =	vst v63  }
.LBB2_5:
0x1a: {  	s15 =	sadd.s32 $0x4E200, s11  }
0x1b: {  	p1 =	sgt.s32 s15, $0x7A11F  }
0x1c: {  	s15 =	smov.u32 @p1 s4;
	p1 =	sne.s32 s12, s9  }
.Ltmp1:
0x1d: {  	p0 =	slt.u32 s12, $0x2;
	(pc) =	sbr.rel @!p1 .LBB2_6-.Ltmp1, $4  }
0x1e: {  	s14 =	simm.s32 @!p0 $0x3  }
0x1f: {  	_ =	swait.ge @!p0 [sflag:s14], $0x2710  }
0x20: {  	s16 =	sadd.s32 $0x1, s12;
	s13 =	smov.u32 s11;
	[sflag:s14] =	ssyncset.done @!p0 $0x0  }
0x21: {  	s12 =	smov.u32 s16;
	s11 =	smov.u32 s15;
	[sflag:s14] =	ssyncadd.s32 @!p0 $0xFFFFD8F0  }
.LBB2_1:
0x22: {  	p0 =	sge.u32 s12, s7  }
0x23: {  	s14 =	sxor.u32 @!p0 $0x1, s12  }
0x24: {  	s14 =	smul.u32 @!p0 $0x9C40, s14  }
0x25: {  	s31 =	sadd.s32 $0xFFFFFFFF, s12;
	s15 =	sshrl.u32 @!p0 s11, $0x3  }
0x26: {  	s16 =	sand.u32 @!p0 $0x7, s11;
	s15 =	sadd.s32 @!p0 s3, s15;
	s14 =	sshra.s32 @!p0 s14, $0x2  }
0x27: {  	[tilespmem:s14], [sflag:$0x2] =	stream.linear.gather @!p0 [hbm4b:s15+s16], $0x2710, $0x38;
	[tilespmem:$0x9C40] =	vst v63  }
0x28: {  	p0 =	sge.u32 s31, s7  }
.Ltmp2:
0x29: {  	_ = 	snop;
	(pc) =	sbr.rel @p0 .LBB2_5-.Ltmp2, $1  }
0x2a: {  	_ =	sdelay $0x3  }
0x2b: {  	s14 =	sand.u32 $0x1, s12  }
0x2c: {  	_ =	swait.ge [sflag:s6], $0x2710;
	p0 =	seq.s32 s14, $0x1;
	s14 =	simm.s32 $0x2710  }
0x2d: {  	[sflag:s6] =	ssyncset.done $0x0;
	s14 =	simm.s32 @!p0 $0x0  }
0x2e: {  	[sflag:s6] =	ssyncadd.s32 $0xFFFFD8F0;
	(ifvalue) =	ssetifvalue $0x7FFFFFFF;
	v0 =	vld.msk [tilespmem:s14+$0x0 ss:$0x1], $0xffff;
	_ =	sdelay $0x4  }
0x2f: {  	s15 =	sadd.s32 $0x10, s14;
	vm1 =	vgt.s32 v0, $0x0  }
0x30: {  	v2 =	vld.msk [tilespmem:s15+$0x0 ss:$0x1], $0xffff;
	v1 =	vnsel vm1, $0x0, v0  }
0x31: {  	v1 =	vmin.u32 v1, $0x3FFFF;
	_ =	sdelay $0x2  }
0x32: {  	s17 =	simm.s32 $0x20;
	s14 =	sadd.s32 $0x4E20, s14;
	s16 =	sadd.s32 $0x10, s15  }
0x33: {  	s15 =	sadd.s32 $0x10, s14;
	s18 =	smov.u32 s14;
	v0 =	vld.msk [tilespmem:s16+$0x0 ss:$0x1], $0xffff;
	vm1 =	vgt.s32 v2, $0x0;
	(ifvalue) =	ssetifvalue $0x7FFFFFFF  }
.LBB2_3:
0x34: {  	[tilespmem:s18], [sflag:$0x1] =	stream.indirect_vreg.gather [hbm4b:s2+s10], $0x1, v1, vm0, $0x4038;
	[tilespmem:$0x9C40] =	vst v63  }
0x35: {  	s17 =	sadd.s32 $0x10, s17  }
0x36: {  	v2 =	vnsel vm1, $0x0, v2;
	p0 =	slt.u32 s17, $0x2700  }
.Ltmp3:
0x37: {  	s18 =	smov.u32 s15;
	v1 =	vmin.u32 v2, $0x3FFFF;
	(pc) =	sbr.rel @p0 .LBB2_3-.Ltmp3, $3  }
0x38: {  	_ =	sdelay $0x1  }
0x39: {  	s16 =	sadd.s32 $0x10, s16  }
0x3a: {  	vm1 =	vgt.s32 v0, $0x0;
	s15 =	sadd.s32 $0x10, s15;
	v2 =	vmov v0;
	(ifvalue) =	ssetifvalue $0x7FFFFFFF;
	v0 =	vld.msk [tilespmem:s16+$0x0 ss:$0x1], $0xffff  }
.Ltmp4:
0x3b: {  	_ = 	snop;
	(pc) =	sbr.rel .LBB2_4-.Ltmp4, $1  }
0x3c: {  	_ =	sdelay $0x3  }
.LBB2_6:
0x3d: {  	_ =	sfence.sel $0x180000  }
0x3e: {  	s2 =	simm.s32 $0x2;
	[bflag:$0x0] =	sbarrier.arrive $0xFFFF  }
0x3f: {  	s30 =	simm.s32 $0x3;
	[sflag:s2] =	ssyncpa.u1 $0x1  }
0x40: {  	s31 =	simm.s32 $0x1;
	[sflag:s30] =	ssyncpa.u1 $0x1  }
0x41: {  	[sflag:s31] =	ssyncpa.u1 $0x1  }
0x42: {  	p0 =	sne.s32 s0, $0x0;
	_ =	strace $0x90000074  }
0x43: {  	s0 =	sadd.s32 @!p0 $0x100000, s1;
	[bflag:$0x2] =	sbarrier.arrive $0xFFFF  }
0x44: {  	[sflag:s0] =	ssyncadd.tile.s32 @!p0 $0x1;
	_ =	shalt  }
.Lfunc_end2:
_tile_overlayer_lowered:
.L_overlay_start_2:
0x45: {  	(tag) =	ssettag $0x2  }
0x46: {  	s0 =	rddreg [dreg:$0x0];
	s2 =	stileid.u32  }
0x47: {  	s1 =	rddreg [dreg:$0x1];
	p0 =	sne.s32 s2, $0x0  }
0x48: {  	s3 =	rddreg [dreg:$0x2];
	[bflag:$0x3] =	sbarrier.arrive $0xFFFF;
	s2 =	simm.s32 @!p0 $0x1C01  }
0x49: {  	[timem:s3], [sflag:s2] =	dma.local @!p0 [hbm:s0], s1  }
0x4a: {  	s0 =	simm.s32 @!p0 $0x1  }
0x4b: {  	_ =	swait.ge @!p0 [sflag:s0], s1  }
0x4c: {  	s1 =	ssub.s32 @!p0 $0x0, s1;
	[sflag:s0] =	ssyncset.done @!p0 $0x0  }
0x4d: {  	[sflag:s0] =	ssyncadd.s32 @!p0 s1  }
0x4e: {  	[bflag:$0x3] =	sbarrier.arrive $0xFFFF  }
0x4f: {  	_ =	shalt  }

// kernel: scatter_offload_async_start.1
scs
__scs_entry_jumppad:
0x0: {  	(pc) =	sbr.rel $0x88, $3  }
0x1: {  	(tag) =	ssettag $0x0;
	lr =	simm.s32 $0x1  }
0x2: {  	[smem:$0x3F9E] =	sst lr;
	_ =	strace $0xD0000000  }
0x3: {  	_ = 	snop  }
0x4: {  	_ = 	snop  }
0x5: {  	_ = 	snop  }
0x6: {  	_ = 	snop  }
0x7: {  	_ = 	snop  }
__scs_overlays_trampoline_lowered:
0x8: {  	[smem:$0x3FAD] =	sst s0  }
0x9: {  	[smem:$0x3FAE] =	sst s1  }
0xa: {  	[smem:$0x3FAF] =	sst s2  }
0xb: {  	[smem:$0x3FB0] =	sst s3  }
0xc: {  	[smem:$0x3FB1] =	sst s4  }
0xd: {  	[smem:$0x3FB2] =	sst s5  }
0xe: {  	[smem:$0x3FB3] =	sst s6  }
0xf: {  	[smem:$0x3FB4] =	sst s7  }
0x10: {  	[smem:$0x3FB5] =	sst s8  }
0x11: {  	[smem:$0x3FB6] =	sst s9;
	s0 =	simm.s32 @!p0 $0x0  }
0x12: {  	s1 =	sld [smem:$0x3F9C];
	s0 =	simm.s32 @p0 $0x1  }
0x13: {  	[smem:$0x3FB7] =	sst s0;
	s0 =	simm.s32 @!p1 $0x0  }
0x14: {  	s2 =	sld [smem:$0x3F9B];
	s0 =	simm.s32 @p1 $0x1  }
0x15: {  	[smem:$0x3FB8] =	sst s0;
	s0 =	simm.s32 @!p2 $0x0  }
0x16: {  	s3 =	sld [smem:$0x3FDB];
	s0 =	simm.s32 @p2 $0x1  }
0x17: {  	s4 =	simm.s32 $0x1BF5;
	[smem:$0x3FBA] =	sst s0  }
0x18: {  	s0 =	sld [smem:$0x3F9D];
	_ =	swait.ge [sflag:s4], $0x0  }
0x19: {  	s7 =	sld [smem:$0x3F9E]  }
0x1a: {  	s8 =	sadd.s32 $0xFFFFE003, lr  }
0x1b: {  	s9 =	sadd.s32 $0xFFFFFEF7, lr;
	s5 =	simm.s32 $0xFFFFFFFF;
	p2 =	slt.u32 s8, $0xFFFFF086  }
0x1c: {  	p1 =	slt.u32 s9, $0xF7A;
	s5 =	simm.s32 @!p2 $0x0  }
0x1d: {  	s5 =	simm.s32 @p1 $0x1;
	p0 =	seq.s32 s7, s2  }
0x1e: {  	s7 =	smul.u32 @!p0 $0xF7A, s2;
	p2 =	seq.s32 @!p0 s5, $0x0  }
0x1f: {  	s9 =	smul.u32 $0xF7A, s1;
	s8 =	simm.s32 @!p0 $0x1BF5;
	p2 =	por !p2, p0  }
0x20: {  	[sflag:s8] =	ssyncset.s32 @!p0 $0xFFFFF086;
	s6 =	sadd.s32 @!p0 s3, s7;
	s7 =	simm.s32 @!p0 $0x108  }
0x21: {  	s3 =	sadd.s32 s3, s9;
	s6 =	sadd.s32 @!p0 $0x88, s6;
	s7 =	simm.s32 @p2 $0x1082  }
0x22: {  	[simem:s7], [sflag:s8] =	dma.local @!p0 [hbm:s6], $0xF7A  }
0x23: {  	s9 =	sor.u32 $0xD0000000, s2;
	s6 =	simm.s32 $0x108;
	_ =	swait.ge @!p0 [sflag:s8], $0x0  }
0x24: {  	s3 =	sadd.s32 $0x88, s3;
	s6 =	simm.s32 @!p1 $0x1082;
	[sflag:s4] =	ssyncset.s32 $0xFFFFF086  }
0x25: {  	[simem:s6], [sflag:s4] =	dma.local [hbm:s3], $0xF7A  }
0x26: {  	[smem:$0x3F9E] =	sst s1;
	(tag) =	ssettag s2;
	_ =	strace s9  }
0x27: {  	s1 =	sld [smem:$0x3FAE]  }
0x28: {  	s2 =	sld [smem:$0x3FAF]  }
0x29: {  	s4 =	sld [smem:$0x3FB1]  }
0x2a: {  	p0 =	seq.s32 s5, $0x0;
	s5 =	sld [smem:$0x3FB2]  }
0x2b: {  	s6 =	sld [smem:$0x3FB3]  }
0x2c: {  	s7 =	sld [smem:$0x3FB4]  }
0x2d: {  	s3 =	simm.s32 $0x108;
	s8 =	sld [smem:$0x3FB5]  }
0x2e: {  	s3 =	simm.s32 @!p0 $0x1082;
	s9 =	sld [smem:$0x3FB6]  }
0x2f: {  	lr =	sadd.s32 s0, s3;
	s0 =	sld [smem:$0x3FAD]  }
0x30: {  	s3 =	sld [smem:$0x3FB0]  }
0x31: {  	[smem:$0x3FB9] =	sst s10  }
0x32: {  	s10 =	sld [smem:$0x3FB7];
	_ =	sdelay $0x3  }
0x33: {  	p0 =	seq.s32 s10, $0x1;
	s10 =	sld [smem:$0x3FB9];
	_ =	sdelay $0x3  }
0x34: {  	[smem:$0x3FB9] =	sst s10  }
0x35: {  	s10 =	sld [smem:$0x3FB8];
	_ =	sdelay $0x3  }
0x36: {  	p1 =	seq.s32 s10, $0x1;
	s10 =	sld [smem:$0x3FB9];
	_ =	sdelay $0x3  }
0x37: {  	[smem:$0x3FB9] =	sst s10  }
0x38: {  	s10 =	sld [smem:$0x3FBA]  }
0x39: {  	_ = 	snop;
	(pc) =	sbr.ind lr, $3  }
0x3a: {  	_ = 	snop  }
0x3b: {  	_ = 	snop  }
0x3c: {  	p2 =	seq.s32 s10, $0x1;
	s10 =	sld [smem:$0x3FB9]  }
0x3d: {  	_ =	shalt  }
0x3e: {  	_ =	shalt  }
0x3f: {  	_ =	shalt  }
0x40: {  	_ =	shalt  }
0x41: {  	_ =	shalt  }
0x42: {  	_ =	shalt  }
0x43: {  	_ =	shalt  }
0x44: {  	_ =	shalt  }
0x45: {  	_ =	shalt  }
0x46: {  	_ =	shalt  }
0x47: {  	_ =	shalt  }
0x48: {  	_ =	shalt  }
0x49: {  	_ =	shalt  }
0x4a: {  	_ =	shalt  }
0x4b: {  	_ =	shalt  }
0x4c: {  	_ =	shalt  }
0x4d: {  	_ =	shalt  }
0x4e: {  	_ =	shalt  }
0x4f: {  	_ =	shalt  }
0x50: {  	_ =	shalt  }
0x51: {  	_ =	shalt  }
0x52: {  	_ =	shalt  }
0x53: {  	_ =	shalt  }
0x54: {  	_ =	shalt  }
0x55: {  	_ =	shalt  }
0x56: {  	_ =	shalt  }
0x57: {  	_ =	shalt  }
0x58: {  	_ =	shalt  }
0x59: {  	_ =	shalt  }
0x5a: {  	_ =	shalt  }
0x5b: {  	_ =	shalt  }
0x5c: {  	_ =	shalt  }
0x5d: {  	_ =	shalt  }
0x5e: {  	_ =	shalt  }
0x5f: {  	_ =	shalt  }
0x60: {  	_ =	shalt  }
0x61: {  	_ =	shalt  }
0x62: {  	_ =	shalt  }
0x63: {  	_ =	shalt  }
0x64: {  	_ =	shalt  }
0x65: {  	_ =	shalt  }
0x66: {  	_ =	shalt  }
0x67: {  	_ =	shalt  }
0x68: {  	_ =	shalt  }
0x69: {  	_ =	shalt  }
0x6a: {  	_ =	shalt  }
0x6b: {  	_ =	shalt  }
0x6c: {  	_ =	shalt  }
0x6d: {  	_ =	shalt  }
0x6e: {  	_ =	shalt  }
0x6f: {  	_ =	shalt  }
0x70: {  	_ =	shalt  }
0x71: {  	_ =	shalt  }
0x72: {  	_ =	shalt  }
0x73: {  	_ =	shalt  }
0x74: {  	_ =	shalt  }
0x75: {  	_ =	shalt  }
0x76: {  	_ =	shalt  }
0x77: {  	_ =	shalt  }
0x78: {  	_ =	shalt  }
0x79: {  	_ =	shalt  }
0x7a: {  	_ =	shalt  }
0x7b: {  	_ =	shalt  }
0x7c: {  	_ =	shalt  }
0x7d: {  	_ =	shalt  }
0x7e: {  	_ =	shalt  }
0x7f: {  	_ =	shalt  }
0x80: {  	_ =	shalt  }
0x81: {  	_ =	shalt  }
0x82: {  	_ =	shalt  }
0x83: {  	_ =	shalt  }
0x84: {  	_ =	shalt  }
0x85: {  	_ =	shalt  }
0x86: {  	_ =	shalt  }
0x87: {  	_ =	shalt  }
.Lfunc_end0:
.L_simem_size_0:
called_computation.1_lowered:
.L_overlay_start_0:
0x88: {  	s0 =	sld [smem:$0x3FD9]  }
0x89: {  	s1 =	sld [smem:$0x3FFE];
	_ =	sdelay $0x3  }
0x8a: {  	s0 =	sadd.s32 s1, s0  }
0x8b: {  	[smem:$0x3FC5] =	sst s0  }
0x8c: {  	_ = 	snop  }
0x8d: {  	(tm) =	ssettm $0x1  }
0x8e: {  	s15 =	sld [smem:$0x3FFB];
	_ =	sdelay $0x3  }
0x8f: {  	_ =	strace s15  }
0x90: {  	s0 =	sld [smem:$0x3FFC];
	_ =	sdelay $0x3  }
0x91: {  	_ =	strace s0  }
0x92: {  	s0 =	sld [smem:$0x3FFD];
	_ =	sdelay $0x3  }
0x93: {  	_ =	strace s0  }
0x94: {  	_ =	strace $0x8FFFFFFF  }
0x95: {  	s16 =	sld [smem:$0x3FDB];
	_ =	sdelay $0x1  }
0x96: {  	s17 =	simm.s32 $_scs_section_size  }
0x97: {  	s2 =	simm.s32 $_size__tile_overlayer_lowered;
	s3 =	simm.s32 $_tile_overlayer_lowered  }
0x98: {  	s20 =	simm.s32 $0x1BFF;
	s19 =	sshll.u32 s3, $0x1;
	s0 =	sadd.s32 s17, s16  }
0x99: {  	s4 =	simm.s32 $0x0;
	s18 =	sshll.u32 s2, $0x1;
	s2 =	sadd.s32 s19, s0  }
0x9a: {  	[timem:s4], [sflag:s20] =	dma.local [hbm:s2], s18  }
0x9b: {  	_ =	swait.ge [sflag:s20], s18  }
0x9c: {  	s1 =	ssub.s32 $0x0, s18;
	[sflag:s20] =	ssyncset.done $0x0  }
0x9d: {  	[sflag:s20] =	ssyncadd.s32 s1;
	_ =	sdelay $0x1  }
0x9e: {  	s21 =	simm.s32 $0x1B8B  }
0x9f: {  	_ =	swait.ge [sflag:s21], $0x1  }
0xa0: {  	[sflag:s21] =	ssyncset.done $0x0  }
0xa1: {  	s23 =	simm.s32 $0x1B8E;
	s22 =	sld [smem:$0x3FFE];
	[sflag:s21] =	ssyncadd.s32 $0xFFFFFFFF  }
0xa2: {  	s24 =	simm.s32 $execute0_lowered;
	[smem:$0x3FD2] =	sst s23  }
0xa3: {  	s2 =	sshll.u32 s24, $0x1;
	_ =	strace $0x80000049;
	[dreg:$0x1] =	wrdreg $0xFFFFFFFF  }
0xa4: {  	s25 =	simm.s32 $_size_execute0_lowered;
	s0 =	sadd.s32 s0, s2;
	[dreg:$0x0] =	wrdreg $0x0  }
0xa5: {  	s2 =	sshll.u32 s25, $0x1;
	[dreg:$0x2] =	wrdreg s0  }
0xa6: {  	[dreg:$0x3] =	wrdreg s2  }
0xa7: {  	[dreg:$0x4] =	wrdreg $0xC0  }
0xa8: {  	_ =	task [dreg:s4], $0x5FFFF  }
0xa9: {  	[dreg:$0x1] =	wrdreg $0xFFFFFFFF  }
0xaa: {  	[dreg:$0x0] =	wrdreg $0x60  }
0xab: {  	[dreg:$0x2] =	wrdreg s22  }
0xac: {  	[dreg:$0x3] =	wrdreg $0x9  }
0xad: {  	_ =	task.clear_ibuf [dreg:s4], $0x4FFFF;
	_ =	strace $0x90000049  }
0xae: {  	s26 =	simm.s32 $0x9;
	_ =	strace $0x8000004B  }
0xaf: {  	_ =	swait.ge [sflag:s26], $0x1  }
0xb0: {  	[sflag:s26] =	ssyncadd.s32 $0xFFFFFFFF  }
0xb1: {  	_ =	strace $0x9000004B  }
0xb2: {  	_ =	sfence  }
0xb3: {  	s28 =	sld [smem:$0x0];
	_ =	sdelay $0x1  }
0xb4: {  	s29 =	srdreg.scid  }
0xb5: {  	s30 =	sshll.u32 s29, $0xD;
	s31 =	sshrl.u32 s29, $0x2  }
0xb6: {  	s1 =	sand.u32 $0x1, s29;
	s2 =	sand.u32 $0x4000, s30;
	s0 =	sadd.s32 s31, s28  }
0xb7: {  	s1 =	sor.u32 s2, s1;
	s0 =	sshll.u32 s0, $0x11  }
0xb8: {  	s0 =	sor.u32 s0, s1  }
0xb9: {  	s0 =	sadd.s32 $0x8F2B, s0  }
0xba: {  	[sflag:s0] =	ssyncadd.remote.s32 $0x1  }
0xbb: {  	_ =	sfence.sel $0xFFFF  }
0xbc: {  	[dreg:$0x0] =	wrdreg $0xFFFFFFFF;
	(pc) =	sbr.abs _section_cstart, $3  }
0xbd: {  	[dreg:$0x1] =	wrdreg $0xFFFFFFFF  }
0xbe: {  	_ =	task.clear_ibuf [dreg:s4], $0x2FFFF;
	_ =	strace $0x9FFFFFFF  }
0xbf: {  	(tm) =	ssettm $0x7FFFFFFF  }
tec
execute0_lowered:
.L_overlay_start_1:
0x0: {  	(tag) =	ssettag $0x1  }
0x1: {  	s0 =	rddreg [dreg:$0x0];
	s14 =	stileid.u32  }
0x2: {  	_ =	strace $0x8000004A;
	s2 =	simm.s32 $0x1;
	s1 =	smul.u32 $0x7, s14  }
0x3: {  	v1 =	vimm.s32 $0xFFFFFFFF;
	s3 =	smin.u32 s14, $0xD;
	[sflag:s2] =	ssyncpa.u1 $0x0  }
0x4: {  	[tilespmem:$0x10] =	vst v1;
	s1 =	sadd.s32 s3, s1  }
0x5: {  	v0 =	vimm.f32 $0.0e+00;
	p0 =	slt.u32 s14, $0xD;
	[tilespmem:$0x20] =	vst v1;
	s3 =	smul.u32 $0xFA0, s1;
	s1 =	simm.s32 $0x7D00  }
0x6: {  	[tilespmem:$0x30] =	vst v0;
	s1 =	simm.s32 @!p0 $0x6D60  }
0x7: {  	[tilespmem:$0x40] =	vst v0;
	s1 =	sadd.s32 s1, s3  }
0x8: {  	[tilespmem:$0x50] =	vst v0;
	s4 =	smin.u32 s1, $0x7A120  }
0x9: {  	[tilespmem:$0x60] =	vst v1;
	s9 =	ssub.s32 s4, s3  }
0xa: {  	s7 =	simm.s32 $0x2;
	s8 =	simm.s32 $0x8;
	[tilespmem:$0x70] =	vst v1;
	p0 =	sgt.s32 s9, $0x0  }
0xb: {  	s31 =	simm.s32 $0x9;
	s16 =	simm.s32 $0x0;
	[tilespmem:$0x80] =	vst v1;
	s9 =	simm.s32 @!p0 $0x0  }
0xc: {  	s17 =	simm.s32 $0xF0;
	s18 =	simm.s32 $0xFFFFFFFF;
	v1 =	vimm.s32 $0x0;
	[tilespmem:$0xB0] =	vst v0;
	s5 =	smulhi.u32 $0x10624DD3, s9  }
0xd: {  	s19 =	simm.s32 $0xFFFFE1C0;
	s20 =	simm.s32 $0xFFFFFFFE;
	s21 =	simm.s32 $0xF;
	[tilespmem:$0x90] =	vst v1  }
0xe: {  	[tilespmem:$0xA0] =	vst v1;
	[sflag:s7] =	ssyncpa.u1 $0x0;
	s7 =	simm.s32 $0x7;
	s10 =	sshrl.u32 s5, $0x8  }
0xf: {  	s25 =	simm.s32 $0x0;
	[sflag:s7] =	ssyncpa.u1 $0x0;
	s11 =	smul.u32 $0xFA0, s10  }
0x10: {  	s24 =	simm.s32 $0x0;
	s6 =	sadd.s32 $0x1AEC00, s0;
	[sflag:s8] =	ssyncpa.u1 $0x0  }
.Ltmp0:
0x11: {  	[sflag:s31] =	ssyncpa.u1 $0x0;
	p0 =	sne.s32 s9, s11;
	(pc) =	sbr.rel .LBB2_1-.Ltmp0, $4  }
0x12: {  	s23 =	smov.u32 s3;
	s1 =	sadd.s32 $0x1BE400, s0;
	s2 =	simm.s32 @!p0 $0x0  }
0x13: {  	s5 =	sadd.s32 $0x19F600, s0;
	p0 =	por $0x0, $0x0;
	s9 =	sadd.s32 s2, s10  }
0x14: {  	vm0 =	vmmov $0xffff;
	v2 =	vlaneseq.u32;
	s10 =	sshll.u32 s14, $0x1;
	s14 =	sshllo.u32 s14, $0x1;
	s11 =	sadd.s32 $0x1, s9  }
0x15: {  	vm1 =	vmxor vm1, vm1;
	vm2 =	vmmov $0x1;
	vm3 =	vcmask $0x3F3C;
	s12 =	sadd.s32 $0x2, s9;
	s13 =	sor.u32 $0x81, s10;
	s15 =	sor.u32 $0x80, s10  }
.LBB2_9:
0x16: {  	p1 =	slt.u32 s24, $0x3  }
0x17: {  	s0 =	simm.s32 @!p1 $0x2  }
0x18: {  	_ =	swait.ge @!p1 [sflag:s0], $0xFA0  }
0x19: {  	[sflag:s0] =	ssyncset.done @!p1 $0x0  }
0x1a: {  	[sflag:s0] =	ssyncadd.s32 @!p1 $0xFFFFF060;
	s0 =	simm.s32 @!p1 $0x9  }
0x1b: {  	_ =	swait.ge @!p1 [sflag:s0], $0x10  }
0x1c: {  	[sflag:s0] =	ssyncset.done @!p1 $0x0  }
0x1d: {  	[sflag:s0] =	ssyncadd.s32 @!p1 $0xFFFFFFF0;
	p1 =	sne.s32 s24, s12  }
.Ltmp1:
0x1e: {  	s2 =	sadd.s32 $0xFA0, s23;
	(pc) =	sbr.rel @!p1 .LBB2_10-.Ltmp1, $4  }
0x1f: {  	s22 =	smov.u32 s3;
	s31 =	sadd.s32 $0x1, s24;
	s17 =	sadd.s32 $0xFA0, s17  }
0x20: {  	s18 =	sadd.s32 $0x1, s18;
	s25 =	smov.u32 s23;
	p2 =	slt.s32 s2, s4  }
0x21: {  	p0 =	por !p0, !p0;
	s19 =	sadd.s32 $0xFA0, s19;
	s22 =	smov.u32 @p2 s2  }
0x22: {  	s20 =	sadd.s32 $0x1, s20;
	s23 =	smov.u32 s22;
	s24 =	smov.u32 s31  }
.LBB2_1:
0x23: {  	p1 =	sge.u32 s24, s9  }
0x24: {  	s0 =	smulhi.u32 @!p1 $0xAAAAAAAB, s24;
	_ =	sdelay $0x1  }
0x25: {  	s0 =	sshrl.u32 @!p1 s0, $0x1  }
0x26: {  	s0 =	smul.u32 @!p1 $0x3, s0;
	_ =	sdelay $0x1  }
0x27: {  	s0 =	ssub.s32 @!p1 s24, s0  }
0x28: {  	s0 =	smul.u32 @!p1 $0x3E80, s0;
	_ =	sdelay $0x1  }
0x29: {  	s2 =	sshrl.u32 @!p1 s23, $0x3;
	s0 =	sshrl.u32 @!p1 s0, $0x2  }
0x2a: {  	s22 =	sand.u32 @!p1 $0x7, s23;
	s2 =	sadd.s32 @!p1 s5, s2;
	s0 =	sadd.s32 @!p1 $0x100, s0  }
0x2b: {  	[tilespmem:s0], [sflag:$0x7] =	stream.linear.gather @!p1 [hbm4b:s2+s22], $0xFA0, $0x38;
	[tilespmem:$0x8DC0] =	vst v63  }
0x2c: {  	s0 =	sadd.s32 $0xFFFFFFFF, s24  }
0x2d: {  	p1 =	sge.u32 s0, s9  }
.Ltmp2:
0x2e: {  	_ = 	snop;
	(pc) =	sbr.rel @p1 .LBB2_5-.Ltmp2, $1  }
0x2f: {  	_ =	sdelay $0x3  }
0x30: {  	s2 =	smulhi.u32 $0xAAAAAAAB, s0;
	_ =	sdelay $0x1  }
0x31: {  	s2 =	sshrl.u32 s2, $0x1  }
0x32: {  	s2 =	smul.u32 $0x3, s2;
	_ =	sdelay $0x1  }
0x33: {  	s2 =	ssub.s32 s0, s2  }
0x34: {  	s2 =	smul.u32 $0x3E80, s2  }
0x35: {  	_ =	swait.ge [sflag:s7], $0xFA0  }
0x36: {  	[sflag:s7] =	ssyncset.done $0x0;
	s2 =	sshrl.u32 s2, $0x2  }
0x37: {  	[sflag:s7] =	ssyncadd.s32 $0xFFFFF060;
	(ifvalue) =	ssetifvalue $0xFFFFFFFF;
	v3 =	vld.msk [tilespmem:s2+$0x100 ss:$0x1], $0xffff;
	_ =	sdelay $0x2  }
0x38: {  	s30 =	smulhi.u32 $0xAAAAAAAB, s18;
	p1 =	sne.s32 s24, $0x1  }
0x39: {  	v4 =	vimm.s32 @!p1 $0x0  }
0x3a: {  	s2 =	sshrl.u32 s30, $0x1;
	v4 =	vperm.xlane @!p1 v3, v4  }
0x3b: {  	s22 =	sshll.u32 s24, $0x4;
	s2 =	smul.u32 $0xFFFF4480, s2;
	vm4 =	vlt.u32 v3, $0x40000  }
0x3c: {  	s22 =	sand.u32 $0x10, s22;
	v3 =	vnsel vm4, $0xFFFFFFFE, v3;
	vm4 =	vlt.u32 @!p1 v4, $0x40000  }
0x3d: {  	s2 =	sshra.s32 s2, $0x2;
	[tilespmem:s22+$0x60] =	vst v3;
	v3 =	vnsel @!p1 vm4, $0xFFFFFFFE, v4  }
0x3e: {  	s28 =	sadd.s32 s2, s17;
	[tilespmem:$0x80] =	vst @!p1 v3  }
0x3f: {  	v3 =	vld.msk [tilespmem:s28+$0x0 ss:$0x1], $0xffff;
	_ =	sdelay $0x4  }
0x40: {  	(xrf1) =	vunique.msk.u32 $0xffff, v3;
	_ =	sdelay $0xd  }
0x41: {  	v4 =	vimm.s32 $0xFFFFFFFF;
	v5, _, _ =	vpop (xrf1)  }
0x42: {  	vm5 =	vne.s32 v3, v4;
	vm4 =	veq.s32 v5, v2  }
0x43: {  	vm6 =	vlt.u32 v3, $0x40000;
	vm4 =	vmand vm5, vm4  }
0x44: {  	vm4 =	vmand vm6, vm4  }
0x45: {  	v4 =	vnsel vm4, $0xFFFFFFFF, v3  }
0x46: {  	s31 =	sand.u32 $0x1, s0  }
0x47: {  	s0 =	simm.s32 $0xFA0;
	p1 =	seq.s32 s31, $0x1  }
0x48: {  	s0 =	simm.s32 @!p1 $0x0  }
0x49: {  	s26 =	sadd.s32 $0x3F70, s0;
	(ifvalue) =	ssetifvalue $0xFFFFFFFF  }
0x4a: {  	v3 =	vperm.xlane v3, v1;
	[tilespmem:s26], [sflag:$0x8] =	stream.indirect_vreg.gather [hbm4b:s1+s16], $0x1, v4, vm0, $0x4038;
	v4 =	vnsel vm6, $0xFFFFFFFE, v4;
	[tilespmem:$0x8DC0] =	vst v63  }
0x4b: {  	s2 =	simm.s32 $0x0;
	s22 =	sadd.s32 $0xFFFFFFF0, s28;
	[tilespmem:s28+$0x0] =	vst v4  }
.LBB2_3:
0x4c: {  	v4 =	vld.msk [tilespmem:s22+$0x0 ss:$0x1], $0xffff;
	s2 =	sadd.s32 $0x10, s2;
	v5 =	vmov v3;
	s28 =	smov.u32 s22  }
0x4d: {  	p1 =	slt.u32 s2, $0xF90;
	_ =	sdelay $0x4  }
0x4e: {  	v3 =	vperm.xlane v4, v1;
	(xrf1) =	vunique.msk.u32 $0xffff, v4;
	_ =	sdelay $0xd  }
0x4f: {  	v6, _, _ =	vpop (xrf1)  }
0x50: {  	vm5 =	vne.s32 v4, v5;
	vm4 =	veq.s32 v6, v2  }
0x51: {  	vm6 =	vlt.u32 v4, $0x40000;
	vm4 =	vmand vm5, vm4  }
0x52: {  	vm4 =	vmand vm6, vm4  }
0x53: {  	v4 =	vnsel vm4, $0xFFFFFFFF, v4  }
.Ltmp3:
0x54: {  	v5 =	vnsel vm6, $0xFFFFFFFE, v4;
	(pc) =	sbr.rel @p1 .LBB2_3-.Ltmp3, $3  }
0x55: {  	_ =	sdelay $0x1  }
0x56: {  	s22 =	sadd.s32 $0xFFFFFFF0, s22;
	s26 =	sadd.s32 $0xFFFFFFF0, s26;
	(ifvalue) =	ssetifvalue $0xFFFFFFFF  }
0x57: {  	[tilespmem:s26], [sflag:$0x8] =	stream.indirect_vreg.gather [hbm4b:s1+s16], $0x1, v4, vm0, $0x4038;
	[tilespmem:s28+$0x0] =	vst v5  }
0x58: {  	s2 =	sshrl.u32 s25, $0x3  }
0x59: {  	s0 =	sadd.s32 $0x4F20, s0;
	s2 =	sadd.s32 s6, s2  }
0x5a: {  	[tilespmem:s0], [sflag:$0x8] =	stream.linear.gather [hbm:s2], $0xFA0, $0x38;
	[tilespmem:$0x8DC0] =	vst v63  }
.LBB2_5:
0x5b: {  	p1 =	slt.u32 s24, $0x2  }
0x5c: {  	p2 =	sge.u32 @!p1 s24, s12  }
0x5d: {  	p1 =	por p1, p2  }
.Ltmp4:
0x5e: {  	_ = 	snop;
	(pc) =	sbr.rel @p1 .LBB2_9-.Ltmp4, $1  }
0x5f: {  	_ =	sdelay $0x3  }
0x60: {  	s0 =	sadd.s32 $0xFFFFFFFE, s24  }
0x61: {  	s2 =	smulhi.u32 $0xAAAAAAAB, s0;
	_ =	sdelay $0x1  }
0x62: {  	s2 =	sshrl.u32 s2, $0x1  }
0x63: {  	s2 =	smul.u32 $0x3, s2;
	_ =	sdelay $0x1  }
0x64: {  	s0 =	ssub.s32 s0, s2  }
0x65: {  	_ =	swait.ge [sflag:s8], $0x1F40;
	s0 =	smul.u32 $0xFA0, s0  }
0x66: {  	p1 =	sne.s32 s24, s11;
	[sflag:s8] =	ssyncset.done $0x0  }
0x67: {  	[sflag:s8] =	ssyncadd.s32 $0xFFFFE0C0;
	s2 =	sadd.s32 @!p1 $0x109F, s0  }
0x68: {  	[spmem:s13] =	stream.linear.scatter @!p1 [tilespmem:s2], [sflag:$0x1], $0x1, $0x38;
	[tilespmem:$0x8DC0] =	vst v63  }
0x69: {  	s2 =	simm.s32 @!p1 $0x1  }
0x6a: {  	_ =	swait.ge @!p1 [sflag:s2], $0x1  }
0x6b: {  	s22 =	sshll.u32 s24, $0x4;
	[sflag:s2] =	ssyncset.done @!p1 $0x0  }
0x6c: {  	s25 =	sand.u32 $0x10, s22;
	[sflag:s2] =	ssyncadd.s32 @!p1 $0xFFFFFFFF  }
0x6d: {  	s2 =	sxor.u32 $0x10, s25;
	v4 =	vld [tilespmem:s25+$0x10]  }
0x6e: {  	v5 =	vld [tilespmem:s2+$0x60]  }
0x6f: {  	v3 =	vld [tilespmem:$0x80];
	_ =	sdelay $0x2  }
0x70: {  	(v2sf) =	vpush v4, $0x0  }
0x71: {  	(v2sf) =	vpush v5, $0x0  }
0x72: {  	(v2sf) =	vpush v3, $0x0;
	_ =	sdelay $0xc  }
0x73: {  	s22 =	spop (v2sf)  }
0x74: {  	s26 =	spop (v2sf)  }
0x75: {  	s28 =	spop (v2sf)  }
0x76: {  	p2 =	seq.s32 s22, s26;
	p3 =	seq.s32 s28, s22  }
0x77: {  	p3 =	por p2, p3  }
0x78: {  	s26 =	sand.u32 $0x1, s24;
	v4 =	vpsel p3, $0xFFFFFFFF, v4  }
0x79: {  	s29 =	smul.u32 $0xFA0, s26;
	[tilespmem:s25+$0x10] =	vst.msk $0x1, v4  }
0x7a: {  	v4 =	vld [tilespmem:$0x30]  }
0x7b: {  	v5 =	vld [tilespmem:s29+$0x4F20]  }
0x7c: {  	v6 =	vld [tilespmem:s25+$0x40];
	_ =	sdelay $0x3  }
0x7d: {  	vm4 =	vmmov vm1;
	v5 =	vadd.f32 v5, v4  }
0x7e: {  	vm5 =	vmmov vm2;
	vm4 =	vmmov @p2 vm2;
	s22 =	sshll.u32 s26, $0x4;
	v4 =	vadd.f32 v6, v4  }
0x7f: {  	s26 =	sor.u32 $0x8DA0, s22;
	vm5 =	vmmov @p3 vm1;
	[tilespmem:s29+$0x4F20] =	vst.msk vm4, v5  }
0x80: {  	[tilespmem:s26+$0x0] =	vst.msk vm5, v4  }
0x81: {  	v4 =	vld [tilespmem:s29+$0x3F70];
	_ =	sdelay $0x3  }
0x82: {  	v5 =	vimm.f32 $0.0e+00  }
0x83: {  	v4 =	vshift.insert v4, v5, s21  }
0x84: {  	s22 =	sor.u32 $0x40, s2  }
0x85: {  	[tilespmem:s22+$0x0] =	vst.msk $0x1, v4  }
0x86: {  	[tilespmem:s29+$0x3F7F] =	vst.msk $0x1, v5  }
0x87: {  	v4 =	vld [tilespmem:s0+$0x1090];
	_ =	sdelay $0x1  }
0x88: {  	s22 =	smulhi.u32 $0xAAAAAAAB, s20;
	s0 =	simm.s32 $0x1  }
0x89: {  	s0 =	simm.s32 @!p0 $0x0  }
0x8a: {  	s22 =	sshrl.u32 s22, $0x1;
	s0 =	smul.u32 $0x3E80, s0  }
0x8b: {  	s22 =	smul.u32 $0xFFFF4480, s22;
	v4 =	vshift.insert v4, v1, s21  }
0x8c: {  	s0 =	sshrl.u32 s0, $0x2  }
0x8d: {  	s22 =	sshra.s32 s22, $0x2;
	s30 =	sadd.s32 $0x4F20, s0;
	[tilespmem:s2+$0x10] =	vst.msk $0x1, v4  }
0x8e: {  	s22 =	sadd.s32 s22, s19;
	v6 =	vld [tilespmem:s30+$0x0]  }
0x8f: {  	v7 =	vld [tilespmem:s22+$0x0];
	_ =	sdelay $0x3  }
0x90: {  	v5 =	vadd.f32 v6, v5  }
0x91: {  	vm4 =	vne.s32 v7, $0xFFFFFFFF  }
0x92: {  	(xrf2) =	vadd.seg.scan.f32 vm4, v5;
	_ =	sdelay $0x3  }
0x93: {  	s31 =	sadd.s32 $0x2FE0, s0;
	v5 =	vperm.xlane v4, v1  }
0x94: {  	v6 =	vld [tilespmem:s31+$0x0]  }
0x95: {  	vm5 =	veq.s32 v7, v3;
	vm6 =	veq.s32 v7, v5  }
0x96: {  	vm7 =	vgt.u32 v7, $0xFFFFFFFD;
	vm6 =	vmor vm6, vm5  }
0x97: {  	vm6 =	vmor vm6, vm7  }
0x98: {  	v9 =	vld [tilespmem:$0xA0];
	v7 =	vsel vm6, $0xFFFFFFFF, v7  }
0x99: {  	v10 =	vld [tilespmem:$0x90];
	v6 =	vsel vm5, $0x0, v6;
	v8, _, _ =	vpop (xrf2)  }
0x9a: {  	v6 =	vadd.f32 v8, v6  }
0x9b: {  	s0 =	sadd.s32 $0x6E60, s0  }
0x9c: {  	vm4 =	vmand vm4, vm3;
	[tilespmem:s0+$0x0] =	vst v6;
	(ifvalue) =	ssetifvalue $0xFFFFFFFF  }
0x9d: {  	vm6 =	veq.s32 v9, $0x1;
	[hbm4b:s1+s16] =	stream.indirect_vreg.scatter [tilespmem:s0], [sflag:$0x2], $0x1, v7, vm0, $0x4038;
	v7 =	vsel vm4, $0x0, v8;
	[tilespmem:$0x8DC0] =	vst v63  }
0x9e: {  	s2 =	simm.s32 $0x0;
	s22 =	sadd.s32 $0x10, s22;
	vm4 =	vmor vm6, vm5;
	v6 =	vsel vm5, v8, v10;
	v7 =	vshift.insert v7, v0, s21  }
.LBB2_7:
0x9f: {  	v8 =	vld [tilespmem:s22+$0x0];
	s30 =	sadd.s32 $0x10, s30  }
0xa0: {  	s31 =	sadd.s32 $0x10, s31;
	v9 =	vld [tilespmem:s30+$0x0]  }
0xa1: {  	s2 =	sadd.s32 $0x10, s2;
	v10 =	vld [tilespmem:s31+$0x0]  }
0xa2: {  	p2 =	slt.u32 s2, $0xF90;
	_ =	sdelay $0x2  }
0xa3: {  	v7 =	vadd.f32 v9, v7  }
0xa4: {  	vm5 =	vne.s32 v8, $0xFFFFFFFF  }
0xa5: {  	vm6 =	vmand vm5, vm3;
	(xrf2) =	vadd.seg.scan.f32 vm5, v7;
	_ =	sdelay $0x5  }
0xa6: {  	vm7 =	veq.s32 v8, v5;
	vm5 =	veq.s32 v8, v3  }
0xa7: {  	vm8 =	vgt.u32 v8, $0xFFFFFFFD;
	vm4 =	vmor vm4, vm5;
	vm7 =	vmor vm7, vm5  }
0xa8: {  	vm7 =	vmor vm7, vm8  }
0xa9: {  	v8 =	vsel vm7, $0xFFFFFFFF, v8  }
.Ltmp5:
0xaa: {  	v7 =	vsel vm5, $0x0, v10;
	v9, _, _ =	vpop (xrf2);
	(pc) =	sbr.rel @p2 .LBB2_7-.Ltmp5, $4  }
0xab: {  	v6 =	vsel vm5, v9, v6;
	v10 =	vadd.f32 v9, v7;
	v7 =	vsel vm6, $0x0, v9  }
0xac: {  	s0 =	sadd.s32 $0x10, s0;
	v7 =	vshift.insert v7, v0, s21  }
0xad: {  	s22 =	sadd.s32 $0x10, s22;
	[tilespmem:s0+$0x0] =	vst v10;
	(ifvalue) =	ssetifvalue $0xFFFFFFFF  }
0xae: {  	[hbm4b:s1+s16] =	stream.indirect_vreg.scatter [tilespmem:s0], [sflag:$0x2], $0x1, v8, vm0, $0x4038;
	[tilespmem:$0x8DC0] =	vst v63  }
0xaf: {  	v3 =	vld [tilespmem:s29+$0x7DF0];
	_ =	sdelay $0x4  }
0xb0: {  	v3 =	vshift.insert v3, v0, s21  }
0xb1: {  	s0 =	simm.s32 $0x30  }
0xb2: {  	[tilespmem:s0+$0x0] =	vst.msk $0x1, v3  }
0xb3: {  	v3 =	vsel vm4, $0x1, v1;
	[tilespmem:$0x90] =	vst v6  }
0xb4: {  	s0 =	sadd.s32 @!p1 $0x7DFF, s29;
	[tilespmem:$0xA0] =	vst v3  }
0xb5: {  	[spmem:s14] =	stream.linear.scatter @!p1 [tilespmem:s0], [sflag:$0x1], $0x1, $0x38;
	[tilespmem:$0x8DC0] =	vst v63  }
0xb6: {  	s0 =	simm.s32 @!p1 $0x1  }
0xb7: {  	v3 =	vmctz.xlane @!p1 vm4;
	_ =	swait.ge @!p1 [sflag:s0], $0x1  }
0xb8: {  	(v2sf) =	vpush @!p1 v4, $0x0  }
0xb9: {  	(v2sf) =	vpush @!p1 v3, $0x0;
	_ =	sdelay $0xd  }
0xba: {  	s2 =	spop @!p1 (v2sf)  }
0xbb: {  	s22 =	spop @!p1 (v2sf)  }
0xbc: {  	p2 =	sne.s32 @!p1 s28, s2;
	p3 =	slt.s32 @!p1 s22, $0xF  }
0xbd: {  	[sflag:s0] =	ssyncset.done @!p1 $0x0;
	p2 =	por p2, p1;
	p3 =	por !p3, p1  }
0xbe: {  	[sflag:s0] =	ssyncadd.s32 @!p1 $0xFFFFFFFF;
	v3 =	vimm.s32 @!p2 $0xFFFFFFFF;
	s22 =	simm.s32 @p3 $0xF  }
0xbf: {  	[tilespmem:$0x80] =	vst @!p2 v3;
	s2 =	sadd.s32 @!p1 $0x90, s22  }
0xc0: {  	[spmem:s10] =	stream.linear.scatter @!p1 [tilespmem:s2], [sflag:$0x1], $0x1, $0x38;
	[tilespmem:$0x8DC0] =	vst v63  }
0xc1: {  	_ =	swait.ge @!p1 [sflag:s0], $0x1  }
0xc2: {  	[sflag:s0] =	ssyncset.done @!p1 $0x0  }
0xc3: {  	s2 =	simm.s32 @!p1 $0x80;
	[sflag:s0] =	ssyncadd.s32 @!p1 $0xFFFFFFFF  }
0xc4: {  	[spmem:s15] =	stream.linear.scatter @!p1 [tilespmem:s2], [sflag:$0x1], $0x1, $0x38;
	[tilespmem:$0x8DC0] =	vst v63  }
0xc5: {  	_ =	swait.ge @!p1 [sflag:s0], $0x1  }
0xc6: {  	[sflag:s0] =	ssyncset.done @!p1 $0x0  }
0xc7: {  	[sflag:s0] =	ssyncadd.s32 @!p1 $0xFFFFFFFF;
	(ifvalue) =	ssetifvalue $0xFFFFFFFF;
	v3 =	vld [tilespmem:s25+$0x10];
	_ =	sdelay $0x3  }
.Ltmp6:
0xc8: {  	_ = 	snop;
	(pc) =	sbr.rel .LBB2_9-.Ltmp6, $3  }
0xc9: {  	_ =	sdelay $0x1  }
0xca: {  	(ifvalue) =	ssetifvalue $0xFFFFFFFF  }
0xcb: {  	[hbm4b:s1+s16] =	stream.indirect_vreg.scatter [tilespmem:s26], [sflag:$0x9], $0x1, v3, vm0, $0x4038;
	[tilespmem:$0x8DC0] =	vst v63  }
.LBB2_10:
0xcc: {  	_ =	sfence.sel $0x180000  }
0xcd: {  	s0 =	simm.s32 $0x7;
	[bflag:$0x0] =	sbarrier.arrive $0xFFFF  }
0xce: {  	s26 =	simm.s32 $0x8;
	[sflag:s0] =	ssyncpa.u1 $0x1  }
0xcf: {  	s28 =	simm.s32 $0x9;
	[sflag:s26] =	ssyncpa.u1 $0x1  }
0xd0: {  	[sflag:s28] =	ssyncpa.u1 $0x1  }
0xd1: {  	_ =	sfence.stream.spmem  }
0xd2: {  	s29 =	simm.s32 $0x3;
	[bflag:$0x0] =	sbarrier.arrive $0xFFFF  }
0xd3: {  	s30 =	simm.s32 $0x4;
	[sflag:s29] =	ssyncpa.u1 $0x1  }
0xd4: {  	s31 =	simm.s32 $0x3C;
	s2 =	stileid.u32;
	[sflag:s30] =	ssyncpa.u1 $0x1  }
0xd5: {  	p0 =	sne.s32 s2, $0x0;
	[sflag:s31] =	ssyncpa.u1 $0x1  }
0xd6: {  	s0 =	simm.s32 @p0 $0x1;
	_ =	sfence @p0  }
0xd7: {  	[sflag:s0] =	ssyncpa.u1 @p0 $0x1;
	s0 =	simm.s32 @p0 $0x2  }
0xd8: {  	[sflag:s0] =	ssyncpa.u1 @p0 $0x1  }
0xd9: {  	_ =	strace @p0 $0x9000004A  }
0xda: {  	[bflag:$0x2] =	sbarrier.arrive @p0 $0xFFFF  }
0xdb: {  	_ =	shalt @p0  }
.LBB2_11:
0xdc: {  	_ =	sfence.stream.spmem;
	s0 =	simm.s32 $0x5  }
0xdd: {  	s2 =	simm.s32 $0x80;
	s3 =	simm.s32 $0xC0;
	[sflag:s0] =	ssyncpa.u1 $0x0  }
0xde: {  	[tilespmem:s3], [sflag:$0x5] =	stream.linear.gather [spmem:s2], $0x20, $0x38;
	[tilespmem:$0x8DC0] =	vst v63  }
0xdf: {  	s2 =	simm.s32 $0x0;
	s3 =	simm.s32 $0xE0  }
0xe0: {  	[tilespmem:s3], [sflag:$0x5] =	stream.linear.gather [spmem:s2], $0x20, $0x38;
	[tilespmem:$0x8DC0] =	vst v63  }
.Ltmp7:
0xe1: {  	_ = 	snop;
	(pc) =	sbr.rel .LBB2_12-.Ltmp7, $4  }
0xe2: {  	_ =	swait.ge [sflag:s0], $0x40  }
0xe3: {  	[sflag:s0] =	ssyncset.done $0x0  }
0xe4: {  	s31 =	simm.s32 $0x6;
	[sflag:s0] =	ssyncadd.s32 $0xFFFFFFC0  }
0xe5: {  	s4 =	simm.s32 $0x0;
	[sflag:s31] =	ssyncpa.u1 $0x0  }
.LBB2_17:
0xe6: {  	p0 =	sgt.u32 s5, $0x3FFFF  }
0xe7: {  	s0 =	sshrl.u32 @!p0 s5, $0x3  }
0xe8: {  	s5 =	sand.u32 @!p0 $0x7, s5;
	s6 =	simm.s32 @!p0 $0xB0;
	s0 =	sadd.s32 @!p0 s1, s0  }
0xe9: {  	[tilespmem:s6], [sflag:$0x6] =	stream.linear.gather @!p0 [hbm4b:s0+s5], $0x1, $0x38;
	[tilespmem:$0x8DC0] =	vst v63  }
0xea: {  	s0 =	simm.s32 @!p0 $0x6  }
0xeb: {  	_ =	swait.ge @!p0 [sflag:s0], $0x1  }
0xec: {  	[sflag:s0] =	ssyncset.done @!p0 $0x0  }
0xed: {  	[sflag:s0] =	ssyncadd.s32 @!p0 $0xFFFFFFFF  }
0xee: {  	v2 =	vmov @!p0 s4;
	v1 =	vld.msk @!p0 [tilespmem:$0xB0], $0x1;
	_ =	sdelay $0x3  }
0xef: {  	s0 =	simm.s32 @!p0 $0xE0  }
0xf0: {  	[tilespmem:v2+s0+$0x0], v1 =	vst.idx.ret.add.f32.msk @!p0 $0x1, v1  }
0xf1: {  	[tilespmem:s2+$0xC0] =	vst.msk $0x1, v0  }
0xf2: {  	v0 =	vld.msk [tilespmem:s4+$0xE0], $0x1;
	_ =	sdelay $0x4  }
0xf3: {  	[tilespmem:s2+$0xE0] =	vst.msk $0x1, v0;
	s2 =	sadd.s32 $0x1, s2  }
.LBB2_19:
0xf4: {  	s4 =	sadd.s32 $0x1, s4  }
0xf5: {  	p0 =	sne.s32 s4, $0x20  }
.Ltmp8:
0xf6: {  	_ = 	snop;
	(pc) =	sbr.rel @!p0 .LBB2_20-.Ltmp8, $1  }
0xf7: {  	_ =	sdelay $0x3  }
.LBB2_12:
0xf8: {  	v0 =	vld.msk [tilespmem:s4+$0xC0], $0x1;
	_ =	sdelay $0x4  }
0xf9: {  	(v2sf) =	vpush v0, $0x0;
	_ =	sdelay $0xe  }
0xfa: {  	s5 =	spop (v2sf)  }
0xfb: {  	p0 =	seq.s32 s5, $0xFFFFFFFF  }
.Ltmp9:
0xfc: {  	_ = 	snop;
	(pc) =	sbr.rel @p0 .LBB2_19-.Ltmp9, $1  }
0xfd: {  	_ =	sdelay $0x3  }
0xfe: {  	p0 =	slt.s32 s2, $0x1  }
.Ltmp10:
0xff: {  	_ = 	snop;
	(pc) =	sbr.rel @p0 .LBB2_17-.Ltmp10, $1  }
0x100: {  	_ =	sdelay $0x3  }
0x101: {  	s0 =	simm.s32 $0xC0;
	p0 =	por $0x0, $0x0  }
0x102: {  	v1 =	vld.msk @!p0 [tilespmem:s0+$0x0], $0x1;
	_ =	sdelay $0x4  }
0x103: {  	(v2sf) =	vpush @!p0 v1, $0x0;
	_ =	sdelay $0xd  }
0x104: {  	p2 =	sne.s32 s2, $0x1  }
.Ltmp11:
0x105: {  	s6 =	spop @!p0 (v2sf);
	(pc) =	sbr.rel @!p2 .LBB2_16-.Ltmp11, $4  }
0x106: {  	p1 =	seq.s32 @!p0 s5, s6  }
0x107: {  	s6 =	simm.s32 $0x0;
	p1 =	por !p1, p0  }
0x108: {  	s8 =	simm.s32 $0xFFFFFFFF;
	s6 =	simm.s32 @p1 $0xFFFFFFFF  }
0x109: {  	s7 =	simm.s32 $0x1;
	s6 =	smov.u32 @p0 s8  }
.LBB2_15:
0x10a: {  	s8 =	smov.u32 s6;
	p0 =	sne.s32 s6, $0xFFFFFFFF  }
0x10b: {  	s0 =	sadd.s32 $0x1, s0;
	s6 =	smov.u32 s7;
	s7 =	sadd.s32 $0x1, s7  }
0x10c: {  	p1 =	sne.s32 s2, s7;
	v1 =	vld.msk @!p0 [tilespmem:s0+$0x0], $0x1;
	_ =	sdelay $0x4  }
0x10d: {  	(v2sf) =	vpush @!p0 v1, $0x0;
	_ =	sdelay $0xe  }
.Ltmp12:
0x10e: {  	s9 =	spop @!p0 (v2sf);
	(pc) =	sbr.rel @p1 .LBB2_15-.Ltmp12, $4  }
0x10f: {  	p2 =	seq.s32 @!p0 s5, s9  }
0x110: {  	p2 =	por !p2, p0  }
0x111: {  	s6 =	simm.s32 @p2 $0xFFFFFFFF  }
0x112: {  	s6 =	smov.u32 @p0 s8  }
.LBB2_16:
0x113: {  	p0 =	sne.s32 s6, $0xFFFFFFFF  }
.Ltmp13:
0x114: {  	_ = 	snop;
	(pc) =	sbr.rel @!p0 .LBB2_17-.Ltmp13, $1  }
0x115: {  	_ =	sdelay $0x3  }
0x116: {  	v0 =	vld.msk [tilespmem:s4+$0xE0], $0x1;
	v1 =	vmov s6  }
.Ltmp14:
0x117: {  	_ = 	snop;
	(pc) =	sbr.rel .LBB2_19-.Ltmp14, $2  }
0x118: {  	_ =	sdelay $0x2  }
0x119: {  	[tilespmem:v1+s3+$0x0], v0 =	vst.idx.ret.add.f32.msk $0x1, v0  }
.LBB2_20:
0x11a: {  	p0 =	slt.s32 s2, $0x1  }
.Ltmp15:
0x11b: {  	_ = 	snop;
	(pc) =	sbr.rel @p0 .LBB2_24-.Ltmp15, $3  }
0x11c: {  	_ =	sdelay $0x1  }
0x11d: {  	s0 =	simm.s32 $0x6  }
0x11e: {  	s3 =	simm.s32 $0x0;
	[sflag:s0] =	ssyncpa.u1 $0x1  }
0x11f: {  	s0 =	simm.s32 $0xC0  }
0x120: {  	v0 =	vld.msk [tilespmem:s0+$0x0], $0x1;
	_ =	sdelay $0x4  }
0x121: {  	(v2sf) =	vpush v0, $0x0;
	_ =	sdelay $0xe  }
0x122: {  	s2 =	sadd.s32 $0xFFFFFFFF, s2;
	s4 =	spop (v2sf)  }
0x123: {  	p1 =	sne.s32 s2, $0x0;
	p0 =	sgt.u32 s4, $0x3FFFF  }
.Ltmp16:
0x124: {  	s5 =	sshrl.u32 @!p0 s4, $0x3;
	(pc) =	sbr.rel @!p1 .LBB2_23-.Ltmp16, $4  }
0x125: {  	s0 =	simm.s32 $0xE0;
	s4 =	sand.u32 @!p0 $0x7, s4;
	s5 =	sadd.s32 @!p0 s1, s5  }
0x126: {  	[hbm4b:s5+s4] =	stream.linear.scatter @!p0 [tilespmem:s0], [sflag:$0x5], $0x1, $0x38;
	[tilespmem:$0x8DC0] =	vst v63  }
0x127: {  	s5 =	simm.s32 $0x0  }
0x128: {  	s4 =	simm.s32 $0xC1;
	s5 =	simm.s32 @!p0 $0x4  }
.LBB2_22:
0x129: {  	v0 =	vld.msk [tilespmem:s4+$0x0], $0x1;
	s2 =	sadd.s32 $0xFFFFFFFF, s2;
	s3 =	sadd.s32 s3, s5  }
0x12a: {  	p0 =	sne.s32 s2, $0x0;
	_ =	sdelay $0x3  }
0x12b: {  	(v2sf) =	vpush v0, $0x0;
	_ =	sdelay $0xe  }
.Ltmp17:
0x12c: {  	s6 =	spop (v2sf);
	(pc) =	sbr.rel @p0 .LBB2_22-.Ltmp17, $4  }
0x12d: {  	s5 =	simm.s32 $0x0;
	p1 =	sgt.u32 s6, $0x3FFFF  }
0x12e: {  	s0 =	sadd.s32 $0x1, s0;
	s5 =	simm.s32 @!p1 $0x4;
	s7 =	sshrl.u32 @!p1 s6, $0x3  }
0x12f: {  	s4 =	sadd.s32 $0x1, s4;
	s6 =	sand.u32 @!p1 $0x7, s6;
	s7 =	sadd.s32 @!p1 s1, s7  }
0x130: {  	[hbm4b:s7+s6] =	stream.linear.scatter @!p1 [tilespmem:s0], [sflag:$0x5], $0x1, $0x38;
	[tilespmem:$0x8DC0] =	vst v63  }
.LBB2_23:
0x131: {  	s0 =	sadd.s32 s3, s5  }
0x132: {  	s3 =	sshrl.u32 s0, $0x2  }
.LBB2_24:
0x133: {  	s0 =	simm.s32 $0x5  }
0x134: {  	_ =	swait.ge [sflag:s0], s3  }
0x135: {  	s1 =	ssub.s32 $0x0, s3;
	[sflag:s0] =	ssyncset.done $0x0  }
0x136: {  	[sflag:s0] =	ssyncadd.s32 s1  }
0x137: {  	[sflag:s0] =	ssyncpa.u1 $0x1  }
0x138: {  	s29 =	simm.s32 $0x1;
	_ =	sfence  }
0x139: {  	s30 =	simm.s32 $0x2;
	[sflag:s29] =	ssyncpa.u1 $0x1  }
0x13a: {  	[sflag:s30] =	ssyncpa.u1 $0x1  }
0x13b: {  	_ =	strace $0x9000004A  }
0x13c: {  	[bflag:$0x2] =	sbarrier.arrive $0xFFFF  }
0x13d: {  	s31 =	rddreg [dreg:$0x1]  }
0x13e: {  	s0 =	sadd.s32 $0x100000, s31  }
0x13f: {  	[sflag:s0] =	ssyncadd.tile.s32 $0x1;
	_ =	shalt  }
.Lfunc_end2:
_tile_overlayer_lowered:
.L_overlay_start_2:
0x140: {  	(tag) =	ssettag $0x2  }
0x141: {  	s0 =	rddreg [dreg:$0x0];
	s2 =	stileid.u32  }
0x142: {  	s1 =	rddreg [dreg:$0x1];
	p0 =	sne.s32 s2, $0x0  }
0x143: {  	s3 =	rddreg [dreg:$0x2];
	[bflag:$0x3] =	sbarrier.arrive $0xFFFF;
	s2 =	simm.s32 @!p0 $0x1C01  }
0x144: {  	[timem:s3], [sflag:s2] =	dma.local @!p0 [hbm:s0], s1  }
0x145: {  	s0 =	simm.s32 @!p0 $0x1  }
0x146: {  	_ =	swait.ge @!p0 [sflag:s0], s1  }
0x147: {  	s1 =	ssub.s32 @!p0 $0x0, s1;
	[sflag:s0] =	ssyncset.done @!p0 $0x0  }
0x148: {  	[sflag:s0] =	ssyncadd.s32 @!p0 s1  }
0x149: {  	[bflag:$0x3] =	sbarrier.arrive $0xFFFF  }
0x14a: {  	_ =	shalt  }

// kernel: scatter_offload_async_start.2
scs
__scs_entry_jumppad:
0x0: {  	(pc) =	sbr.rel $0x88, $3  }
0x1: {  	(tag) =	ssettag $0x0;
	lr =	simm.s32 $0x1  }
0x2: {  	[smem:$0x3F9E] =	sst lr;
	_ =	strace $0xD0000000  }
0x3: {  	_ = 	snop  }
0x4: {  	_ = 	snop  }
0x5: {  	_ = 	snop  }
0x6: {  	_ = 	snop  }
0x7: {  	_ = 	snop  }
__scs_overlays_trampoline_lowered:
0x8: {  	[smem:$0x3FAD] =	sst s0  }
0x9: {  	[smem:$0x3FAE] =	sst s1  }
0xa: {  	[smem:$0x3FAF] =	sst s2  }
0xb: {  	[smem:$0x3FB0] =	sst s3  }
0xc: {  	[smem:$0x3FB1] =	sst s4  }
0xd: {  	[smem:$0x3FB2] =	sst s5  }
0xe: {  	[smem:$0x3FB3] =	sst s6  }
0xf: {  	[smem:$0x3FB4] =	sst s7  }
0x10: {  	[smem:$0x3FB5] =	sst s8  }
0x11: {  	[smem:$0x3FB6] =	sst s9;
	s0 =	simm.s32 @!p0 $0x0  }
0x12: {  	s1 =	sld [smem:$0x3F9C];
	s0 =	simm.s32 @p0 $0x1  }
0x13: {  	[smem:$0x3FB7] =	sst s0;
	s0 =	simm.s32 @!p1 $0x0  }
0x14: {  	s2 =	sld [smem:$0x3F9B];
	s0 =	simm.s32 @p1 $0x1  }
0x15: {  	[smem:$0x3FB8] =	sst s0;
	s0 =	simm.s32 @!p2 $0x0  }
0x16: {  	s3 =	sld [smem:$0x3FDB];
	s0 =	simm.s32 @p2 $0x1  }
0x17: {  	s4 =	simm.s32 $0x1BF5;
	[smem:$0x3FBA] =	sst s0  }
0x18: {  	s0 =	sld [smem:$0x3F9D];
	_ =	swait.ge [sflag:s4], $0x0  }
0x19: {  	s7 =	sld [smem:$0x3F9E]  }
0x1a: {  	s8 =	sadd.s32 $0xFFFFE003, lr  }
0x1b: {  	s9 =	sadd.s32 $0xFFFFFEF7, lr;
	s5 =	simm.s32 $0xFFFFFFFF;
	p2 =	slt.u32 s8, $0xFFFFF086  }
0x1c: {  	p1 =	slt.u32 s9, $0xF7A;
	s5 =	simm.s32 @!p2 $0x0  }
0x1d: {  	s5 =	simm.s32 @p1 $0x1;
	p0 =	seq.s32 s7, s2  }
0x1e: {  	s7 =	smul.u32 @!p0 $0xF7A, s2;
	p2 =	seq.s32 @!p0 s5, $0x0  }
0x1f: {  	s9 =	smul.u32 $0xF7A, s1;
	s8 =	simm.s32 @!p0 $0x1BF5;
	p2 =	por !p2, p0  }
0x20: {  	[sflag:s8] =	ssyncset.s32 @!p0 $0xFFFFF086;
	s6 =	sadd.s32 @!p0 s3, s7;
	s7 =	simm.s32 @!p0 $0x108  }
0x21: {  	s3 =	sadd.s32 s3, s9;
	s6 =	sadd.s32 @!p0 $0x88, s6;
	s7 =	simm.s32 @p2 $0x1082  }
0x22: {  	[simem:s7], [sflag:s8] =	dma.local @!p0 [hbm:s6], $0xF7A  }
0x23: {  	s9 =	sor.u32 $0xD0000000, s2;
	s6 =	simm.s32 $0x108;
	_ =	swait.ge @!p0 [sflag:s8], $0x0  }
0x24: {  	s3 =	sadd.s32 $0x88, s3;
	s6 =	simm.s32 @!p1 $0x1082;
	[sflag:s4] =	ssyncset.s32 $0xFFFFF086  }
0x25: {  	[simem:s6], [sflag:s4] =	dma.local [hbm:s3], $0xF7A  }
0x26: {  	[smem:$0x3F9E] =	sst s1;
	(tag) =	ssettag s2;
	_ =	strace s9  }
0x27: {  	s1 =	sld [smem:$0x3FAE]  }
0x28: {  	s2 =	sld [smem:$0x3FAF]  }
0x29: {  	s4 =	sld [smem:$0x3FB1]  }
0x2a: {  	p0 =	seq.s32 s5, $0x0;
	s5 =	sld [smem:$0x3FB2]  }
0x2b: {  	s6 =	sld [smem:$0x3FB3]  }
0x2c: {  	s7 =	sld [smem:$0x3FB4]  }
0x2d: {  	s3 =	simm.s32 $0x108;
	s8 =	sld [smem:$0x3FB5]  }
0x2e: {  	s3 =	simm.s32 @!p0 $0x1082;
	s9 =	sld [smem:$0x3FB6]  }
0x2f: {  	lr =	sadd.s32 s0, s3;
	s0 =	sld [smem:$0x3FAD]  }
0x30: {  	s3 =	sld [smem:$0x3FB0]  }
0x31: {  	[smem:$0x3FB9] =	sst s10  }
0x32: {  	s10 =	sld [smem:$0x3FB7];
	_ =	sdelay $0x3  }
0x33: {  	p0 =	seq.s32 s10, $0x1;
	s10 =	sld [smem:$0x3FB9];
	_ =	sdelay $0x3  }
0x34: {  	[smem:$0x3FB9] =	sst s10  }
0x35: {  	s10 =	sld [smem:$0x3FB8];
	_ =	sdelay $0x3  }
0x36: {  	p1 =	seq.s32 s10, $0x1;
	s10 =	sld [smem:$0x3FB9];
	_ =	sdelay $0x3  }
0x37: {  	[smem:$0x3FB9] =	sst s10  }
0x38: {  	s10 =	sld [smem:$0x3FBA]  }
0x39: {  	_ = 	snop;
	(pc) =	sbr.ind lr, $3  }
0x3a: {  	_ = 	snop  }
0x3b: {  	_ = 	snop  }
0x3c: {  	p2 =	seq.s32 s10, $0x1;
	s10 =	sld [smem:$0x3FB9]  }
0x3d: {  	_ =	shalt  }
0x3e: {  	_ =	shalt  }
0x3f: {  	_ =	shalt  }
0x40: {  	_ =	shalt  }
0x41: {  	_ =	shalt  }
0x42: {  	_ =	shalt  }
0x43: {  	_ =	shalt  }
0x44: {  	_ =	shalt  }
0x45: {  	_ =	shalt  }
0x46: {  	_ =	shalt  }
0x47: {  	_ =	shalt  }
0x48: {  	_ =	shalt  }
0x49: {  	_ =	shalt  }
0x4a: {  	_ =	shalt  }
0x4b: {  	_ =	shalt  }
0x4c: {  	_ =	shalt  }
0x4d: {  	_ =	shalt  }
0x4e: {  	_ =	shalt  }
0x4f: {  	_ =	shalt  }
0x50: {  	_ =	shalt  }
0x51: {  	_ =	shalt  }
0x52: {  	_ =	shalt  }
0x53: {  	_ =	shalt  }
0x54: {  	_ =	shalt  }
0x55: {  	_ =	shalt  }
0x56: {  	_ =	shalt  }
0x57: {  	_ =	shalt  }
0x58: {  	_ =	shalt  }
0x59: {  	_ =	shalt  }
0x5a: {  	_ =	shalt  }
0x5b: {  	_ =	shalt  }
0x5c: {  	_ =	shalt  }
0x5d: {  	_ =	shalt  }
0x5e: {  	_ =	shalt  }
0x5f: {  	_ =	shalt  }
0x60: {  	_ =	shalt  }
0x61: {  	_ =	shalt  }
0x62: {  	_ =	shalt  }
0x63: {  	_ =	shalt  }
0x64: {  	_ =	shalt  }
0x65: {  	_ =	shalt  }
0x66: {  	_ =	shalt  }
0x67: {  	_ =	shalt  }
0x68: {  	_ =	shalt  }
0x69: {  	_ =	shalt  }
0x6a: {  	_ =	shalt  }
0x6b: {  	_ =	shalt  }
0x6c: {  	_ =	shalt  }
0x6d: {  	_ =	shalt  }
0x6e: {  	_ =	shalt  }
0x6f: {  	_ =	shalt  }
0x70: {  	_ =	shalt  }
0x71: {  	_ =	shalt  }
0x72: {  	_ =	shalt  }
0x73: {  	_ =	shalt  }
0x74: {  	_ =	shalt  }
0x75: {  	_ =	shalt  }
0x76: {  	_ =	shalt  }
0x77: {  	_ =	shalt  }
0x78: {  	_ =	shalt  }
0x79: {  	_ =	shalt  }
0x7a: {  	_ =	shalt  }
0x7b: {  	_ =	shalt  }
0x7c: {  	_ =	shalt  }
0x7d: {  	_ =	shalt  }
0x7e: {  	_ =	shalt  }
0x7f: {  	_ =	shalt  }
0x80: {  	_ =	shalt  }
0x81: {  	_ =	shalt  }
0x82: {  	_ =	shalt  }
0x83: {  	_ =	shalt  }
0x84: {  	_ =	shalt  }
0x85: {  	_ =	shalt  }
0x86: {  	_ =	shalt  }
0x87: {  	_ =	shalt  }
.Lfunc_end0:
.L_simem_size_0:
called_computation.2_lowered:
.L_overlay_start_0:
0x88: {  	s0 =	sld [smem:$0x3FD9]  }
0x89: {  	s1 =	sld [smem:$0x3FFE];
	_ =	sdelay $0x3  }
0x8a: {  	s0 =	sadd.s32 s1, s0  }
0x8b: {  	[smem:$0x3FC5] =	sst s0  }
0x8c: {  	_ = 	snop  }
0x8d: {  	(tm) =	ssettm $0x1  }
0x8e: {  	s15 =	sld [smem:$0x3FFB];
	_ =	sdelay $0x3  }
0x8f: {  	_ =	strace s15  }
0x90: {  	s0 =	sld [smem:$0x3FFC];
	_ =	sdelay $0x3  }
0x91: {  	_ =	strace s0  }
0x92: {  	s0 =	sld [smem:$0x3FFD];
	_ =	sdelay $0x3  }
0x93: {  	_ =	strace s0  }
0x94: {  	_ =	strace $0x8FFFFFFF  }
0x95: {  	s16 =	sld [smem:$0x3FDB];
	_ =	sdelay $0x1  }
0x96: {  	s17 =	simm.s32 $_scs_section_size  }
0x97: {  	s2 =	simm.s32 $_size__tile_overlayer_lowered;
	s3 =	simm.s32 $_tile_overlayer_lowered  }
0x98: {  	s20 =	simm.s32 $0x1BFF;
	s19 =	sshll.u32 s3, $0x1;
	s0 =	sadd.s32 s17, s16  }
0x99: {  	s4 =	simm.s32 $0x0;
	s18 =	sshll.u32 s2, $0x1;
	s2 =	sadd.s32 s19, s0  }
0x9a: {  	[timem:s4], [sflag:s20] =	dma.local [hbm:s2], s18  }
0x9b: {  	_ =	swait.ge [sflag:s20], s18  }
0x9c: {  	s1 =	ssub.s32 $0x0, s18;
	[sflag:s20] =	ssyncset.done $0x0  }
0x9d: {  	[sflag:s20] =	ssyncadd.s32 s1;
	_ =	sdelay $0x1  }
0x9e: {  	s21 =	simm.s32 $0x1B8B  }
0x9f: {  	_ =	swait.ge [sflag:s21], $0x1  }
0xa0: {  	[sflag:s21] =	ssyncset.done $0x0  }
0xa1: {  	s23 =	simm.s32 $0x1B8E;
	s22 =	sld [smem:$0x3FFE];
	[sflag:s21] =	ssyncadd.s32 $0xFFFFFFFF  }
0xa2: {  	s24 =	simm.s32 $execute0_lowered;
	[smem:$0x3FD2] =	sst s23  }
0xa3: {  	s2 =	sshll.u32 s24, $0x1;
	_ =	strace $0x8000004C;
	[dreg:$0x1] =	wrdreg $0xFFFFFFFF  }
0xa4: {  	s25 =	simm.s32 $_size_execute0_lowered;
	s0 =	sadd.s32 s0, s2;
	[dreg:$0x0] =	wrdreg $0x0  }
0xa5: {  	s2 =	sshll.u32 s25, $0x1;
	[dreg:$0x2] =	wrdreg s0  }
0xa6: {  	[dreg:$0x3] =	wrdreg s2  }
0xa7: {  	[dreg:$0x4] =	wrdreg $0xC0  }
0xa8: {  	_ =	task [dreg:s4], $0x5FFFF  }
0xa9: {  	[dreg:$0x1] =	wrdreg $0xFFFFFFFF  }
0xaa: {  	[dreg:$0x0] =	wrdreg $0x60  }
0xab: {  	[dreg:$0x2] =	wrdreg s22  }
0xac: {  	[dreg:$0x3] =	wrdreg $0x9  }
0xad: {  	_ =	task.clear_ibuf [dreg:s4], $0x4FFFF;
	_ =	strace $0x9000004C  }
0xae: {  	s26 =	simm.s32 $0x9;
	_ =	strace $0x8000004E  }
0xaf: {  	_ =	swait.ge [sflag:s26], $0x1  }
0xb0: {  	[sflag:s26] =	ssyncadd.s32 $0xFFFFFFFF  }
0xb1: {  	_ =	strace $0x9000004E  }
0xb2: {  	_ =	sfence  }
0xb3: {  	s28 =	sld [smem:$0x0];
	_ =	sdelay $0x1  }
0xb4: {  	s29 =	srdreg.scid  }
0xb5: {  	s30 =	sshll.u32 s29, $0xD;
	s31 =	sshrl.u32 s29, $0x2  }
0xb6: {  	s1 =	sand.u32 $0x1, s29;
	s2 =	sand.u32 $0x4000, s30;
	s0 =	sadd.s32 s31, s28  }
0xb7: {  	s1 =	sor.u32 s2, s1;
	s0 =	sshll.u32 s0, $0x11  }
0xb8: {  	s0 =	sor.u32 s0, s1  }
0xb9: {  	s0 =	sadd.s32 $0x8F2B, s0  }
0xba: {  	[sflag:s0] =	ssyncadd.remote.s32 $0x1  }
0xbb: {  	_ =	sfence.sel $0xFFFF  }
0xbc: {  	[dreg:$0x0] =	wrdreg $0xFFFFFFFF;
	(pc) =	sbr.abs _section_cstart, $3  }
0xbd: {  	[dreg:$0x1] =	wrdreg $0xFFFFFFFF  }
0xbe: {  	_ =	task.clear_ibuf [dreg:s4], $0x2FFFF;
	_ =	strace $0x9FFFFFFF  }
0xbf: {  	(tm) =	ssettm $0x7FFFFFFF  }
tec
execute0_lowered:
.L_overlay_start_1:
0x0: {  	(tag) =	ssettag $0x1  }
0x1: {  	s0 =	rddreg [dreg:$0x0];
	s14 =	stileid.u32  }
0x2: {  	_ =	strace $0x8000004D;
	s2 =	simm.s32 $0x1;
	s1 =	smul.u32 $0x7, s14  }
0x3: {  	v1 =	vimm.s32 $0xFFFFFFFF;
	s3 =	smin.u32 s14, $0xD;
	[sflag:s2] =	ssyncpa.u1 $0x0  }
0x4: {  	[tilespmem:$0x10] =	vst v1;
	s1 =	sadd.s32 s3, s1  }
0x5: {  	v0 =	vimm.f32 $0.0e+00;
	p0 =	slt.u32 s14, $0xD;
	[tilespmem:$0x20] =	vst v1;
	s3 =	smul.u32 $0xFA0, s1;
	s1 =	simm.s32 $0x7D00  }
0x6: {  	[tilespmem:$0x30] =	vst v0;
	s1 =	simm.s32 @!p0 $0x6D60  }
0x7: {  	[tilespmem:$0x40] =	vst v0;
	s1 =	sadd.s32 s1, s3  }
0x8: {  	[tilespmem:$0x50] =	vst v0;
	s4 =	smin.u32 s1, $0x7A120  }
0x9: {  	[tilespmem:$0x60] =	vst v1;
	s9 =	ssub.s32 s4, s3  }
0xa: {  	s7 =	simm.s32 $0x2;
	s8 =	simm.s32 $0x8;
	[tilespmem:$0x70] =	vst v1;
	p0 =	sgt.s32 s9, $0x0  }
0xb: {  	s31 =	simm.s32 $0x9;
	s16 =	simm.s32 $0x0;
	[tilespmem:$0x80] =	vst v1;
	s9 =	simm.s32 @!p0 $0x0  }
0xc: {  	s17 =	simm.s32 $0xF0;
	s18 =	simm.s32 $0xFFFFFFFF;
	v1 =	vimm.s32 $0x0;
	[tilespmem:$0xB0] =	vst v0;
	s5 =	smulhi.u32 $0x10624DD3, s9  }
0xd: {  	s19 =	simm.s32 $0xFFFFE1C0;
	s20 =	simm.s32 $0xFFFFFFFE;
	s21 =	simm.s32 $0xF;
	[tilespmem:$0x90] =	vst v1  }
0xe: {  	[tilespmem:$0xA0] =	vst v1;
	[sflag:s7] =	ssyncpa.u1 $0x0;
	s7 =	simm.s32 $0x7;
	s10 =	sshrl.u32 s5, $0x8  }
0xf: {  	s25 =	simm.s32 $0x0;
	[sflag:s7] =	ssyncpa.u1 $0x0;
	s11 =	smul.u32 $0xFA0, s10  }
0x10: {  	s24 =	simm.s32 $0x0;
	s6 =	sadd.s32 $0x180A00, s0;
	[sflag:s8] =	ssyncpa.u1 $0x0  }
.Ltmp0:
0x11: {  	[sflag:s31] =	ssyncpa.u1 $0x0;
	p0 =	sne.s32 s9, s11;
	(pc) =	sbr.rel .LBB2_1-.Ltmp0, $4  }
0x12: {  	s23 =	smov.u32 s3;
	s1 =	sadd.s32 $0x1BE400, s0;
	s2 =	simm.s32 @!p0 $0x0  }
0x13: {  	s5 =	sadd.s32 $0x171400, s0;
	p0 =	por $0x0, $0x0;
	s9 =	sadd.s32 s2, s10  }
0x14: {  	vm0 =	vmmov $0xffff;
	v2 =	vlaneseq.u32;
	s10 =	sshll.u32 s14, $0x1;
	s14 =	sshllo.u32 s14, $0x1;
	s11 =	sadd.s32 $0x1, s9  }
0x15: {  	vm1 =	vmxor vm1, vm1;
	vm2 =	vmmov $0x1;
	vm3 =	vcmask $0x3F3C;
	s12 =	sadd.s32 $0x2, s9;
	s13 =	sor.u32 $0x81, s10;
	s15 =	sor.u32 $0x80, s10  }
.LBB2_9:
0x16: {  	p1 =	slt.u32 s24, $0x3  }
0x17: {  	s0 =	simm.s32 @!p1 $0x2  }
0x18: {  	_ =	swait.ge @!p1 [sflag:s0], $0xFA0  }
0x19: {  	[sflag:s0] =	ssyncset.done @!p1 $0x0  }
0x1a: {  	[sflag:s0] =	ssyncadd.s32 @!p1 $0xFFFFF060;
	s0 =	simm.s32 @!p1 $0x9  }
0x1b: {  	_ =	swait.ge @!p1 [sflag:s0], $0x10  }
0x1c: {  	[sflag:s0] =	ssyncset.done @!p1 $0x0  }
0x1d: {  	[sflag:s0] =	ssyncadd.s32 @!p1 $0xFFFFFFF0;
	p1 =	sne.s32 s24, s12  }
.Ltmp1:
0x1e: {  	s2 =	sadd.s32 $0xFA0, s23;
	(pc) =	sbr.rel @!p1 .LBB2_10-.Ltmp1, $4  }
0x1f: {  	s22 =	smov.u32 s3;
	s31 =	sadd.s32 $0x1, s24;
	s17 =	sadd.s32 $0xFA0, s17  }
0x20: {  	s18 =	sadd.s32 $0x1, s18;
	s25 =	smov.u32 s23;
	p2 =	slt.s32 s2, s4  }
0x21: {  	p0 =	por !p0, !p0;
	s19 =	sadd.s32 $0xFA0, s19;
	s22 =	smov.u32 @p2 s2  }
0x22: {  	s20 =	sadd.s32 $0x1, s20;
	s23 =	smov.u32 s22;
	s24 =	smov.u32 s31  }
.LBB2_1:
0x23: {  	p1 =	sge.u32 s24, s9  }
0x24: {  	s0 =	smulhi.u32 @!p1 $0xAAAAAAAB, s24;
	_ =	sdelay $0x1  }
0x25: {  	s0 =	sshrl.u32 @!p1 s0, $0x1  }
0x26: {  	s0 =	smul.u32 @!p1 $0x3, s0;
	_ =	sdelay $0x1  }
0x27: {  	s0 =	ssub.s32 @!p1 s24, s0  }
0x28: {  	s0 =	smul.u32 @!p1 $0x3E80, s0;
	_ =	sdelay $0x1  }
0x29: {  	s2 =	sshrl.u32 @!p1 s23, $0x3;
	s0 =	sshrl.u32 @!p1 s0, $0x2  }
0x2a: {  	s22 =	sand.u32 @!p1 $0x7, s23;
	s2 =	sadd.s32 @!p1 s5, s2;
	s0 =	sadd.s32 @!p1 $0x100, s0  }
0x2b: {  	[tilespmem:s0], [sflag:$0x7] =	stream.linear.gather @!p1 [hbm4b:s2+s22], $0xFA0, $0x38;
	[tilespmem:$0x8DC0] =	vst v63  }
0x2c: {  	s0 =	sadd.s32 $0xFFFFFFFF, s24  }
0x2d: {  	p1 =	sge.u32 s0, s9  }
.Ltmp2:
0x2e: {  	_ = 	snop;
	(pc) =	sbr.rel @p1 .LBB2_5-.Ltmp2, $1  }
0x2f: {  	_ =	sdelay $0x3  }
0x30: {  	s2 =	smulhi.u32 $0xAAAAAAAB, s0;
	_ =	sdelay $0x1  }
0x31: {  	s2 =	sshrl.u32 s2, $0x1  }
0x32: {  	s2 =	smul.u32 $0x3, s2;
	_ =	sdelay $0x1  }
0x33: {  	s2 =	ssub.s32 s0, s2  }
0x34: {  	s2 =	smul.u32 $0x3E80, s2  }
0x35: {  	_ =	swait.ge [sflag:s7], $0xFA0  }
0x36: {  	[sflag:s7] =	ssyncset.done $0x0;
	s2 =	sshrl.u32 s2, $0x2  }
0x37: {  	[sflag:s7] =	ssyncadd.s32 $0xFFFFF060;
	(ifvalue) =	ssetifvalue $0xFFFFFFFF;
	v3 =	vld.msk [tilespmem:s2+$0x100 ss:$0x1], $0xffff;
	_ =	sdelay $0x2  }
0x38: {  	s30 =	smulhi.u32 $0xAAAAAAAB, s18;
	p1 =	sne.s32 s24, $0x1  }
0x39: {  	v4 =	vimm.s32 @!p1 $0x0  }
0x3a: {  	s2 =	sshrl.u32 s30, $0x1;
	v4 =	vperm.xlane @!p1 v3, v4  }
0x3b: {  	s22 =	sshll.u32 s24, $0x4;
	s2 =	smul.u32 $0xFFFF4480, s2;
	vm4 =	vlt.u32 v3, $0x40000  }
0x3c: {  	s22 =	sand.u32 $0x10, s22;
	v3 =	vnsel vm4, $0xFFFFFFFE, v3;
	vm4 =	vlt.u32 @!p1 v4, $0x40000  }
0x3d: {  	s2 =	sshra.s32 s2, $0x2;
	[tilespmem:s22+$0x60] =	vst v3;
	v3 =	vnsel @!p1 vm4, $0xFFFFFFFE, v4  }
0x3e: {  	s28 =	sadd.s32 s2, s17;
	[tilespmem:$0x80] =	vst @!p1 v3  }
0x3f: {  	v3 =	vld.msk [tilespmem:s28+$0x0 ss:$0x1], $0xffff;
	_ =	sdelay $0x4  }
0x40: {  	(xrf1) =	vunique.msk.u32 $0xffff, v3;
	_ =	sdelay $0xd  }
0x41: {  	v4 =	vimm.s32 $0xFFFFFFFF;
	v5, _, _ =	vpop (xrf1)  }
0x42: {  	vm5 =	vne.s32 v3, v4;
	vm4 =	veq.s32 v5, v2  }
0x43: {  	vm6 =	vlt.u32 v3, $0x40000;
	vm4 =	vmand vm5, vm4  }
0x44: {  	vm4 =	vmand vm6, vm4  }
0x45: {  	v4 =	vnsel vm4, $0xFFFFFFFF, v3  }
0x46: {  	s31 =	sand.u32 $0x1, s0  }
0x47: {  	s0 =	simm.s32 $0xFA0;
	p1 =	seq.s32 s31, $0x1  }
0x48: {  	s0 =	simm.s32 @!p1 $0x0  }
0x49: {  	s26 =	sadd.s32 $0x3F70, s0;
	(ifvalue) =	ssetifvalue $0xFFFFFFFF  }
0x4a: {  	v3 =	vperm.xlane v3, v1;
	[tilespmem:s26], [sflag:$0x8] =	stream.indirect_vreg.gather [hbm4b:s1+s16], $0x1, v4, vm0, $0x4038;
	v4 =	vnsel vm6, $0xFFFFFFFE, v4;
	[tilespmem:$0x8DC0] =	vst v63  }
0x4b: {  	s2 =	simm.s32 $0x0;
	s22 =	sadd.s32 $0xFFFFFFF0, s28;
	[tilespmem:s28+$0x0] =	vst v4  }
.LBB2_3:
0x4c: {  	v4 =	vld.msk [tilespmem:s22+$0x0 ss:$0x1], $0xffff;
	s2 =	sadd.s32 $0x10, s2;
	v5 =	vmov v3;
	s28 =	smov.u32 s22  }
0x4d: {  	p1 =	slt.u32 s2, $0xF90;
	_ =	sdelay $0x4  }
0x4e: {  	v3 =	vperm.xlane v4, v1;
	(xrf1) =	vunique.msk.u32 $0xffff, v4;
	_ =	sdelay $0xd  }
0x4f: {  	v6, _, _ =	vpop (xrf1)  }
0x50: {  	vm5 =	vne.s32 v4, v5;
	vm4 =	veq.s32 v6, v2  }
0x51: {  	vm6 =	vlt.u32 v4, $0x40000;
	vm4 =	vmand vm5, vm4  }
0x52: {  	vm4 =	vmand vm6, vm4  }
0x53: {  	v4 =	vnsel vm4, $0xFFFFFFFF, v4  }
.Ltmp3:
0x54: {  	v5 =	vnsel vm6, $0xFFFFFFFE, v4;
	(pc) =	sbr.rel @p1 .LBB2_3-.Ltmp3, $3  }
0x55: {  	_ =	sdelay $0x1  }
0x56: {  	s22 =	sadd.s32 $0xFFFFFFF0, s22;
	s26 =	sadd.s32 $0xFFFFFFF0, s26;
	(ifvalue) =	ssetifvalue $0xFFFFFFFF  }
0x57: {  	[tilespmem:s26], [sflag:$0x8] =	stream.indirect_vreg.gather [hbm4b:s1+s16], $0x1, v4, vm0, $0x4038;
	[tilespmem:s28+$0x0] =	vst v5  }
0x58: {  	s2 =	sshrl.u32 s25, $0x3  }
0x59: {  	s0 =	sadd.s32 $0x4F20, s0;
	s2 =	sadd.s32 s6, s2  }
0x5a: {  	[tilespmem:s0], [sflag:$0x8] =	stream.linear.gather [hbm:s2], $0xFA0, $0x38;
	[tilespmem:$0x8DC0] =	vst v63  }
.LBB2_5:
0x5b: {  	p1 =	slt.u32 s24, $0x2  }
0x5c: {  	p2 =	sge.u32 @!p1 s24, s12  }
0x5d: {  	p1 =	por p1, p2  }
.Ltmp4:
0x5e: {  	_ = 	snop;
	(pc) =	sbr.rel @p1 .LBB2_9-.Ltmp4, $1  }
0x5f: {  	_ =	sdelay $0x3  }
0x60: {  	s0 =	sadd.s32 $0xFFFFFFFE, s24  }
0x61: {  	s2 =	smulhi.u32 $0xAAAAAAAB, s0;
	_ =	sdelay $0x1  }
0x62: {  	s2 =	sshrl.u32 s2, $0x1  }
0x63: {  	s2 =	smul.u32 $0x3, s2;
	_ =	sdelay $0x1  }
0x64: {  	s0 =	ssub.s32 s0, s2  }
0x65: {  	_ =	swait.ge [sflag:s8], $0x1F40;
	s0 =	smul.u32 $0xFA0, s0  }
0x66: {  	p1 =	sne.s32 s24, s11;
	[sflag:s8] =	ssyncset.done $0x0  }
0x67: {  	[sflag:s8] =	ssyncadd.s32 $0xFFFFE0C0;
	s2 =	sadd.s32 @!p1 $0x109F, s0  }
0x68: {  	[spmem:s13] =	stream.linear.scatter @!p1 [tilespmem:s2], [sflag:$0x1], $0x1, $0x38;
	[tilespmem:$0x8DC0] =	vst v63  }
0x69: {  	s2 =	simm.s32 @!p1 $0x1  }
0x6a: {  	_ =	swait.ge @!p1 [sflag:s2], $0x1  }
0x6b: {  	s22 =	sshll.u32 s24, $0x4;
	[sflag:s2] =	ssyncset.done @!p1 $0x0  }
0x6c: {  	s25 =	sand.u32 $0x10, s22;
	[sflag:s2] =	ssyncadd.s32 @!p1 $0xFFFFFFFF  }
0x6d: {  	s2 =	sxor.u32 $0x10, s25;
	v4 =	vld [tilespmem:s25+$0x10]  }
0x6e: {  	v5 =	vld [tilespmem:s2+$0x60]  }
0x6f: {  	v3 =	vld [tilespmem:$0x80];
	_ =	sdelay $0x2  }
0x70: {  	(v2sf) =	vpush v4, $0x0  }
0x71: {  	(v2sf) =	vpush v5, $0x0  }
0x72: {  	(v2sf) =	vpush v3, $0x0;
	_ =	sdelay $0xc  }
0x73: {  	s22 =	spop (v2sf)  }
0x74: {  	s26 =	spop (v2sf)  }
0x75: {  	s28 =	spop (v2sf)  }
0x76: {  	p2 =	seq.s32 s22, s26;
	p3 =	seq.s32 s28, s22  }
0x77: {  	p3 =	por p2, p3  }
0x78: {  	s26 =	sand.u32 $0x1, s24;
	v4 =	vpsel p3, $0xFFFFFFFF, v4  }
0x79: {  	s29 =	smul.u32 $0xFA0, s26;
	[tilespmem:s25+$0x10] =	vst.msk $0x1, v4  }
0x7a: {  	v4 =	vld [tilespmem:$0x30]  }
0x7b: {  	v5 =	vld [tilespmem:s29+$0x4F20]  }
0x7c: {  	v6 =	vld [tilespmem:s25+$0x40];
	_ =	sdelay $0x3  }
0x7d: {  	vm4 =	vmmov vm1;
	v5 =	vadd.f32 v5, v4  }
0x7e: {  	vm5 =	vmmov vm2;
	vm4 =	vmmov @p2 vm2;
	s22 =	sshll.u32 s26, $0x4;
	v4 =	vadd.f32 v6, v4  }
0x7f: {  	s26 =	sor.u32 $0x8DA0, s22;
	vm5 =	vmmov @p3 vm1;
	[tilespmem:s29+$0x4F20] =	vst.msk vm4, v5  }
0x80: {  	[tilespmem:s26+$0x0] =	vst.msk vm5, v4  }
0x81: {  	v4 =	vld [tilespmem:s29+$0x3F70];
	_ =	sdelay $0x3  }
0x82: {  	v5 =	vimm.f32 $0.0e+00  }
0x83: {  	v4 =	vshift.insert v4, v5, s21  }
0x84: {  	s22 =	sor.u32 $0x40, s2  }
0x85: {  	[tilespmem:s22+$0x0] =	vst.msk $0x1, v4  }
0x86: {  	[tilespmem:s29+$0x3F7F] =	vst.msk $0x1, v5  }
0x87: {  	v4 =	vld [tilespmem:s0+$0x1090];
	_ =	sdelay $0x1  }
0x88: {  	s22 =	smulhi.u32 $0xAAAAAAAB, s20;
	s0 =	simm.s32 $0x1  }
0x89: {  	s0 =	simm.s32 @!p0 $0x0  }
0x8a: {  	s22 =	sshrl.u32 s22, $0x1;
	s0 =	smul.u32 $0x3E80, s0  }
0x8b: {  	s22 =	smul.u32 $0xFFFF4480, s22;
	v4 =	vshift.insert v4, v1, s21  }
0x8c: {  	s0 =	sshrl.u32 s0, $0x2  }
0x8d: {  	s22 =	sshra.s32 s22, $0x2;
	s30 =	sadd.s32 $0x4F20, s0;
	[tilespmem:s2+$0x10] =	vst.msk $0x1, v4  }
0x8e: {  	s22 =	sadd.s32 s22, s19;
	v6 =	vld [tilespmem:s30+$0x0]  }
0x8f: {  	v7 =	vld [tilespmem:s22+$0x0];
	_ =	sdelay $0x3  }
0x90: {  	v5 =	vadd.f32 v6, v5  }
0x91: {  	vm4 =	vne.s32 v7, $0xFFFFFFFF  }
0x92: {  	(xrf2) =	vadd.seg.scan.f32 vm4, v5;
	_ =	sdelay $0x3  }
0x93: {  	s31 =	sadd.s32 $0x2FE0, s0;
	v5 =	vperm.xlane v4, v1  }
0x94: {  	v6 =	vld [tilespmem:s31+$0x0]  }
0x95: {  	vm5 =	veq.s32 v7, v3;
	vm6 =	veq.s32 v7, v5  }
0x96: {  	vm7 =	vgt.u32 v7, $0xFFFFFFFD;
	vm6 =	vmor vm6, vm5  }
0x97: {  	vm6 =	vmor vm6, vm7  }
0x98: {  	v9 =	vld [tilespmem:$0xA0];
	v7 =	vsel vm6, $0xFFFFFFFF, v7  }
0x99: {  	v10 =	vld [tilespmem:$0x90];
	v6 =	vsel vm5, $0x0, v6;
	v8, _, _ =	vpop (xrf2)  }
0x9a: {  	v6 =	vadd.f32 v8, v6  }
0x9b: {  	s0 =	sadd.s32 $0x6E60, s0  }
0x9c: {  	vm4 =	vmand vm4, vm3;
	[tilespmem:s0+$0x0] =	vst v6;
	(ifvalue) =	ssetifvalue $0xFFFFFFFF  }
0x9d: {  	vm6 =	veq.s32 v9, $0x1;
	[hbm4b:s1+s16] =	stream.indirect_vreg.scatter [tilespmem:s0], [sflag:$0x2], $0x1, v7, vm0, $0x4038;
	v7 =	vsel vm4, $0x0, v8;
	[tilespmem:$0x8DC0] =	vst v63  }
0x9e: {  	s2 =	simm.s32 $0x0;
	s22 =	sadd.s32 $0x10, s22;
	vm4 =	vmor vm6, vm5;
	v6 =	vsel vm5, v8, v10;
	v7 =	vshift.insert v7, v0, s21  }
.LBB2_7:
0x9f: {  	v8 =	vld [tilespmem:s22+$0x0];
	s30 =	sadd.s32 $0x10, s30  }
0xa0: {  	s31 =	sadd.s32 $0x10, s31;
	v9 =	vld [tilespmem:s30+$0x0]  }
0xa1: {  	s2 =	sadd.s32 $0x10, s2;
	v10 =	vld [tilespmem:s31+$0x0]  }
0xa2: {  	p2 =	slt.u32 s2, $0xF90;
	_ =	sdelay $0x2  }
0xa3: {  	v7 =	vadd.f32 v9, v7  }
0xa4: {  	vm5 =	vne.s32 v8, $0xFFFFFFFF  }
0xa5: {  	vm6 =	vmand vm5, vm3;
	(xrf2) =	vadd.seg.scan.f32 vm5, v7;
	_ =	sdelay $0x5  }
0xa6: {  	vm7 =	veq.s32 v8, v5;
	vm5 =	veq.s32 v8, v3  }
0xa7: {  	vm8 =	vgt.u32 v8, $0xFFFFFFFD;
	vm4 =	vmor vm4, vm5;
	vm7 =	vmor vm7, vm5  }
0xa8: {  	vm7 =	vmor vm7, vm8  }
0xa9: {  	v8 =	vsel vm7, $0xFFFFFFFF, v8  }
.Ltmp5:
0xaa: {  	v7 =	vsel vm5, $0x0, v10;
	v9, _, _ =	vpop (xrf2);
	(pc) =	sbr.rel @p2 .LBB2_7-.Ltmp5, $4  }
0xab: {  	v6 =	vsel vm5, v9, v6;
	v10 =	vadd.f32 v9, v7;
	v7 =	vsel vm6, $0x0, v9  }
0xac: {  	s0 =	sadd.s32 $0x10, s0;
	v7 =	vshift.insert v7, v0, s21  }
0xad: {  	s22 =	sadd.s32 $0x10, s22;
	[tilespmem:s0+$0x0] =	vst v10;
	(ifvalue) =	ssetifvalue $0xFFFFFFFF  }
0xae: {  	[hbm4b:s1+s16] =	stream.indirect_vreg.scatter [tilespmem:s0], [sflag:$0x2], $0x1, v8, vm0, $0x4038;
	[tilespmem:$0x8DC0] =	vst v63  }
0xaf: {  	v3 =	vld [tilespmem:s29+$0x7DF0];
	_ =	sdelay $0x4  }
0xb0: {  	v3 =	vshift.insert v3, v0, s21  }
0xb1: {  	s0 =	simm.s32 $0x30  }
0xb2: {  	[tilespmem:s0+$0x0] =	vst.msk $0x1, v3  }
0xb3: {  	v3 =	vsel vm4, $0x1, v1;
	[tilespmem:$0x90] =	vst v6  }
0xb4: {  	s0 =	sadd.s32 @!p1 $0x7DFF, s29;
	[tilespmem:$0xA0] =	vst v3  }
0xb5: {  	[spmem:s14] =	stream.linear.scatter @!p1 [tilespmem:s0], [sflag:$0x1], $0x1, $0x38;
	[tilespmem:$0x8DC0] =	vst v63  }
0xb6: {  	s0 =	simm.s32 @!p1 $0x1  }
0xb7: {  	v3 =	vmctz.xlane @!p1 vm4;
	_ =	swait.ge @!p1 [sflag:s0], $0x1  }
0xb8: {  	(v2sf) =	vpush @!p1 v4, $0x0  }
0xb9: {  	(v2sf) =	vpush @!p1 v3, $0x0;
	_ =	sdelay $0xd  }
0xba: {  	s2 =	spop @!p1 (v2sf)  }
0xbb: {  	s22 =	spop @!p1 (v2sf)  }
0xbc: {  	p2 =	sne.s32 @!p1 s28, s2;
	p3 =	slt.s32 @!p1 s22, $0xF  }
0xbd: {  	[sflag:s0] =	ssyncset.done @!p1 $0x0;
	p2 =	por p2, p1;
	p3 =	por !p3, p1  }
0xbe: {  	[sflag:s0] =	ssyncadd.s32 @!p1 $0xFFFFFFFF;
	v3 =	vimm.s32 @!p2 $0xFFFFFFFF;
	s22 =	simm.s32 @p3 $0xF  }
0xbf: {  	[tilespmem:$0x80] =	vst @!p2 v3;
	s2 =	sadd.s32 @!p1 $0x90, s22  }
0xc0: {  	[spmem:s10] =	stream.linear.scatter @!p1 [tilespmem:s2], [sflag:$0x1], $0x1, $0x38;
	[tilespmem:$0x8DC0] =	vst v63  }
0xc1: {  	_ =	swait.ge @!p1 [sflag:s0], $0x1  }
0xc2: {  	[sflag:s0] =	ssyncset.done @!p1 $0x0  }
0xc3: {  	s2 =	simm.s32 @!p1 $0x80;
	[sflag:s0] =	ssyncadd.s32 @!p1 $0xFFFFFFFF  }
0xc4: {  	[spmem:s15] =	stream.linear.scatter @!p1 [tilespmem:s2], [sflag:$0x1], $0x1, $0x38;
	[tilespmem:$0x8DC0] =	vst v63  }
0xc5: {  	_ =	swait.ge @!p1 [sflag:s0], $0x1  }
0xc6: {  	[sflag:s0] =	ssyncset.done @!p1 $0x0  }
0xc7: {  	[sflag:s0] =	ssyncadd.s32 @!p1 $0xFFFFFFFF;
	(ifvalue) =	ssetifvalue $0xFFFFFFFF;
	v3 =	vld [tilespmem:s25+$0x10];
	_ =	sdelay $0x3  }
.Ltmp6:
0xc8: {  	_ = 	snop;
	(pc) =	sbr.rel .LBB2_9-.Ltmp6, $3  }
0xc9: {  	_ =	sdelay $0x1  }
0xca: {  	(ifvalue) =	ssetifvalue $0xFFFFFFFF  }
0xcb: {  	[hbm4b:s1+s16] =	stream.indirect_vreg.scatter [tilespmem:s26], [sflag:$0x9], $0x1, v3, vm0, $0x4038;
	[tilespmem:$0x8DC0] =	vst v63  }
.LBB2_10:
0xcc: {  	_ =	sfence.sel $0x180000  }
0xcd: {  	s0 =	simm.s32 $0x7;
	[bflag:$0x0] =	sbarrier.arrive $0xFFFF  }
0xce: {  	s26 =	simm.s32 $0x8;
	[sflag:s0] =	ssyncpa.u1 $0x1  }
0xcf: {  	s28 =	simm.s32 $0x9;
	[sflag:s26] =	ssyncpa.u1 $0x1  }
0xd0: {  	[sflag:s28] =	ssyncpa.u1 $0x1  }
0xd1: {  	_ =	sfence.stream.spmem  }
0xd2: {  	s29 =	simm.s32 $0x3;
	[bflag:$0x0] =	sbarrier.arrive $0xFFFF  }
0xd3: {  	s30 =	simm.s32 $0x4;
	[sflag:s29] =	ssyncpa.u1 $0x1  }
0xd4: {  	s31 =	simm.s32 $0x3C;
	s2 =	stileid.u32;
	[sflag:s30] =	ssyncpa.u1 $0x1  }
0xd5: {  	p0 =	sne.s32 s2, $0x0;
	[sflag:s31] =	ssyncpa.u1 $0x1  }
0xd6: {  	s0 =	simm.s32 @p0 $0x1;
	_ =	sfence @p0  }
0xd7: {  	[sflag:s0] =	ssyncpa.u1 @p0 $0x1;
	s0 =	simm.s32 @p0 $0x2  }
0xd8: {  	[sflag:s0] =	ssyncpa.u1 @p0 $0x1  }
0xd9: {  	_ =	strace @p0 $0x9000004D  }
0xda: {  	[bflag:$0x2] =	sbarrier.arrive @p0 $0xFFFF  }
0xdb: {  	_ =	shalt @p0  }
.LBB2_11:
0xdc: {  	_ =	sfence.stream.spmem;
	s0 =	simm.s32 $0x5  }
0xdd: {  	s2 =	simm.s32 $0x80;
	s3 =	simm.s32 $0xC0;
	[sflag:s0] =	ssyncpa.u1 $0x0  }
0xde: {  	[tilespmem:s3], [sflag:$0x5] =	stream.linear.gather [spmem:s2], $0x20, $0x38;
	[tilespmem:$0x8DC0] =	vst v63  }
0xdf: {  	s2 =	simm.s32 $0x0;
	s3 =	simm.s32 $0xE0  }
0xe0: {  	[tilespmem:s3], [sflag:$0x5] =	stream.linear.gather [spmem:s2], $0x20, $0x38;
	[tilespmem:$0x8DC0] =	vst v63  }
.Ltmp7:
0xe1: {  	_ = 	snop;
	(pc) =	sbr.rel .LBB2_12-.Ltmp7, $4  }
0xe2: {  	_ =	swait.ge [sflag:s0], $0x40  }
0xe3: {  	[sflag:s0] =	ssyncset.done $0x0  }
0xe4: {  	s31 =	simm.s32 $0x6;
	[sflag:s0] =	ssyncadd.s32 $0xFFFFFFC0  }
0xe5: {  	s4 =	simm.s32 $0x0;
	[sflag:s31] =	ssyncpa.u1 $0x0  }
.LBB2_17:
0xe6: {  	p0 =	sgt.u32 s5, $0x3FFFF  }
0xe7: {  	s0 =	sshrl.u32 @!p0 s5, $0x3  }
0xe8: {  	s5 =	sand.u32 @!p0 $0x7, s5;
	s6 =	simm.s32 @!p0 $0xB0;
	s0 =	sadd.s32 @!p0 s1, s0  }
0xe9: {  	[tilespmem:s6], [sflag:$0x6] =	stream.linear.gather @!p0 [hbm4b:s0+s5], $0x1, $0x38;
	[tilespmem:$0x8DC0] =	vst v63  }
0xea: {  	s0 =	simm.s32 @!p0 $0x6  }
0xeb: {  	_ =	swait.ge @!p0 [sflag:s0], $0x1  }
0xec: {  	[sflag:s0] =	ssyncset.done @!p0 $0x0  }
0xed: {  	[sflag:s0] =	ssyncadd.s32 @!p0 $0xFFFFFFFF  }
0xee: {  	v2 =	vmov @!p0 s4;
	v1 =	vld.msk @!p0 [tilespmem:$0xB0], $0x1;
	_ =	sdelay $0x3  }
0xef: {  	s0 =	simm.s32 @!p0 $0xE0  }
0xf0: {  	[tilespmem:v2+s0+$0x0], v1 =	vst.idx.ret.add.f32.msk @!p0 $0x1, v1  }
0xf1: {  	[tilespmem:s2+$0xC0] =	vst.msk $0x1, v0  }
0xf2: {  	v0 =	vld.msk [tilespmem:s4+$0xE0], $0x1;
	_ =	sdelay $0x4  }
0xf3: {  	[tilespmem:s2+$0xE0] =	vst.msk $0x1, v0;
	s2 =	sadd.s32 $0x1, s2  }
.LBB2_19:
0xf4: {  	s4 =	sadd.s32 $0x1, s4  }
0xf5: {  	p0 =	sne.s32 s4, $0x20  }
.Ltmp8:
0xf6: {  	_ = 	snop;
	(pc) =	sbr.rel @!p0 .LBB2_20-.Ltmp8, $1  }
0xf7: {  	_ =	sdelay $0x3  }
.LBB2_12:
0xf8: {  	v0 =	vld.msk [tilespmem:s4+$0xC0], $0x1;
	_ =	sdelay $0x4  }
0xf9: {  	(v2sf) =	vpush v0, $0x0;
	_ =	sdelay $0xe  }
0xfa: {  	s5 =	spop (v2sf)  }
0xfb: {  	p0 =	seq.s32 s5, $0xFFFFFFFF  }
.Ltmp9:
0xfc: {  	_ = 	snop;
	(pc) =	sbr.rel @p0 .LBB2_19-.Ltmp9, $1  }
0xfd: {  	_ =	sdelay $0x3  }
0xfe: {  	p0 =	slt.s32 s2, $0x1  }
.Ltmp10:
0xff: {  	_ = 	snop;
	(pc) =	sbr.rel @p0 .LBB2_17-.Ltmp10, $1  }
0x100: {  	_ =	sdelay $0x3  }
0x101: {  	s0 =	simm.s32 $0xC0;
	p0 =	por $0x0, $0x0  }
0x102: {  	v1 =	vld.msk @!p0 [tilespmem:s0+$0x0], $0x1;
	_ =	sdelay $0x4  }
0x103: {  	(v2sf) =	vpush @!p0 v1, $0x0;
	_ =	sdelay $0xd  }
0x104: {  	p2 =	sne.s32 s2, $0x1  }
.Ltmp11:
0x105: {  	s6 =	spop @!p0 (v2sf);
	(pc) =	sbr.rel @!p2 .LBB2_16-.Ltmp11, $4  }
0x106: {  	p1 =	seq.s32 @!p0 s5, s6  }
0x107: {  	s6 =	simm.s32 $0x0;
	p1 =	por !p1, p0  }
0x108: {  	s8 =	simm.s32 $0xFFFFFFFF;
	s6 =	simm.s32 @p1 $0xFFFFFFFF  }
0x109: {  	s7 =	simm.s32 $0x1;
	s6 =	smov.u32 @p0 s8  }
.LBB2_15:
0x10a: {  	s8 =	smov.u32 s6;
	p0 =	sne.s32 s6, $0xFFFFFFFF  }
0x10b: {  	s0 =	sadd.s32 $0x1, s0;
	s6 =	smov.u32 s7;
	s7 =	sadd.s32 $0x1, s7  }
0x10c: {  	p1 =	sne.s32 s2, s7;
	v1 =	vld.msk @!p0 [tilespmem:s0+$0x0], $0x1;
	_ =	sdelay $0x4  }
0x10d: {  	(v2sf) =	vpush @!p0 v1, $0x0;
	_ =	sdelay $0xe  }
.Ltmp12:
0x10e: {  	s9 =	spop @!p0 (v2sf);
	(pc) =	sbr.rel @p1 .LBB2_15-.Ltmp12, $4  }
0x10f: {  	p2 =	seq.s32 @!p0 s5, s9  }
0x110: {  	p2 =	por !p2, p0  }
0x111: {  	s6 =	simm.s32 @p2 $0xFFFFFFFF  }
0x112: {  	s6 =	smov.u32 @p0 s8  }
.LBB2_16:
0x113: {  	p0 =	sne.s32 s6, $0xFFFFFFFF  }
.Ltmp13:
0x114: {  	_ = 	snop;
	(pc) =	sbr.rel @!p0 .LBB2_17-.Ltmp13, $1  }
0x115: {  	_ =	sdelay $0x3  }
0x116: {  	v0 =	vld.msk [tilespmem:s4+$0xE0], $0x1;
	v1 =	vmov s6  }
.Ltmp14:
0x117: {  	_ = 	snop;
	(pc) =	sbr.rel .LBB2_19-.Ltmp14, $2  }
0x118: {  	_ =	sdelay $0x2  }
0x119: {  	[tilespmem:v1+s3+$0x0], v0 =	vst.idx.ret.add.f32.msk $0x1, v0  }
.LBB2_20:
0x11a: {  	p0 =	slt.s32 s2, $0x1  }
.Ltmp15:
0x11b: {  	_ = 	snop;
	(pc) =	sbr.rel @p0 .LBB2_24-.Ltmp15, $3  }
0x11c: {  	_ =	sdelay $0x1  }
0x11d: {  	s0 =	simm.s32 $0x6  }
0x11e: {  	s3 =	simm.s32 $0x0;
	[sflag:s0] =	ssyncpa.u1 $0x1  }
0x11f: {  	s0 =	simm.s32 $0xC0  }
0x120: {  	v0 =	vld.msk [tilespmem:s0+$0x0], $0x1;
	_ =	sdelay $0x4  }
0x121: {  	(v2sf) =	vpush v0, $0x0;
	_ =	sdelay $0xe  }
0x122: {  	s2 =	sadd.s32 $0xFFFFFFFF, s2;
	s4 =	spop (v2sf)  }
0x123: {  	p1 =	sne.s32 s2, $0x0;
	p0 =	sgt.u32 s4, $0x3FFFF  }
.Ltmp16:
0x124: {  	s5 =	sshrl.u32 @!p0 s4, $0x3;
	(pc) =	sbr.rel @!p1 .LBB2_23-.Ltmp16, $4  }
0x125: {  	s0 =	simm.s32 $0xE0;
	s4 =	sand.u32 @!p0 $0x7, s4;
	s5 =	sadd.s32 @!p0 s1, s5  }
0x126: {  	[hbm4b:s5+s4] =	stream.linear.scatter @!p0 [tilespmem:s0], [sflag:$0x5], $0x1, $0x38;
	[tilespmem:$0x8DC0] =	vst v63  }
0x127: {  	s5 =	simm.s32 $0x0  }
0x128: {  	s4 =	simm.s32 $0xC1;
	s5 =	simm.s32 @!p0 $0x4  }
.LBB2_22:
0x129: {  	v0 =	vld.msk [tilespmem:s4+$0x0], $0x1;
	s2 =	sadd.s32 $0xFFFFFFFF, s2;
	s3 =	sadd.s32 s3, s5  }
0x12a: {  	p0 =	sne.s32 s2, $0x0;
	_ =	sdelay $0x3  }
0x12b: {  	(v2sf) =	vpush v0, $0x0;
	_ =	sdelay $0xe  }
.Ltmp17:
0x12c: {  	s6 =	spop (v2sf);
	(pc) =	sbr.rel @p0 .LBB2_22-.Ltmp17, $4  }
0x12d: {  	s5 =	simm.s32 $0x0;
	p1 =	sgt.u32 s6, $0x3FFFF  }
0x12e: {  	s0 =	sadd.s32 $0x1, s0;
	s5 =	simm.s32 @!p1 $0x4;
	s7 =	sshrl.u32 @!p1 s6, $0x3  }
0x12f: {  	s4 =	sadd.s32 $0x1, s4;
	s6 =	sand.u32 @!p1 $0x7, s6;
	s7 =	sadd.s32 @!p1 s1, s7  }
0x130: {  	[hbm4b:s7+s6] =	stream.linear.scatter @!p1 [tilespmem:s0], [sflag:$0x5], $0x1, $0x38;
	[tilespmem:$0x8DC0] =	vst v63  }
.LBB2_23:
0x131: {  	s0 =	sadd.s32 s3, s5  }
0x132: {  	s3 =	sshrl.u32 s0, $0x2  }
.LBB2_24:
0x133: {  	s0 =	simm.s32 $0x5  }
0x134: {  	_ =	swait.ge [sflag:s0], s3  }
0x135: {  	s1 =	ssub.s32 $0x0, s3;
	[sflag:s0] =	ssyncset.done $0x0  }
0x136: {  	[sflag:s0] =	ssyncadd.s32 s1  }
0x137: {  	[sflag:s0] =	ssyncpa.u1 $0x1  }
0x138: {  	s29 =	simm.s32 $0x1;
	_ =	sfence  }
0x139: {  	s30 =	simm.s32 $0x2;
	[sflag:s29] =	ssyncpa.u1 $0x1  }
0x13a: {  	[sflag:s30] =	ssyncpa.u1 $0x1  }
0x13b: {  	_ =	strace $0x9000004D  }
0x13c: {  	[bflag:$0x2] =	sbarrier.arrive $0xFFFF  }
0x13d: {  	s31 =	rddreg [dreg:$0x1]  }
0x13e: {  	s0 =	sadd.s32 $0x100000, s31  }
0x13f: {  	[sflag:s0] =	ssyncadd.tile.s32 $0x1;
	_ =	shalt  }
.Lfunc_end2:
_tile_overlayer_lowered:
.L_overlay_start_2:
0x140: {  	(tag) =	ssettag $0x2  }
0x141: {  	s0 =	rddreg [dreg:$0x0];
	s2 =	stileid.u32  }
0x142: {  	s1 =	rddreg [dreg:$0x1];
	p0 =	sne.s32 s2, $0x0  }
0x143: {  	s3 =	rddreg [dreg:$0x2];
	[bflag:$0x3] =	sbarrier.arrive $0xFFFF;
	s2 =	simm.s32 @!p0 $0x1C01  }
0x144: {  	[timem:s3], [sflag:s2] =	dma.local @!p0 [hbm:s0], s1  }
0x145: {  	s0 =	simm.s32 @!p0 $0x1  }
0x146: {  	_ =	swait.ge @!p0 [sflag:s0], s1  }
0x147: {  	s1 =	ssub.s32 @!p0 $0x0, s1;
	[sflag:s0] =	ssyncset.done @!p0 $0x0  }
0x148: {  	[sflag:s0] =	ssyncadd.s32 @!p0 s1  }
0x149: {  	[bflag:$0x3] =	sbarrier.arrive $0xFFFF  }
0x14a: {  	_ =	shalt  }

// kernel: scatter_offload_async_start.3
scs
__scs_entry_jumppad:
0x0: {  	(pc) =	sbr.rel $0x88, $3  }
0x1: {  	(tag) =	ssettag $0x0;
	lr =	simm.s32 $0x1  }
0x2: {  	[smem:$0x3F9E] =	sst lr;
	_ =	strace $0xD0000000  }
0x3: {  	_ = 	snop  }
0x4: {  	_ = 	snop  }
0x5: {  	_ = 	snop  }
0x6: {  	_ = 	snop  }
0x7: {  	_ = 	snop  }
__scs_overlays_trampoline_lowered:
0x8: {  	[smem:$0x3FAD] =	sst s0  }
0x9: {  	[smem:$0x3FAE] =	sst s1  }
0xa: {  	[smem:$0x3FAF] =	sst s2  }
0xb: {  	[smem:$0x3FB0] =	sst s3  }
0xc: {  	[smem:$0x3FB1] =	sst s4  }
0xd: {  	[smem:$0x3FB2] =	sst s5  }
0xe: {  	[smem:$0x3FB3] =	sst s6  }
0xf: {  	[smem:$0x3FB4] =	sst s7  }
0x10: {  	[smem:$0x3FB5] =	sst s8  }
0x11: {  	[smem:$0x3FB6] =	sst s9;
	s0 =	simm.s32 @!p0 $0x0  }
0x12: {  	s1 =	sld [smem:$0x3F9C];
	s0 =	simm.s32 @p0 $0x1  }
0x13: {  	[smem:$0x3FB7] =	sst s0;
	s0 =	simm.s32 @!p1 $0x0  }
0x14: {  	s2 =	sld [smem:$0x3F9B];
	s0 =	simm.s32 @p1 $0x1  }
0x15: {  	[smem:$0x3FB8] =	sst s0;
	s0 =	simm.s32 @!p2 $0x0  }
0x16: {  	s3 =	sld [smem:$0x3FDB];
	s0 =	simm.s32 @p2 $0x1  }
0x17: {  	s4 =	simm.s32 $0x1BF5;
	[smem:$0x3FBA] =	sst s0  }
0x18: {  	s0 =	sld [smem:$0x3F9D];
	_ =	swait.ge [sflag:s4], $0x0  }
0x19: {  	s7 =	sld [smem:$0x3F9E]  }
0x1a: {  	s8 =	sadd.s32 $0xFFFFE003, lr  }
0x1b: {  	s9 =	sadd.s32 $0xFFFFFEF7, lr;
	s5 =	simm.s32 $0xFFFFFFFF;
	p2 =	slt.u32 s8, $0xFFFFF086  }
0x1c: {  	p1 =	slt.u32 s9, $0xF7A;
	s5 =	simm.s32 @!p2 $0x0  }
0x1d: {  	s5 =	simm.s32 @p1 $0x1;
	p0 =	seq.s32 s7, s2  }
0x1e: {  	s7 =	smul.u32 @!p0 $0xF7A, s2;
	p2 =	seq.s32 @!p0 s5, $0x0  }
0x1f: {  	s9 =	smul.u32 $0xF7A, s1;
	s8 =	simm.s32 @!p0 $0x1BF5;
	p2 =	por !p2, p0  }
0x20: {  	[sflag:s8] =	ssyncset.s32 @!p0 $0xFFFFF086;
	s6 =	sadd.s32 @!p0 s3, s7;
	s7 =	simm.s32 @!p0 $0x108  }
0x21: {  	s3 =	sadd.s32 s3, s9;
	s6 =	sadd.s32 @!p0 $0x88, s6;
	s7 =	simm.s32 @p2 $0x1082  }
0x22: {  	[simem:s7], [sflag:s8] =	dma.local @!p0 [hbm:s6], $0xF7A  }
0x23: {  	s9 =	sor.u32 $0xD0000000, s2;
	s6 =	simm.s32 $0x108;
	_ =	swait.ge @!p0 [sflag:s8], $0x0  }
0x24: {  	s3 =	sadd.s32 $0x88, s3;
	s6 =	simm.s32 @!p1 $0x1082;
	[sflag:s4] =	ssyncset.s32 $0xFFFFF086  }
0x25: {  	[simem:s6], [sflag:s4] =	dma.local [hbm:s3], $0xF7A  }
0x26: {  	[smem:$0x3F9E] =	sst s1;
	(tag) =	ssettag s2;
	_ =	strace s9  }
0x27: {  	s1 =	sld [smem:$0x3FAE]  }
0x28: {  	s2 =	sld [smem:$0x3FAF]  }
0x29: {  	s4 =	sld [smem:$0x3FB1]  }
0x2a: {  	p0 =	seq.s32 s5, $0x0;
	s5 =	sld [smem:$0x3FB2]  }
0x2b: {  	s6 =	sld [smem:$0x3FB3]  }
0x2c: {  	s7 =	sld [smem:$0x3FB4]  }
0x2d: {  	s3 =	simm.s32 $0x108;
	s8 =	sld [smem:$0x3FB5]  }
0x2e: {  	s3 =	simm.s32 @!p0 $0x1082;
	s9 =	sld [smem:$0x3FB6]  }
0x2f: {  	lr =	sadd.s32 s0, s3;
	s0 =	sld [smem:$0x3FAD]  }
0x30: {  	s3 =	sld [smem:$0x3FB0]  }
0x31: {  	[smem:$0x3FB9] =	sst s10  }
0x32: {  	s10 =	sld [smem:$0x3FB7];
	_ =	sdelay $0x3  }
0x33: {  	p0 =	seq.s32 s10, $0x1;
	s10 =	sld [smem:$0x3FB9];
	_ =	sdelay $0x3  }
0x34: {  	[smem:$0x3FB9] =	sst s10  }
0x35: {  	s10 =	sld [smem:$0x3FB8];
	_ =	sdelay $0x3  }
0x36: {  	p1 =	seq.s32 s10, $0x1;
	s10 =	sld [smem:$0x3FB9];
	_ =	sdelay $0x3  }
0x37: {  	[smem:$0x3FB9] =	sst s10  }
0x38: {  	s10 =	sld [smem:$0x3FBA]  }
0x39: {  	_ = 	snop;
	(pc) =	sbr.ind lr, $3  }
0x3a: {  	_ = 	snop  }
0x3b: {  	_ = 	snop  }
0x3c: {  	p2 =	seq.s32 s10, $0x1;
	s10 =	sld [smem:$0x3FB9]  }
0x3d: {  	_ =	shalt  }
0x3e: {  	_ =	shalt  }
0x3f: {  	_ =	shalt  }
0x40: {  	_ =	shalt  }
0x41: {  	_ =	shalt  }
0x42: {  	_ =	shalt  }
0x43: {  	_ =	shalt  }
0x44: {  	_ =	shalt  }
0x45: {  	_ =	shalt  }
0x46: {  	_ =	shalt  }
0x47: {  	_ =	shalt  }
0x48: {  	_ =	shalt  }
0x49: {  	_ =	shalt  }
0x4a: {  	_ =	shalt  }
0x4b: {  	_ =	shalt  }
0x4c: {  	_ =	shalt  }
0x4d: {  	_ =	shalt  }
0x4e: {  	_ =	shalt  }
0x4f: {  	_ =	shalt  }
0x50: {  	_ =	shalt  }
0x51: {  	_ =	shalt  }
0x52: {  	_ =	shalt  }
0x53: {  	_ =	shalt  }
0x54: {  	_ =	shalt  }
0x55: {  	_ =	shalt  }
0x56: {  	_ =	shalt  }
0x57: {  	_ =	shalt  }
0x58: {  	_ =	shalt  }
0x59: {  	_ =	shalt  }
0x5a: {  	_ =	shalt  }
0x5b: {  	_ =	shalt  }
0x5c: {  	_ =	shalt  }
0x5d: {  	_ =	shalt  }
0x5e: {  	_ =	shalt  }
0x5f: {  	_ =	shalt  }
0x60: {  	_ =	shalt  }
0x61: {  	_ =	shalt  }
0x62: {  	_ =	shalt  }
0x63: {  	_ =	shalt  }
0x64: {  	_ =	shalt  }
0x65: {  	_ =	shalt  }
0x66: {  	_ =	shalt  }
0x67: {  	_ =	shalt  }
0x68: {  	_ =	shalt  }
0x69: {  	_ =	shalt  }
0x6a: {  	_ =	shalt  }
0x6b: {  	_ =	shalt  }
0x6c: {  	_ =	shalt  }
0x6d: {  	_ =	shalt  }
0x6e: {  	_ =	shalt  }
0x6f: {  	_ =	shalt  }
0x70: {  	_ =	shalt  }
0x71: {  	_ =	shalt  }
0x72: {  	_ =	shalt  }
0x73: {  	_ =	shalt  }
0x74: {  	_ =	shalt  }
0x75: {  	_ =	shalt  }
0x76: {  	_ =	shalt  }
0x77: {  	_ =	shalt  }
0x78: {  	_ =	shalt  }
0x79: {  	_ =	shalt  }
0x7a: {  	_ =	shalt  }
0x7b: {  	_ =	shalt  }
0x7c: {  	_ =	shalt  }
0x7d: {  	_ =	shalt  }
0x7e: {  	_ =	shalt  }
0x7f: {  	_ =	shalt  }
0x80: {  	_ =	shalt  }
0x81: {  	_ =	shalt  }
0x82: {  	_ =	shalt  }
0x83: {  	_ =	shalt  }
0x84: {  	_ =	shalt  }
0x85: {  	_ =	shalt  }
0x86: {  	_ =	shalt  }
0x87: {  	_ =	shalt  }
.Lfunc_end0:
.L_simem_size_0:
called_computation.3_lowered:
.L_overlay_start_0:
0x88: {  	s0 =	sld [smem:$0x3FD9]  }
0x89: {  	s1 =	sld [smem:$0x3FFE];
	_ =	sdelay $0x3  }
0x8a: {  	s0 =	sadd.s32 s1, s0  }
0x8b: {  	[smem:$0x3FC5] =	sst s0  }
0x8c: {  	_ = 	snop  }
0x8d: {  	(tm) =	ssettm $0x1  }
0x8e: {  	s15 =	sld [smem:$0x3FFB];
	_ =	sdelay $0x3  }
0x8f: {  	_ =	strace s15  }
0x90: {  	s0 =	sld [smem:$0x3FFC];
	_ =	sdelay $0x3  }
0x91: {  	_ =	strace s0  }
0x92: {  	s0 =	sld [smem:$0x3FFD];
	_ =	sdelay $0x3  }
0x93: {  	_ =	strace s0  }
0x94: {  	_ =	strace $0x8FFFFFFF  }
0x95: {  	s16 =	sld [smem:$0x3FDB];
	_ =	sdelay $0x1  }
0x96: {  	s17 =	simm.s32 $_scs_section_size  }
0x97: {  	s2 =	simm.s32 $_size__tile_overlayer_lowered;
	s3 =	simm.s32 $_tile_overlayer_lowered  }
0x98: {  	s20 =	simm.s32 $0x1BFF;
	s19 =	sshll.u32 s3, $0x1;
	s0 =	sadd.s32 s17, s16  }
0x99: {  	s4 =	simm.s32 $0x0;
	s18 =	sshll.u32 s2, $0x1;
	s2 =	sadd.s32 s19, s0  }
0x9a: {  	[timem:s4], [sflag:s20] =	dma.local [hbm:s2], s18  }
0x9b: {  	_ =	swait.ge [sflag:s20], s18  }
0x9c: {  	s1 =	ssub.s32 $0x0, s18;
	[sflag:s20] =	ssyncset.done $0x0  }
0x9d: {  	[sflag:s20] =	ssyncadd.s32 s1;
	_ =	sdelay $0x1  }
0x9e: {  	s21 =	simm.s32 $0x1B8B  }
0x9f: {  	_ =	swait.ge [sflag:s21], $0x1  }
0xa0: {  	[sflag:s21] =	ssyncset.done $0x0  }
0xa1: {  	s23 =	simm.s32 $0x1B8E;
	s22 =	sld [smem:$0x3FFE];
	[sflag:s21] =	ssyncadd.s32 $0xFFFFFFFF  }
0xa2: {  	s24 =	simm.s32 $execute0_lowered;
	[smem:$0x3FD2] =	sst s23  }
0xa3: {  	s2 =	sshll.u32 s24, $0x1;
	_ =	strace $0x8000004F;
	[dreg:$0x1] =	wrdreg $0xFFFFFFFF  }
0xa4: {  	s25 =	simm.s32 $_size_execute0_lowered;
	s0 =	sadd.s32 s0, s2;
	[dreg:$0x0] =	wrdreg $0x0  }
0xa5: {  	s2 =	sshll.u32 s25, $0x1;
	[dreg:$0x2] =	wrdreg s0  }
0xa6: {  	[dreg:$0x3] =	wrdreg s2  }
0xa7: {  	[dreg:$0x4] =	wrdreg $0xC0  }
0xa8: {  	_ =	task [dreg:s4], $0x5FFFF  }
0xa9: {  	[dreg:$0x1] =	wrdreg $0xFFFFFFFF  }
0xaa: {  	[dreg:$0x0] =	wrdreg $0x60  }
0xab: {  	[dreg:$0x2] =	wrdreg s22  }
0xac: {  	[dreg:$0x3] =	wrdreg $0x9  }
0xad: {  	_ =	task.clear_ibuf [dreg:s4], $0x4FFFF;
	_ =	strace $0x9000004F  }
0xae: {  	s26 =	simm.s32 $0x9;
	_ =	strace $0x80000051  }
0xaf: {  	_ =	swait.ge [sflag:s26], $0x1  }
0xb0: {  	[sflag:s26] =	ssyncadd.s32 $0xFFFFFFFF  }
0xb1: {  	_ =	strace $0x90000051  }
0xb2: {  	_ =	sfence  }
0xb3: {  	s28 =	sld [smem:$0x0];
	_ =	sdelay $0x1  }
0xb4: {  	s29 =	srdreg.scid  }
0xb5: {  	s30 =	sshll.u32 s29, $0xD;
	s31 =	sshrl.u32 s29, $0x2  }
0xb6: {  	s1 =	sand.u32 $0x1, s29;
	s2 =	sand.u32 $0x4000, s30;
	s0 =	sadd.s32 s31, s28  }
0xb7: {  	s1 =	sor.u32 s2, s1;
	s0 =	sshll.u32 s0, $0x11  }
0xb8: {  	s0 =	sor.u32 s0, s1  }
0xb9: {  	s0 =	sadd.s32 $0x8F2B, s0  }
0xba: {  	[sflag:s0] =	ssyncadd.remote.s32 $0x1  }
0xbb: {  	_ =	sfence.sel $0xFFFF  }
0xbc: {  	[dreg:$0x0] =	wrdreg $0xFFFFFFFF;
	(pc) =	sbr.abs _section_cstart, $3  }
0xbd: {  	[dreg:$0x1] =	wrdreg $0xFFFFFFFF  }
0xbe: {  	_ =	task.clear_ibuf [dreg:s4], $0x2FFFF;
	_ =	strace $0x9FFFFFFF  }
0xbf: {  	(tm) =	ssettm $0x7FFFFFFF  }
tec
execute0_lowered:
.L_overlay_start_1:
0x0: {  	(tag) =	ssettag $0x1  }
0x1: {  	s0 =	rddreg [dreg:$0x0];
	s14 =	stileid.u32  }
0x2: {  	_ =	strace $0x80000050;
	s2 =	simm.s32 $0x1;
	s1 =	smul.u32 $0x7, s14  }
0x3: {  	v1 =	vimm.s32 $0xFFFFFFFF;
	s3 =	smin.u32 s14, $0xD;
	[sflag:s2] =	ssyncpa.u1 $0x0  }
0x4: {  	[tilespmem:$0x10] =	vst v1;
	s1 =	sadd.s32 s3, s1  }
0x5: {  	v0 =	vimm.f32 $0.0e+00;
	p0 =	slt.u32 s14, $0xD;
	[tilespmem:$0x20] =	vst v1;
	s3 =	smul.u32 $0xFA0, s1;
	s1 =	simm.s32 $0x7D00  }
0x6: {  	[tilespmem:$0x30] =	vst v0;
	s1 =	simm.s32 @!p0 $0x6D60  }
0x7: {  	[tilespmem:$0x40] =	vst v0;
	s1 =	sadd.s32 s1, s3  }
0x8: {  	[tilespmem:$0x50] =	vst v0;
	s4 =	smin.u32 s1, $0x7A120  }
0x9: {  	[tilespmem:$0x60] =	vst v1;
	s9 =	ssub.s32 s4, s3  }
0xa: {  	s7 =	simm.s32 $0x2;
	s8 =	simm.s32 $0x8;
	[tilespmem:$0x70] =	vst v1;
	p0 =	sgt.s32 s9, $0x0  }
0xb: {  	s31 =	simm.s32 $0x9;
	s16 =	simm.s32 $0x0;
	[tilespmem:$0x80] =	vst v1;
	s9 =	simm.s32 @!p0 $0x0  }
0xc: {  	s17 =	simm.s32 $0xF0;
	s18 =	simm.s32 $0xFFFFFFFF;
	v1 =	vimm.s32 $0x0;
	[tilespmem:$0xB0] =	vst v0;
	s5 =	smulhi.u32 $0x10624DD3, s9  }
0xd: {  	s19 =	simm.s32 $0xFFFFE1C0;
	s20 =	simm.s32 $0xFFFFFFFE;
	s21 =	simm.s32 $0xF;
	[tilespmem:$0x90] =	vst v1  }
0xe: {  	[tilespmem:$0xA0] =	vst v1;
	[sflag:s7] =	ssyncpa.u1 $0x0;
	s7 =	simm.s32 $0x7;
	s10 =	sshrl.u32 s5, $0x8  }
0xf: {  	s25 =	simm.s32 $0x0;
	[sflag:s7] =	ssyncpa.u1 $0x0;
	s11 =	smul.u32 $0xFA0, s10  }
0x10: {  	s24 =	simm.s32 $0x0;
	s6 =	sadd.s32 $0x161E00, s0;
	[sflag:s8] =	ssyncpa.u1 $0x0  }
.Ltmp0:
0x11: {  	[sflag:s31] =	ssyncpa.u1 $0x0;
	p0 =	sne.s32 s9, s11;
	(pc) =	sbr.rel .LBB2_1-.Ltmp0, $4  }
0x12: {  	s23 =	smov.u32 s3;
	s1 =	sadd.s32 $0x1BE400, s0;
	s2 =	simm.s32 @!p0 $0x0  }
0x13: {  	s5 =	sadd.s32 $0x152800, s0;
	p0 =	por $0x0, $0x0;
	s9 =	sadd.s32 s2, s10  }
0x14: {  	vm0 =	vmmov $0xffff;
	v2 =	vlaneseq.u32;
	s10 =	sshll.u32 s14, $0x1;
	s14 =	sshllo.u32 s14, $0x1;
	s11 =	sadd.s32 $0x1, s9  }
0x15: {  	vm1 =	vmxor vm1, vm1;
	vm2 =	vmmov $0x1;
	vm3 =	vcmask $0x3F3C;
	s12 =	sadd.s32 $0x2, s9;
	s13 =	sor.u32 $0x81, s10;
	s15 =	sor.u32 $0x80, s10  }
.LBB2_9:
0x16: {  	p1 =	slt.u32 s24, $0x3  }
0x17: {  	s0 =	simm.s32 @!p1 $0x2  }
0x18: {  	_ =	swait.ge @!p1 [sflag:s0], $0xFA0  }
0x19: {  	[sflag:s0] =	ssyncset.done @!p1 $0x0  }
0x1a: {  	[sflag:s0] =	ssyncadd.s32 @!p1 $0xFFFFF060;
	s0 =	simm.s32 @!p1 $0x9  }
0x1b: {  	_ =	swait.ge @!p1 [sflag:s0], $0x10  }
0x1c: {  	[sflag:s0] =	ssyncset.done @!p1 $0x0  }
0x1d: {  	[sflag:s0] =	ssyncadd.s32 @!p1 $0xFFFFFFF0;
	p1 =	sne.s32 s24, s12  }
.Ltmp1:
0x1e: {  	s2 =	sadd.s32 $0xFA0, s23;
	(pc) =	sbr.rel @!p1 .LBB2_10-.Ltmp1, $4  }
0x1f: {  	s22 =	smov.u32 s3;
	s31 =	sadd.s32 $0x1, s24;
	s17 =	sadd.s32 $0xFA0, s17  }
0x20: {  	s18 =	sadd.s32 $0x1, s18;
	s25 =	smov.u32 s23;
	p2 =	slt.s32 s2, s4  }
0x21: {  	p0 =	por !p0, !p0;
	s19 =	sadd.s32 $0xFA0, s19;
	s22 =	smov.u32 @p2 s2  }
0x22: {  	s20 =	sadd.s32 $0x1, s20;
	s23 =	smov.u32 s22;
	s24 =	smov.u32 s31  }
.LBB2_1:
0x23: {  	p1 =	sge.u32 s24, s9  }
0x24: {  	s0 =	smulhi.u32 @!p1 $0xAAAAAAAB, s24;
	_ =	sdelay $0x1  }
0x25: {  	s0 =	sshrl.u32 @!p1 s0, $0x1  }
0x26: {  	s0 =	smul.u32 @!p1 $0x3, s0;
	_ =	sdelay $0x1  }
0x27: {  	s0 =	ssub.s32 @!p1 s24, s0  }
0x28: {  	s0 =	smul.u32 @!p1 $0x3E80, s0;
	_ =	sdelay $0x1  }
0x29: {  	s2 =	sshrl.u32 @!p1 s23, $0x3;
	s0 =	sshrl.u32 @!p1 s0, $0x2  }
0x2a: {  	s22 =	sand.u32 @!p1 $0x7, s23;
	s2 =	sadd.s32 @!p1 s5, s2;
	s0 =	sadd.s32 @!p1 $0x100, s0  }
0x2b: {  	[tilespmem:s0], [sflag:$0x7] =	stream.linear.gather @!p1 [hbm4b:s2+s22], $0xFA0, $0x38;
	[tilespmem:$0x8DC0] =	vst v63  }
0x2c: {  	s0 =	sadd.s32 $0xFFFFFFFF, s24  }
0x2d: {  	p1 =	sge.u32 s0, s9  }
.Ltmp2:
0x2e: {  	_ = 	snop;
	(pc) =	sbr.rel @p1 .LBB2_5-.Ltmp2, $1  }
0x2f: {  	_ =	sdelay $0x3  }
0x30: {  	s2 =	smulhi.u32 $0xAAAAAAAB, s0;
	_ =	sdelay $0x1  }
0x31: {  	s2 =	sshrl.u32 s2, $0x1  }
0x32: {  	s2 =	smul.u32 $0x3, s2;
	_ =	sdelay $0x1  }
0x33: {  	s2 =	ssub.s32 s0, s2  }
0x34: {  	s2 =	smul.u32 $0x3E80, s2  }
0x35: {  	_ =	swait.ge [sflag:s7], $0xFA0  }
0x36: {  	[sflag:s7] =	ssyncset.done $0x0;
	s2 =	sshrl.u32 s2, $0x2  }
0x37: {  	[sflag:s7] =	ssyncadd.s32 $0xFFFFF060;
	(ifvalue) =	ssetifvalue $0xFFFFFFFF;
	v3 =	vld.msk [tilespmem:s2+$0x100 ss:$0x1], $0xffff;
	_ =	sdelay $0x2  }
0x38: {  	s30 =	smulhi.u32 $0xAAAAAAAB, s18;
	p1 =	sne.s32 s24, $0x1  }
0x39: {  	v4 =	vimm.s32 @!p1 $0x0  }
0x3a: {  	s2 =	sshrl.u32 s30, $0x1;
	v4 =	vperm.xlane @!p1 v3, v4  }
0x3b: {  	s22 =	sshll.u32 s24, $0x4;
	s2 =	smul.u32 $0xFFFF4480, s2;
	vm4 =	vlt.u32 v3, $0x40000  }
0x3c: {  	s22 =	sand.u32 $0x10, s22;
	v3 =	vnsel vm4, $0xFFFFFFFE, v3;
	vm4 =	vlt.u32 @!p1 v4, $0x40000  }
0x3d: {  	s2 =	sshra.s32 s2, $0x2;
	[tilespmem:s22+$0x60] =	vst v3;
	v3 =	vnsel @!p1 vm4, $0xFFFFFFFE, v4  }
0x3e: {  	s28 =	sadd.s32 s2, s17;
	[tilespmem:$0x80] =	vst @!p1 v3  }
0x3f: {  	v3 =	vld.msk [tilespmem:s28+$0x0 ss:$0x1], $0xffff;
	_ =	sdelay $0x4  }
0x40: {  	(xrf1) =	vunique.msk.u32 $0xffff, v3;
	_ =	sdelay $0xd  }
0x41: {  	v4 =	vimm.s32 $0xFFFFFFFF;
	v5, _, _ =	vpop (xrf1)  }
0x42: {  	vm5 =	vne.s32 v3, v4;
	vm4 =	veq.s32 v5, v2  }
0x43: {  	vm6 =	vlt.u32 v3, $0x40000;
	vm4 =	vmand vm5, vm4  }
0x44: {  	vm4 =	vmand vm6, vm4  }
0x45: {  	v4 =	vnsel vm4, $0xFFFFFFFF, v3  }
0x46: {  	s31 =	sand.u32 $0x1, s0  }
0x47: {  	s0 =	simm.s32 $0xFA0;
	p1 =	seq.s32 s31, $0x1  }
0x48: {  	s0 =	simm.s32 @!p1 $0x0  }
0x49: {  	s26 =	sadd.s32 $0x3F70, s0;
	(ifvalue) =	ssetifvalue $0xFFFFFFFF  }
0x4a: {  	v3 =	vperm.xlane v3, v1;
	[tilespmem:s26], [sflag:$0x8] =	stream.indirect_vreg.gather [hbm4b:s1+s16], $0x1, v4, vm0, $0x4038;
	v4 =	vnsel vm6, $0xFFFFFFFE, v4;
	[tilespmem:$0x8DC0] =	vst v63  }
0x4b: {  	s2 =	simm.s32 $0x0;
	s22 =	sadd.s32 $0xFFFFFFF0, s28;
	[tilespmem:s28+$0x0] =	vst v4  }
.LBB2_3:
0x4c: {  	v4 =	vld.msk [tilespmem:s22+$0x0 ss:$0x1], $0xffff;
	s2 =	sadd.s32 $0x10, s2;
	v5 =	vmov v3;
	s28 =	smov.u32 s22  }
0x4d: {  	p1 =	slt.u32 s2, $0xF90;
	_ =	sdelay $0x4  }
0x4e: {  	v3 =	vperm.xlane v4, v1;
	(xrf1) =	vunique.msk.u32 $0xffff, v4;
	_ =	sdelay $0xd  }
0x4f: {  	v6, _, _ =	vpop (xrf1)  }
0x50: {  	vm5 =	vne.s32 v4, v5;
	vm4 =	veq.s32 v6, v2  }
0x51: {  	vm6 =	vlt.u32 v4, $0x40000;
	vm4 =	vmand vm5, vm4  }
0x52: {  	vm4 =	vmand vm6, vm4  }
0x53: {  	v4 =	vnsel vm4, $0xFFFFFFFF, v4  }
.Ltmp3:
0x54: {  	v5 =	vnsel vm6, $0xFFFFFFFE, v4;
	(pc) =	sbr.rel @p1 .LBB2_3-.Ltmp3, $3  }
0x55: {  	_ =	sdelay $0x1  }
0x56: {  	s22 =	sadd.s32 $0xFFFFFFF0, s22;
	s26 =	sadd.s32 $0xFFFFFFF0, s26;
	(ifvalue) =	ssetifvalue $0xFFFFFFFF  }
0x57: {  	[tilespmem:s26], [sflag:$0x8] =	stream.indirect_vreg.gather [hbm4b:s1+s16], $0x1, v4, vm0, $0x4038;
	[tilespmem:s28+$0x0] =	vst v5  }
0x58: {  	s2 =	sshrl.u32 s25, $0x3  }
0x59: {  	s0 =	sadd.s32 $0x4F20, s0;
	s2 =	sadd.s32 s6, s2  }
0x5a: {  	[tilespmem:s0], [sflag:$0x8] =	stream.linear.gather [hbm:s2], $0xFA0, $0x38;
	[tilespmem:$0x8DC0] =	vst v63  }
.LBB2_5:
0x5b: {  	p1 =	slt.u32 s24, $0x2  }
0x5c: {  	p2 =	sge.u32 @!p1 s24, s12  }
0x5d: {  	p1 =	por p1, p2  }
.Ltmp4:
0x5e: {  	_ = 	snop;
	(pc) =	sbr.rel @p1 .LBB2_9-.Ltmp4, $1  }
0x5f: {  	_ =	sdelay $0x3  }
0x60: {  	s0 =	sadd.s32 $0xFFFFFFFE, s24  }
0x61: {  	s2 =	smulhi.u32 $0xAAAAAAAB, s0;
	_ =	sdelay $0x1  }
0x62: {  	s2 =	sshrl.u32 s2, $0x1  }
0x63: {  	s2 =	smul.u32 $0x3, s2;
	_ =	sdelay $0x1  }
0x64: {  	s0 =	ssub.s32 s0, s2  }
0x65: {  	_ =	swait.ge [sflag:s8], $0x1F40;
	s0 =	smul.u32 $0xFA0, s0  }
0x66: {  	p1 =	sne.s32 s24, s11;
	[sflag:s8] =	ssyncset.done $0x0  }
0x67: {  	[sflag:s8] =	ssyncadd.s32 $0xFFFFE0C0;
	s2 =	sadd.s32 @!p1 $0x109F, s0  }
0x68: {  	[spmem:s13] =	stream.linear.scatter @!p1 [tilespmem:s2], [sflag:$0x1], $0x1, $0x38;
	[tilespmem:$0x8DC0] =	vst v63  }
0x69: {  	s2 =	simm.s32 @!p1 $0x1  }
0x6a: {  	_ =	swait.ge @!p1 [sflag:s2], $0x1  }
0x6b: {  	s22 =	sshll.u32 s24, $0x4;
	[sflag:s2] =	ssyncset.done @!p1 $0x0  }
0x6c: {  	s25 =	sand.u32 $0x10, s22;
	[sflag:s2] =	ssyncadd.s32 @!p1 $0xFFFFFFFF  }
0x6d: {  	s2 =	sxor.u32 $0x10, s25;
	v4 =	vld [tilespmem:s25+$0x10]  }
0x6e: {  	v5 =	vld [tilespmem:s2+$0x60]  }
0x6f: {  	v3 =	vld [tilespmem:$0x80];
	_ =	sdelay $0x2  }
0x70: {  	(v2sf) =	vpush v4, $0x0  }
0x71: {  	(v2sf) =	vpush v5, $0x0  }
0x72: {  	(v2sf) =	vpush v3, $0x0;
	_ =	sdelay $0xc  }
0x73: {  	s22 =	spop (v2sf)  }
0x74: {  	s26 =	spop (v2sf)  }
0x75: {  	s28 =	spop (v2sf)  }
0x76: {  	p2 =	seq.s32 s22, s26;
	p3 =	seq.s32 s28, s22  }
0x77: {  	p3 =	por p2, p3  }
0x78: {  	s26 =	sand.u32 $0x1, s24;
	v4 =	vpsel p3, $0xFFFFFFFF, v4  }
0x79: {  	s29 =	smul.u32 $0xFA0, s26;
	[tilespmem:s25+$0x10] =	vst.msk $0x1, v4  }
0x7a: {  	v4 =	vld [tilespmem:$0x30]  }
0x7b: {  	v5 =	vld [tilespmem:s29+$0x4F20]  }
0x7c: {  	v6 =	vld [tilespmem:s25+$0x40];
	_ =	sdelay $0x3  }
0x7d: {  	vm4 =	vmmov vm1;
	v5 =	vadd.f32 v5, v4  }
0x7e: {  	vm5 =	vmmov vm2;
	vm4 =	vmmov @p2 vm2;
	s22 =	sshll.u32 s26, $0x4;
	v4 =	vadd.f32 v6, v4  }
0x7f: {  	s26 =	sor.u32 $0x8DA0, s22;
	vm5 =	vmmov @p3 vm1;
	[tilespmem:s29+$0x4F20] =	vst.msk vm4, v5  }
0x80: {  	[tilespmem:s26+$0x0] =	vst.msk vm5, v4  }
0x81: {  	v4 =	vld [tilespmem:s29+$0x3F70];
	_ =	sdelay $0x3  }
0x82: {  	v5 =	vimm.f32 $0.0e+00  }
0x83: {  	v4 =	vshift.insert v4, v5, s21  }
0x84: {  	s22 =	sor.u32 $0x40, s2  }
0x85: {  	[tilespmem:s22+$0x0] =	vst.msk $0x1, v4  }
0x86: {  	[tilespmem:s29+$0x3F7F] =	vst.msk $0x1, v5  }
0x87: {  	v4 =	vld [tilespmem:s0+$0x1090];
	_ =	sdelay $0x1  }
0x88: {  	s22 =	smulhi.u32 $0xAAAAAAAB, s20;
	s0 =	simm.s32 $0x1  }
0x89: {  	s0 =	simm.s32 @!p0 $0x0  }
0x8a: {  	s22 =	sshrl.u32 s22, $0x1;
	s0 =	smul.u32 $0x3E80, s0  }
0x8b: {  	s22 =	smul.u32 $0xFFFF4480, s22;
	v4 =	vshift.insert v4, v1, s21  }
0x8c: {  	s0 =	sshrl.u32 s0, $0x2  }
0x8d: {  	s22 =	sshra.s32 s22, $0x2;
	s30 =	sadd.s32 $0x4F20, s0;
	[tilespmem:s2+$0x10] =	vst.msk $0x1, v4  }
0x8e: {  	s22 =	sadd.s32 s22, s19;
	v6 =	vld [tilespmem:s30+$0x0]  }
0x8f: {  	v7 =	vld [tilespmem:s22+$0x0];
	_ =	sdelay $0x3  }
0x90: {  	v5 =	vadd.f32 v6, v5  }
0x91: {  	vm4 =	vne.s32 v7, $0xFFFFFFFF  }
0x92: {  	(xrf2) =	vadd.seg.scan.f32 vm4, v5;
	_ =	sdelay $0x3  }
0x93: {  	s31 =	sadd.s32 $0x2FE0, s0;
	v5 =	vperm.xlane v4, v1  }
0x94: {  	v6 =	vld [tilespmem:s31+$0x0]  }
0x95: {  	vm5 =	veq.s32 v7, v3;
	vm6 =	veq.s32 v7, v5  }
0x96: {  	vm7 =	vgt.u32 v7, $0xFFFFFFFD;
	vm6 =	vmor vm6, vm5  }
0x97: {  	vm6 =	vmor vm6, vm7  }
0x98: {  	v9 =	vld [tilespmem:$0xA0];
	v7 =	vsel vm6, $0xFFFFFFFF, v7  }
0x99: {  	v10 =	vld [tilespmem:$0x90];
	v6 =	vsel vm5, $0x0, v6;
	v8, _, _ =	vpop (xrf2)  }
0x9a: {  	v6 =	vadd.f32 v8, v6  }
0x9b: {  	s0 =	sadd.s32 $0x6E60, s0  }
0x9c: {  	vm4 =	vmand vm4, vm3;
	[tilespmem:s0+$0x0] =	vst v6;
	(ifvalue) =	ssetifvalue $0xFFFFFFFF  }
0x9d: {  	vm6 =	veq.s32 v9, $0x1;
	[hbm4b:s1+s16] =	stream.indirect_vreg.scatter [tilespmem:s0], [sflag:$0x2], $0x1, v7, vm0, $0x4038;
	v7 =	vsel vm4, $0x0, v8;
	[tilespmem:$0x8DC0] =	vst v63  }
0x9e: {  	s2 =	simm.s32 $0x0;
	s22 =	sadd.s32 $0x10, s22;
	vm4 =	vmor vm6, vm5;
	v6 =	vsel vm5, v8, v10;
	v7 =	vshift.insert v7, v0, s21  }
.LBB2_7:
0x9f: {  	v8 =	vld [tilespmem:s22+$0x0];
	s30 =	sadd.s32 $0x10, s30  }
0xa0: {  	s31 =	sadd.s32 $0x10, s31;
	v9 =	vld [tilespmem:s30+$0x0]  }
0xa1: {  	s2 =	sadd.s32 $0x10, s2;
	v10 =	vld [tilespmem:s31+$0x0]  }
0xa2: {  	p2 =	slt.u32 s2, $0xF90;
	_ =	sdelay $0x2  }
0xa3: {  	v7 =	vadd.f32 v9, v7  }
0xa4: {  	vm5 =	vne.s32 v8, $0xFFFFFFFF  }
0xa5: {  	vm6 =	vmand vm5, vm3;
	(xrf2) =	vadd.seg.scan.f32 vm5, v7;
	_ =	sdelay $0x5  }
0xa6: {  	vm7 =	veq.s32 v8, v5;
	vm5 =	veq.s32 v8, v3  }
0xa7: {  	vm8 =	vgt.u32 v8, $0xFFFFFFFD;
	vm4 =	vmor vm4, vm5;
	vm7 =	vmor vm7, vm5  }
0xa8: {  	vm7 =	vmor vm7, vm8  }
0xa9: {  	v8 =	vsel vm7, $0xFFFFFFFF, v8  }
.Ltmp5:
0xaa: {  	v7 =	vsel vm5, $0x0, v10;
	v9, _, _ =	vpop (xrf2);
	(pc) =	sbr.rel @p2 .LBB2_7-.Ltmp5, $4  }
0xab: {  	v6 =	vsel vm5, v9, v6;
	v10 =	vadd.f32 v9, v7;
	v7 =	vsel vm6, $0x0, v9  }
0xac: {  	s0 =	sadd.s32 $0x10, s0;
	v7 =	vshift.insert v7, v0, s21  }
0xad: {  	s22 =	sadd.s32 $0x10, s22;
	[tilespmem:s0+$0x0] =	vst v10;
	(ifvalue) =	ssetifvalue $0xFFFFFFFF  }
0xae: {  	[hbm4b:s1+s16] =	stream.indirect_vreg.scatter [tilespmem:s0], [sflag:$0x2], $0x1, v8, vm0, $0x4038;
	[tilespmem:$0x8DC0] =	vst v63  }
0xaf: {  	v3 =	vld [tilespmem:s29+$0x7DF0];
	_ =	sdelay $0x4  }
0xb0: {  	v3 =	vshift.insert v3, v0, s21  }
0xb1: {  	s0 =	simm.s32 $0x30  }
0xb2: {  	[tilespmem:s0+$0x0] =	vst.msk $0x1, v3  }
0xb3: {  	v3 =	vsel vm4, $0x1, v1;
	[tilespmem:$0x90] =	vst v6  }
0xb4: {  	s0 =	sadd.s32 @!p1 $0x7DFF, s29;
	[tilespmem:$0xA0] =	vst v3  }
0xb5: {  	[spmem:s14] =	stream.linear.scatter @!p1 [tilespmem:s0], [sflag:$0x1], $0x1, $0x38;
	[tilespmem:$0x8DC0] =	vst v63  }
0xb6: {  	s0 =	simm.s32 @!p1 $0x1  }
0xb7: {  	v3 =	vmctz.xlane @!p1 vm4;
	_ =	swait.ge @!p1 [sflag:s0], $0x1  }
0xb8: {  	(v2sf) =	vpush @!p1 v4, $0x0  }
0xb9: {  	(v2sf) =	vpush @!p1 v3, $0x0;
	_ =	sdelay $0xd  }
0xba: {  	s2 =	spop @!p1 (v2sf)  }
0xbb: {  	s22 =	spop @!p1 (v2sf)  }
0xbc: {  	p2 =	sne.s32 @!p1 s28, s2;
	p3 =	slt.s32 @!p1 s22, $0xF  }
0xbd: {  	[sflag:s0] =	ssyncset.done @!p1 $0x0;
	p2 =	por p2, p1;
	p3 =	por !p3, p1  }
0xbe: {  	[sflag:s0] =	ssyncadd.s32 @!p1 $0xFFFFFFFF;
	v3 =	vimm.s32 @!p2 $0xFFFFFFFF;
	s22 =	simm.s32 @p3 $0xF  }
0xbf: {  	[tilespmem:$0x80] =	vst @!p2 v3;
	s2 =	sadd.s32 @!p1 $0x90, s22  }
0xc0: {  	[spmem:s10] =	stream.linear.scatter @!p1 [tilespmem:s2], [sflag:$0x1], $0x1, $0x38;
	[tilespmem:$0x8DC0] =	vst v63  }
0xc1: {  	_ =	swait.ge @!p1 [sflag:s0], $0x1  }
0xc2: {  	[sflag:s0] =	ssyncset.done @!p1 $0x0  }
0xc3: {  	s2 =	simm.s32 @!p1 $0x80;
	[sflag:s0] =	ssyncadd.s32 @!p1 $0xFFFFFFFF  }
0xc4: {  	[spmem:s15] =	stream.linear.scatter @!p1 [tilespmem:s2], [sflag:$0x1], $0x1, $0x38;
	[tilespmem:$0x8DC0] =	vst v63  }
0xc5: {  	_ =	swait.ge @!p1 [sflag:s0], $0x1  }
0xc6: {  	[sflag:s0] =	ssyncset.done @!p1 $0x0  }
0xc7: {  	[sflag:s0] =	ssyncadd.s32 @!p1 $0xFFFFFFFF;
	(ifvalue) =	ssetifvalue $0xFFFFFFFF;
	v3 =	vld [tilespmem:s25+$0x10];
	_ =	sdelay $0x3  }
.Ltmp6:
0xc8: {  	_ = 	snop;
	(pc) =	sbr.rel .LBB2_9-.Ltmp6, $3  }
0xc9: {  	_ =	sdelay $0x1  }
0xca: {  	(ifvalue) =	ssetifvalue $0xFFFFFFFF  }
0xcb: {  	[hbm4b:s1+s16] =	stream.indirect_vreg.scatter [tilespmem:s26], [sflag:$0x9], $0x1, v3, vm0, $0x4038;
	[tilespmem:$0x8DC0] =	vst v63  }
.LBB2_10:
0xcc: {  	_ =	sfence.sel $0x180000  }
0xcd: {  	s0 =	simm.s32 $0x7;
	[bflag:$0x0] =	sbarrier.arrive $0xFFFF  }
0xce: {  	s26 =	simm.s32 $0x8;
	[sflag:s0] =	ssyncpa.u1 $0x1  }
0xcf: {  	s28 =	simm.s32 $0x9;
	[sflag:s26] =	ssyncpa.u1 $0x1  }
0xd0: {  	[sflag:s28] =	ssyncpa.u1 $0x1  }
0xd1: {  	_ =	sfence.stream.spmem  }
0xd2: {  	s29 =	simm.s32 $0x3;
	[bflag:$0x0] =	sbarrier.arrive $0xFFFF  }
0xd3: {  	s30 =	simm.s32 $0x4;
	[sflag:s29] =	ssyncpa.u1 $0x1  }
0xd4: {  	s31 =	simm.s32 $0x3C;
	s2 =	stileid.u32;
	[sflag:s30] =	ssyncpa.u1 $0x1  }
0xd5: {  	p0 =	sne.s32 s2, $0x0;
	[sflag:s31] =	ssyncpa.u1 $0x1  }
0xd6: {  	s0 =	simm.s32 @p0 $0x1;
	_ =	sfence @p0  }
0xd7: {  	[sflag:s0] =	ssyncpa.u1 @p0 $0x1;
	s0 =	simm.s32 @p0 $0x2  }
0xd8: {  	[sflag:s0] =	ssyncpa.u1 @p0 $0x1  }
0xd9: {  	_ =	strace @p0 $0x90000050  }
0xda: {  	[bflag:$0x2] =	sbarrier.arrive @p0 $0xFFFF  }
0xdb: {  	_ =	shalt @p0  }
.LBB2_11:
0xdc: {  	_ =	sfence.stream.spmem;
	s0 =	simm.s32 $0x5  }
0xdd: {  	s2 =	simm.s32 $0x80;
	s3 =	simm.s32 $0xC0;
	[sflag:s0] =	ssyncpa.u1 $0x0  }
0xde: {  	[tilespmem:s3], [sflag:$0x5] =	stream.linear.gather [spmem:s2], $0x20, $0x38;
	[tilespmem:$0x8DC0] =	vst v63  }
0xdf: {  	s2 =	simm.s32 $0x0;
	s3 =	simm.s32 $0xE0  }
0xe0: {  	[tilespmem:s3], [sflag:$0x5] =	stream.linear.gather [spmem:s2], $0x20, $0x38;
	[tilespmem:$0x8DC0] =	vst v63  }
.Ltmp7:
0xe1: {  	_ = 	snop;
	(pc) =	sbr.rel .LBB2_12-.Ltmp7, $4  }
0xe2: {  	_ =	swait.ge [sflag:s0], $0x40  }
0xe3: {  	[sflag:s0] =	ssyncset.done $0x0  }
0xe4: {  	s31 =	simm.s32 $0x6;
	[sflag:s0] =	ssyncadd.s32 $0xFFFFFFC0  }
0xe5: {  	s4 =	simm.s32 $0x0;
	[sflag:s31] =	ssyncpa.u1 $0x0  }
.LBB2_17:
0xe6: {  	p0 =	sgt.u32 s5, $0x3FFFF  }
0xe7: {  	s0 =	sshrl.u32 @!p0 s5, $0x3  }
0xe8: {  	s5 =	sand.u32 @!p0 $0x7, s5;
	s6 =	simm.s32 @!p0 $0xB0;
	s0 =	sadd.s32 @!p0 s1, s0  }
0xe9: {  	[tilespmem:s6], [sflag:$0x6] =	stream.linear.gather @!p0 [hbm4b:s0+s5], $0x1, $0x38;
	[tilespmem:$0x8DC0] =	vst v63  }
0xea: {  	s0 =	simm.s32 @!p0 $0x6  }
0xeb: {  	_ =	swait.ge @!p0 [sflag:s0], $0x1  }
0xec: {  	[sflag:s0] =	ssyncset.done @!p0 $0x0  }
0xed: {  	[sflag:s0] =	ssyncadd.s32 @!p0 $0xFFFFFFFF  }
0xee: {  	v2 =	vmov @!p0 s4;
	v1 =	vld.msk @!p0 [tilespmem:$0xB0], $0x1;
	_ =	sdelay $0x3  }
0xef: {  	s0 =	simm.s32 @!p0 $0xE0  }
0xf0: {  	[tilespmem:v2+s0+$0x0], v1 =	vst.idx.ret.add.f32.msk @!p0 $0x1, v1  }
0xf1: {  	[tilespmem:s2+$0xC0] =	vst.msk $0x1, v0  }
0xf2: {  	v0 =	vld.msk [tilespmem:s4+$0xE0], $0x1;
	_ =	sdelay $0x4  }
0xf3: {  	[tilespmem:s2+$0xE0] =	vst.msk $0x1, v0;
	s2 =	sadd.s32 $0x1, s2  }
.LBB2_19:
0xf4: {  	s4 =	sadd.s32 $0x1, s4  }
0xf5: {  	p0 =	sne.s32 s4, $0x20  }
.Ltmp8:
0xf6: {  	_ = 	snop;
	(pc) =	sbr.rel @!p0 .LBB2_20-.Ltmp8, $1  }
0xf7: {  	_ =	sdelay $0x3  }
.LBB2_12:
0xf8: {  	v0 =	vld.msk [tilespmem:s4+$0xC0], $0x1;
	_ =	sdelay $0x4  }
0xf9: {  	(v2sf) =	vpush v0, $0x0;
	_ =	sdelay $0xe  }
0xfa: {  	s5 =	spop (v2sf)  }
0xfb: {  	p0 =	seq.s32 s5, $0xFFFFFFFF  }
.Ltmp9:
0xfc: {  	_ = 	snop;
	(pc) =	sbr.rel @p0 .LBB2_19-.Ltmp9, $1  }
0xfd: {  	_ =	sdelay $0x3  }
0xfe: {  	p0 =	slt.s32 s2, $0x1  }
.Ltmp10:
0xff: {  	_ = 	snop;
	(pc) =	sbr.rel @p0 .LBB2_17-.Ltmp10, $1  }
0x100: {  	_ =	sdelay $0x3  }
0x101: {  	s0 =	simm.s32 $0xC0;
	p0 =	por $0x0, $0x0  }
0x102: {  	v1 =	vld.msk @!p0 [tilespmem:s0+$0x0], $0x1;
	_ =	sdelay $0x4  }
0x103: {  	(v2sf) =	vpush @!p0 v1, $0x0;
	_ =	sdelay $0xd  }
0x104: {  	p2 =	sne.s32 s2, $0x1  }
.Ltmp11:
0x105: {  	s6 =	spop @!p0 (v2sf);
	(pc) =	sbr.rel @!p2 .LBB2_16-.Ltmp11, $4  }
0x106: {  	p1 =	seq.s32 @!p0 s5, s6  }
0x107: {  	s6 =	simm.s32 $0x0;
	p1 =	por !p1, p0  }
0x108: {  	s8 =	simm.s32 $0xFFFFFFFF;
	s6 =	simm.s32 @p1 $0xFFFFFFFF  }
0x109: {  	s7 =	simm.s32 $0x1;
	s6 =	smov.u32 @p0 s8  }
.LBB2_15:
0x10a: {  	s8 =	smov.u32 s6;
	p0 =	sne.s32 s6, $0xFFFFFFFF  }
0x10b: {  	s0 =	sadd.s32 $0x1, s0;
	s6 =	smov.u32 s7;
	s7 =	sadd.s32 $0x1, s7  }
0x10c: {  	p1 =	sne.s32 s2, s7;
	v1 =	vld.msk @!p0 [tilespmem:s0+$0x0], $0x1;
	_ =	sdelay $0x4  }
0x10d: {  	(v2sf) =	vpush @!p0 v1, $0x0;
	_ =	sdelay $0xe  }
.Ltmp12:
0x10e: {  	s9 =	spop @!p0 (v2sf);
	(pc) =	sbr.rel @p1 .LBB2_15-.Ltmp12, $4  }
0x10f: {  	p2 =	seq.s32 @!p0 s5, s9  }
0x110: {  	p2 =	por !p2, p0  }
0x111: {  	s6 =	simm.s32 @p2 $0xFFFFFFFF  }
0x112: {  	s6 =	smov.u32 @p0 s8  }
.LBB2_16:
0x113: {  	p0 =	sne.s32 s6, $0xFFFFFFFF  }
.Ltmp13:
0x114: {  	_ = 	snop;
	(pc) =	sbr.rel @!p0 .LBB2_17-.Ltmp13, $1  }
0x115: {  	_ =	sdelay $0x3  }
0x116: {  	v0 =	vld.msk [tilespmem:s4+$0xE0], $0x1;
	v1 =	vmov s6  }
.Ltmp14:
0x117: {  	_ = 	snop;
	(pc) =	sbr.rel .LBB2_19-.Ltmp14, $2  }
0x118: {  	_ =	sdelay $0x2  }
0x119: {  	[tilespmem:v1+s3+$0x0], v0 =	vst.idx.ret.add.f32.msk $0x1, v0  }
.LBB2_20:
0x11a: {  	p0 =	slt.s32 s2, $0x1  }
.Ltmp15:
0x11b: {  	_ = 	snop;
	(pc) =	sbr.rel @p0 .LBB2_24-.Ltmp15, $3  }
0x11c: {  	_ =	sdelay $0x1  }
0x11d: {  	s0 =	simm.s32 $0x6  }
0x11e: {  	s3 =	simm.s32 $0x0;
	[sflag:s0] =	ssyncpa.u1 $0x1  }
0x11f: {  	s0 =	simm.s32 $0xC0  }
0x120: {  	v0 =	vld.msk [tilespmem:s0+$0x0], $0x1;
	_ =	sdelay $0x4  }
0x121: {  	(v2sf) =	vpush v0, $0x0;
	_ =	sdelay $0xe  }
0x122: {  	s2 =	sadd.s32 $0xFFFFFFFF, s2;
	s4 =	spop (v2sf)  }
0x123: {  	p1 =	sne.s32 s2, $0x0;
	p0 =	sgt.u32 s4, $0x3FFFF  }
.Ltmp16:
0x124: {  	s5 =	sshrl.u32 @!p0 s4, $0x3;
	(pc) =	sbr.rel @!p1 .LBB2_23-.Ltmp16, $4  }
0x125: {  	s0 =	simm.s32 $0xE0;
	s4 =	sand.u32 @!p0 $0x7, s4;
	s5 =	sadd.s32 @!p0 s1, s5  }
0x126: {  	[hbm4b:s5+s4] =	stream.linear.scatter @!p0 [tilespmem:s0], [sflag:$0x5], $0x1, $0x38;
	[tilespmem:$0x8DC0] =	vst v63  }
0x127: {  	s5 =	simm.s32 $0x0  }
0x128: {  	s4 =	simm.s32 $0xC1;
	s5 =	simm.s32 @!p0 $0x4  }
.LBB2_22:
0x129: {  	v0 =	vld.msk [tilespmem:s4+$0x0], $0x1;
	s2 =	sadd.s32 $0xFFFFFFFF, s2;
	s3 =	sadd.s32 s3, s5  }
0x12a: {  	p0 =	sne.s32 s2, $0x0;
	_ =	sdelay $0x3  }
0x12b: {  	(v2sf) =	vpush v0, $0x0;
	_ =	sdelay $0xe  }
.Ltmp17:
0x12c: {  	s6 =	spop (v2sf);
	(pc) =	sbr.rel @p0 .LBB2_22-.Ltmp17, $4  }
0x12d: {  	s5 =	simm.s32 $0x0;
	p1 =	sgt.u32 s6, $0x3FFFF  }
0x12e: {  	s0 =	sadd.s32 $0x1, s0;
	s5 =	simm.s32 @!p1 $0x4;
	s7 =	sshrl.u32 @!p1 s6, $0x3  }
0x12f: {  	s4 =	sadd.s32 $0x1, s4;
	s6 =	sand.u32 @!p1 $0x7, s6;
	s7 =	sadd.s32 @!p1 s1, s7  }
0x130: {  	[hbm4b:s7+s6] =	stream.linear.scatter @!p1 [tilespmem:s0], [sflag:$0x5], $0x1, $0x38;
	[tilespmem:$0x8DC0] =	vst v63  }
.LBB2_23:
0x131: {  	s0 =	sadd.s32 s3, s5  }
0x132: {  	s3 =	sshrl.u32 s0, $0x2  }
.LBB2_24:
0x133: {  	s0 =	simm.s32 $0x5  }
0x134: {  	_ =	swait.ge [sflag:s0], s3  }
0x135: {  	s1 =	ssub.s32 $0x0, s3;
	[sflag:s0] =	ssyncset.done $0x0  }
0x136: {  	[sflag:s0] =	ssyncadd.s32 s1  }
0x137: {  	[sflag:s0] =	ssyncpa.u1 $0x1  }
0x138: {  	s29 =	simm.s32 $0x1;
	_ =	sfence  }
0x139: {  	s30 =	simm.s32 $0x2;
	[sflag:s29] =	ssyncpa.u1 $0x1  }
0x13a: {  	[sflag:s30] =	ssyncpa.u1 $0x1  }
0x13b: {  	_ =	strace $0x90000050  }
0x13c: {  	[bflag:$0x2] =	sbarrier.arrive $0xFFFF  }
0x13d: {  	s31 =	rddreg [dreg:$0x1]  }
0x13e: {  	s0 =	sadd.s32 $0x100000, s31  }
0x13f: {  	[sflag:s0] =	ssyncadd.tile.s32 $0x1;
	_ =	shalt  }
.Lfunc_end2:
_tile_overlayer_lowered:
.L_overlay_start_2:
0x140: {  	(tag) =	ssettag $0x2  }
0x141: {  	s0 =	rddreg [dreg:$0x0];
	s2 =	stileid.u32  }
0x142: {  	s1 =	rddreg [dreg:$0x1];
	p0 =	sne.s32 s2, $0x0  }
0x143: {  	s3 =	rddreg [dreg:$0x2];
	[bflag:$0x3] =	sbarrier.arrive $0xFFFF;
	s2 =	simm.s32 @!p0 $0x1C01  }
0x144: {  	[timem:s3], [sflag:s2] =	dma.local @!p0 [hbm:s0], s1  }
0x145: {  	s0 =	simm.s32 @!p0 $0x1  }
0x146: {  	_ =	swait.ge @!p0 [sflag:s0], s1  }
0x147: {  	s1 =	ssub.s32 @!p0 $0x0, s1;
	[sflag:s0] =	ssyncset.done @!p0 $0x0  }
0x148: {  	[sflag:s0] =	ssyncadd.s32 @!p0 s1  }
0x149: {  	[bflag:$0x3] =	sbarrier.arrive $0xFFFF  }
0x14a: {  	_ =	shalt  }

// kernel: scatter_offload_async_start.4
scs
__scs_entry_jumppad:
0x0: {  	(pc) =	sbr.rel $0x88, $3  }
0x1: {  	(tag) =	ssettag $0x0;
	lr =	simm.s32 $0x1  }
0x2: {  	[smem:$0x3F9E] =	sst lr;
	_ =	strace $0xD0000000  }
0x3: {  	_ = 	snop  }
0x4: {  	_ = 	snop  }
0x5: {  	_ = 	snop  }
0x6: {  	_ = 	snop  }
0x7: {  	_ = 	snop  }
__scs_overlays_trampoline_lowered:
0x8: {  	[smem:$0x3FAD] =	sst s0  }
0x9: {  	[smem:$0x3FAE] =	sst s1  }
0xa: {  	[smem:$0x3FAF] =	sst s2  }
0xb: {  	[smem:$0x3FB0] =	sst s3  }
0xc: {  	[smem:$0x3FB1] =	sst s4  }
0xd: {  	[smem:$0x3FB2] =	sst s5  }
0xe: {  	[smem:$0x3FB3] =	sst s6  }
0xf: {  	[smem:$0x3FB4] =	sst s7  }
0x10: {  	[smem:$0x3FB5] =	sst s8  }
0x11: {  	[smem:$0x3FB6] =	sst s9;
	s0 =	simm.s32 @!p0 $0x0  }
0x12: {  	s1 =	sld [smem:$0x3F9C];
	s0 =	simm.s32 @p0 $0x1  }
0x13: {  	[smem:$0x3FB7] =	sst s0;
	s0 =	simm.s32 @!p1 $0x0  }
0x14: {  	s2 =	sld [smem:$0x3F9B];
	s0 =	simm.s32 @p1 $0x1  }
0x15: {  	[smem:$0x3FB8] =	sst s0;
	s0 =	simm.s32 @!p2 $0x0  }
0x16: {  	s3 =	sld [smem:$0x3FDB];
	s0 =	simm.s32 @p2 $0x1  }
0x17: {  	s4 =	simm.s32 $0x1BF5;
	[smem:$0x3FBA] =	sst s0  }
0x18: {  	s0 =	sld [smem:$0x3F9D];
	_ =	swait.ge [sflag:s4], $0x0  }
0x19: {  	s7 =	sld [smem:$0x3F9E]  }
0x1a: {  	s8 =	sadd.s32 $0xFFFFE003, lr  }
0x1b: {  	s9 =	sadd.s32 $0xFFFFFEF7, lr;
	s5 =	simm.s32 $0xFFFFFFFF;
	p2 =	slt.u32 s8, $0xFFFFF086  }
0x1c: {  	p1 =	slt.u32 s9, $0xF7A;
	s5 =	simm.s32 @!p2 $0x0  }
0x1d: {  	s5 =	simm.s32 @p1 $0x1;
	p0 =	seq.s32 s7, s2  }
0x1e: {  	s7 =	smul.u32 @!p0 $0xF7A, s2;
	p2 =	seq.s32 @!p0 s5, $0x0  }
0x1f: {  	s9 =	smul.u32 $0xF7A, s1;
	s8 =	simm.s32 @!p0 $0x1BF5;
	p2 =	por !p2, p0  }
0x20: {  	[sflag:s8] =	ssyncset.s32 @!p0 $0xFFFFF086;
	s6 =	sadd.s32 @!p0 s3, s7;
	s7 =	simm.s32 @!p0 $0x108  }
0x21: {  	s3 =	sadd.s32 s3, s9;
	s6 =	sadd.s32 @!p0 $0x88, s6;
	s7 =	simm.s32 @p2 $0x1082  }
0x22: {  	[simem:s7], [sflag:s8] =	dma.local @!p0 [hbm:s6], $0xF7A  }
0x23: {  	s9 =	sor.u32 $0xD0000000, s2;
	s6 =	simm.s32 $0x108;
	_ =	swait.ge @!p0 [sflag:s8], $0x0  }
0x24: {  	s3 =	sadd.s32 $0x88, s3;
	s6 =	simm.s32 @!p1 $0x1082;
	[sflag:s4] =	ssyncset.s32 $0xFFFFF086  }
0x25: {  	[simem:s6], [sflag:s4] =	dma.local [hbm:s3], $0xF7A  }
0x26: {  	[smem:$0x3F9E] =	sst s1;
	(tag) =	ssettag s2;
	_ =	strace s9  }
0x27: {  	s1 =	sld [smem:$0x3FAE]  }
0x28: {  	s2 =	sld [smem:$0x3FAF]  }
0x29: {  	s4 =	sld [smem:$0x3FB1]  }
0x2a: {  	p0 =	seq.s32 s5, $0x0;
	s5 =	sld [smem:$0x3FB2]  }
0x2b: {  	s6 =	sld [smem:$0x3FB3]  }
0x2c: {  	s7 =	sld [smem:$0x3FB4]  }
0x2d: {  	s3 =	simm.s32 $0x108;
	s8 =	sld [smem:$0x3FB5]  }
0x2e: {  	s3 =	simm.s32 @!p0 $0x1082;
	s9 =	sld [smem:$0x3FB6]  }
0x2f: {  	lr =	sadd.s32 s0, s3;
	s0 =	sld [smem:$0x3FAD]  }
0x30: {  	s3 =	sld [smem:$0x3FB0]  }
0x31: {  	[smem:$0x3FB9] =	sst s10  }
0x32: {  	s10 =	sld [smem:$0x3FB7];
	_ =	sdelay $0x3  }
0x33: {  	p0 =	seq.s32 s10, $0x1;
	s10 =	sld [smem:$0x3FB9];
	_ =	sdelay $0x3  }
0x34: {  	[smem:$0x3FB9] =	sst s10  }
0x35: {  	s10 =	sld [smem:$0x3FB8];
	_ =	sdelay $0x3  }
0x36: {  	p1 =	seq.s32 s10, $0x1;
	s10 =	sld [smem:$0x3FB9];
	_ =	sdelay $0x3  }
0x37: {  	[smem:$0x3FB9] =	sst s10  }
0x38: {  	s10 =	sld [smem:$0x3FBA]  }
0x39: {  	_ = 	snop;
	(pc) =	sbr.ind lr, $3  }
0x3a: {  	_ = 	snop  }
0x3b: {  	_ = 	snop  }
0x3c: {  	p2 =	seq.s32 s10, $0x1;
	s10 =	sld [smem:$0x3FB9]  }
0x3d: {  	_ =	shalt  }
0x3e: {  	_ =	shalt  }
0x3f: {  	_ =	shalt  }
0x40: {  	_ =	shalt  }
0x41: {  	_ =	shalt  }
0x42: {  	_ =	shalt  }
0x43: {  	_ =	shalt  }
0x44: {  	_ =	shalt  }
0x45: {  	_ =	shalt  }
0x46: {  	_ =	shalt  }
0x47: {  	_ =	shalt  }
0x48: {  	_ =	shalt  }
0x49: {  	_ =	shalt  }
0x4a: {  	_ =	shalt  }
0x4b: {  	_ =	shalt  }
0x4c: {  	_ =	shalt  }
0x4d: {  	_ =	shalt  }
0x4e: {  	_ =	shalt  }
0x4f: {  	_ =	shalt  }
0x50: {  	_ =	shalt  }
0x51: {  	_ =	shalt  }
0x52: {  	_ =	shalt  }
0x53: {  	_ =	shalt  }
0x54: {  	_ =	shalt  }
0x55: {  	_ =	shalt  }
0x56: {  	_ =	shalt  }
0x57: {  	_ =	shalt  }
0x58: {  	_ =	shalt  }
0x59: {  	_ =	shalt  }
0x5a: {  	_ =	shalt  }
0x5b: {  	_ =	shalt  }
0x5c: {  	_ =	shalt  }
0x5d: {  	_ =	shalt  }
0x5e: {  	_ =	shalt  }
0x5f: {  	_ =	shalt  }
0x60: {  	_ =	shalt  }
0x61: {  	_ =	shalt  }
0x62: {  	_ =	shalt  }
0x63: {  	_ =	shalt  }
0x64: {  	_ =	shalt  }
0x65: {  	_ =	shalt  }
0x66: {  	_ =	shalt  }
0x67: {  	_ =	shalt  }
0x68: {  	_ =	shalt  }
0x69: {  	_ =	shalt  }
0x6a: {  	_ =	shalt  }
0x6b: {  	_ =	shalt  }
0x6c: {  	_ =	shalt  }
0x6d: {  	_ =	shalt  }
0x6e: {  	_ =	shalt  }
0x6f: {  	_ =	shalt  }
0x70: {  	_ =	shalt  }
0x71: {  	_ =	shalt  }
0x72: {  	_ =	shalt  }
0x73: {  	_ =	shalt  }
0x74: {  	_ =	shalt  }
0x75: {  	_ =	shalt  }
0x76: {  	_ =	shalt  }
0x77: {  	_ =	shalt  }
0x78: {  	_ =	shalt  }
0x79: {  	_ =	shalt  }
0x7a: {  	_ =	shalt  }
0x7b: {  	_ =	shalt  }
0x7c: {  	_ =	shalt  }
0x7d: {  	_ =	shalt  }
0x7e: {  	_ =	shalt  }
0x7f: {  	_ =	shalt  }
0x80: {  	_ =	shalt  }
0x81: {  	_ =	shalt  }
0x82: {  	_ =	shalt  }
0x83: {  	_ =	shalt  }
0x84: {  	_ =	shalt  }
0x85: {  	_ =	shalt  }
0x86: {  	_ =	shalt  }
0x87: {  	_ =	shalt  }
.Lfunc_end0:
.L_simem_size_0:
called_computation.4_lowered:
.L_overlay_start_0:
0x88: {  	s0 =	sld [smem:$0x3FD9]  }
0x89: {  	s1 =	sld [smem:$0x3FFE];
	_ =	sdelay $0x3  }
0x8a: {  	s0 =	sadd.s32 s1, s0  }
0x8b: {  	[smem:$0x3FC5] =	sst s0  }
0x8c: {  	_ = 	snop  }
0x8d: {  	(tm) =	ssettm $0x1  }
0x8e: {  	s15 =	sld [smem:$0x3FFB];
	_ =	sdelay $0x3  }
0x8f: {  	_ =	strace s15  }
0x90: {  	s0 =	sld [smem:$0x3FFC];
	_ =	sdelay $0x3  }
0x91: {  	_ =	strace s0  }
0x92: {  	s0 =	sld [smem:$0x3FFD];
	_ =	sdelay $0x3  }
0x93: {  	_ =	strace s0  }
0x94: {  	_ =	strace $0x8FFFFFFF  }
0x95: {  	s16 =	sld [smem:$0x3FDB];
	_ =	sdelay $0x1  }
0x96: {  	s17 =	simm.s32 $_scs_section_size  }
0x97: {  	s2 =	simm.s32 $_size__tile_overlayer_lowered;
	s3 =	simm.s32 $_tile_overlayer_lowered  }
0x98: {  	s20 =	simm.s32 $0x1BFF;
	s19 =	sshll.u32 s3, $0x1;
	s0 =	sadd.s32 s17, s16  }
0x99: {  	s4 =	simm.s32 $0x0;
	s18 =	sshll.u32 s2, $0x1;
	s2 =	sadd.s32 s19, s0  }
0x9a: {  	[timem:s4], [sflag:s20] =	dma.local [hbm:s2], s18  }
0x9b: {  	_ =	swait.ge [sflag:s20], s18  }
0x9c: {  	s1 =	ssub.s32 $0x0, s18;
	[sflag:s20] =	ssyncset.done $0x0  }
0x9d: {  	[sflag:s20] =	ssyncadd.s32 s1;
	_ =	sdelay $0x1  }
0x9e: {  	s21 =	simm.s32 $0x1B8B  }
0x9f: {  	_ =	swait.ge [sflag:s21], $0x1  }
0xa0: {  	[sflag:s21] =	ssyncset.done $0x0  }
0xa1: {  	s23 =	simm.s32 $0x1B8E;
	s22 =	sld [smem:$0x3FFE];
	[sflag:s21] =	ssyncadd.s32 $0xFFFFFFFF  }
0xa2: {  	s24 =	simm.s32 $execute0_lowered;
	[smem:$0x3FD2] =	sst s23  }
0xa3: {  	s2 =	sshll.u32 s24, $0x1;
	_ =	strace $0x80000052;
	[dreg:$0x1] =	wrdreg $0xFFFFFFFF  }
0xa4: {  	s25 =	simm.s32 $_size_execute0_lowered;
	s0 =	sadd.s32 s0, s2;
	[dreg:$0x0] =	wrdreg $0x0  }
0xa5: {  	s2 =	sshll.u32 s25, $0x1;
	[dreg:$0x2] =	wrdreg s0  }
0xa6: {  	[dreg:$0x3] =	wrdreg s2  }
0xa7: {  	[dreg:$0x4] =	wrdreg $0xC0  }
0xa8: {  	_ =	task [dreg:s4], $0x5FFFF  }
0xa9: {  	[dreg:$0x1] =	wrdreg $0xFFFFFFFF  }
0xaa: {  	[dreg:$0x0] =	wrdreg $0x60  }
0xab: {  	[dreg:$0x2] =	wrdreg s22  }
0xac: {  	[dreg:$0x3] =	wrdreg $0x9  }
0xad: {  	_ =	task.clear_ibuf [dreg:s4], $0x4FFFF;
	_ =	strace $0x90000052  }
0xae: {  	s26 =	simm.s32 $0x9;
	_ =	strace $0x80000054  }
0xaf: {  	_ =	swait.ge [sflag:s26], $0x1  }
0xb0: {  	[sflag:s26] =	ssyncadd.s32 $0xFFFFFFFF  }
0xb1: {  	_ =	strace $0x90000054  }
0xb2: {  	_ =	sfence  }
0xb3: {  	s28 =	sld [smem:$0x0];
	_ =	sdelay $0x1  }
0xb4: {  	s29 =	srdreg.scid  }
0xb5: {  	s30 =	sshll.u32 s29, $0xD;
	s31 =	sshrl.u32 s29, $0x2  }
0xb6: {  	s1 =	sand.u32 $0x1, s29;
	s2 =	sand.u32 $0x4000, s30;
	s0 =	sadd.s32 s31, s28  }
0xb7: {  	s1 =	sor.u32 s2, s1;
	s0 =	sshll.u32 s0, $0x11  }
0xb8: {  	s0 =	sor.u32 s0, s1  }
0xb9: {  	s0 =	sadd.s32 $0x8F2B, s0  }
0xba: {  	[sflag:s0] =	ssyncadd.remote.s32 $0x1  }
0xbb: {  	_ =	sfence.sel $0xFFFF  }
0xbc: {  	[dreg:$0x0] =	wrdreg $0xFFFFFFFF;
	(pc) =	sbr.abs _section_cstart, $3  }
0xbd: {  	[dreg:$0x1] =	wrdreg $0xFFFFFFFF  }
0xbe: {  	_ =	task.clear_ibuf [dreg:s4], $0x2FFFF;
	_ =	strace $0x9FFFFFFF  }
0xbf: {  	(tm) =	ssettm $0x7FFFFFFF  }
tec
execute0_lowered:
.L_overlay_start_1:
0x0: {  	(tag) =	ssettag $0x1  }
0x1: {  	s0 =	rddreg [dreg:$0x0];
	s14 =	stileid.u32  }
0x2: {  	_ =	strace $0x80000053;
	s2 =	simm.s32 $0x1;
	s1 =	smul.u32 $0x7, s14  }
0x3: {  	v1 =	vimm.s32 $0xFFFFFFFF;
	s3 =	smin.u32 s14, $0xD;
	[sflag:s2] =	ssyncpa.u1 $0x0  }
0x4: {  	[tilespmem:$0x10] =	vst v1;
	s1 =	sadd.s32 s3, s1  }
0x5: {  	v0 =	vimm.f32 $0.0e+00;
	p0 =	slt.u32 s14, $0xD;
	[tilespmem:$0x20] =	vst v1;
	s3 =	smul.u32 $0xFA0, s1;
	s1 =	simm.s32 $0x7D00  }
0x6: {  	[tilespmem:$0x30] =	vst v0;
	s1 =	simm.s32 @!p0 $0x6D60  }
0x7: {  	[tilespmem:$0x40] =	vst v0;
	s1 =	sadd.s32 s1, s3  }
0x8: {  	[tilespmem:$0x50] =	vst v0;
	s4 =	smin.u32 s1, $0x7A120  }
0x9: {  	[tilespmem:$0x60] =	vst v1;
	s9 =	ssub.s32 s4, s3  }
0xa: {  	s7 =	simm.s32 $0x2;
	s8 =	simm.s32 $0x8;
	[tilespmem:$0x70] =	vst v1;
	p0 =	sgt.s32 s9, $0x0  }
0xb: {  	s31 =	simm.s32 $0x9;
	s16 =	simm.s32 $0x0;
	[tilespmem:$0x80] =	vst v1;
	s9 =	simm.s32 @!p0 $0x0  }
0xc: {  	s17 =	simm.s32 $0xF0;
	s18 =	simm.s32 $0xFFFFFFFF;
	v1 =	vimm.s32 $0x0;
	[tilespmem:$0xB0] =	vst v0;
	s5 =	smulhi.u32 $0x10624DD3, s9  }
0xd: {  	s19 =	simm.s32 $0xFFFFE1C0;
	s20 =	simm.s32 $0xFFFFFFFE;
	s21 =	simm.s32 $0xF;
	[tilespmem:$0x90] =	vst v1  }
0xe: {  	[tilespmem:$0xA0] =	vst v1;
	[sflag:s7] =	ssyncpa.u1 $0x0;
	s7 =	simm.s32 $0x7;
	s10 =	sshrl.u32 s5, $0x8  }
0xf: {  	s25 =	simm.s32 $0x0;
	[sflag:s7] =	ssyncpa.u1 $0x0;
	s11 =	smul.u32 $0xFA0, s10  }
0x10: {  	s24 =	simm.s32 $0x0;
	s6 =	sadd.s32 $0x143200, s0;
	[sflag:s8] =	ssyncpa.u1 $0x0  }
.Ltmp0:
0x11: {  	[sflag:s31] =	ssyncpa.u1 $0x0;
	p0 =	sne.s32 s9, s11;
	(pc) =	sbr.rel .LBB2_1-.Ltmp0, $4  }
0x12: {  	s23 =	smov.u32 s3;
	s1 =	sadd.s32 $0x1BE400, s0;
	s2 =	simm.s32 @!p0 $0x0  }
0x13: {  	s5 =	sadd.s32 $0xE6E00, s0;
	p0 =	por $0x0, $0x0;
	s9 =	sadd.s32 s2, s10  }
0x14: {  	vm0 =	vmmov $0xffff;
	v2 =	vlaneseq.u32;
	s10 =	sshll.u32 s14, $0x1;
	s14 =	sshllo.u32 s14, $0x1;
	s11 =	sadd.s32 $0x1, s9  }
0x15: {  	vm1 =	vmxor vm1, vm1;
	vm2 =	vmmov $0x1;
	vm3 =	vcmask $0x3F3C;
	s12 =	sadd.s32 $0x2, s9;
	s13 =	sor.u32 $0x81, s10;
	s15 =	sor.u32 $0x80, s10  }
.LBB2_9:
0x16: {  	p1 =	slt.u32 s24, $0x3  }
0x17: {  	s0 =	simm.s32 @!p1 $0x2  }
0x18: {  	_ =	swait.ge @!p1 [sflag:s0], $0xFA0  }
0x19: {  	[sflag:s0] =	ssyncset.done @!p1 $0x0  }
0x1a: {  	[sflag:s0] =	ssyncadd.s32 @!p1 $0xFFFFF060;
	s0 =	simm.s32 @!p1 $0x9  }
0x1b: {  	_ =	swait.ge @!p1 [sflag:s0], $0x10  }
0x1c: {  	[sflag:s0] =	ssyncset.done @!p1 $0x0  }
0x1d: {  	[sflag:s0] =	ssyncadd.s32 @!p1 $0xFFFFFFF0;
	p1 =	sne.s32 s24, s12  }
.Ltmp1:
0x1e: {  	s2 =	sadd.s32 $0xFA0, s23;
	(pc) =	sbr.rel @!p1 .LBB2_10-.Ltmp1, $4  }
0x1f: {  	s22 =	smov.u32 s3;
	s31 =	sadd.s32 $0x1, s24;
	s17 =	sadd.s32 $0xFA0, s17  }
0x20: {  	s18 =	sadd.s32 $0x1, s18;
	s25 =	smov.u32 s23;
	p2 =	slt.s32 s2, s4  }
0x21: {  	p0 =	por !p0, !p0;
	s19 =	sadd.s32 $0xFA0, s19;
	s22 =	smov.u32 @p2 s2  }
0x22: {  	s20 =	sadd.s32 $0x1, s20;
	s23 =	smov.u32 s22;
	s24 =	smov.u32 s31  }
.LBB2_1:
0x23: {  	p1 =	sge.u32 s24, s9  }
0x24: {  	s0 =	smulhi.u32 @!p1 $0xAAAAAAAB, s24;
	_ =	sdelay $0x1  }
0x25: {  	s0 =	sshrl.u32 @!p1 s0, $0x1  }
0x26: {  	s0 =	smul.u32 @!p1 $0x3, s0;
	_ =	sdelay $0x1  }
0x27: {  	s0 =	ssub.s32 @!p1 s24, s0  }
0x28: {  	s0 =	smul.u32 @!p1 $0x3E80, s0;
	_ =	sdelay $0x1  }
0x29: {  	s2 =	sshrl.u32 @!p1 s23, $0x3;
	s0 =	sshrl.u32 @!p1 s0, $0x2  }
0x2a: {  	s22 =	sand.u32 @!p1 $0x7, s23;
	s2 =	sadd.s32 @!p1 s5, s2;
	s0 =	sadd.s32 @!p1 $0x100, s0  }
0x2b: {  	[tilespmem:s0], [sflag:$0x7] =	stream.linear.gather @!p1 [hbm4b:s2+s22], $0xFA0, $0x38;
	[tilespmem:$0x8DC0] =	vst v63  }
0x2c: {  	s0 =	sadd.s32 $0xFFFFFFFF, s24  }
0x2d: {  	p1 =	sge.u32 s0, s9  }
.Ltmp2:
0x2e: {  	_ = 	snop;
	(pc) =	sbr.rel @p1 .LBB2_5-.Ltmp2, $1  }
0x2f: {  	_ =	sdelay $0x3  }
0x30: {  	s2 =	smulhi.u32 $0xAAAAAAAB, s0;
	_ =	sdelay $0x1  }
0x31: {  	s2 =	sshrl.u32 s2, $0x1  }
0x32: {  	s2 =	smul.u32 $0x3, s2;
	_ =	sdelay $0x1  }
0x33: {  	s2 =	ssub.s32 s0, s2  }
0x34: {  	s2 =	smul.u32 $0x3E80, s2  }
0x35: {  	_ =	swait.ge [sflag:s7], $0xFA0  }
0x36: {  	[sflag:s7] =	ssyncset.done $0x0;
	s2 =	sshrl.u32 s2, $0x2  }
0x37: {  	[sflag:s7] =	ssyncadd.s32 $0xFFFFF060;
	(ifvalue) =	ssetifvalue $0xFFFFFFFF;
	v3 =	vld.msk [tilespmem:s2+$0x100 ss:$0x1], $0xffff;
	_ =	sdelay $0x2  }
0x38: {  	s30 =	smulhi.u32 $0xAAAAAAAB, s18;
	p1 =	sne.s32 s24, $0x1  }
0x39: {  	v4 =	vimm.s32 @!p1 $0x0  }
0x3a: {  	s2 =	sshrl.u32 s30, $0x1;
	v4 =	vperm.xlane @!p1 v3, v4  }
0x3b: {  	s22 =	sshll.u32 s24, $0x4;
	s2 =	smul.u32 $0xFFFF4480, s2;
	vm4 =	vlt.u32 v3, $0x40000  }
0x3c: {  	s22 =	sand.u32 $0x10, s22;
	v3 =	vnsel vm4, $0xFFFFFFFE, v3;
	vm4 =	vlt.u32 @!p1 v4, $0x40000  }
0x3d: {  	s2 =	sshra.s32 s2, $0x2;
	[tilespmem:s22+$0x60] =	vst v3;
	v3 =	vnsel @!p1 vm4, $0xFFFFFFFE, v4  }
0x3e: {  	s28 =	sadd.s32 s2, s17;
	[tilespmem:$0x80] =	vst @!p1 v3  }
0x3f: {  	v3 =	vld.msk [tilespmem:s28+$0x0 ss:$0x1], $0xffff;
	_ =	sdelay $0x4  }
0x40: {  	(xrf1) =	vunique.msk.u32 $0xffff, v3;
	_ =	sdelay $0xd  }
0x41: {  	v4 =	vimm.s32 $0xFFFFFFFF;
	v5, _, _ =	vpop (xrf1)  }
0x42: {  	vm5 =	vne.s32 v3, v4;
	vm4 =	veq.s32 v5, v2  }
0x43: {  	vm6 =	vlt.u32 v3, $0x40000;
	vm4 =	vmand vm5, vm4  }
0x44: {  	vm4 =	vmand vm6, vm4  }
0x45: {  	v4 =	vnsel vm4, $0xFFFFFFFF, v3  }
0x46: {  	s31 =	sand.u32 $0x1, s0  }
0x47: {  	s0 =	simm.s32 $0xFA0;
	p1 =	seq.s32 s31, $0x1  }
0x48: {  	s0 =	simm.s32 @!p1 $0x0  }
0x49: {  	s26 =	sadd.s32 $0x3F70, s0;
	(ifvalue) =	ssetifvalue $0xFFFFFFFF  }
0x4a: {  	v3 =	vperm.xlane v3, v1;
	[tilespmem:s26], [sflag:$0x8] =	stream.indirect_vreg.gather [hbm4b:s1+s16], $0x1, v4, vm0, $0x4038;
	v4 =	vnsel vm6, $0xFFFFFFFE, v4;
	[tilespmem:$0x8DC0] =	vst v63  }
0x4b: {  	s2 =	simm.s32 $0x0;
	s22 =	sadd.s32 $0xFFFFFFF0, s28;
	[tilespmem:s28+$0x0] =	vst v4  }
.LBB2_3:
0x4c: {  	v4 =	vld.msk [tilespmem:s22+$0x0 ss:$0x1], $0xffff;
	s2 =	sadd.s32 $0x10, s2;
	v5 =	vmov v3;
	s28 =	smov.u32 s22  }
0x4d: {  	p1 =	slt.u32 s2, $0xF90;
	_ =	sdelay $0x4  }
0x4e: {  	v3 =	vperm.xlane v4, v1;
	(xrf1) =	vunique.msk.u32 $0xffff, v4;
	_ =	sdelay $0xd  }
0x4f: {  	v6, _, _ =	vpop (xrf1)  }
0x50: {  	vm5 =	vne.s32 v4, v5;
	vm4 =	veq.s32 v6, v2  }
0x51: {  	vm6 =	vlt.u32 v4, $0x40000;
	vm4 =	vmand vm5, vm4  }
0x52: {  	vm4 =	vmand vm6, vm4  }
0x53: {  	v4 =	vnsel vm4, $0xFFFFFFFF, v4  }
.Ltmp3:
0x54: {  	v5 =	vnsel vm6, $0xFFFFFFFE, v4;
	(pc) =	sbr.rel @p1 .LBB2_3-.Ltmp3, $3  }
0x55: {  	_ =	sdelay $0x1  }
0x56: {  	s22 =	sadd.s32 $0xFFFFFFF0, s22;
	s26 =	sadd.s32 $0xFFFFFFF0, s26;
	(ifvalue) =	ssetifvalue $0xFFFFFFFF  }
0x57: {  	[tilespmem:s26], [sflag:$0x8] =	stream.indirect_vreg.gather [hbm4b:s1+s16], $0x1, v4, vm0, $0x4038;
	[tilespmem:s28+$0x0] =	vst v5  }
0x58: {  	s2 =	sshrl.u32 s25, $0x3  }
0x59: {  	s0 =	sadd.s32 $0x4F20, s0;
	s2 =	sadd.s32 s6, s2  }
0x5a: {  	[tilespmem:s0], [sflag:$0x8] =	stream.linear.gather [hbm:s2], $0xFA0, $0x38;
	[tilespmem:$0x8DC0] =	vst v63  }
.LBB2_5:
0x5b: {  	p1 =	slt.u32 s24, $0x2  }
0x5c: {  	p2 =	sge.u32 @!p1 s24, s12  }
0x5d: {  	p1 =	por p1, p2  }
.Ltmp4:
0x5e: {  	_ = 	snop;
	(pc) =	sbr.rel @p1 .LBB2_9-.Ltmp4, $1  }
0x5f: {  	_ =	sdelay $0x3  }
0x60: {  	s0 =	sadd.s32 $0xFFFFFFFE, s24  }
0x61: {  	s2 =	smulhi.u32 $0xAAAAAAAB, s0;
	_ =	sdelay $0x1  }
0x62: {  	s2 =	sshrl.u32 s2, $0x1  }
0x63: {  	s2 =	smul.u32 $0x3, s2;
	_ =	sdelay $0x1  }
0x64: {  	s0 =	ssub.s32 s0, s2  }
0x65: {  	_ =	swait.ge [sflag:s8], $0x1F40;
	s0 =	smul.u32 $0xFA0, s0  }
0x66: {  	p1 =	sne.s32 s24, s11;
	[sflag:s8] =	ssyncset.done $0x0  }
0x67: {  	[sflag:s8] =	ssyncadd.s32 $0xFFFFE0C0;
	s2 =	sadd.s32 @!p1 $0x109F, s0  }
0x68: {  	[spmem:s13] =	stream.linear.scatter @!p1 [tilespmem:s2], [sflag:$0x1], $0x1, $0x38;
	[tilespmem:$0x8DC0] =	vst v63  }
0x69: {  	s2 =	simm.s32 @!p1 $0x1  }
0x6a: {  	_ =	swait.ge @!p1 [sflag:s2], $0x1  }
0x6b: {  	s22 =	sshll.u32 s24, $0x4;
	[sflag:s2] =	ssyncset.done @!p1 $0x0  }
0x6c: {  	s25 =	sand.u32 $0x10, s22;
	[sflag:s2] =	ssyncadd.s32 @!p1 $0xFFFFFFFF  }
0x6d: {  	s2 =	sxor.u32 $0x10, s25;
	v4 =	vld [tilespmem:s25+$0x10]  }
0x6e: {  	v5 =	vld [tilespmem:s2+$0x60]  }
0x6f: {  	v3 =	vld [tilespmem:$0x80];
	_ =	sdelay $0x2  }
0x70: {  	(v2sf) =	vpush v4, $0x0  }
0x71: {  	(v2sf) =	vpush v5, $0x0  }
0x72: {  	(v2sf) =	vpush v3, $0x0;
	_ =	sdelay $0xc  }
0x73: {  	s22 =	spop (v2sf)  }
0x74: {  	s26 =	spop (v2sf)  }
0x75: {  	s28 =	spop (v2sf)  }
0x76: {  	p2 =	seq.s32 s22, s26;
	p3 =	seq.s32 s28, s22  }
0x77: {  	p3 =	por p2, p3  }
0x78: {  	s26 =	sand.u32 $0x1, s24;
	v4 =	vpsel p3, $0xFFFFFFFF, v4  }
0x79: {  	s29 =	smul.u32 $0xFA0, s26;
	[tilespmem:s25+$0x10] =	vst.msk $0x1, v4  }
0x7a: {  	v4 =	vld [tilespmem:$0x30]  }
0x7b: {  	v5 =	vld [tilespmem:s29+$0x4F20]  }
0x7c: {  	v6 =	vld [tilespmem:s25+$0x40];
	_ =	sdelay $0x3  }
0x7d: {  	vm4 =	vmmov vm1;
	v5 =	vadd.f32 v5, v4  }
0x7e: {  	vm5 =	vmmov vm2;
	vm4 =	vmmov @p2 vm2;
	s22 =	sshll.u32 s26, $0x4;
	v4 =	vadd.f32 v6, v4  }
0x7f: {  	s26 =	sor.u32 $0x8DA0, s22;
	vm5 =	vmmov @p3 vm1;
	[tilespmem:s29+$0x4F20] =	vst.msk vm4, v5  }
0x80: {  	[tilespmem:s26+$0x0] =	vst.msk vm5, v4  }
0x81: {  	v4 =	vld [tilespmem:s29+$0x3F70];
	_ =	sdelay $0x3  }
0x82: {  	v5 =	vimm.f32 $0.0e+00  }
0x83: {  	v4 =	vshift.insert v4, v5, s21  }
0x84: {  	s22 =	sor.u32 $0x40, s2  }
0x85: {  	[tilespmem:s22+$0x0] =	vst.msk $0x1, v4  }
0x86: {  	[tilespmem:s29+$0x3F7F] =	vst.msk $0x1, v5  }
0x87: {  	v4 =	vld [tilespmem:s0+$0x1090];
	_ =	sdelay $0x1  }
0x88: {  	s22 =	smulhi.u32 $0xAAAAAAAB, s20;
	s0 =	simm.s32 $0x1  }
0x89: {  	s0 =	simm.s32 @!p0 $0x0  }
0x8a: {  	s22 =	sshrl.u32 s22, $0x1;
	s0 =	smul.u32 $0x3E80, s0  }
0x8b: {  	s22 =	smul.u32 $0xFFFF4480, s22;
	v4 =	vshift.insert v4, v1, s21  }
0x8c: {  	s0 =	sshrl.u32 s0, $0x2  }
0x8d: {  	s22 =	sshra.s32 s22, $0x2;
	s30 =	sadd.s32 $0x4F20, s0;
	[tilespmem:s2+$0x10] =	vst.msk $0x1, v4  }
0x8e: {  	s22 =	sadd.s32 s22, s19;
	v6 =	vld [tilespmem:s30+$0x0]  }
0x8f: {  	v7 =	vld [tilespmem:s22+$0x0];
	_ =	sdelay $0x3  }
0x90: {  	v5 =	vadd.f32 v6, v5  }
0x91: {  	vm4 =	vne.s32 v7, $0xFFFFFFFF  }
0x92: {  	(xrf2) =	vadd.seg.scan.f32 vm4, v5;
	_ =	sdelay $0x3  }
0x93: {  	s31 =	sadd.s32 $0x2FE0, s0;
	v5 =	vperm.xlane v4, v1  }
0x94: {  	v6 =	vld [tilespmem:s31+$0x0]  }
0x95: {  	vm5 =	veq.s32 v7, v3;
	vm6 =	veq.s32 v7, v5  }
0x96: {  	vm7 =	vgt.u32 v7, $0xFFFFFFFD;
	vm6 =	vmor vm6, vm5  }
0x97: {  	vm6 =	vmor vm6, vm7  }
0x98: {  	v9 =	vld [tilespmem:$0xA0];
	v7 =	vsel vm6, $0xFFFFFFFF, v7  }
0x99: {  	v10 =	vld [tilespmem:$0x90];
	v6 =	vsel vm5, $0x0, v6;
	v8, _, _ =	vpop (xrf2)  }
0x9a: {  	v6 =	vadd.f32 v8, v6  }
0x9b: {  	s0 =	sadd.s32 $0x6E60, s0  }
0x9c: {  	vm4 =	vmand vm4, vm3;
	[tilespmem:s0+$0x0] =	vst v6;
	(ifvalue) =	ssetifvalue $0xFFFFFFFF  }
0x9d: {  	vm6 =	veq.s32 v9, $0x1;
	[hbm4b:s1+s16] =	stream.indirect_vreg.scatter [tilespmem:s0], [sflag:$0x2], $0x1, v7, vm0, $0x4038;
	v7 =	vsel vm4, $0x0, v8;
	[tilespmem:$0x8DC0] =	vst v63  }
0x9e: {  	s2 =	simm.s32 $0x0;
	s22 =	sadd.s32 $0x10, s22;
	vm4 =	vmor vm6, vm5;
	v6 =	vsel vm5, v8, v10;
	v7 =	vshift.insert v7, v0, s21  }
.LBB2_7:
0x9f: {  	v8 =	vld [tilespmem:s22+$0x0];
	s30 =	sadd.s32 $0x10, s30  }
0xa0: {  	s31 =	sadd.s32 $0x10, s31;
	v9 =	vld [tilespmem:s30+$0x0]  }
0xa1: {  	s2 =	sadd.s32 $0x10, s2;
	v10 =	vld [tilespmem:s31+$0x0]  }
0xa2: {  	p2 =	slt.u32 s2, $0xF90;
	_ =	sdelay $0x2  }
0xa3: {  	v7 =	vadd.f32 v9, v7  }
0xa4: {  	vm5 =	vne.s32 v8, $0xFFFFFFFF  }
0xa5: {  	vm6 =	vmand vm5, vm3;
	(xrf2) =	vadd.seg.scan.f32 vm5, v7;
	_ =	sdelay $0x5  }
0xa6: {  	vm7 =	veq.s32 v8, v5;
	vm5 =	veq.s32 v8, v3  }
0xa7: {  	vm8 =	vgt.u32 v8, $0xFFFFFFFD;
	vm4 =	vmor vm4, vm5;
	vm7 =	vmor vm7, vm5  }
0xa8: {  	vm7 =	vmor vm7, vm8  }
0xa9: {  	v8 =	vsel vm7, $0xFFFFFFFF, v8  }
.Ltmp5:
0xaa: {  	v7 =	vsel vm5, $0x0, v10;
	v9, _, _ =	vpop (xrf2);
	(pc) =	sbr.rel @p2 .LBB2_7-.Ltmp5, $4  }
0xab: {  	v6 =	vsel vm5, v9, v6;
	v10 =	vadd.f32 v9, v7;
	v7 =	vsel vm6, $0x0, v9  }
0xac: {  	s0 =	sadd.s32 $0x10, s0;
	v7 =	vshift.insert v7, v0, s21  }
0xad: {  	s22 =	sadd.s32 $0x10, s22;
	[tilespmem:s0+$0x0] =	vst v10;
	(ifvalue) =	ssetifvalue $0xFFFFFFFF  }
0xae: {  	[hbm4b:s1+s16] =	stream.indirect_vreg.scatter [tilespmem:s0], [sflag:$0x2], $0x1, v8, vm0, $0x4038;
	[tilespmem:$0x8DC0] =	vst v63  }
0xaf: {  	v3 =	vld [tilespmem:s29+$0x7DF0];
	_ =	sdelay $0x4  }
0xb0: {  	v3 =	vshift.insert v3, v0, s21  }
0xb1: {  	s0 =	simm.s32 $0x30  }
0xb2: {  	[tilespmem:s0+$0x0] =	vst.msk $0x1, v3  }
0xb3: {  	v3 =	vsel vm4, $0x1, v1;
	[tilespmem:$0x90] =	vst v6  }
0xb4: {  	s0 =	sadd.s32 @!p1 $0x7DFF, s29;
	[tilespmem:$0xA0] =	vst v3  }
0xb5: {  	[spmem:s14] =	stream.linear.scatter @!p1 [tilespmem:s0], [sflag:$0x1], $0x1, $0x38;
	[tilespmem:$0x8DC0] =	vst v63  }
0xb6: {  	s0 =	simm.s32 @!p1 $0x1  }
0xb7: {  	v3 =	vmctz.xlane @!p1 vm4;
	_ =	swait.ge @!p1 [sflag:s0], $0x1  }
0xb8: {  	(v2sf) =	vpush @!p1 v4, $0x0  }
0xb9: {  	(v2sf) =	vpush @!p1 v3, $0x0;
	_ =	sdelay $0xd  }
0xba: {  	s2 =	spop @!p1 (v2sf)  }
0xbb: {  	s22 =	spop @!p1 (v2sf)  }
0xbc: {  	p2 =	sne.s32 @!p1 s28, s2;
	p3 =	slt.s32 @!p1 s22, $0xF  }
0xbd: {  	[sflag:s0] =	ssyncset.done @!p1 $0x0;
	p2 =	por p2, p1;
	p3 =	por !p3, p1  }
0xbe: {  	[sflag:s0] =	ssyncadd.s32 @!p1 $0xFFFFFFFF;
	v3 =	vimm.s32 @!p2 $0xFFFFFFFF;
	s22 =	simm.s32 @p3 $0xF  }
0xbf: {  	[tilespmem:$0x80] =	vst @!p2 v3;
	s2 =	sadd.s32 @!p1 $0x90, s22  }
0xc0: {  	[spmem:s10] =	stream.linear.scatter @!p1 [tilespmem:s2], [sflag:$0x1], $0x1, $0x38;
	[tilespmem:$0x8DC0] =	vst v63  }
0xc1: {  	_ =	swait.ge @!p1 [sflag:s0], $0x1  }
0xc2: {  	[sflag:s0] =	ssyncset.done @!p1 $0x0  }
0xc3: {  	s2 =	simm.s32 @!p1 $0x80;
	[sflag:s0] =	ssyncadd.s32 @!p1 $0xFFFFFFFF  }
0xc4: {  	[spmem:s15] =	stream.linear.scatter @!p1 [tilespmem:s2], [sflag:$0x1], $0x1, $0x38;
	[tilespmem:$0x8DC0] =	vst v63  }
0xc5: {  	_ =	swait.ge @!p1 [sflag:s0], $0x1  }
0xc6: {  	[sflag:s0] =	ssyncset.done @!p1 $0x0  }
0xc7: {  	[sflag:s0] =	ssyncadd.s32 @!p1 $0xFFFFFFFF;
	(ifvalue) =	ssetifvalue $0xFFFFFFFF;
	v3 =	vld [tilespmem:s25+$0x10];
	_ =	sdelay $0x3  }
.Ltmp6:
0xc8: {  	_ = 	snop;
	(pc) =	sbr.rel .LBB2_9-.Ltmp6, $3  }
0xc9: {  	_ =	sdelay $0x1  }
0xca: {  	(ifvalue) =	ssetifvalue $0xFFFFFFFF  }
0xcb: {  	[hbm4b:s1+s16] =	stream.indirect_vreg.scatter [tilespmem:s26], [sflag:$0x9], $0x1, v3, vm0, $0x4038;
	[tilespmem:$0x8DC0] =	vst v63  }
.LBB2_10:
0xcc: {  	_ =	sfence.sel $0x180000  }
0xcd: {  	s0 =	simm.s32 $0x7;
	[bflag:$0x0] =	sbarrier.arrive $0xFFFF  }
0xce: {  	s26 =	simm.s32 $0x8;
	[sflag:s0] =	ssyncpa.u1 $0x1  }
0xcf: {  	s28 =	simm.s32 $0x9;
	[sflag:s26] =	ssyncpa.u1 $0x1  }
0xd0: {  	[sflag:s28] =	ssyncpa.u1 $0x1  }
0xd1: {  	_ =	sfence.stream.spmem  }
0xd2: {  	s29 =	simm.s32 $0x3;
	[bflag:$0x0] =	sbarrier.arrive $0xFFFF  }
0xd3: {  	s30 =	simm.s32 $0x4;
	[sflag:s29] =	ssyncpa.u1 $0x1  }
0xd4: {  	s31 =	simm.s32 $0x3C;
	s2 =	stileid.u32;
	[sflag:s30] =	ssyncpa.u1 $0x1  }
0xd5: {  	p0 =	sne.s32 s2, $0x0;
	[sflag:s31] =	ssyncpa.u1 $0x1  }
0xd6: {  	s0 =	simm.s32 @p0 $0x1;
	_ =	sfence @p0  }
0xd7: {  	[sflag:s0] =	ssyncpa.u1 @p0 $0x1;
	s0 =	simm.s32 @p0 $0x2  }
0xd8: {  	[sflag:s0] =	ssyncpa.u1 @p0 $0x1  }
0xd9: {  	_ =	strace @p0 $0x90000053  }
0xda: {  	[bflag:$0x2] =	sbarrier.arrive @p0 $0xFFFF  }
0xdb: {  	_ =	shalt @p0  }
.LBB2_11:
0xdc: {  	_ =	sfence.stream.spmem;
	s0 =	simm.s32 $0x5  }
0xdd: {  	s2 =	simm.s32 $0x80;
	s3 =	simm.s32 $0xC0;
	[sflag:s0] =	ssyncpa.u1 $0x0  }
0xde: {  	[tilespmem:s3], [sflag:$0x5] =	stream.linear.gather [spmem:s2], $0x20, $0x38;
	[tilespmem:$0x8DC0] =	vst v63  }
0xdf: {  	s2 =	simm.s32 $0x0;
	s3 =	simm.s32 $0xE0  }
0xe0: {  	[tilespmem:s3], [sflag:$0x5] =	stream.linear.gather [spmem:s2], $0x20, $0x38;
	[tilespmem:$0x8DC0] =	vst v63  }
.Ltmp7:
0xe1: {  	_ = 	snop;
	(pc) =	sbr.rel .LBB2_12-.Ltmp7, $4  }
0xe2: {  	_ =	swait.ge [sflag:s0], $0x40  }
0xe3: {  	[sflag:s0] =	ssyncset.done $0x0  }
0xe4: {  	s31 =	simm.s32 $0x6;
	[sflag:s0] =	ssyncadd.s32 $0xFFFFFFC0  }
0xe5: {  	s4 =	simm.s32 $0x0;
	[sflag:s31] =	ssyncpa.u1 $0x0  }
.LBB2_17:
0xe6: {  	p0 =	sgt.u32 s5, $0x3FFFF  }
0xe7: {  	s0 =	sshrl.u32 @!p0 s5, $0x3  }
0xe8: {  	s5 =	sand.u32 @!p0 $0x7, s5;
	s6 =	simm.s32 @!p0 $0xB0;
	s0 =	sadd.s32 @!p0 s1, s0  }
0xe9: {  	[tilespmem:s6], [sflag:$0x6] =	stream.linear.gather @!p0 [hbm4b:s0+s5], $0x1, $0x38;
	[tilespmem:$0x8DC0] =	vst v63  }
0xea: {  	s0 =	simm.s32 @!p0 $0x6  }
0xeb: {  	_ =	swait.ge @!p0 [sflag:s0], $0x1  }
0xec: {  	[sflag:s0] =	ssyncset.done @!p0 $0x0  }
0xed: {  	[sflag:s0] =	ssyncadd.s32 @!p0 $0xFFFFFFFF  }
0xee: {  	v2 =	vmov @!p0 s4;
	v1 =	vld.msk @!p0 [tilespmem:$0xB0], $0x1;
	_ =	sdelay $0x3  }
0xef: {  	s0 =	simm.s32 @!p0 $0xE0  }
0xf0: {  	[tilespmem:v2+s0+$0x0], v1 =	vst.idx.ret.add.f32.msk @!p0 $0x1, v1  }
0xf1: {  	[tilespmem:s2+$0xC0] =	vst.msk $0x1, v0  }
0xf2: {  	v0 =	vld.msk [tilespmem:s4+$0xE0], $0x1;
	_ =	sdelay $0x4  }
0xf3: {  	[tilespmem:s2+$0xE0] =	vst.msk $0x1, v0;
	s2 =	sadd.s32 $0x1, s2  }
.LBB2_19:
0xf4: {  	s4 =	sadd.s32 $0x1, s4  }
0xf5: {  	p0 =	sne.s32 s4, $0x20  }
.Ltmp8:
0xf6: {  	_ = 	snop;
	(pc) =	sbr.rel @!p0 .LBB2_20-.Ltmp8, $1  }
0xf7: {  	_ =	sdelay $0x3  }
.LBB2_12:
0xf8: {  	v0 =	vld.msk [tilespmem:s4+$0xC0], $0x1;
	_ =	sdelay $0x4  }
0xf9: {  	(v2sf) =	vpush v0, $0x0;
	_ =	sdelay $0xe  }
0xfa: {  	s5 =	spop (v2sf)  }
0xfb: {  	p0 =	seq.s32 s5, $0xFFFFFFFF  }
.Ltmp9:
0xfc: {  	_ = 	snop;
	(pc) =	sbr.rel @p0 .LBB2_19-.Ltmp9, $1  }
0xfd: {  	_ =	sdelay $0x3  }
0xfe: {  	p0 =	slt.s32 s2, $0x1  }
.Ltmp10:
0xff: {  	_ = 	snop;
	(pc) =	sbr.rel @p0 .LBB2_17-.Ltmp10, $1  }
0x100: {  	_ =	sdelay $0x3  }
0x101: {  	s0 =	simm.s32 $0xC0;
	p0 =	por $0x0, $0x0  }
0x102: {  	v1 =	vld.msk @!p0 [tilespmem:s0+$0x0], $0x1;
	_ =	sdelay $0x4  }
0x103: {  	(v2sf) =	vpush @!p0 v1, $0x0;
	_ =	sdelay $0xd  }
0x104: {  	p2 =	sne.s32 s2, $0x1  }
.Ltmp11:
0x105: {  	s6 =	spop @!p0 (v2sf);
	(pc) =	sbr.rel @!p2 .LBB2_16-.Ltmp11, $4  }
0x106: {  	p1 =	seq.s32 @!p0 s5, s6  }
0x107: {  	s6 =	simm.s32 $0x0;
	p1 =	por !p1, p0  }
0x108: {  	s8 =	simm.s32 $0xFFFFFFFF;
	s6 =	simm.s32 @p1 $0xFFFFFFFF  }
0x109: {  	s7 =	simm.s32 $0x1;
	s6 =	smov.u32 @p0 s8  }
.LBB2_15:
0x10a: {  	s8 =	smov.u32 s6;
	p0 =	sne.s32 s6, $0xFFFFFFFF  }
0x10b: {  	s0 =	sadd.s32 $0x1, s0;
	s6 =	smov.u32 s7;
	s7 =	sadd.s32 $0x1, s7  }
0x10c: {  	p1 =	sne.s32 s2, s7;
	v1 =	vld.msk @!p0 [tilespmem:s0+$0x0], $0x1;
	_ =	sdelay $0x4  }
0x10d: {  	(v2sf) =	vpush @!p0 v1, $0x0;
	_ =	sdelay $0xe  }
.Ltmp12:
0x10e: {  	s9 =	spop @!p0 (v2sf);
	(pc) =	sbr.rel @p1 .LBB2_15-.Ltmp12, $4  }
0x10f: {  	p2 =	seq.s32 @!p0 s5, s9  }
0x110: {  	p2 =	por !p2, p0  }
0x111: {  	s6 =	simm.s32 @p2 $0xFFFFFFFF  }
0x112: {  	s6 =	smov.u32 @p0 s8  }
.LBB2_16:
0x113: {  	p0 =	sne.s32 s6, $0xFFFFFFFF  }
.Ltmp13:
0x114: {  	_ = 	snop;
	(pc) =	sbr.rel @!p0 .LBB2_17-.Ltmp13, $1  }
0x115: {  	_ =	sdelay $0x3  }
0x116: {  	v0 =	vld.msk [tilespmem:s4+$0xE0], $0x1;
	v1 =	vmov s6  }
.Ltmp14:
0x117: {  	_ = 	snop;
	(pc) =	sbr.rel .LBB2_19-.Ltmp14, $2  }
0x118: {  	_ =	sdelay $0x2  }
0x119: {  	[tilespmem:v1+s3+$0x0], v0 =	vst.idx.ret.add.f32.msk $0x1, v0  }
.LBB2_20:
0x11a: {  	p0 =	slt.s32 s2, $0x1  }
.Ltmp15:
0x11b: {  	_ = 	snop;
	(pc) =	sbr.rel @p0 .LBB2_24-.Ltmp15, $3  }
0x11c: {  	_ =	sdelay $0x1  }
0x11d: {  	s0 =	simm.s32 $0x6  }
0x11e: {  	s3 =	simm.s32 $0x0;
	[sflag:s0] =	ssyncpa.u1 $0x1  }
0x11f: {  	s0 =	simm.s32 $0xC0  }
0x120: {  	v0 =	vld.msk [tilespmem:s0+$0x0], $0x1;
	_ =	sdelay $0x4  }
0x121: {  	(v2sf) =	vpush v0, $0x0;
	_ =	sdelay $0xe  }
0x122: {  	s2 =	sadd.s32 $0xFFFFFFFF, s2;
	s4 =	spop (v2sf)  }
0x123: {  	p1 =	sne.s32 s2, $0x0;
	p0 =	sgt.u32 s4, $0x3FFFF  }
.Ltmp16:
0x124: {  	s5 =	sshrl.u32 @!p0 s4, $0x3;
	(pc) =	sbr.rel @!p1 .LBB2_23-.Ltmp16, $4  }
0x125: {  	s0 =	simm.s32 $0xE0;
	s4 =	sand.u32 @!p0 $0x7, s4;
	s5 =	sadd.s32 @!p0 s1, s5  }
0x126: {  	[hbm4b:s5+s4] =	stream.linear.scatter @!p0 [tilespmem:s0], [sflag:$0x5], $0x1, $0x38;
	[tilespmem:$0x8DC0] =	vst v63  }
0x127: {  	s5 =	simm.s32 $0x0  }
0x128: {  	s4 =	simm.s32 $0xC1;
	s5 =	simm.s32 @!p0 $0x4  }
.LBB2_22:
0x129: {  	v0 =	vld.msk [tilespmem:s4+$0x0], $0x1;
	s2 =	sadd.s32 $0xFFFFFFFF, s2;
	s3 =	sadd.s32 s3, s5  }
0x12a: {  	p0 =	sne.s32 s2, $0x0;
	_ =	sdelay $0x3  }
0x12b: {  	(v2sf) =	vpush v0, $0x0;
	_ =	sdelay $0xe  }
.Ltmp17:
0x12c: {  	s6 =	spop (v2sf);
	(pc) =	sbr.rel @p0 .LBB2_22-.Ltmp17, $4  }
0x12d: {  	s5 =	simm.s32 $0x0;
	p1 =	sgt.u32 s6, $0x3FFFF  }
0x12e: {  	s0 =	sadd.s32 $0x1, s0;
	s5 =	simm.s32 @!p1 $0x4;
	s7 =	sshrl.u32 @!p1 s6, $0x3  }
0x12f: {  	s4 =	sadd.s32 $0x1, s4;
	s6 =	sand.u32 @!p1 $0x7, s6;
	s7 =	sadd.s32 @!p1 s1, s7  }
0x130: {  	[hbm4b:s7+s6] =	stream.linear.scatter @!p1 [tilespmem:s0], [sflag:$0x5], $0x1, $0x38;
	[tilespmem:$0x8DC0] =	vst v63  }
.LBB2_23:
0x131: {  	s0 =	sadd.s32 s3, s5  }
0x132: {  	s3 =	sshrl.u32 s0, $0x2  }
.LBB2_24:
0x133: {  	s0 =	simm.s32 $0x5  }
0x134: {  	_ =	swait.ge [sflag:s0], s3  }
0x135: {  	s1 =	ssub.s32 $0x0, s3;
	[sflag:s0] =	ssyncset.done $0x0  }
0x136: {  	[sflag:s0] =	ssyncadd.s32 s1  }
0x137: {  	[sflag:s0] =	ssyncpa.u1 $0x1  }
0x138: {  	s29 =	simm.s32 $0x1;
	_ =	sfence  }
0x139: {  	s30 =	simm.s32 $0x2;
	[sflag:s29] =	ssyncpa.u1 $0x1  }
0x13a: {  	[sflag:s30] =	ssyncpa.u1 $0x1  }
0x13b: {  	_ =	strace $0x90000053  }
0x13c: {  	[bflag:$0x2] =	sbarrier.arrive $0xFFFF  }
0x13d: {  	s31 =	rddreg [dreg:$0x1]  }
0x13e: {  	s0 =	sadd.s32 $0x100000, s31  }
0x13f: {  	[sflag:s0] =	ssyncadd.tile.s32 $0x1;
	_ =	shalt  }
.Lfunc_end2:
_tile_overlayer_lowered:
.L_overlay_start_2:
0x140: {  	(tag) =	ssettag $0x2  }
0x141: {  	s0 =	rddreg [dreg:$0x0];
	s2 =	stileid.u32  }
0x142: {  	s1 =	rddreg [dreg:$0x1];
	p0 =	sne.s32 s2, $0x0  }
0x143: {  	s3 =	rddreg [dreg:$0x2];
	[bflag:$0x3] =	sbarrier.arrive $0xFFFF;
	s2 =	simm.s32 @!p0 $0x1C01  }
0x144: {  	[timem:s3], [sflag:s2] =	dma.local @!p0 [hbm:s0], s1  }
0x145: {  	s0 =	simm.s32 @!p0 $0x1  }
0x146: {  	_ =	swait.ge @!p0 [sflag:s0], s1  }
0x147: {  	s1 =	ssub.s32 @!p0 $0x0, s1;
	[sflag:s0] =	ssyncset.done @!p0 $0x0  }
0x148: {  	[sflag:s0] =	ssyncadd.s32 @!p0 s1  }
0x149: {  	[bflag:$0x3] =	sbarrier.arrive $0xFFFF  }
0x14a: {  	_ =	shalt  }

// kernel: scatter_offload_async_start.5
scs
__scs_entry_jumppad:
0x0: {  	(pc) =	sbr.rel $0x88, $3  }
0x1: {  	(tag) =	ssettag $0x0;
	lr =	simm.s32 $0x1  }
0x2: {  	[smem:$0x3F9E] =	sst lr;
	_ =	strace $0xD0000000  }
0x3: {  	_ = 	snop  }
0x4: {  	_ = 	snop  }
0x5: {  	_ = 	snop  }
0x6: {  	_ = 	snop  }
0x7: {  	_ = 	snop  }
__scs_overlays_trampoline_lowered:
0x8: {  	[smem:$0x3FAD] =	sst s0  }
0x9: {  	[smem:$0x3FAE] =	sst s1  }
0xa: {  	[smem:$0x3FAF] =	sst s2  }
0xb: {  	[smem:$0x3FB0] =	sst s3  }
0xc: {  	[smem:$0x3FB1] =	sst s4  }
0xd: {  	[smem:$0x3FB2] =	sst s5  }
0xe: {  	[smem:$0x3FB3] =	sst s6  }
0xf: {  	[smem:$0x3FB4] =	sst s7  }
0x10: {  	[smem:$0x3FB5] =	sst s8  }
0x11: {  	[smem:$0x3FB6] =	sst s9;
	s0 =	simm.s32 @!p0 $0x0  }
0x12: {  	s1 =	sld [smem:$0x3F9C];
	s0 =	simm.s32 @p0 $0x1  }
0x13: {  	[smem:$0x3FB7] =	sst s0;
	s0 =	simm.s32 @!p1 $0x0  }
0x14: {  	s2 =	sld [smem:$0x3F9B];
	s0 =	simm.s32 @p1 $0x1  }
0x15: {  	[smem:$0x3FB8] =	sst s0;
	s0 =	simm.s32 @!p2 $0x0  }
0x16: {  	s3 =	sld [smem:$0x3FDB];
	s0 =	simm.s32 @p2 $0x1  }
0x17: {  	s4 =	simm.s32 $0x1BF5;
	[smem:$0x3FBA] =	sst s0  }
0x18: {  	s0 =	sld [smem:$0x3F9D];
	_ =	swait.ge [sflag:s4], $0x0  }
0x19: {  	s7 =	sld [smem:$0x3F9E]  }
0x1a: {  	s8 =	sadd.s32 $0xFFFFE003, lr  }
0x1b: {  	s9 =	sadd.s32 $0xFFFFFEF7, lr;
	s5 =	simm.s32 $0xFFFFFFFF;
	p2 =	slt.u32 s8, $0xFFFFF086  }
0x1c: {  	p1 =	slt.u32 s9, $0xF7A;
	s5 =	simm.s32 @!p2 $0x0  }
0x1d: {  	s5 =	simm.s32 @p1 $0x1;
	p0 =	seq.s32 s7, s2  }
0x1e: {  	s7 =	smul.u32 @!p0 $0xF7A, s2;
	p2 =	seq.s32 @!p0 s5, $0x0  }
0x1f: {  	s9 =	smul.u32 $0xF7A, s1;
	s8 =	simm.s32 @!p0 $0x1BF5;
	p2 =	por !p2, p0  }
0x20: {  	[sflag:s8] =	ssyncset.s32 @!p0 $0xFFFFF086;
	s6 =	sadd.s32 @!p0 s3, s7;
	s7 =	simm.s32 @!p0 $0x108  }
0x21: {  	s3 =	sadd.s32 s3, s9;
	s6 =	sadd.s32 @!p0 $0x88, s6;
	s7 =	simm.s32 @p2 $0x1082  }
0x22: {  	[simem:s7], [sflag:s8] =	dma.local @!p0 [hbm:s6], $0xF7A  }
0x23: {  	s9 =	sor.u32 $0xD0000000, s2;
	s6 =	simm.s32 $0x108;
	_ =	swait.ge @!p0 [sflag:s8], $0x0  }
0x24: {  	s3 =	sadd.s32 $0x88, s3;
	s6 =	simm.s32 @!p1 $0x1082;
	[sflag:s4] =	ssyncset.s32 $0xFFFFF086  }
0x25: {  	[simem:s6], [sflag:s4] =	dma.local [hbm:s3], $0xF7A  }
0x26: {  	[smem:$0x3F9E] =	sst s1;
	(tag) =	ssettag s2;
	_ =	strace s9  }
0x27: {  	s1 =	sld [smem:$0x3FAE]  }
0x28: {  	s2 =	sld [smem:$0x3FAF]  }
0x29: {  	s4 =	sld [smem:$0x3FB1]  }
0x2a: {  	p0 =	seq.s32 s5, $0x0;
	s5 =	sld [smem:$0x3FB2]  }
0x2b: {  	s6 =	sld [smem:$0x3FB3]  }
0x2c: {  	s7 =	sld [smem:$0x3FB4]  }
0x2d: {  	s3 =	simm.s32 $0x108;
	s8 =	sld [smem:$0x3FB5]  }
0x2e: {  	s3 =	simm.s32 @!p0 $0x1082;
	s9 =	sld [smem:$0x3FB6]  }
0x2f: {  	lr =	sadd.s32 s0, s3;
	s0 =	sld [smem:$0x3FAD]  }
0x30: {  	s3 =	sld [smem:$0x3FB0]  }
0x31: {  	[smem:$0x3FB9] =	sst s10  }
0x32: {  	s10 =	sld [smem:$0x3FB7];
	_ =	sdelay $0x3  }
0x33: {  	p0 =	seq.s32 s10, $0x1;
	s10 =	sld [smem:$0x3FB9];
	_ =	sdelay $0x3  }
0x34: {  	[smem:$0x3FB9] =	sst s10  }
0x35: {  	s10 =	sld [smem:$0x3FB8];
	_ =	sdelay $0x3  }
0x36: {  	p1 =	seq.s32 s10, $0x1;
	s10 =	sld [smem:$0x3FB9];
	_ =	sdelay $0x3  }
0x37: {  	[smem:$0x3FB9] =	sst s10  }
0x38: {  	s10 =	sld [smem:$0x3FBA]  }
0x39: {  	_ = 	snop;
	(pc) =	sbr.ind lr, $3  }
0x3a: {  	_ = 	snop  }
0x3b: {  	_ = 	snop  }
0x3c: {  	p2 =	seq.s32 s10, $0x1;
	s10 =	sld [smem:$0x3FB9]  }
0x3d: {  	_ =	shalt  }
0x3e: {  	_ =	shalt  }
0x3f: {  	_ =	shalt  }
0x40: {  	_ =	shalt  }
0x41: {  	_ =	shalt  }
0x42: {  	_ =	shalt  }
0x43: {  	_ =	shalt  }
0x44: {  	_ =	shalt  }
0x45: {  	_ =	shalt  }
0x46: {  	_ =	shalt  }
0x47: {  	_ =	shalt  }
0x48: {  	_ =	shalt  }
0x49: {  	_ =	shalt  }
0x4a: {  	_ =	shalt  }
0x4b: {  	_ =	shalt  }
0x4c: {  	_ =	shalt  }
0x4d: {  	_ =	shalt  }
0x4e: {  	_ =	shalt  }
0x4f: {  	_ =	shalt  }
0x50: {  	_ =	shalt  }
0x51: {  	_ =	shalt  }
0x52: {  	_ =	shalt  }
0x53: {  	_ =	shalt  }
0x54: {  	_ =	shalt  }
0x55: {  	_ =	shalt  }
0x56: {  	_ =	shalt  }
0x57: {  	_ =	shalt  }
0x58: {  	_ =	shalt  }
0x59: {  	_ =	shalt  }
0x5a: {  	_ =	shalt  }
0x5b: {  	_ =	shalt  }
0x5c: {  	_ =	shalt  }
0x5d: {  	_ =	shalt  }
0x5e: {  	_ =	shalt  }
0x5f: {  	_ =	shalt  }
0x60: {  	_ =	shalt  }
0x61: {  	_ =	shalt  }
0x62: {  	_ =	shalt  }
0x63: {  	_ =	shalt  }
0x64: {  	_ =	shalt  }
0x65: {  	_ =	shalt  }
0x66: {  	_ =	shalt  }
0x67: {  	_ =	shalt  }
0x68: {  	_ =	shalt  }
0x69: {  	_ =	shalt  }
0x6a: {  	_ =	shalt  }
0x6b: {  	_ =	shalt  }
0x6c: {  	_ =	shalt  }
0x6d: {  	_ =	shalt  }
0x6e: {  	_ =	shalt  }
0x6f: {  	_ =	shalt  }
0x70: {  	_ =	shalt  }
0x71: {  	_ =	shalt  }
0x72: {  	_ =	shalt  }
0x73: {  	_ =	shalt  }
0x74: {  	_ =	shalt  }
0x75: {  	_ =	shalt  }
0x76: {  	_ =	shalt  }
0x77: {  	_ =	shalt  }
0x78: {  	_ =	shalt  }
0x79: {  	_ =	shalt  }
0x7a: {  	_ =	shalt  }
0x7b: {  	_ =	shalt  }
0x7c: {  	_ =	shalt  }
0x7d: {  	_ =	shalt  }
0x7e: {  	_ =	shalt  }
0x7f: {  	_ =	shalt  }
0x80: {  	_ =	shalt  }
0x81: {  	_ =	shalt  }
0x82: {  	_ =	shalt  }
0x83: {  	_ =	shalt  }
0x84: {  	_ =	shalt  }
0x85: {  	_ =	shalt  }
0x86: {  	_ =	shalt  }
0x87: {  	_ =	shalt  }
.Lfunc_end0:
.L_simem_size_0:
called_computation.5_lowered:
.L_overlay_start_0:
0x88: {  	s0 =	sld [smem:$0x3FD9]  }
0x89: {  	s1 =	sld [smem:$0x3FFE];
	_ =	sdelay $0x3  }
0x8a: {  	s0 =	sadd.s32 s1, s0  }
0x8b: {  	[smem:$0x3FC5] =	sst s0  }
0x8c: {  	_ = 	snop  }
0x8d: {  	(tm) =	ssettm $0x1  }
0x8e: {  	s15 =	sld [smem:$0x3FFB];
	_ =	sdelay $0x3  }
0x8f: {  	_ =	strace s15  }
0x90: {  	s0 =	sld [smem:$0x3FFC];
	_ =	sdelay $0x3  }
0x91: {  	_ =	strace s0  }
0x92: {  	s0 =	sld [smem:$0x3FFD];
	_ =	sdelay $0x3  }
0x93: {  	_ =	strace s0  }
0x94: {  	_ =	strace $0x8FFFFFFF  }
0x95: {  	s16 =	sld [smem:$0x3FDB];
	_ =	sdelay $0x1  }
0x96: {  	s17 =	simm.s32 $_scs_section_size  }
0x97: {  	s2 =	simm.s32 $_size__tile_overlayer_lowered;
	s3 =	simm.s32 $_tile_overlayer_lowered  }
0x98: {  	s20 =	simm.s32 $0x1BFF;
	s19 =	sshll.u32 s3, $0x1;
	s0 =	sadd.s32 s17, s16  }
0x99: {  	s4 =	simm.s32 $0x0;
	s18 =	sshll.u32 s2, $0x1;
	s2 =	sadd.s32 s19, s0  }
0x9a: {  	[timem:s4], [sflag:s20] =	dma.local [hbm:s2], s18  }
0x9b: {  	_ =	swait.ge [sflag:s20], s18  }
0x9c: {  	s1 =	ssub.s32 $0x0, s18;
	[sflag:s20] =	ssyncset.done $0x0  }
0x9d: {  	[sflag:s20] =	ssyncadd.s32 s1;
	_ =	sdelay $0x1  }
0x9e: {  	s21 =	simm.s32 $0x1B8B  }
0x9f: {  	_ =	swait.ge [sflag:s21], $0x1  }
0xa0: {  	[sflag:s21] =	ssyncset.done $0x0  }
0xa1: {  	s23 =	simm.s32 $0x1B8E;
	s22 =	sld [smem:$0x3FFE];
	[sflag:s21] =	ssyncadd.s32 $0xFFFFFFFF  }
0xa2: {  	s24 =	simm.s32 $execute0_lowered;
	[smem:$0x3FD2] =	sst s23  }
0xa3: {  	s2 =	sshll.u32 s24, $0x1;
	_ =	strace $0x80000055;
	[dreg:$0x1] =	wrdreg $0xFFFFFFFF  }
0xa4: {  	s25 =	simm.s32 $_size_execute0_lowered;
	s0 =	sadd.s32 s0, s2;
	[dreg:$0x0] =	wrdreg $0x0  }
0xa5: {  	s2 =	sshll.u32 s25, $0x1;
	[dreg:$0x2] =	wrdreg s0  }
0xa6: {  	[dreg:$0x3] =	wrdreg s2  }
0xa7: {  	[dreg:$0x4] =	wrdreg $0xC0  }
0xa8: {  	_ =	task [dreg:s4], $0x5FFFF  }
0xa9: {  	[dreg:$0x1] =	wrdreg $0xFFFFFFFF  }
0xaa: {  	[dreg:$0x0] =	wrdreg $0x60  }
0xab: {  	[dreg:$0x2] =	wrdreg s22  }
0xac: {  	[dreg:$0x3] =	wrdreg $0x9  }
0xad: {  	_ =	task.clear_ibuf [dreg:s4], $0x4FFFF;
	_ =	strace $0x90000055  }
0xae: {  	s26 =	simm.s32 $0x9;
	_ =	strace $0x80000057  }
0xaf: {  	_ =	swait.ge [sflag:s26], $0x1  }
0xb0: {  	[sflag:s26] =	ssyncadd.s32 $0xFFFFFFFF  }
0xb1: {  	_ =	strace $0x90000057  }
0xb2: {  	_ =	sfence  }
0xb3: {  	s28 =	sld [smem:$0x0];
	_ =	sdelay $0x1  }
0xb4: {  	s29 =	srdreg.scid  }
0xb5: {  	s30 =	sshll.u32 s29, $0xD;
	s31 =	sshrl.u32 s29, $0x2  }
0xb6: {  	s1 =	sand.u32 $0x1, s29;
	s2 =	sand.u32 $0x4000, s30;
	s0 =	sadd.s32 s31, s28  }
0xb7: {  	s1 =	sor.u32 s2, s1;
	s0 =	sshll.u32 s0, $0x11  }
0xb8: {  	s0 =	sor.u32 s0, s1  }
0xb9: {  	s0 =	sadd.s32 $0x8F2B, s0  }
0xba: {  	[sflag:s0] =	ssyncadd.remote.s32 $0x1  }
0xbb: {  	_ =	sfence.sel $0xFFFF  }
0xbc: {  	[dreg:$0x0] =	wrdreg $0xFFFFFFFF;
	(pc) =	sbr.abs _section_cstart, $3  }
0xbd: {  	[dreg:$0x1] =	wrdreg $0xFFFFFFFF  }
0xbe: {  	_ =	task.clear_ibuf [dreg:s4], $0x2FFFF;
	_ =	strace $0x9FFFFFFF  }
0xbf: {  	(tm) =	ssettm $0x7FFFFFFF  }
tec
execute0_lowered:
.L_overlay_start_1:
0x0: {  	(tag) =	ssettag $0x1  }
0x1: {  	s0 =	rddreg [dreg:$0x0];
	s14 =	stileid.u32  }
0x2: {  	_ =	strace $0x80000056;
	s2 =	simm.s32 $0x1;
	s1 =	smul.u32 $0x7, s14  }
0x3: {  	v1 =	vimm.s32 $0xFFFFFFFF;
	s3 =	smin.u32 s14, $0xD;
	[sflag:s2] =	ssyncpa.u1 $0x0  }
0x4: {  	[tilespmem:$0x10] =	vst v1;
	s1 =	sadd.s32 s3, s1  }
0x5: {  	v0 =	vimm.f32 $0.0e+00;
	p0 =	slt.u32 s14, $0xD;
	[tilespmem:$0x20] =	vst v1;
	s3 =	smul.u32 $0xFA0, s1;
	s1 =	simm.s32 $0x7D00  }
0x6: {  	[tilespmem:$0x30] =	vst v0;
	s1 =	simm.s32 @!p0 $0x6D60  }
0x7: {  	[tilespmem:$0x40] =	vst v0;
	s1 =	sadd.s32 s1, s3  }
0x8: {  	[tilespmem:$0x50] =	vst v0;
	s4 =	smin.u32 s1, $0x7A120  }
0x9: {  	[tilespmem:$0x60] =	vst v1;
	s9 =	ssub.s32 s4, s3  }
0xa: {  	s7 =	simm.s32 $0x2;
	s8 =	simm.s32 $0x8;
	[tilespmem:$0x70] =	vst v1;
	p0 =	sgt.s32 s9, $0x0  }
0xb: {  	s31 =	simm.s32 $0x9;
	s16 =	simm.s32 $0x0;
	[tilespmem:$0x80] =	vst v1;
	s9 =	simm.s32 @!p0 $0x0  }
0xc: {  	s17 =	simm.s32 $0xF0;
	s18 =	simm.s32 $0xFFFFFFFF;
	v1 =	vimm.s32 $0x0;
	[tilespmem:$0xB0] =	vst v0;
	s5 =	smulhi.u32 $0x10624DD3, s9  }
0xd: {  	s19 =	simm.s32 $0xFFFFE1C0;
	s20 =	simm.s32 $0xFFFFFFFE;
	s21 =	simm.s32 $0xF;
	[tilespmem:$0x90] =	vst v1  }
0xe: {  	[tilespmem:$0xA0] =	vst v1;
	[sflag:s7] =	ssyncpa.u1 $0x0;
	s7 =	simm.s32 $0x7;
	s10 =	sshrl.u32 s5, $0x8  }
0xf: {  	s25 =	simm.s32 $0x0;
	[sflag:s7] =	ssyncpa.u1 $0x0;
	s11 =	smul.u32 $0xFA0, s10  }
0x10: {  	s24 =	simm.s32 $0x0;
	s6 =	sadd.s32 $0x133C00, s0;
	[sflag:s8] =	ssyncpa.u1 $0x0  }
.Ltmp0:
0x11: {  	[sflag:s31] =	ssyncpa.u1 $0x0;
	p0 =	sne.s32 s9, s11;
	(pc) =	sbr.rel .LBB2_1-.Ltmp0, $4  }
0x12: {  	s23 =	smov.u32 s3;
	s1 =	sadd.s32 $0x1BE400, s0;
	s2 =	simm.s32 @!p0 $0x0  }
0x13: {  	s5 =	sadd.s32 $0xD7800, s0;
	p0 =	por $0x0, $0x0;
	s9 =	sadd.s32 s2, s10  }
0x14: {  	vm0 =	vmmov $0xffff;
	v2 =	vlaneseq.u32;
	s10 =	sshll.u32 s14, $0x1;
	s14 =	sshllo.u32 s14, $0x1;
	s11 =	sadd.s32 $0x1, s9  }
0x15: {  	vm1 =	vmxor vm1, vm1;
	vm2 =	vmmov $0x1;
	vm3 =	vcmask $0x3F3C;
	s12 =	sadd.s32 $0x2, s9;
	s13 =	sor.u32 $0x81, s10;
	s15 =	sor.u32 $0x80, s10  }
.LBB2_9:
0x16: {  	p1 =	slt.u32 s24, $0x3  }
0x17: {  	s0 =	simm.s32 @!p1 $0x2  }
0x18: {  	_ =	swait.ge @!p1 [sflag:s0], $0xFA0  }
0x19: {  	[sflag:s0] =	ssyncset.done @!p1 $0x0  }
0x1a: {  	[sflag:s0] =	ssyncadd.s32 @!p1 $0xFFFFF060;
	s0 =	simm.s32 @!p1 $0x9  }
0x1b: {  	_ =	swait.ge @!p1 [sflag:s0], $0x10  }
0x1c: {  	[sflag:s0] =	ssyncset.done @!p1 $0x0  }
0x1d: {  	[sflag:s0] =	ssyncadd.s32 @!p1 $0xFFFFFFF0;
	p1 =	sne.s32 s24, s12  }
.Ltmp1:
0x1e: {  	s2 =	sadd.s32 $0xFA0, s23;
	(pc) =	sbr.rel @!p1 .LBB2_10-.Ltmp1, $4  }
0x1f: {  	s22 =	smov.u32 s3;
	s31 =	sadd.s32 $0x1, s24;
	s17 =	sadd.s32 $0xFA0, s17  }
0x20: {  	s18 =	sadd.s32 $0x1, s18;
	s25 =	smov.u32 s23;
	p2 =	slt.s32 s2, s4  }
0x21: {  	p0 =	por !p0, !p0;
	s19 =	sadd.s32 $0xFA0, s19;
	s22 =	smov.u32 @p2 s2  }
0x22: {  	s20 =	sadd.s32 $0x1, s20;
	s23 =	smov.u32 s22;
	s24 =	smov.u32 s31  }
.LBB2_1:
0x23: {  	p1 =	sge.u32 s24, s9  }
0x24: {  	s0 =	smulhi.u32 @!p1 $0xAAAAAAAB, s24;
	_ =	sdelay $0x1  }
0x25: {  	s0 =	sshrl.u32 @!p1 s0, $0x1  }
0x26: {  	s0 =	smul.u32 @!p1 $0x3, s0;
	_ =	sdelay $0x1  }
0x27: {  	s0 =	ssub.s32 @!p1 s24, s0  }
0x28: {  	s0 =	smul.u32 @!p1 $0x3E80, s0;
	_ =	sdelay $0x1  }
0x29: {  	s2 =	sshrl.u32 @!p1 s23, $0x3;
	s0 =	sshrl.u32 @!p1 s0, $0x2  }
0x2a: {  	s22 =	sand.u32 @!p1 $0x7, s23;
	s2 =	sadd.s32 @!p1 s5, s2;
	s0 =	sadd.s32 @!p1 $0x100, s0  }
0x2b: {  	[tilespmem:s0], [sflag:$0x7] =	stream.linear.gather @!p1 [hbm4b:s2+s22], $0xFA0, $0x38;
	[tilespmem:$0x8DC0] =	vst v63  }
0x2c: {  	s0 =	sadd.s32 $0xFFFFFFFF, s24  }
0x2d: {  	p1 =	sge.u32 s0, s9  }
.Ltmp2:
0x2e: {  	_ = 	snop;
	(pc) =	sbr.rel @p1 .LBB2_5-.Ltmp2, $1  }
0x2f: {  	_ =	sdelay $0x3  }
0x30: {  	s2 =	smulhi.u32 $0xAAAAAAAB, s0;
	_ =	sdelay $0x1  }
0x31: {  	s2 =	sshrl.u32 s2, $0x1  }
0x32: {  	s2 =	smul.u32 $0x3, s2;
	_ =	sdelay $0x1  }
0x33: {  	s2 =	ssub.s32 s0, s2  }
0x34: {  	s2 =	smul.u32 $0x3E80, s2  }
0x35: {  	_ =	swait.ge [sflag:s7], $0xFA0  }
0x36: {  	[sflag:s7] =	ssyncset.done $0x0;
	s2 =	sshrl.u32 s2, $0x2  }
0x37: {  	[sflag:s7] =	ssyncadd.s32 $0xFFFFF060;
	(ifvalue) =	ssetifvalue $0xFFFFFFFF;
	v3 =	vld.msk [tilespmem:s2+$0x100 ss:$0x1], $0xffff;
	_ =	sdelay $0x2  }
0x38: {  	s30 =	smulhi.u32 $0xAAAAAAAB, s18;
	p1 =	sne.s32 s24, $0x1  }
0x39: {  	v4 =	vimm.s32 @!p1 $0x0  }
0x3a: {  	s2 =	sshrl.u32 s30, $0x1;
	v4 =	vperm.xlane @!p1 v3, v4  }
0x3b: {  	s22 =	sshll.u32 s24, $0x4;
	s2 =	smul.u32 $0xFFFF4480, s2;
	vm4 =	vlt.u32 v3, $0x40000  }
0x3c: {  	s22 =	sand.u32 $0x10, s22;
	v3 =	vnsel vm4, $0xFFFFFFFE, v3;
	vm4 =	vlt.u32 @!p1 v4, $0x40000  }
0x3d: {  	s2 =	sshra.s32 s2, $0x2;
	[tilespmem:s22+$0x60] =	vst v3;
	v3 =	vnsel @!p1 vm4, $0xFFFFFFFE, v4  }
0x3e: {  	s28 =	sadd.s32 s2, s17;
	[tilespmem:$0x80] =	vst @!p1 v3  }
0x3f: {  	v3 =	vld.msk [tilespmem:s28+$0x0 ss:$0x1], $0xffff;
	_ =	sdelay $0x4  }
0x40: {  	(xrf1) =	vunique.msk.u32 $0xffff, v3;
	_ =	sdelay $0xd  }
0x41: {  	v4 =	vimm.s32 $0xFFFFFFFF;
	v5, _, _ =	vpop (xrf1)  }
0x42: {  	vm5 =	vne.s32 v3, v4;
	vm4 =	veq.s32 v5, v2  }
0x43: {  	vm6 =	vlt.u32 v3, $0x40000;
	vm4 =	vmand vm5, vm4  }
0x44: {  	vm4 =	vmand vm6, vm4  }
0x45: {  	v4 =	vnsel vm4, $0xFFFFFFFF, v3  }
0x46: {  	s31 =	sand.u32 $0x1, s0  }
0x47: {  	s0 =	simm.s32 $0xFA0;
	p1 =	seq.s32 s31, $0x1  }
0x48: {  	s0 =	simm.s32 @!p1 $0x0  }
0x49: {  	s26 =	sadd.s32 $0x3F70, s0;
	(ifvalue) =	ssetifvalue $0xFFFFFFFF  }
0x4a: {  	v3 =	vperm.xlane v3, v1;
	[tilespmem:s26], [sflag:$0x8] =	stream.indirect_vreg.gather [hbm4b:s1+s16], $0x1, v4, vm0, $0x4038;
	v4 =	vnsel vm6, $0xFFFFFFFE, v4;
	[tilespmem:$0x8DC0] =	vst v63  }
0x4b: {  	s2 =	simm.s32 $0x0;
	s22 =	sadd.s32 $0xFFFFFFF0, s28;
	[tilespmem:s28+$0x0] =	vst v4  }
.LBB2_3:
0x4c: {  	v4 =	vld.msk [tilespmem:s22+$0x0 ss:$0x1], $0xffff;
	s2 =	sadd.s32 $0x10, s2;
	v5 =	vmov v3;
	s28 =	smov.u32 s22  }
0x4d: {  	p1 =	slt.u32 s2, $0xF90;
	_ =	sdelay $0x4  }
0x4e: {  	v3 =	vperm.xlane v4, v1;
	(xrf1) =	vunique.msk.u32 $0xffff, v4;
	_ =	sdelay $0xd  }
0x4f: {  	v6, _, _ =	vpop (xrf1)  }
0x50: {  	vm5 =	vne.s32 v4, v5;
	vm4 =	veq.s32 v6, v2  }
0x51: {  	vm6 =	vlt.u32 v4, $0x40000;
	vm4 =	vmand vm5, vm4  }
0x52: {  	vm4 =	vmand vm6, vm4  }
0x53: {  	v4 =	vnsel vm4, $0xFFFFFFFF, v4  }
.Ltmp3:
0x54: {  	v5 =	vnsel vm6, $0xFFFFFFFE, v4;
	(pc) =	sbr.rel @p1 .LBB2_3-.Ltmp3, $3  }
0x55: {  	_ =	sdelay $0x1  }
0x56: {  	s22 =	sadd.s32 $0xFFFFFFF0, s22;
	s26 =	sadd.s32 $0xFFFFFFF0, s26;
	(ifvalue) =	ssetifvalue $0xFFFFFFFF  }
0x57: {  	[tilespmem:s26], [sflag:$0x8] =	stream.indirect_vreg.gather [hbm4b:s1+s16], $0x1, v4, vm0, $0x4038;
	[tilespmem:s28+$0x0] =	vst v5  }
0x58: {  	s2 =	sshrl.u32 s25, $0x3  }
0x59: {  	s0 =	sadd.s32 $0x4F20, s0;
	s2 =	sadd.s32 s6, s2  }
0x5a: {  	[tilespmem:s0], [sflag:$0x8] =	stream.linear.gather [hbm:s2], $0xFA0, $0x38;
	[tilespmem:$0x8DC0] =	vst v63  }
.LBB2_5:
0x5b: {  	p1 =	slt.u32 s24, $0x2  }
0x5c: {  	p2 =	sge.u32 @!p1 s24, s12  }
0x5d: {  	p1 =	por p1, p2  }
.Ltmp4:
0x5e: {  	_ = 	snop;
	(pc) =	sbr.rel @p1 .LBB2_9-.Ltmp4, $1  }
0x5f: {  	_ =	sdelay $0x3  }
0x60: {  	s0 =	sadd.s32 $0xFFFFFFFE, s24  }
0x61: {  	s2 =	smulhi.u32 $0xAAAAAAAB, s0;
	_ =	sdelay $0x1  }
0x62: {  	s2 =	sshrl.u32 s2, $0x1  }
0x63: {  	s2 =	smul.u32 $0x3, s2;
	_ =	sdelay $0x1  }
0x64: {  	s0 =	ssub.s32 s0, s2  }
0x65: {  	_ =	swait.ge [sflag:s8], $0x1F40;
	s0 =	smul.u32 $0xFA0, s0  }
0x66: {  	p1 =	sne.s32 s24, s11;
	[sflag:s8] =	ssyncset.done $0x0  }
0x67: {  	[sflag:s8] =	ssyncadd.s32 $0xFFFFE0C0;
	s2 =	sadd.s32 @!p1 $0x109F, s0  }
0x68: {  	[spmem:s13] =	stream.linear.scatter @!p1 [tilespmem:s2], [sflag:$0x1], $0x1, $0x38;
	[tilespmem:$0x8DC0] =	vst v63  }
0x69: {  	s2 =	simm.s32 @!p1 $0x1  }
0x6a: {  	_ =	swait.ge @!p1 [sflag:s2], $0x1  }
0x6b: {  	s22 =	sshll.u32 s24, $0x4;
	[sflag:s2] =	ssyncset.done @!p1 $0x0  }
0x6c: {  	s25 =	sand.u32 $0x10, s22;
	[sflag:s2] =	ssyncadd.s32 @!p1 $0xFFFFFFFF  }
0x6d: {  	s2 =	sxor.u32 $0x10, s25;
	v4 =	vld [tilespmem:s25+$0x10]  }
0x6e: {  	v5 =	vld [tilespmem:s2+$0x60]  }
0x6f: {  	v3 =	vld [tilespmem:$0x80];
	_ =	sdelay $0x2  }
0x70: {  	(v2sf) =	vpush v4, $0x0  }
0x71: {  	(v2sf) =	vpush v5, $0x0  }
0x72: {  	(v2sf) =	vpush v3, $0x0;
	_ =	sdelay $0xc  }
0x73: {  	s22 =	spop (v2sf)  }
0x74: {  	s26 =	spop (v2sf)  }
0x75: {  	s28 =	spop (v2sf)  }
0x76: {  	p2 =	seq.s32 s22, s26;
	p3 =	seq.s32 s28, s22  }
0x77: {  	p3 =	por p2, p3  }
0x78: {  	s26 =	sand.u32 $0x1, s24;
	v4 =	vpsel p3, $0xFFFFFFFF, v4  }
0x79: {  	s29 =	smul.u32 $0xFA0, s26;
	[tilespmem:s25+$0x10] =	vst.msk $0x1, v4  }
0x7a: {  	v4 =	vld [tilespmem:$0x30]  }
0x7b: {  	v5 =	vld [tilespmem:s29+$0x4F20]  }
0x7c: {  	v6 =	vld [tilespmem:s25+$0x40];
	_ =	sdelay $0x3  }
0x7d: {  	vm4 =	vmmov vm1;
	v5 =	vadd.f32 v5, v4  }
0x7e: {  	vm5 =	vmmov vm2;
	vm4 =	vmmov @p2 vm2;
	s22 =	sshll.u32 s26, $0x4;
	v4 =	vadd.f32 v6, v4  }
0x7f: {  	s26 =	sor.u32 $0x8DA0, s22;
	vm5 =	vmmov @p3 vm1;
	[tilespmem:s29+$0x4F20] =	vst.msk vm4, v5  }
0x80: {  	[tilespmem:s26+$0x0] =	vst.msk vm5, v4  }
0x81: {  	v4 =	vld [tilespmem:s29+$0x3F70];
	_ =	sdelay $0x3  }
0x82: {  	v5 =	vimm.f32 $0.0e+00  }
0x83: {  	v4 =	vshift.insert v4, v5, s21  }
0x84: {  	s22 =	sor.u32 $0x40, s2  }
0x85: {  	[tilespmem:s22+$0x0] =	vst.msk $0x1, v4  }
0x86: {  	[tilespmem:s29+$0x3F7F] =	vst.msk $0x1, v5  }
0x87: {  	v4 =	vld [tilespmem:s0+$0x1090];
	_ =	sdelay $0x1  }
0x88: {  	s22 =	smulhi.u32 $0xAAAAAAAB, s20;
	s0 =	simm.s32 $0x1  }
0x89: {  	s0 =	simm.s32 @!p0 $0x0  }
0x8a: {  	s22 =	sshrl.u32 s22, $0x1;
	s0 =	smul.u32 $0x3E80, s0  }
0x8b: {  	s22 =	smul.u32 $0xFFFF4480, s22;
	v4 =	vshift.insert v4, v1, s21  }
0x8c: {  	s0 =	sshrl.u32 s0, $0x2  }
0x8d: {  	s22 =	sshra.s32 s22, $0x2;
	s30 =	sadd.s32 $0x4F20, s0;
	[tilespmem:s2+$0x10] =	vst.msk $0x1, v4  }
0x8e: {  	s22 =	sadd.s32 s22, s19;
	v6 =	vld [tilespmem:s30+$0x0]  }
0x8f: {  	v7 =	vld [tilespmem:s22+$0x0];
	_ =	sdelay $0x3  }
0x90: {  	v5 =	vadd.f32 v6, v5  }
0x91: {  	vm4 =	vne.s32 v7, $0xFFFFFFFF  }
0x92: {  	(xrf2) =	vadd.seg.scan.f32 vm4, v5;
	_ =	sdelay $0x3  }
0x93: {  	s31 =	sadd.s32 $0x2FE0, s0;
	v5 =	vperm.xlane v4, v1  }
0x94: {  	v6 =	vld [tilespmem:s31+$0x0]  }
0x95: {  	vm5 =	veq.s32 v7, v3;
	vm6 =	veq.s32 v7, v5  }
0x96: {  	vm7 =	vgt.u32 v7, $0xFFFFFFFD;
	vm6 =	vmor vm6, vm5  }
0x97: {  	vm6 =	vmor vm6, vm7  }
0x98: {  	v9 =	vld [tilespmem:$0xA0];
	v7 =	vsel vm6, $0xFFFFFFFF, v7  }
0x99: {  	v10 =	vld [tilespmem:$0x90];
	v6 =	vsel vm5, $0x0, v6;
	v8, _, _ =	vpop (xrf2)  }
0x9a: {  	v6 =	vadd.f32 v8, v6  }
0x9b: {  	s0 =	sadd.s32 $0x6E60, s0  }
0x9c: {  	vm4 =	vmand vm4, vm3;
	[tilespmem:s0+$0x0] =	vst v6;
	(ifvalue) =	ssetifvalue $0xFFFFFFFF  }
0x9d: {  	vm6 =	veq.s32 v9, $0x1;
	[hbm4b:s1+s16] =	stream.indirect_vreg.scatter [tilespmem:s0], [sflag:$0x2], $0x1, v7, vm0, $0x4038;
	v7 =	vsel vm4, $0x0, v8;
	[tilespmem:$0x8DC0] =	vst v63  }
0x9e: {  	s2 =	simm.s32 $0x0;
	s22 =	sadd.s32 $0x10, s22;
	vm4 =	vmor vm6, vm5;
	v6 =	vsel vm5, v8, v10;
	v7 =	vshift.insert v7, v0, s21  }
.LBB2_7:
0x9f: {  	v8 =	vld [tilespmem:s22+$0x0];
	s30 =	sadd.s32 $0x10, s30  }
0xa0: {  	s31 =	sadd.s32 $0x10, s31;
	v9 =	vld [tilespmem:s30+$0x0]  }
0xa1: {  	s2 =	sadd.s32 $0x10, s2;
	v10 =	vld [tilespmem:s31+$0x0]  }
0xa2: {  	p2 =	slt.u32 s2, $0xF90;
	_ =	sdelay $0x2  }
0xa3: {  	v7 =	vadd.f32 v9, v7  }
0xa4: {  	vm5 =	vne.s32 v8, $0xFFFFFFFF  }
0xa5: {  	vm6 =	vmand vm5, vm3;
	(xrf2) =	vadd.seg.scan.f32 vm5, v7;
	_ =	sdelay $0x5  }
0xa6: {  	vm7 =	veq.s32 v8, v5;
	vm5 =	veq.s32 v8, v3  }
0xa7: {  	vm8 =	vgt.u32 v8, $0xFFFFFFFD;
	vm4 =	vmor vm4, vm5;
	vm7 =	vmor vm7, vm5  }
0xa8: {  	vm7 =	vmor vm7, vm8  }
0xa9: {  	v8 =	vsel vm7, $0xFFFFFFFF, v8  }
.Ltmp5:
0xaa: {  	v7 =	vsel vm5, $0x0, v10;
	v9, _, _ =	vpop (xrf2);
	(pc) =	sbr.rel @p2 .LBB2_7-.Ltmp5, $4  }
0xab: {  	v6 =	vsel vm5, v9, v6;
	v10 =	vadd.f32 v9, v7;
	v7 =	vsel vm6, $0x0, v9  }
0xac: {  	s0 =	sadd.s32 $0x10, s0;
	v7 =	vshift.insert v7, v0, s21  }
0xad: {  	s22 =	sadd.s32 $0x10, s22;
	[tilespmem:s0+$0x0] =	vst v10;
	(ifvalue) =	ssetifvalue $0xFFFFFFFF  }
0xae: {  	[hbm4b:s1+s16] =	stream.indirect_vreg.scatter [tilespmem:s0], [sflag:$0x2], $0x1, v8, vm0, $0x4038;
	[tilespmem:$0x8DC0] =	vst v63  }
0xaf: {  	v3 =	vld [tilespmem:s29+$0x7DF0];
	_ =	sdelay $0x4  }
0xb0: {  	v3 =	vshift.insert v3, v0, s21  }
0xb1: {  	s0 =	simm.s32 $0x30  }
0xb2: {  	[tilespmem:s0+$0x0] =	vst.msk $0x1, v3  }
0xb3: {  	v3 =	vsel vm4, $0x1, v1;
	[tilespmem:$0x90] =	vst v6  }
0xb4: {  	s0 =	sadd.s32 @!p1 $0x7DFF, s29;
	[tilespmem:$0xA0] =	vst v3  }
0xb5: {  	[spmem:s14] =	stream.linear.scatter @!p1 [tilespmem:s0], [sflag:$0x1], $0x1, $0x38;
	[tilespmem:$0x8DC0] =	vst v63  }
0xb6: {  	s0 =	simm.s32 @!p1 $0x1  }
0xb7: {  	v3 =	vmctz.xlane @!p1 vm4;
	_ =	swait.ge @!p1 [sflag:s0], $0x1  }
0xb8: {  	(v2sf) =	vpush @!p1 v4, $0x0  }
0xb9: {  	(v2sf) =	vpush @!p1 v3, $0x0;
	_ =	sdelay $0xd  }
0xba: {  	s2 =	spop @!p1 (v2sf)  }
0xbb: {  	s22 =	spop @!p1 (v2sf)  }
0xbc: {  	p2 =	sne.s32 @!p1 s28, s2;
	p3 =	slt.s32 @!p1 s22, $0xF  }
0xbd: {  	[sflag:s0] =	ssyncset.done @!p1 $0x0;
	p2 =	por p2, p1;
	p3 =	por !p3, p1  }
0xbe: {  	[sflag:s0] =	ssyncadd.s32 @!p1 $0xFFFFFFFF;
	v3 =	vimm.s32 @!p2 $0xFFFFFFFF;
	s22 =	simm.s32 @p3 $0xF  }
0xbf: {  	[tilespmem:$0x80] =	vst @!p2 v3;
	s2 =	sadd.s32 @!p1 $0x90, s22  }
0xc0: {  	[spmem:s10] =	stream.linear.scatter @!p1 [tilespmem:s2], [sflag:$0x1], $0x1, $0x38;
	[tilespmem:$0x8DC0] =	vst v63  }
0xc1: {  	_ =	swait.ge @!p1 [sflag:s0], $0x1  }
0xc2: {  	[sflag:s0] =	ssyncset.done @!p1 $0x0  }
0xc3: {  	s2 =	simm.s32 @!p1 $0x80;
	[sflag:s0] =	ssyncadd.s32 @!p1 $0xFFFFFFFF  }
0xc4: {  	[spmem:s15] =	stream.linear.scatter @!p1 [tilespmem:s2], [sflag:$0x1], $0x1, $0x38;
	[tilespmem:$0x8DC0] =	vst v63  }
0xc5: {  	_ =	swait.ge @!p1 [sflag:s0], $0x1  }
0xc6: {  	[sflag:s0] =	ssyncset.done @!p1 $0x0  }
0xc7: {  	[sflag:s0] =	ssyncadd.s32 @!p1 $0xFFFFFFFF;
	(ifvalue) =	ssetifvalue $0xFFFFFFFF;
	v3 =	vld [tilespmem:s25+$0x10];
	_ =	sdelay $0x3  }
.Ltmp6:
0xc8: {  	_ = 	snop;
	(pc) =	sbr.rel .LBB2_9-.Ltmp6, $3  }
0xc9: {  	_ =	sdelay $0x1  }
0xca: {  	(ifvalue) =	ssetifvalue $0xFFFFFFFF  }
0xcb: {  	[hbm4b:s1+s16] =	stream.indirect_vreg.scatter [tilespmem:s26], [sflag:$0x9], $0x1, v3, vm0, $0x4038;
	[tilespmem:$0x8DC0] =	vst v63  }
.LBB2_10:
0xcc: {  	_ =	sfence.sel $0x180000  }
0xcd: {  	s0 =	simm.s32 $0x7;
	[bflag:$0x0] =	sbarrier.arrive $0xFFFF  }
0xce: {  	s26 =	simm.s32 $0x8;
	[sflag:s0] =	ssyncpa.u1 $0x1  }
0xcf: {  	s28 =	simm.s32 $0x9;
	[sflag:s26] =	ssyncpa.u1 $0x1  }
0xd0: {  	[sflag:s28] =	ssyncpa.u1 $0x1  }
0xd1: {  	_ =	sfence.stream.spmem  }
0xd2: {  	s29 =	simm.s32 $0x3;
	[bflag:$0x0] =	sbarrier.arrive $0xFFFF  }
0xd3: {  	s30 =	simm.s32 $0x4;
	[sflag:s29] =	ssyncpa.u1 $0x1  }
0xd4: {  	s31 =	simm.s32 $0x3C;
	s2 =	stileid.u32;
	[sflag:s30] =	ssyncpa.u1 $0x1  }
0xd5: {  	p0 =	sne.s32 s2, $0x0;
	[sflag:s31] =	ssyncpa.u1 $0x1  }
0xd6: {  	s0 =	simm.s32 @p0 $0x1;
	_ =	sfence @p0  }
0xd7: {  	[sflag:s0] =	ssyncpa.u1 @p0 $0x1;
	s0 =	simm.s32 @p0 $0x2  }
0xd8: {  	[sflag:s0] =	ssyncpa.u1 @p0 $0x1  }
0xd9: {  	_ =	strace @p0 $0x90000056  }
0xda: {  	[bflag:$0x2] =	sbarrier.arrive @p0 $0xFFFF  }
0xdb: {  	_ =	shalt @p0  }
.LBB2_11:
0xdc: {  	_ =	sfence.stream.spmem;
	s0 =	simm.s32 $0x5  }
0xdd: {  	s2 =	simm.s32 $0x80;
	s3 =	simm.s32 $0xC0;
	[sflag:s0] =	ssyncpa.u1 $0x0  }
0xde: {  	[tilespmem:s3], [sflag:$0x5] =	stream.linear.gather [spmem:s2], $0x20, $0x38;
	[tilespmem:$0x8DC0] =	vst v63  }
0xdf: {  	s2 =	simm.s32 $0x0;
	s3 =	simm.s32 $0xE0  }
0xe0: {  	[tilespmem:s3], [sflag:$0x5] =	stream.linear.gather [spmem:s2], $0x20, $0x38;
	[tilespmem:$0x8DC0] =	vst v63  }
.Ltmp7:
0xe1: {  	_ = 	snop;
	(pc) =	sbr.rel .LBB2_12-.Ltmp7, $4  }
0xe2: {  	_ =	swait.ge [sflag:s0], $0x40  }
0xe3: {  	[sflag:s0] =	ssyncset.done $0x0  }
0xe4: {  	s31 =	simm.s32 $0x6;
	[sflag:s0] =	ssyncadd.s32 $0xFFFFFFC0  }
0xe5: {  	s4 =	simm.s32 $0x0;
	[sflag:s31] =	ssyncpa.u1 $0x0  }
.LBB2_17:
0xe6: {  	p0 =	sgt.u32 s5, $0x3FFFF  }
0xe7: {  	s0 =	sshrl.u32 @!p0 s5, $0x3  }
0xe8: {  	s5 =	sand.u32 @!p0 $0x7, s5;
	s6 =	simm.s32 @!p0 $0xB0;
	s0 =	sadd.s32 @!p0 s1, s0  }
0xe9: {  	[tilespmem:s6], [sflag:$0x6] =	stream.linear.gather @!p0 [hbm4b:s0+s5], $0x1, $0x38;
	[tilespmem:$0x8DC0] =	vst v63  }
0xea: {  	s0 =	simm.s32 @!p0 $0x6  }
0xeb: {  	_ =	swait.ge @!p0 [sflag:s0], $0x1  }
0xec: {  	[sflag:s0] =	ssyncset.done @!p0 $0x0  }
0xed: {  	[sflag:s0] =	ssyncadd.s32 @!p0 $0xFFFFFFFF  }
0xee: {  	v2 =	vmov @!p0 s4;
	v1 =	vld.msk @!p0 [tilespmem:$0xB0], $0x1;
	_ =	sdelay $0x3  }
0xef: {  	s0 =	simm.s32 @!p0 $0xE0  }
0xf0: {  	[tilespmem:v2+s0+$0x0], v1 =	vst.idx.ret.add.f32.msk @!p0 $0x1, v1  }
0xf1: {  	[tilespmem:s2+$0xC0] =	vst.msk $0x1, v0  }
0xf2: {  	v0 =	vld.msk [tilespmem:s4+$0xE0], $0x1;
	_ =	sdelay $0x4  }
0xf3: {  	[tilespmem:s2+$0xE0] =	vst.msk $0x1, v0;
	s2 =	sadd.s32 $0x1, s2  }
.LBB2_19:
0xf4: {  	s4 =	sadd.s32 $0x1, s4  }
0xf5: {  	p0 =	sne.s32 s4, $0x20  }
.Ltmp8:
0xf6: {  	_ = 	snop;
	(pc) =	sbr.rel @!p0 .LBB2_20-.Ltmp8, $1  }
0xf7: {  	_ =	sdelay $0x3  }
.LBB2_12:
0xf8: {  	v0 =	vld.msk [tilespmem:s4+$0xC0], $0x1;
	_ =	sdelay $0x4  }
0xf9: {  	(v2sf) =	vpush v0, $0x0;
	_ =	sdelay $0xe  }
0xfa: {  	s5 =	spop (v2sf)  }
0xfb: {  	p0 =	seq.s32 s5, $0xFFFFFFFF  }
.Ltmp9:
0xfc: {  	_ = 	snop;
	(pc) =	sbr.rel @p0 .LBB2_19-.Ltmp9, $1  }
0xfd: {  	_ =	sdelay $0x3  }
0xfe: {  	p0 =	slt.s32 s2, $0x1  }
.Ltmp10:
0xff: {  	_ = 	snop;
	(pc) =	sbr.rel @p0 .LBB2_17-.Ltmp10, $1  }
0x100: {  	_ =	sdelay $0x3  }
0x101: {  	s0 =	simm.s32 $0xC0;
	p0 =	por $0x0, $0x0  }
0x102: {  	v1 =	vld.msk @!p0 [tilespmem:s0+$0x0], $0x1;
	_ =	sdelay $0x4  }
0x103: {  	(v2sf) =	vpush @!p0 v1, $0x0;
	_ =	sdelay $0xd  }
0x104: {  	p2 =	sne.s32 s2, $0x1  }
.Ltmp11:
0x105: {  	s6 =	spop @!p0 (v2sf);
	(pc) =	sbr.rel @!p2 .LBB2_16-.Ltmp11, $4  }
0x106: {  	p1 =	seq.s32 @!p0 s5, s6  }
0x107: {  	s6 =	simm.s32 $0x0;
	p1 =	por !p1, p0  }
0x108: {  	s8 =	simm.s32 $0xFFFFFFFF;
	s6 =	simm.s32 @p1 $0xFFFFFFFF  }
0x109: {  	s7 =	simm.s32 $0x1;
	s6 =	smov.u32 @p0 s8  }
.LBB2_15:
0x10a: {  	s8 =	smov.u32 s6;
	p0 =	sne.s32 s6, $0xFFFFFFFF  }
0x10b: {  	s0 =	sadd.s32 $0x1, s0;
	s6 =	smov.u32 s7;
	s7 =	sadd.s32 $0x1, s7  }
0x10c: {  	p1 =	sne.s32 s2, s7;
	v1 =	vld.msk @!p0 [tilespmem:s0+$0x0], $0x1;
	_ =	sdelay $0x4  }
0x10d: {  	(v2sf) =	vpush @!p0 v1, $0x0;
	_ =	sdelay $0xe  }
.Ltmp12:
0x10e: {  	s9 =	spop @!p0 (v2sf);
	(pc) =	sbr.rel @p1 .LBB2_15-.Ltmp12, $4  }
0x10f: {  	p2 =	seq.s32 @!p0 s5, s9  }
0x110: {  	p2 =	por !p2, p0  }
0x111: {  	s6 =	simm.s32 @p2 $0xFFFFFFFF  }
0x112: {  	s6 =	smov.u32 @p0 s8  }
.LBB2_16:
0x113: {  	p0 =	sne.s32 s6, $0xFFFFFFFF  }
.Ltmp13:
0x114: {  	_ = 	snop;
	(pc) =	sbr.rel @!p0 .LBB2_17-.Ltmp13, $1  }
0x115: {  	_ =	sdelay $0x3  }
0x116: {  	v0 =	vld.msk [tilespmem:s4+$0xE0], $0x1;
	v1 =	vmov s6  }
.Ltmp14:
0x117: {  	_ = 	snop;
	(pc) =	sbr.rel .LBB2_19-.Ltmp14, $2  }
0x118: {  	_ =	sdelay $0x2  }
0x119: {  	[tilespmem:v1+s3+$0x0], v0 =	vst.idx.ret.add.f32.msk $0x1, v0  }
.LBB2_20:
0x11a: {  	p0 =	slt.s32 s2, $0x1  }
.Ltmp15:
0x11b: {  	_ = 	snop;
	(pc) =	sbr.rel @p0 .LBB2_24-.Ltmp15, $3  }
0x11c: {  	_ =	sdelay $0x1  }
0x11d: {  	s0 =	simm.s32 $0x6  }
0x11e: {  	s3 =	simm.s32 $0x0;
	[sflag:s0] =	ssyncpa.u1 $0x1  }
0x11f: {  	s0 =	simm.s32 $0xC0  }
0x120: {  	v0 =	vld.msk [tilespmem:s0+$0x0], $0x1;
	_ =	sdelay $0x4  }
0x121: {  	(v2sf) =	vpush v0, $0x0;
	_ =	sdelay $0xe  }
0x122: {  	s2 =	sadd.s32 $0xFFFFFFFF, s2;
	s4 =	spop (v2sf)  }
0x123: {  	p1 =	sne.s32 s2, $0x0;
	p0 =	sgt.u32 s4, $0x3FFFF  }
.Ltmp16:
0x124: {  	s5 =	sshrl.u32 @!p0 s4, $0x3;
	(pc) =	sbr.rel @!p1 .LBB2_23-.Ltmp16, $4  }
0x125: {  	s0 =	simm.s32 $0xE0;
	s4 =	sand.u32 @!p0 $0x7, s4;
	s5 =	sadd.s32 @!p0 s1, s5  }
0x126: {  	[hbm4b:s5+s4] =	stream.linear.scatter @!p0 [tilespmem:s0], [sflag:$0x5], $0x1, $0x38;
	[tilespmem:$0x8DC0] =	vst v63  }
0x127: {  	s5 =	simm.s32 $0x0  }
0x128: {  	s4 =	simm.s32 $0xC1;
	s5 =	simm.s32 @!p0 $0x4  }
.LBB2_22:
0x129: {  	v0 =	vld.msk [tilespmem:s4+$0x0], $0x1;
	s2 =	sadd.s32 $0xFFFFFFFF, s2;
	s3 =	sadd.s32 s3, s5  }
0x12a: {  	p0 =	sne.s32 s2, $0x0;
	_ =	sdelay $0x3  }
0x12b: {  	(v2sf) =	vpush v0, $0x0;
	_ =	sdelay $0xe  }
.Ltmp17:
0x12c: {  	s6 =	spop (v2sf);
	(pc) =	sbr.rel @p0 .LBB2_22-.Ltmp17, $4  }
0x12d: {  	s5 =	simm.s32 $0x0;
	p1 =	sgt.u32 s6, $0x3FFFF  }
0x12e: {  	s0 =	sadd.s32 $0x1, s0;
	s5 =	simm.s32 @!p1 $0x4;
	s7 =	sshrl.u32 @!p1 s6, $0x3  }
0x12f: {  	s4 =	sadd.s32 $0x1, s4;
	s6 =	sand.u32 @!p1 $0x7, s6;
	s7 =	sadd.s32 @!p1 s1, s7  }
0x130: {  	[hbm4b:s7+s6] =	stream.linear.scatter @!p1 [tilespmem:s0], [sflag:$0x5], $0x1, $0x38;
	[tilespmem:$0x8DC0] =	vst v63  }
.LBB2_23:
0x131: {  	s0 =	sadd.s32 s3, s5  }
0x132: {  	s3 =	sshrl.u32 s0, $0x2  }
.LBB2_24:
0x133: {  	s0 =	simm.s32 $0x5  }
0x134: {  	_ =	swait.ge [sflag:s0], s3  }
0x135: {  	s1 =	ssub.s32 $0x0, s3;
	[sflag:s0] =	ssyncset.done $0x0  }
0x136: {  	[sflag:s0] =	ssyncadd.s32 s1  }
0x137: {  	[sflag:s0] =	ssyncpa.u1 $0x1  }
0x138: {  	s29 =	simm.s32 $0x1;
	_ =	sfence  }
0x139: {  	s30 =	simm.s32 $0x2;
	[sflag:s29] =	ssyncpa.u1 $0x1  }
0x13a: {  	[sflag:s30] =	ssyncpa.u1 $0x1  }
0x13b: {  	_ =	strace $0x90000056  }
0x13c: {  	[bflag:$0x2] =	sbarrier.arrive $0xFFFF  }
0x13d: {  	s31 =	rddreg [dreg:$0x1]  }
0x13e: {  	s0 =	sadd.s32 $0x100000, s31  }
0x13f: {  	[sflag:s0] =	ssyncadd.tile.s32 $0x1;
	_ =	shalt  }
.Lfunc_end2:
_tile_overlayer_lowered:
.L_overlay_start_2:
0x140: {  	(tag) =	ssettag $0x2  }
0x141: {  	s0 =	rddreg [dreg:$0x0];
	s2 =	stileid.u32  }
0x142: {  	s1 =	rddreg [dreg:$0x1];
	p0 =	sne.s32 s2, $0x0  }
0x143: {  	s3 =	rddreg [dreg:$0x2];
	[bflag:$0x3] =	sbarrier.arrive $0xFFFF;
	s2 =	simm.s32 @!p0 $0x1C01  }
0x144: {  	[timem:s3], [sflag:s2] =	dma.local @!p0 [hbm:s0], s1  }
0x145: {  	s0 =	simm.s32 @!p0 $0x1  }
0x146: {  	_ =	swait.ge @!p0 [sflag:s0], s1  }
0x147: {  	s1 =	ssub.s32 @!p0 $0x0, s1;
	[sflag:s0] =	ssyncset.done @!p0 $0x0  }
0x148: {  	[sflag:s0] =	ssyncadd.s32 @!p0 s1  }
0x149: {  	[bflag:$0x3] =	sbarrier.arrive $0xFFFF  }
0x14a: {  	_ =	shalt  }

// kernel: scatter_offload_async_start.6
scs
__scs_entry_jumppad:
0x0: {  	(pc) =	sbr.rel $0x88, $3  }
0x1: {  	(tag) =	ssettag $0x0;
	lr =	simm.s32 $0x1  }
0x2: {  	[smem:$0x3F9E] =	sst lr;
	_ =	strace $0xD0000000  }
0x3: {  	_ = 	snop  }
0x4: {  	_ = 	snop  }
0x5: {  	_ = 	snop  }
0x6: {  	_ = 	snop  }
0x7: {  	_ = 	snop  }
__scs_overlays_trampoline_lowered:
0x8: {  	[smem:$0x3FAD] =	sst s0  }
0x9: {  	[smem:$0x3FAE] =	sst s1  }
0xa: {  	[smem:$0x3FAF] =	sst s2  }
0xb: {  	[smem:$0x3FB0] =	sst s3  }
0xc: {  	[smem:$0x3FB1] =	sst s4  }
0xd: {  	[smem:$0x3FB2] =	sst s5  }
0xe: {  	[smem:$0x3FB3] =	sst s6  }
0xf: {  	[smem:$0x3FB4] =	sst s7  }
0x10: {  	[smem:$0x3FB5] =	sst s8  }
0x11: {  	[smem:$0x3FB6] =	sst s9;
	s0 =	simm.s32 @!p0 $0x0  }
0x12: {  	s1 =	sld [smem:$0x3F9C];
	s0 =	simm.s32 @p0 $0x1  }
0x13: {  	[smem:$0x3FB7] =	sst s0;
	s0 =	simm.s32 @!p1 $0x0  }
0x14: {  	s2 =	sld [smem:$0x3F9B];
	s0 =	simm.s32 @p1 $0x1  }
0x15: {  	[smem:$0x3FB8] =	sst s0;
	s0 =	simm.s32 @!p2 $0x0  }
0x16: {  	s3 =	sld [smem:$0x3FDB];
	s0 =	simm.s32 @p2 $0x1  }
0x17: {  	s4 =	simm.s32 $0x1BF5;
	[smem:$0x3FBA] =	sst s0  }
0x18: {  	s0 =	sld [smem:$0x3F9D];
	_ =	swait.ge [sflag:s4], $0x0  }
0x19: {  	s7 =	sld [smem:$0x3F9E]  }
0x1a: {  	s8 =	sadd.s32 $0xFFFFE003, lr  }
0x1b: {  	s9 =	sadd.s32 $0xFFFFFEF7, lr;
	s5 =	simm.s32 $0xFFFFFFFF;
	p2 =	slt.u32 s8, $0xFFFFF086  }
0x1c: {  	p1 =	slt.u32 s9, $0xF7A;
	s5 =	simm.s32 @!p2 $0x0  }
0x1d: {  	s5 =	simm.s32 @p1 $0x1;
	p0 =	seq.s32 s7, s2  }
0x1e: {  	s7 =	smul.u32 @!p0 $0xF7A, s2;
	p2 =	seq.s32 @!p0 s5, $0x0  }
0x1f: {  	s9 =	smul.u32 $0xF7A, s1;
	s8 =	simm.s32 @!p0 $0x1BF5;
	p2 =	por !p2, p0  }
0x20: {  	[sflag:s8] =	ssyncset.s32 @!p0 $0xFFFFF086;
	s6 =	sadd.s32 @!p0 s3, s7;
	s7 =	simm.s32 @!p0 $0x108  }
0x21: {  	s3 =	sadd.s32 s3, s9;
	s6 =	sadd.s32 @!p0 $0x88, s6;
	s7 =	simm.s32 @p2 $0x1082  }
0x22: {  	[simem:s7], [sflag:s8] =	dma.local @!p0 [hbm:s6], $0xF7A  }
0x23: {  	s9 =	sor.u32 $0xD0000000, s2;
	s6 =	simm.s32 $0x108;
	_ =	swait.ge @!p0 [sflag:s8], $0x0  }
0x24: {  	s3 =	sadd.s32 $0x88, s3;
	s6 =	simm.s32 @!p1 $0x1082;
	[sflag:s4] =	ssyncset.s32 $0xFFFFF086  }
0x25: {  	[simem:s6], [sflag:s4] =	dma.local [hbm:s3], $0xF7A  }
0x26: {  	[smem:$0x3F9E] =	sst s1;
	(tag) =	ssettag s2;
	_ =	strace s9  }
0x27: {  	s1 =	sld [smem:$0x3FAE]  }
0x28: {  	s2 =	sld [smem:$0x3FAF]  }
0x29: {  	s4 =	sld [smem:$0x3FB1]  }
0x2a: {  	p0 =	seq.s32 s5, $0x0;
	s5 =	sld [smem:$0x3FB2]  }
0x2b: {  	s6 =	sld [smem:$0x3FB3]  }
0x2c: {  	s7 =	sld [smem:$0x3FB4]  }
0x2d: {  	s3 =	simm.s32 $0x108;
	s8 =	sld [smem:$0x3FB5]  }
0x2e: {  	s3 =	simm.s32 @!p0 $0x1082;
	s9 =	sld [smem:$0x3FB6]  }
0x2f: {  	lr =	sadd.s32 s0, s3;
	s0 =	sld [smem:$0x3FAD]  }
0x30: {  	s3 =	sld [smem:$0x3FB0]  }
0x31: {  	[smem:$0x3FB9] =	sst s10  }
0x32: {  	s10 =	sld [smem:$0x3FB7];
	_ =	sdelay $0x3  }
0x33: {  	p0 =	seq.s32 s10, $0x1;
	s10 =	sld [smem:$0x3FB9];
	_ =	sdelay $0x3  }
0x34: {  	[smem:$0x3FB9] =	sst s10  }
0x35: {  	s10 =	sld [smem:$0x3FB8];
	_ =	sdelay $0x3  }
0x36: {  	p1 =	seq.s32 s10, $0x1;
	s10 =	sld [smem:$0x3FB9];
	_ =	sdelay $0x3  }
0x37: {  	[smem:$0x3FB9] =	sst s10  }
0x38: {  	s10 =	sld [smem:$0x3FBA]  }
0x39: {  	_ = 	snop;
	(pc) =	sbr.ind lr, $3  }
0x3a: {  	_ = 	snop  }
0x3b: {  	_ = 	snop  }
0x3c: {  	p2 =	seq.s32 s10, $0x1;
	s10 =	sld [smem:$0x3FB9]  }
0x3d: {  	_ =	shalt  }
0x3e: {  	_ =	shalt  }
0x3f: {  	_ =	shalt  }
0x40: {  	_ =	shalt  }
0x41: {  	_ =	shalt  }
0x42: {  	_ =	shalt  }
0x43: {  	_ =	shalt  }
0x44: {  	_ =	shalt  }
0x45: {  	_ =	shalt  }
0x46: {  	_ =	shalt  }
0x47: {  	_ =	shalt  }
0x48: {  	_ =	shalt  }
0x49: {  	_ =	shalt  }
0x4a: {  	_ =	shalt  }
0x4b: {  	_ =	shalt  }
0x4c: {  	_ =	shalt  }
0x4d: {  	_ =	shalt  }
0x4e: {  	_ =	shalt  }
0x4f: {  	_ =	shalt  }
0x50: {  	_ =	shalt  }
0x51: {  	_ =	shalt  }
0x52: {  	_ =	shalt  }
0x53: {  	_ =	shalt  }
0x54: {  	_ =	shalt  }
0x55: {  	_ =	shalt  }
0x56: {  	_ =	shalt  }
0x57: {  	_ =	shalt  }
0x58: {  	_ =	shalt  }
0x59: {  	_ =	shalt  }
0x5a: {  	_ =	shalt  }
0x5b: {  	_ =	shalt  }
0x5c: {  	_ =	shalt  }
0x5d: {  	_ =	shalt  }
0x5e: {  	_ =	shalt  }
0x5f: {  	_ =	shalt  }
0x60: {  	_ =	shalt  }
0x61: {  	_ =	shalt  }
0x62: {  	_ =	shalt  }
0x63: {  	_ =	shalt  }
0x64: {  	_ =	shalt  }
0x65: {  	_ =	shalt  }
0x66: {  	_ =	shalt  }
0x67: {  	_ =	shalt  }
0x68: {  	_ =	shalt  }
0x69: {  	_ =	shalt  }
0x6a: {  	_ =	shalt  }
0x6b: {  	_ =	shalt  }
0x6c: {  	_ =	shalt  }
0x6d: {  	_ =	shalt  }
0x6e: {  	_ =	shalt  }
0x6f: {  	_ =	shalt  }
0x70: {  	_ =	shalt  }
0x71: {  	_ =	shalt  }
0x72: {  	_ =	shalt  }
0x73: {  	_ =	shalt  }
0x74: {  	_ =	shalt  }
0x75: {  	_ =	shalt  }
0x76: {  	_ =	shalt  }
0x77: {  	_ =	shalt  }
0x78: {  	_ =	shalt  }
0x79: {  	_ =	shalt  }
0x7a: {  	_ =	shalt  }
0x7b: {  	_ =	shalt  }
0x7c: {  	_ =	shalt  }
0x7d: {  	_ =	shalt  }
0x7e: {  	_ =	shalt  }
0x7f: {  	_ =	shalt  }
0x80: {  	_ =	shalt  }
0x81: {  	_ =	shalt  }
0x82: {  	_ =	shalt  }
0x83: {  	_ =	shalt  }
0x84: {  	_ =	shalt  }
0x85: {  	_ =	shalt  }
0x86: {  	_ =	shalt  }
0x87: {  	_ =	shalt  }
.Lfunc_end0:
.L_simem_size_0:
called_computation.6_lowered:
.L_overlay_start_0:
0x88: {  	s0 =	sld [smem:$0x3FD9]  }
0x89: {  	s1 =	sld [smem:$0x3FFE];
	_ =	sdelay $0x3  }
0x8a: {  	s0 =	sadd.s32 s1, s0  }
0x8b: {  	[smem:$0x3FC5] =	sst s0  }
0x8c: {  	_ = 	snop  }
0x8d: {  	(tm) =	ssettm $0x1  }
0x8e: {  	s15 =	sld [smem:$0x3FFB];
	_ =	sdelay $0x3  }
0x8f: {  	_ =	strace s15  }
0x90: {  	s0 =	sld [smem:$0x3FFC];
	_ =	sdelay $0x3  }
0x91: {  	_ =	strace s0  }
0x92: {  	s0 =	sld [smem:$0x3FFD];
	_ =	sdelay $0x3  }
0x93: {  	_ =	strace s0  }
0x94: {  	_ =	strace $0x8FFFFFFF  }
0x95: {  	s16 =	sld [smem:$0x3FDB];
	_ =	sdelay $0x1  }
0x96: {  	s17 =	simm.s32 $_scs_section_size  }
0x97: {  	s2 =	simm.s32 $_size__tile_overlayer_lowered;
	s3 =	simm.s32 $_tile_overlayer_lowered  }
0x98: {  	s20 =	simm.s32 $0x1BFF;
	s19 =	sshll.u32 s3, $0x1;
	s0 =	sadd.s32 s17, s16  }
0x99: {  	s4 =	simm.s32 $0x0;
	s18 =	sshll.u32 s2, $0x1;
	s2 =	sadd.s32 s19, s0  }
0x9a: {  	[timem:s4], [sflag:s20] =	dma.local [hbm:s2], s18  }
0x9b: {  	_ =	swait.ge [sflag:s20], s18  }
0x9c: {  	s1 =	ssub.s32 $0x0, s18;
	[sflag:s20] =	ssyncset.done $0x0  }
0x9d: {  	[sflag:s20] =	ssyncadd.s32 s1;
	_ =	sdelay $0x1  }
0x9e: {  	s21 =	simm.s32 $0x1B8B  }
0x9f: {  	_ =	swait.ge [sflag:s21], $0x1  }
0xa0: {  	[sflag:s21] =	ssyncset.done $0x0  }
0xa1: {  	s23 =	simm.s32 $0x1B8E;
	s22 =	sld [smem:$0x3FFE];
	[sflag:s21] =	ssyncadd.s32 $0xFFFFFFFF  }
0xa2: {  	s24 =	simm.s32 $execute0_lowered;
	[smem:$0x3FD2] =	sst s23  }
0xa3: {  	s2 =	sshll.u32 s24, $0x1;
	_ =	strace $0x80000058;
	[dreg:$0x1] =	wrdreg $0xFFFFFFFF  }
0xa4: {  	s25 =	simm.s32 $_size_execute0_lowered;
	s0 =	sadd.s32 s0, s2;
	[dreg:$0x0] =	wrdreg $0x0  }
0xa5: {  	s2 =	sshll.u32 s25, $0x1;
	[dreg:$0x2] =	wrdreg s0  }
0xa6: {  	[dreg:$0x3] =	wrdreg s2  }
0xa7: {  	[dreg:$0x4] =	wrdreg $0xC0  }
0xa8: {  	_ =	task [dreg:s4], $0x5FFFF  }
0xa9: {  	[dreg:$0x1] =	wrdreg $0xFFFFFFFF  }
0xaa: {  	[dreg:$0x0] =	wrdreg $0x60  }
0xab: {  	[dreg:$0x2] =	wrdreg s22  }
0xac: {  	[dreg:$0x3] =	wrdreg $0x9  }
0xad: {  	_ =	task.clear_ibuf [dreg:s4], $0x4FFFF;
	_ =	strace $0x90000058  }
0xae: {  	s26 =	simm.s32 $0x9;
	_ =	strace $0x8000005A  }
0xaf: {  	_ =	swait.ge [sflag:s26], $0x1  }
0xb0: {  	[sflag:s26] =	ssyncadd.s32 $0xFFFFFFFF  }
0xb1: {  	_ =	strace $0x9000005A  }
0xb2: {  	_ =	sfence  }
0xb3: {  	s28 =	sld [smem:$0x0];
	_ =	sdelay $0x1  }
0xb4: {  	s29 =	srdreg.scid  }
0xb5: {  	s30 =	sshll.u32 s29, $0xD;
	s31 =	sshrl.u32 s29, $0x2  }
0xb6: {  	s1 =	sand.u32 $0x1, s29;
	s2 =	sand.u32 $0x4000, s30;
	s0 =	sadd.s32 s31, s28  }
0xb7: {  	s1 =	sor.u32 s2, s1;
	s0 =	sshll.u32 s0, $0x11  }
0xb8: {  	s0 =	sor.u32 s0, s1  }
0xb9: {  	s0 =	sadd.s32 $0x8F2B, s0  }
0xba: {  	[sflag:s0] =	ssyncadd.remote.s32 $0x1  }
0xbb: {  	_ =	sfence.sel $0xFFFF  }
0xbc: {  	[dreg:$0x0] =	wrdreg $0xFFFFFFFF;
	(pc) =	sbr.abs _section_cstart, $3  }
0xbd: {  	[dreg:$0x1] =	wrdreg $0xFFFFFFFF  }
0xbe: {  	_ =	task.clear_ibuf [dreg:s4], $0x2FFFF;
	_ =	strace $0x9FFFFFFF  }
0xbf: {  	(tm) =	ssettm $0x7FFFFFFF  }
tec
execute0_lowered:
.L_overlay_start_1:
0x0: {  	(tag) =	ssettag $0x1  }
0x1: {  	s0 =	rddreg [dreg:$0x0];
	s14 =	stileid.u32  }
0x2: {  	_ =	strace $0x80000059;
	s2 =	simm.s32 $0x1;
	s1 =	smul.u32 $0x7, s14  }
0x3: {  	v1 =	vimm.s32 $0xFFFFFFFF;
	s3 =	smin.u32 s14, $0xD;
	[sflag:s2] =	ssyncpa.u1 $0x0  }
0x4: {  	[tilespmem:$0x10] =	vst v1;
	s1 =	sadd.s32 s3, s1  }
0x5: {  	v0 =	vimm.f32 $0.0e+00;
	p0 =	slt.u32 s14, $0xD;
	[tilespmem:$0x20] =	vst v1;
	s3 =	smul.u32 $0xFA0, s1;
	s1 =	simm.s32 $0x7D00  }
0x6: {  	[tilespmem:$0x30] =	vst v0;
	s1 =	simm.s32 @!p0 $0x6D60  }
0x7: {  	[tilespmem:$0x40] =	vst v0;
	s1 =	sadd.s32 s1, s3  }
0x8: {  	[tilespmem:$0x50] =	vst v0;
	s4 =	smin.u32 s1, $0x7A120  }
0x9: {  	[tilespmem:$0x60] =	vst v1;
	s9 =	ssub.s32 s4, s3  }
0xa: {  	s7 =	simm.s32 $0x2;
	s8 =	simm.s32 $0x8;
	[tilespmem:$0x70] =	vst v1;
	p0 =	sgt.s32 s9, $0x0  }
0xb: {  	s31 =	simm.s32 $0x9;
	s16 =	simm.s32 $0x0;
	[tilespmem:$0x80] =	vst v1;
	s9 =	simm.s32 @!p0 $0x0  }
0xc: {  	s17 =	simm.s32 $0xF0;
	s18 =	simm.s32 $0xFFFFFFFF;
	v1 =	vimm.s32 $0x0;
	[tilespmem:$0xB0] =	vst v0;
	s5 =	smulhi.u32 $0x10624DD3, s9  }
0xd: {  	s19 =	simm.s32 $0xFFFFE1C0;
	s20 =	simm.s32 $0xFFFFFFFE;
	s21 =	simm.s32 $0xF;
	[tilespmem:$0x90] =	vst v1  }
0xe: {  	[tilespmem:$0xA0] =	vst v1;
	[sflag:s7] =	ssyncpa.u1 $0x0;
	s7 =	simm.s32 $0x7;
	s10 =	sshrl.u32 s5, $0x8  }
0xf: {  	s25 =	simm.s32 $0x0;
	[sflag:s7] =	ssyncpa.u1 $0x0;
	s11 =	smul.u32 $0xFA0, s10  }
0x10: {  	s24 =	simm.s32 $0x0;
	s6 =	sadd.s32 $0x124600, s0;
	[sflag:s8] =	ssyncpa.u1 $0x0  }
.Ltmp0:
0x11: {  	[sflag:s31] =	ssyncpa.u1 $0x0;
	p0 =	sne.s32 s9, s11;
	(pc) =	sbr.rel .LBB2_1-.Ltmp0, $4  }
0x12: {  	s23 =	smov.u32 s3;
	s1 =	sadd.s32 $0x1BE400, s0;
	s2 =	simm.s32 @!p0 $0x0  }
0x13: {  	s5 =	sadd.s32 $0xC8200, s0;
	p0 =	por $0x0, $0x0;
	s9 =	sadd.s32 s2, s10  }
0x14: {  	vm0 =	vmmov $0xffff;
	v2 =	vlaneseq.u32;
	s10 =	sshll.u32 s14, $0x1;
	s14 =	sshllo.u32 s14, $0x1;
	s11 =	sadd.s32 $0x1, s9  }
0x15: {  	vm1 =	vmxor vm1, vm1;
	vm2 =	vmmov $0x1;
	vm3 =	vcmask $0x3F3C;
	s12 =	sadd.s32 $0x2, s9;
	s13 =	sor.u32 $0x81, s10;
	s15 =	sor.u32 $0x80, s10  }
.LBB2_9:
0x16: {  	p1 =	slt.u32 s24, $0x3  }
0x17: {  	s0 =	simm.s32 @!p1 $0x2  }
0x18: {  	_ =	swait.ge @!p1 [sflag:s0], $0xFA0  }
0x19: {  	[sflag:s0] =	ssyncset.done @!p1 $0x0  }
0x1a: {  	[sflag:s0] =	ssyncadd.s32 @!p1 $0xFFFFF060;
	s0 =	simm.s32 @!p1 $0x9  }
0x1b: {  	_ =	swait.ge @!p1 [sflag:s0], $0x10  }
0x1c: {  	[sflag:s0] =	ssyncset.done @!p1 $0x0  }
0x1d: {  	[sflag:s0] =	ssyncadd.s32 @!p1 $0xFFFFFFF0;
	p1 =	sne.s32 s24, s12  }
.Ltmp1:
0x1e: {  	s2 =	sadd.s32 $0xFA0, s23;
	(pc) =	sbr.rel @!p1 .LBB2_10-.Ltmp1, $4  }
0x1f: {  	s22 =	smov.u32 s3;
	s31 =	sadd.s32 $0x1, s24;
	s17 =	sadd.s32 $0xFA0, s17  }
0x20: {  	s18 =	sadd.s32 $0x1, s18;
	s25 =	smov.u32 s23;
	p2 =	slt.s32 s2, s4  }
0x21: {  	p0 =	por !p0, !p0;
	s19 =	sadd.s32 $0xFA0, s19;
	s22 =	smov.u32 @p2 s2  }
0x22: {  	s20 =	sadd.s32 $0x1, s20;
	s23 =	smov.u32 s22;
	s24 =	smov.u32 s31  }
.LBB2_1:
0x23: {  	p1 =	sge.u32 s24, s9  }
0x24: {  	s0 =	smulhi.u32 @!p1 $0xAAAAAAAB, s24;
	_ =	sdelay $0x1  }
0x25: {  	s0 =	sshrl.u32 @!p1 s0, $0x1  }
0x26: {  	s0 =	smul.u32 @!p1 $0x3, s0;
	_ =	sdelay $0x1  }
0x27: {  	s0 =	ssub.s32 @!p1 s24, s0  }
0x28: {  	s0 =	smul.u32 @!p1 $0x3E80, s0;
	_ =	sdelay $0x1  }
0x29: {  	s2 =	sshrl.u32 @!p1 s23, $0x3;
	s0 =	sshrl.u32 @!p1 s0, $0x2  }
0x2a: {  	s22 =	sand.u32 @!p1 $0x7, s23;
	s2 =	sadd.s32 @!p1 s5, s2;
	s0 =	sadd.s32 @!p1 $0x100, s0  }
0x2b: {  	[tilespmem:s0], [sflag:$0x7] =	stream.linear.gather @!p1 [hbm4b:s2+s22], $0xFA0, $0x38;
	[tilespmem:$0x8DC0] =	vst v63  }
0x2c: {  	s0 =	sadd.s32 $0xFFFFFFFF, s24  }
0x2d: {  	p1 =	sge.u32 s0, s9  }
.Ltmp2:
0x2e: {  	_ = 	snop;
	(pc) =	sbr.rel @p1 .LBB2_5-.Ltmp2, $1  }
0x2f: {  	_ =	sdelay $0x3  }
0x30: {  	s2 =	smulhi.u32 $0xAAAAAAAB, s0;
	_ =	sdelay $0x1  }
0x31: {  	s2 =	sshrl.u32 s2, $0x1  }
0x32: {  	s2 =	smul.u32 $0x3, s2;
	_ =	sdelay $0x1  }
0x33: {  	s2 =	ssub.s32 s0, s2  }
0x34: {  	s2 =	smul.u32 $0x3E80, s2  }
0x35: {  	_ =	swait.ge [sflag:s7], $0xFA0  }
0x36: {  	[sflag:s7] =	ssyncset.done $0x0;
	s2 =	sshrl.u32 s2, $0x2  }
0x37: {  	[sflag:s7] =	ssyncadd.s32 $0xFFFFF060;
	(ifvalue) =	ssetifvalue $0xFFFFFFFF;
	v3 =	vld.msk [tilespmem:s2+$0x100 ss:$0x1], $0xffff;
	_ =	sdelay $0x2  }
0x38: {  	s30 =	smulhi.u32 $0xAAAAAAAB, s18;
	p1 =	sne.s32 s24, $0x1  }
0x39: {  	v4 =	vimm.s32 @!p1 $0x0  }
0x3a: {  	s2 =	sshrl.u32 s30, $0x1;
	v4 =	vperm.xlane @!p1 v3, v4  }
0x3b: {  	s22 =	sshll.u32 s24, $0x4;
	s2 =	smul.u32 $0xFFFF4480, s2;
	vm4 =	vlt.u32 v3, $0x40000  }
0x3c: {  	s22 =	sand.u32 $0x10, s22;
	v3 =	vnsel vm4, $0xFFFFFFFE, v3;
	vm4 =	vlt.u32 @!p1 v4, $0x40000  }
0x3d: {  	s2 =	sshra.s32 s2, $0x2;
	[tilespmem:s22+$0x60] =	vst v3;
	v3 =	vnsel @!p1 vm4, $0xFFFFFFFE, v4  }
0x3e: {  	s28 =	sadd.s32 s2, s17;
	[tilespmem:$0x80] =	vst @!p1 v3  }
0x3f: {  	v3 =	vld.msk [tilespmem:s28+$0x0 ss:$0x1], $0xffff;
	_ =	sdelay $0x4  }
0x40: {  	(xrf1) =	vunique.msk.u32 $0xffff, v3;
	_ =	sdelay $0xd  }
0x41: {  	v4 =	vimm.s32 $0xFFFFFFFF;
	v5, _, _ =	vpop (xrf1)  }
0x42: {  	vm5 =	vne.s32 v3, v4;
	vm4 =	veq.s32 v5, v2  }
0x43: {  	vm6 =	vlt.u32 v3, $0x40000;
	vm4 =	vmand vm5, vm4  }
0x44: {  	vm4 =	vmand vm6, vm4  }
0x45: {  	v4 =	vnsel vm4, $0xFFFFFFFF, v3  }
0x46: {  	s31 =	sand.u32 $0x1, s0  }
0x47: {  	s0 =	simm.s32 $0xFA0;
	p1 =	seq.s32 s31, $0x1  }
0x48: {  	s0 =	simm.s32 @!p1 $0x0  }
0x49: {  	s26 =	sadd.s32 $0x3F70, s0;
	(ifvalue) =	ssetifvalue $0xFFFFFFFF  }
0x4a: {  	v3 =	vperm.xlane v3, v1;
	[tilespmem:s26], [sflag:$0x8] =	stream.indirect_vreg.gather [hbm4b:s1+s16], $0x1, v4, vm0, $0x4038;
	v4 =	vnsel vm6, $0xFFFFFFFE, v4;
	[tilespmem:$0x8DC0] =	vst v63  }
0x4b: {  	s2 =	simm.s32 $0x0;
	s22 =	sadd.s32 $0xFFFFFFF0, s28;
	[tilespmem:s28+$0x0] =	vst v4  }
.LBB2_3:
0x4c: {  	v4 =	vld.msk [tilespmem:s22+$0x0 ss:$0x1], $0xffff;
	s2 =	sadd.s32 $0x10, s2;
	v5 =	vmov v3;
	s28 =	smov.u32 s22  }
0x4d: {  	p1 =	slt.u32 s2, $0xF90;
	_ =	sdelay $0x4  }
0x4e: {  	v3 =	vperm.xlane v4, v1;
	(xrf1) =	vunique.msk.u32 $0xffff, v4;
	_ =	sdelay $0xd  }
0x4f: {  	v6, _, _ =	vpop (xrf1)  }
0x50: {  	vm5 =	vne.s32 v4, v5;
	vm4 =	veq.s32 v6, v2  }
0x51: {  	vm6 =	vlt.u32 v4, $0x40000;
	vm4 =	vmand vm5, vm4  }
0x52: {  	vm4 =	vmand vm6, vm4  }
0x53: {  	v4 =	vnsel vm4, $0xFFFFFFFF, v4  }
.Ltmp3:
0x54: {  	v5 =	vnsel vm6, $0xFFFFFFFE, v4;
	(pc) =	sbr.rel @p1 .LBB2_3-.Ltmp3, $3  }
0x55: {  	_ =	sdelay $0x1  }
0x56: {  	s22 =	sadd.s32 $0xFFFFFFF0, s22;
	s26 =	sadd.s32 $0xFFFFFFF0, s26;
	(ifvalue) =	ssetifvalue $0xFFFFFFFF  }
0x57: {  	[tilespmem:s26], [sflag:$0x8] =	stream.indirect_vreg.gather [hbm4b:s1+s16], $0x1, v4, vm0, $0x4038;
	[tilespmem:s28+$0x0] =	vst v5  }
0x58: {  	s2 =	sshrl.u32 s25, $0x3  }
0x59: {  	s0 =	sadd.s32 $0x4F20, s0;
	s2 =	sadd.s32 s6, s2  }
0x5a: {  	[tilespmem:s0], [sflag:$0x8] =	stream.linear.gather [hbm:s2], $0xFA0, $0x38;
	[tilespmem:$0x8DC0] =	vst v63  }
.LBB2_5:
0x5b: {  	p1 =	slt.u32 s24, $0x2  }
0x5c: {  	p2 =	sge.u32 @!p1 s24, s12  }
0x5d: {  	p1 =	por p1, p2  }
.Ltmp4:
0x5e: {  	_ = 	snop;
	(pc) =	sbr.rel @p1 .LBB2_9-.Ltmp4, $1  }
0x5f: {  	_ =	sdelay $0x3  }
0x60: {  	s0 =	sadd.s32 $0xFFFFFFFE, s24  }
0x61: {  	s2 =	smulhi.u32 $0xAAAAAAAB, s0;
	_ =	sdelay $0x1  }
0x62: {  	s2 =	sshrl.u32 s2, $0x1  }
0x63: {  	s2 =	smul.u32 $0x3, s2;
	_ =	sdelay $0x1  }
0x64: {  	s0 =	ssub.s32 s0, s2  }
0x65: {  	_ =	swait.ge [sflag:s8], $0x1F40;
	s0 =	smul.u32 $0xFA0, s0  }
0x66: {  	p1 =	sne.s32 s24, s11;
	[sflag:s8] =	ssyncset.done $0x0  }
0x67: {  	[sflag:s8] =	ssyncadd.s32 $0xFFFFE0C0;
	s2 =	sadd.s32 @!p1 $0x109F, s0  }
0x68: {  	[spmem:s13] =	stream.linear.scatter @!p1 [tilespmem:s2], [sflag:$0x1], $0x1, $0x38;
	[tilespmem:$0x8DC0] =	vst v63  }
0x69: {  	s2 =	simm.s32 @!p1 $0x1  }
0x6a: {  	_ =	swait.ge @!p1 [sflag:s2], $0x1  }
0x6b: {  	s22 =	sshll.u32 s24, $0x4;
	[sflag:s2] =	ssyncset.done @!p1 $0x0  }
0x6c: {  	s25 =	sand.u32 $0x10, s22;
	[sflag:s2] =	ssyncadd.s32 @!p1 $0xFFFFFFFF  }
0x6d: {  	s2 =	sxor.u32 $0x10, s25;
	v4 =	vld [tilespmem:s25+$0x10]  }
0x6e: {  	v5 =	vld [tilespmem:s2+$0x60]  }
0x6f: {  	v3 =	vld [tilespmem:$0x80];
	_ =	sdelay $0x2  }
0x70: {  	(v2sf) =	vpush v4, $0x0  }
0x71: {  	(v2sf) =	vpush v5, $0x0  }
0x72: {  	(v2sf) =	vpush v3, $0x0;
	_ =	sdelay $0xc  }
0x73: {  	s22 =	spop (v2sf)  }
0x74: {  	s26 =	spop (v2sf)  }
0x75: {  	s28 =	spop (v2sf)  }
0x76: {  	p2 =	seq.s32 s22, s26;
	p3 =	seq.s32 s28, s22  }
0x77: {  	p3 =	por p2, p3  }
0x78: {  	s26 =	sand.u32 $0x1, s24;
	v4 =	vpsel p3, $0xFFFFFFFF, v4  }
0x79: {  	s29 =	smul.u32 $0xFA0, s26;
	[tilespmem:s25+$0x10] =	vst.msk $0x1, v4  }
0x7a: {  	v4 =	vld [tilespmem:$0x30]  }
0x7b: {  	v5 =	vld [tilespmem:s29+$0x4F20]  }
0x7c: {  	v6 =	vld [tilespmem:s25+$0x40];
	_ =	sdelay $0x3  }
0x7d: {  	vm4 =	vmmov vm1;
	v5 =	vadd.f32 v5, v4  }
0x7e: {  	vm5 =	vmmov vm2;
	vm4 =	vmmov @p2 vm2;
	s22 =	sshll.u32 s26, $0x4;
	v4 =	vadd.f32 v6, v4  }
0x7f: {  	s26 =	sor.u32 $0x8DA0, s22;
	vm5 =	vmmov @p3 vm1;
	[tilespmem:s29+$0x4F20] =	vst.msk vm4, v5  }
0x80: {  	[tilespmem:s26+$0x0] =	vst.msk vm5, v4  }
0x81: {  	v4 =	vld [tilespmem:s29+$0x3F70];
	_ =	sdelay $0x3  }
0x82: {  	v5 =	vimm.f32 $0.0e+00  }
0x83: {  	v4 =	vshift.insert v4, v5, s21  }
0x84: {  	s22 =	sor.u32 $0x40, s2  }
0x85: {  	[tilespmem:s22+$0x0] =	vst.msk $0x1, v4  }
0x86: {  	[tilespmem:s29+$0x3F7F] =	vst.msk $0x1, v5  }
0x87: {  	v4 =	vld [tilespmem:s0+$0x1090];
	_ =	sdelay $0x1  }
0x88: {  	s22 =	smulhi.u32 $0xAAAAAAAB, s20;
	s0 =	simm.s32 $0x1  }
0x89: {  	s0 =	simm.s32 @!p0 $0x0  }
0x8a: {  	s22 =	sshrl.u32 s22, $0x1;
	s0 =	smul.u32 $0x3E80, s0  }
0x8b: {  	s22 =	smul.u32 $0xFFFF4480, s22;
	v4 =	vshift.insert v4, v1, s21  }
0x8c: {  	s0 =	sshrl.u32 s0, $0x2  }
0x8d: {  	s22 =	sshra.s32 s22, $0x2;
	s30 =	sadd.s32 $0x4F20, s0;
	[tilespmem:s2+$0x10] =	vst.msk $0x1, v4  }
0x8e: {  	s22 =	sadd.s32 s22, s19;
	v6 =	vld [tilespmem:s30+$0x0]  }
0x8f: {  	v7 =	vld [tilespmem:s22+$0x0];
	_ =	sdelay $0x3  }
0x90: {  	v5 =	vadd.f32 v6, v5  }
0x91: {  	vm4 =	vne.s32 v7, $0xFFFFFFFF  }
0x92: {  	(xrf2) =	vadd.seg.scan.f32 vm4, v5;
	_ =	sdelay $0x3  }
0x93: {  	s31 =	sadd.s32 $0x2FE0, s0;
	v5 =	vperm.xlane v4, v1  }
0x94: {  	v6 =	vld [tilespmem:s31+$0x0]  }
0x95: {  	vm5 =	veq.s32 v7, v3;
	vm6 =	veq.s32 v7, v5  }
0x96: {  	vm7 =	vgt.u32 v7, $0xFFFFFFFD;
	vm6 =	vmor vm6, vm5  }
0x97: {  	vm6 =	vmor vm6, vm7  }
0x98: {  	v9 =	vld [tilespmem:$0xA0];
	v7 =	vsel vm6, $0xFFFFFFFF, v7  }
0x99: {  	v10 =	vld [tilespmem:$0x90];
	v6 =	vsel vm5, $0x0, v6;
	v8, _, _ =	vpop (xrf2)  }
0x9a: {  	v6 =	vadd.f32 v8, v6  }
0x9b: {  	s0 =	sadd.s32 $0x6E60, s0  }
0x9c: {  	vm4 =	vmand vm4, vm3;
	[tilespmem:s0+$0x0] =	vst v6;
	(ifvalue) =	ssetifvalue $0xFFFFFFFF  }
0x9d: {  	vm6 =	veq.s32 v9, $0x1;
	[hbm4b:s1+s16] =	stream.indirect_vreg.scatter [tilespmem:s0], [sflag:$0x2], $0x1, v7, vm0, $0x4038;
	v7 =	vsel vm4, $0x0, v8;
	[tilespmem:$0x8DC0] =	vst v63  }
0x9e: {  	s2 =	simm.s32 $0x0;
	s22 =	sadd.s32 $0x10, s22;
	vm4 =	vmor vm6, vm5;
	v6 =	vsel vm5, v8, v10;
	v7 =	vshift.insert v7, v0, s21  }
.LBB2_7:
0x9f: {  	v8 =	vld [tilespmem:s22+$0x0];
	s30 =	sadd.s32 $0x10, s30  }
0xa0: {  	s31 =	sadd.s32 $0x10, s31;
	v9 =	vld [tilespmem:s30+$0x0]  }
0xa1: {  	s2 =	sadd.s32 $0x10, s2;
	v10 =	vld [tilespmem:s31+$0x0]  }
0xa2: {  	p2 =	slt.u32 s2, $0xF90;
	_ =	sdelay $0x2  }
0xa3: {  	v7 =	vadd.f32 v9, v7  }
0xa4: {  	vm5 =	vne.s32 v8, $0xFFFFFFFF  }
0xa5: {  	vm6 =	vmand vm5, vm3;
	(xrf2) =	vadd.seg.scan.f32 vm5, v7;
	_ =	sdelay $0x5  }
0xa6: {  	vm7 =	veq.s32 v8, v5;
	vm5 =	veq.s32 v8, v3  }
0xa7: {  	vm8 =	vgt.u32 v8, $0xFFFFFFFD;
	vm4 =	vmor vm4, vm5;
	vm7 =	vmor vm7, vm5  }
0xa8: {  	vm7 =	vmor vm7, vm8  }
0xa9: {  	v8 =	vsel vm7, $0xFFFFFFFF, v8  }
.Ltmp5:
0xaa: {  	v7 =	vsel vm5, $0x0, v10;
	v9, _, _ =	vpop (xrf2);
	(pc) =	sbr.rel @p2 .LBB2_7-.Ltmp5, $4  }
0xab: {  	v6 =	vsel vm5, v9, v6;
	v10 =	vadd.f32 v9, v7;
	v7 =	vsel vm6, $0x0, v9  }
0xac: {  	s0 =	sadd.s32 $0x10, s0;
	v7 =	vshift.insert v7, v0, s21  }
0xad: {  	s22 =	sadd.s32 $0x10, s22;
	[tilespmem:s0+$0x0] =	vst v10;
	(ifvalue) =	ssetifvalue $0xFFFFFFFF  }
0xae: {  	[hbm4b:s1+s16] =	stream.indirect_vreg.scatter [tilespmem:s0], [sflag:$0x2], $0x1, v8, vm0, $0x4038;
	[tilespmem:$0x8DC0] =	vst v63  }
0xaf: {  	v3 =	vld [tilespmem:s29+$0x7DF0];
	_ =	sdelay $0x4  }
0xb0: {  	v3 =	vshift.insert v3, v0, s21  }
0xb1: {  	s0 =	simm.s32 $0x30  }
0xb2: {  	[tilespmem:s0+$0x0] =	vst.msk $0x1, v3  }
0xb3: {  	v3 =	vsel vm4, $0x1, v1;
	[tilespmem:$0x90] =	vst v6  }
0xb4: {  	s0 =	sadd.s32 @!p1 $0x7DFF, s29;
	[tilespmem:$0xA0] =	vst v3  }
0xb5: {  	[spmem:s14] =	stream.linear.scatter @!p1 [tilespmem:s0], [sflag:$0x1], $0x1, $0x38;
	[tilespmem:$0x8DC0] =	vst v63  }
0xb6: {  	s0 =	simm.s32 @!p1 $0x1  }
0xb7: {  	v3 =	vmctz.xlane @!p1 vm4;
	_ =	swait.ge @!p1 [sflag:s0], $0x1  }
0xb8: {  	(v2sf) =	vpush @!p1 v4, $0x0  }
0xb9: {  	(v2sf) =	vpush @!p1 v3, $0x0;
	_ =	sdelay $0xd  }
0xba: {  	s2 =	spop @!p1 (v2sf)  }
0xbb: {  	s22 =	spop @!p1 (v2sf)  }
0xbc: {  	p2 =	sne.s32 @!p1 s28, s2;
	p3 =	slt.s32 @!p1 s22, $0xF  }
0xbd: {  	[sflag:s0] =	ssyncset.done @!p1 $0x0;
	p2 =	por p2, p1;
	p3 =	por !p3, p1  }
0xbe: {  	[sflag:s0] =	ssyncadd.s32 @!p1 $0xFFFFFFFF;
	v3 =	vimm.s32 @!p2 $0xFFFFFFFF;
	s22 =	simm.s32 @p3 $0xF  }
0xbf: {  	[tilespmem:$0x80] =	vst @!p2 v3;
	s2 =	sadd.s32 @!p1 $0x90, s22  }
0xc0: {  	[spmem:s10] =	stream.linear.scatter @!p1 [tilespmem:s2], [sflag:$0x1], $0x1, $0x38;
	[tilespmem:$0x8DC0] =	vst v63  }
0xc1: {  	_ =	swait.ge @!p1 [sflag:s0], $0x1  }
0xc2: {  	[sflag:s0] =	ssyncset.done @!p1 $0x0  }
0xc3: {  	s2 =	simm.s32 @!p1 $0x80;
	[sflag:s0] =	ssyncadd.s32 @!p1 $0xFFFFFFFF  }
0xc4: {  	[spmem:s15] =	stream.linear.scatter @!p1 [tilespmem:s2], [sflag:$0x1], $0x1, $0x38;
	[tilespmem:$0x8DC0] =	vst v63  }
0xc5: {  	_ =	swait.ge @!p1 [sflag:s0], $0x1  }
0xc6: {  	[sflag:s0] =	ssyncset.done @!p1 $0x0  }
0xc7: {  	[sflag:s0] =	ssyncadd.s32 @!p1 $0xFFFFFFFF;
	(ifvalue) =	ssetifvalue $0xFFFFFFFF;
	v3 =	vld [tilespmem:s25+$0x10];
	_ =	sdelay $0x3  }
.Ltmp6:
0xc8: {  	_ = 	snop;
	(pc) =	sbr.rel .LBB2_9-.Ltmp6, $3  }
0xc9: {  	_ =	sdelay $0x1  }
0xca: {  	(ifvalue) =	ssetifvalue $0xFFFFFFFF  }
0xcb: {  	[hbm4b:s1+s16] =	stream.indirect_vreg.scatter [tilespmem:s26], [sflag:$0x9], $0x1, v3, vm0, $0x4038;
	[tilespmem:$0x8DC0] =	vst v63  }
.LBB2_10:
0xcc: {  	_ =	sfence.sel $0x180000  }
0xcd: {  	s0 =	simm.s32 $0x7;
	[bflag:$0x0] =	sbarrier.arrive $0xFFFF  }
0xce: {  	s26 =	simm.s32 $0x8;
	[sflag:s0] =	ssyncpa.u1 $0x1  }
0xcf: {  	s28 =	simm.s32 $0x9;
	[sflag:s26] =	ssyncpa.u1 $0x1  }
0xd0: {  	[sflag:s28] =	ssyncpa.u1 $0x1  }
0xd1: {  	_ =	sfence.stream.spmem  }
0xd2: {  	s29 =	simm.s32 $0x3;
	[bflag:$0x0] =	sbarrier.arrive $0xFFFF  }
0xd3: {  	s30 =	simm.s32 $0x4;
	[sflag:s29] =	ssyncpa.u1 $0x1  }
0xd4: {  	s31 =	simm.s32 $0x3C;
	s2 =	stileid.u32;
	[sflag:s30] =	ssyncpa.u1 $0x1  }
0xd5: {  	p0 =	sne.s32 s2, $0x0;
	[sflag:s31] =	ssyncpa.u1 $0x1  }
0xd6: {  	s0 =	simm.s32 @p0 $0x1;
	_ =	sfence @p0  }
0xd7: {  	[sflag:s0] =	ssyncpa.u1 @p0 $0x1;
	s0 =	simm.s32 @p0 $0x2  }
0xd8: {  	[sflag:s0] =	ssyncpa.u1 @p0 $0x1  }
0xd9: {  	_ =	strace @p0 $0x90000059  }
0xda: {  	[bflag:$0x2] =	sbarrier.arrive @p0 $0xFFFF  }
0xdb: {  	_ =	shalt @p0  }
.LBB2_11:
0xdc: {  	_ =	sfence.stream.spmem;
	s0 =	simm.s32 $0x5  }
0xdd: {  	s2 =	simm.s32 $0x80;
	s3 =	simm.s32 $0xC0;
	[sflag:s0] =	ssyncpa.u1 $0x0  }
0xde: {  	[tilespmem:s3], [sflag:$0x5] =	stream.linear.gather [spmem:s2], $0x20, $0x38;
	[tilespmem:$0x8DC0] =	vst v63  }
0xdf: {  	s2 =	simm.s32 $0x0;
	s3 =	simm.s32 $0xE0  }
0xe0: {  	[tilespmem:s3], [sflag:$0x5] =	stream.linear.gather [spmem:s2], $0x20, $0x38;
	[tilespmem:$0x8DC0] =	vst v63  }
.Ltmp7:
0xe1: {  	_ = 	snop;
	(pc) =	sbr.rel .LBB2_12-.Ltmp7, $4  }
0xe2: {  	_ =	swait.ge [sflag:s0], $0x40  }
0xe3: {  	[sflag:s0] =	ssyncset.done $0x0  }
0xe4: {  	s31 =	simm.s32 $0x6;
	[sflag:s0] =	ssyncadd.s32 $0xFFFFFFC0  }
0xe5: {  	s4 =	simm.s32 $0x0;
	[sflag:s31] =	ssyncpa.u1 $0x0  }
.LBB2_17:
0xe6: {  	p0 =	sgt.u32 s5, $0x3FFFF  }
0xe7: {  	s0 =	sshrl.u32 @!p0 s5, $0x3  }
0xe8: {  	s5 =	sand.u32 @!p0 $0x7, s5;
	s6 =	simm.s32 @!p0 $0xB0;
	s0 =	sadd.s32 @!p0 s1, s0  }
0xe9: {  	[tilespmem:s6], [sflag:$0x6] =	stream.linear.gather @!p0 [hbm4b:s0+s5], $0x1, $0x38;
	[tilespmem:$0x8DC0] =	vst v63  }
0xea: {  	s0 =	simm.s32 @!p0 $0x6  }
0xeb: {  	_ =	swait.ge @!p0 [sflag:s0], $0x1  }
0xec: {  	[sflag:s0] =	ssyncset.done @!p0 $0x0  }
0xed: {  	[sflag:s0] =	ssyncadd.s32 @!p0 $0xFFFFFFFF  }
0xee: {  	v2 =	vmov @!p0 s4;
	v1 =	vld.msk @!p0 [tilespmem:$0xB0], $0x1;
	_ =	sdelay $0x3  }
0xef: {  	s0 =	simm.s32 @!p0 $0xE0  }
0xf0: {  	[tilespmem:v2+s0+$0x0], v1 =	vst.idx.ret.add.f32.msk @!p0 $0x1, v1  }
0xf1: {  	[tilespmem:s2+$0xC0] =	vst.msk $0x1, v0  }
0xf2: {  	v0 =	vld.msk [tilespmem:s4+$0xE0], $0x1;
	_ =	sdelay $0x4  }
0xf3: {  	[tilespmem:s2+$0xE0] =	vst.msk $0x1, v0;
	s2 =	sadd.s32 $0x1, s2  }
.LBB2_19:
0xf4: {  	s4 =	sadd.s32 $0x1, s4  }
0xf5: {  	p0 =	sne.s32 s4, $0x20  }
.Ltmp8:
0xf6: {  	_ = 	snop;
	(pc) =	sbr.rel @!p0 .LBB2_20-.Ltmp8, $1  }
0xf7: {  	_ =	sdelay $0x3  }
.LBB2_12:
0xf8: {  	v0 =	vld.msk [tilespmem:s4+$0xC0], $0x1;
	_ =	sdelay $0x4  }
0xf9: {  	(v2sf) =	vpush v0, $0x0;
	_ =	sdelay $0xe  }
0xfa: {  	s5 =	spop (v2sf)  }
0xfb: {  	p0 =	seq.s32 s5, $0xFFFFFFFF  }
.Ltmp9:
0xfc: {  	_ = 	snop;
	(pc) =	sbr.rel @p0 .LBB2_19-.Ltmp9, $1  }
0xfd: {  	_ =	sdelay $0x3  }
0xfe: {  	p0 =	slt.s32 s2, $0x1  }
.Ltmp10:
0xff: {  	_ = 	snop;
	(pc) =	sbr.rel @p0 .LBB2_17-.Ltmp10, $1  }
0x100: {  	_ =	sdelay $0x3  }
0x101: {  	s0 =	simm.s32 $0xC0;
	p0 =	por $0x0, $0x0  }
0x102: {  	v1 =	vld.msk @!p0 [tilespmem:s0+$0x0], $0x1;
	_ =	sdelay $0x4  }
0x103: {  	(v2sf) =	vpush @!p0 v1, $0x0;
	_ =	sdelay $0xd  }
0x104: {  	p2 =	sne.s32 s2, $0x1  }
.Ltmp11:
0x105: {  	s6 =	spop @!p0 (v2sf);
	(pc) =	sbr.rel @!p2 .LBB2_16-.Ltmp11, $4  }
0x106: {  	p1 =	seq.s32 @!p0 s5, s6  }
0x107: {  	s6 =	simm.s32 $0x0;
	p1 =	por !p1, p0  }
0x108: {  	s8 =	simm.s32 $0xFFFFFFFF;
	s6 =	simm.s32 @p1 $0xFFFFFFFF  }
0x109: {  	s7 =	simm.s32 $0x1;
	s6 =	smov.u32 @p0 s8  }
.LBB2_15:
0x10a: {  	s8 =	smov.u32 s6;
	p0 =	sne.s32 s6, $0xFFFFFFFF  }
0x10b: {  	s0 =	sadd.s32 $0x1, s0;
	s6 =	smov.u32 s7;
	s7 =	sadd.s32 $0x1, s7  }
0x10c: {  	p1 =	sne.s32 s2, s7;
	v1 =	vld.msk @!p0 [tilespmem:s0+$0x0], $0x1;
	_ =	sdelay $0x4  }
0x10d: {  	(v2sf) =	vpush @!p0 v1, $0x0;
	_ =	sdelay $0xe  }
.Ltmp12:
0x10e: {  	s9 =	spop @!p0 (v2sf);
	(pc) =	sbr.rel @p1 .LBB2_15-.Ltmp12, $4  }
0x10f: {  	p2 =	seq.s32 @!p0 s5, s9  }
0x110: {  	p2 =	por !p2, p0  }
0x111: {  	s6 =	simm.s32 @p2 $0xFFFFFFFF  }
0x112: {  	s6 =	smov.u32 @p0 s8  }
.LBB2_16:
0x113: {  	p0 =	sne.s32 s6, $0xFFFFFFFF  }
.Ltmp13:
0x114: {  	_ = 	snop;
	(pc) =	sbr.rel @!p0 .LBB2_17-.Ltmp13, $1  }
0x115: {  	_ =	sdelay $0x3  }
0x116: {  	v0 =	vld.msk [tilespmem:s4+$0xE0], $0x1;
	v1 =	vmov s6  }
.Ltmp14:
0x117: {  	_ = 	snop;
	(pc) =	sbr.rel .LBB2_19-.Ltmp14, $2  }
0x118: {  	_ =	sdelay $0x2  }
0x119: {  	[tilespmem:v1+s3+$0x0], v0 =	vst.idx.ret.add.f32.msk $0x1, v0  }
.LBB2_20:
0x11a: {  	p0 =	slt.s32 s2, $0x1  }
.Ltmp15:
0x11b: {  	_ = 	snop;
	(pc) =	sbr.rel @p0 .LBB2_24-.Ltmp15, $3  }
0x11c: {  	_ =	sdelay $0x1  }
0x11d: {  	s0 =	simm.s32 $0x6  }
0x11e: {  	s3 =	simm.s32 $0x0;
	[sflag:s0] =	ssyncpa.u1 $0x1  }
0x11f: {  	s0 =	simm.s32 $0xC0  }
0x120: {  	v0 =	vld.msk [tilespmem:s0+$0x0], $0x1;
	_ =	sdelay $0x4  }
0x121: {  	(v2sf) =	vpush v0, $0x0;
	_ =	sdelay $0xe  }
0x122: {  	s2 =	sadd.s32 $0xFFFFFFFF, s2;
	s4 =	spop (v2sf)  }
0x123: {  	p1 =	sne.s32 s2, $0x0;
	p0 =	sgt.u32 s4, $0x3FFFF  }
.Ltmp16:
0x124: {  	s5 =	sshrl.u32 @!p0 s4, $0x3;
	(pc) =	sbr.rel @!p1 .LBB2_23-.Ltmp16, $4  }
0x125: {  	s0 =	simm.s32 $0xE0;
	s4 =	sand.u32 @!p0 $0x7, s4;
	s5 =	sadd.s32 @!p0 s1, s5  }
0x126: {  	[hbm4b:s5+s4] =	stream.linear.scatter @!p0 [tilespmem:s0], [sflag:$0x5], $0x1, $0x38;
	[tilespmem:$0x8DC0] =	vst v63  }
0x127: {  	s5 =	simm.s32 $0x0  }
0x128: {  	s4 =	simm.s32 $0xC1;
	s5 =	simm.s32 @!p0 $0x4  }
.LBB2_22:
0x129: {  	v0 =	vld.msk [tilespmem:s4+$0x0], $0x1;
	s2 =	sadd.s32 $0xFFFFFFFF, s2;
	s3 =	sadd.s32 s3, s5  }
0x12a: {  	p0 =	sne.s32 s2, $0x0;
	_ =	sdelay $0x3  }
0x12b: {  	(v2sf) =	vpush v0, $0x0;
	_ =	sdelay $0xe  }
.Ltmp17:
0x12c: {  	s6 =	spop (v2sf);
	(pc) =	sbr.rel @p0 .LBB2_22-.Ltmp17, $4  }
0x12d: {  	s5 =	simm.s32 $0x0;
	p1 =	sgt.u32 s6, $0x3FFFF  }
0x12e: {  	s0 =	sadd.s32 $0x1, s0;
	s5 =	simm.s32 @!p1 $0x4;
	s7 =	sshrl.u32 @!p1 s6, $0x3  }
0x12f: {  	s4 =	sadd.s32 $0x1, s4;
	s6 =	sand.u32 @!p1 $0x7, s6;
	s7 =	sadd.s32 @!p1 s1, s7  }
0x130: {  	[hbm4b:s7+s6] =	stream.linear.scatter @!p1 [tilespmem:s0], [sflag:$0x5], $0x1, $0x38;
	[tilespmem:$0x8DC0] =	vst v63  }
.LBB2_23:
0x131: {  	s0 =	sadd.s32 s3, s5  }
0x132: {  	s3 =	sshrl.u32 s0, $0x2  }
.LBB2_24:
0x133: {  	s0 =	simm.s32 $0x5  }
0x134: {  	_ =	swait.ge [sflag:s0], s3  }
0x135: {  	s1 =	ssub.s32 $0x0, s3;
	[sflag:s0] =	ssyncset.done $0x0  }
0x136: {  	[sflag:s0] =	ssyncadd.s32 s1  }
0x137: {  	[sflag:s0] =	ssyncpa.u1 $0x1  }
0x138: {  	s29 =	simm.s32 $0x1;
	_ =	sfence  }
0x139: {  	s30 =	simm.s32 $0x2;
	[sflag:s29] =	ssyncpa.u1 $0x1  }
0x13a: {  	[sflag:s30] =	ssyncpa.u1 $0x1  }
0x13b: {  	_ =	strace $0x90000059  }
0x13c: {  	[bflag:$0x2] =	sbarrier.arrive $0xFFFF  }
0x13d: {  	s31 =	rddreg [dreg:$0x1]  }
0x13e: {  	s0 =	sadd.s32 $0x100000, s31  }
0x13f: {  	[sflag:s0] =	ssyncadd.tile.s32 $0x1;
	_ =	shalt  }
.Lfunc_end2:
_tile_overlayer_lowered:
.L_overlay_start_2:
0x140: {  	(tag) =	ssettag $0x2  }
0x141: {  	s0 =	rddreg [dreg:$0x0];
	s2 =	stileid.u32  }
0x142: {  	s1 =	rddreg [dreg:$0x1];
	p0 =	sne.s32 s2, $0x0  }
0x143: {  	s3 =	rddreg [dreg:$0x2];
	[bflag:$0x3] =	sbarrier.arrive $0xFFFF;
	s2 =	simm.s32 @!p0 $0x1C01  }
0x144: {  	[timem:s3], [sflag:s2] =	dma.local @!p0 [hbm:s0], s1  }
0x145: {  	s0 =	simm.s32 @!p0 $0x1  }
0x146: {  	_ =	swait.ge @!p0 [sflag:s0], s1  }
0x147: {  	s1 =	ssub.s32 @!p0 $0x0, s1;
	[sflag:s0] =	ssyncset.done @!p0 $0x0  }
0x148: {  	[sflag:s0] =	ssyncadd.s32 @!p0 s1  }
0x149: {  	[bflag:$0x3] =	sbarrier.arrive $0xFFFF  }
0x14a: {  	_ =	shalt  }

// kernel: scatter_offload_async_start.7
scs
__scs_entry_jumppad:
0x0: {  	(pc) =	sbr.rel $0x88, $3  }
0x1: {  	(tag) =	ssettag $0x0;
	lr =	simm.s32 $0x1  }
0x2: {  	[smem:$0x3F9E] =	sst lr;
	_ =	strace $0xD0000000  }
0x3: {  	_ = 	snop  }
0x4: {  	_ = 	snop  }
0x5: {  	_ = 	snop  }
0x6: {  	_ = 	snop  }
0x7: {  	_ = 	snop  }
__scs_overlays_trampoline_lowered:
0x8: {  	[smem:$0x3FAD] =	sst s0  }
0x9: {  	[smem:$0x3FAE] =	sst s1  }
0xa: {  	[smem:$0x3FAF] =	sst s2  }
0xb: {  	[smem:$0x3FB0] =	sst s3  }
0xc: {  	[smem:$0x3FB1] =	sst s4  }
0xd: {  	[smem:$0x3FB2] =	sst s5  }
0xe: {  	[smem:$0x3FB3] =	sst s6  }
0xf: {  	[smem:$0x3FB4] =	sst s7  }
0x10: {  	[smem:$0x3FB5] =	sst s8  }
0x11: {  	[smem:$0x3FB6] =	sst s9;
	s0 =	simm.s32 @!p0 $0x0  }
0x12: {  	s1 =	sld [smem:$0x3F9C];
	s0 =	simm.s32 @p0 $0x1  }
0x13: {  	[smem:$0x3FB7] =	sst s0;
	s0 =	simm.s32 @!p1 $0x0  }
0x14: {  	s2 =	sld [smem:$0x3F9B];
	s0 =	simm.s32 @p1 $0x1  }
0x15: {  	[smem:$0x3FB8] =	sst s0;
	s0 =	simm.s32 @!p2 $0x0  }
0x16: {  	s3 =	sld [smem:$0x3FDB];
	s0 =	simm.s32 @p2 $0x1  }
0x17: {  	s4 =	simm.s32 $0x1BF5;
	[smem:$0x3FBA] =	sst s0  }
0x18: {  	s0 =	sld [smem:$0x3F9D];
	_ =	swait.ge [sflag:s4], $0x0  }
0x19: {  	s7 =	sld [smem:$0x3F9E]  }
0x1a: {  	s8 =	sadd.s32 $0xFFFFE003, lr  }
0x1b: {  	s9 =	sadd.s32 $0xFFFFFEF7, lr;
	s5 =	simm.s32 $0xFFFFFFFF;
	p2 =	slt.u32 s8, $0xFFFFF086  }
0x1c: {  	p1 =	slt.u32 s9, $0xF7A;
	s5 =	simm.s32 @!p2 $0x0  }
0x1d: {  	s5 =	simm.s32 @p1 $0x1;
	p0 =	seq.s32 s7, s2  }
0x1e: {  	s7 =	smul.u32 @!p0 $0xF7A, s2;
	p2 =	seq.s32 @!p0 s5, $0x0  }
0x1f: {  	s9 =	smul.u32 $0xF7A, s1;
	s8 =	simm.s32 @!p0 $0x1BF5;
	p2 =	por !p2, p0  }
0x20: {  	[sflag:s8] =	ssyncset.s32 @!p0 $0xFFFFF086;
	s6 =	sadd.s32 @!p0 s3, s7;
	s7 =	simm.s32 @!p0 $0x108  }
0x21: {  	s3 =	sadd.s32 s3, s9;
	s6 =	sadd.s32 @!p0 $0x88, s6;
	s7 =	simm.s32 @p2 $0x1082  }
0x22: {  	[simem:s7], [sflag:s8] =	dma.local @!p0 [hbm:s6], $0xF7A  }
0x23: {  	s9 =	sor.u32 $0xD0000000, s2;
	s6 =	simm.s32 $0x108;
	_ =	swait.ge @!p0 [sflag:s8], $0x0  }
0x24: {  	s3 =	sadd.s32 $0x88, s3;
	s6 =	simm.s32 @!p1 $0x1082;
	[sflag:s4] =	ssyncset.s32 $0xFFFFF086  }
0x25: {  	[simem:s6], [sflag:s4] =	dma.local [hbm:s3], $0xF7A  }
0x26: {  	[smem:$0x3F9E] =	sst s1;
	(tag) =	ssettag s2;
	_ =	strace s9  }
0x27: {  	s1 =	sld [smem:$0x3FAE]  }
0x28: {  	s2 =	sld [smem:$0x3FAF]  }
0x29: {  	s4 =	sld [smem:$0x3FB1]  }
0x2a: {  	p0 =	seq.s32 s5, $0x0;
	s5 =	sld [smem:$0x3FB2]  }
0x2b: {  	s6 =	sld [smem:$0x3FB3]  }
0x2c: {  	s7 =	sld [smem:$0x3FB4]  }
0x2d: {  	s3 =	simm.s32 $0x108;
	s8 =	sld [smem:$0x3FB5]  }
0x2e: {  	s3 =	simm.s32 @!p0 $0x1082;
	s9 =	sld [smem:$0x3FB6]  }
0x2f: {  	lr =	sadd.s32 s0, s3;
	s0 =	sld [smem:$0x3FAD]  }
0x30: {  	s3 =	sld [smem:$0x3FB0]  }
0x31: {  	[smem:$0x3FB9] =	sst s10  }
0x32: {  	s10 =	sld [smem:$0x3FB7];
	_ =	sdelay $0x3  }
0x33: {  	p0 =	seq.s32 s10, $0x1;
	s10 =	sld [smem:$0x3FB9];
	_ =	sdelay $0x3  }
0x34: {  	[smem:$0x3FB9] =	sst s10  }
0x35: {  	s10 =	sld [smem:$0x3FB8];
	_ =	sdelay $0x3  }
0x36: {  	p1 =	seq.s32 s10, $0x1;
	s10 =	sld [smem:$0x3FB9];
	_ =	sdelay $0x3  }
0x37: {  	[smem:$0x3FB9] =	sst s10  }
0x38: {  	s10 =	sld [smem:$0x3FBA]  }
0x39: {  	_ = 	snop;
	(pc) =	sbr.ind lr, $3  }
0x3a: {  	_ = 	snop  }
0x3b: {  	_ = 	snop  }
0x3c: {  	p2 =	seq.s32 s10, $0x1;
	s10 =	sld [smem:$0x3FB9]  }
0x3d: {  	_ =	shalt  }
0x3e: {  	_ =	shalt  }
0x3f: {  	_ =	shalt  }
0x40: {  	_ =	shalt  }
0x41: {  	_ =	shalt  }
0x42: {  	_ =	shalt  }
0x43: {  	_ =	shalt  }
0x44: {  	_ =	shalt  }
0x45: {  	_ =	shalt  }
0x46: {  	_ =	shalt  }
0x47: {  	_ =	shalt  }
0x48: {  	_ =	shalt  }
0x49: {  	_ =	shalt  }
0x4a: {  	_ =	shalt  }
0x4b: {  	_ =	shalt  }
0x4c: {  	_ =	shalt  }
0x4d: {  	_ =	shalt  }
0x4e: {  	_ =	shalt  }
0x4f: {  	_ =	shalt  }
0x50: {  	_ =	shalt  }
0x51: {  	_ =	shalt  }
0x52: {  	_ =	shalt  }
0x53: {  	_ =	shalt  }
0x54: {  	_ =	shalt  }
0x55: {  	_ =	shalt  }
0x56: {  	_ =	shalt  }
0x57: {  	_ =	shalt  }
0x58: {  	_ =	shalt  }
0x59: {  	_ =	shalt  }
0x5a: {  	_ =	shalt  }
0x5b: {  	_ =	shalt  }
0x5c: {  	_ =	shalt  }
0x5d: {  	_ =	shalt  }
0x5e: {  	_ =	shalt  }
0x5f: {  	_ =	shalt  }
0x60: {  	_ =	shalt  }
0x61: {  	_ =	shalt  }
0x62: {  	_ =	shalt  }
0x63: {  	_ =	shalt  }
0x64: {  	_ =	shalt  }
0x65: {  	_ =	shalt  }
0x66: {  	_ =	shalt  }
0x67: {  	_ =	shalt  }
0x68: {  	_ =	shalt  }
0x69: {  	_ =	shalt  }
0x6a: {  	_ =	shalt  }
0x6b: {  	_ =	shalt  }
0x6c: {  	_ =	shalt  }
0x6d: {  	_ =	shalt  }
0x6e: {  	_ =	shalt  }
0x6f: {  	_ =	shalt  }
0x70: {  	_ =	shalt  }
0x71: {  	_ =	shalt  }
0x72: {  	_ =	shalt  }
0x73: {  	_ =	shalt  }
0x74: {  	_ =	shalt  }
0x75: {  	_ =	shalt  }
0x76: {  	_ =	shalt  }
0x77: {  	_ =	shalt  }
0x78: {  	_ =	shalt  }
0x79: {  	_ =	shalt  }
0x7a: {  	_ =	shalt  }
0x7b: {  	_ =	shalt  }
0x7c: {  	_ =	shalt  }
0x7d: {  	_ =	shalt  }
0x7e: {  	_ =	shalt  }
0x7f: {  	_ =	shalt  }
0x80: {  	_ =	shalt  }
0x81: {  	_ =	shalt  }
0x82: {  	_ =	shalt  }
0x83: {  	_ =	shalt  }
0x84: {  	_ =	shalt  }
0x85: {  	_ =	shalt  }
0x86: {  	_ =	shalt  }
0x87: {  	_ =	shalt  }
.Lfunc_end0:
.L_simem_size_0:
called_computation.7_lowered:
.L_overlay_start_0:
0x88: {  	s0 =	sld [smem:$0x3FD9]  }
0x89: {  	s1 =	sld [smem:$0x3FFE];
	_ =	sdelay $0x3  }
0x8a: {  	s0 =	sadd.s32 s1, s0  }
0x8b: {  	[smem:$0x3FC5] =	sst s0  }
0x8c: {  	_ = 	snop  }
0x8d: {  	(tm) =	ssettm $0x1  }
0x8e: {  	s15 =	sld [smem:$0x3FFB];
	_ =	sdelay $0x3  }
0x8f: {  	_ =	strace s15  }
0x90: {  	s0 =	sld [smem:$0x3FFC];
	_ =	sdelay $0x3  }
0x91: {  	_ =	strace s0  }
0x92: {  	s0 =	sld [smem:$0x3FFD];
	_ =	sdelay $0x3  }
0x93: {  	_ =	strace s0  }
0x94: {  	_ =	strace $0x8FFFFFFF  }
0x95: {  	s16 =	sld [smem:$0x3FDB];
	_ =	sdelay $0x1  }
0x96: {  	s17 =	simm.s32 $_scs_section_size  }
0x97: {  	s2 =	simm.s32 $_size__tile_overlayer_lowered;
	s3 =	simm.s32 $_tile_overlayer_lowered  }
0x98: {  	s20 =	simm.s32 $0x1BFF;
	s19 =	sshll.u32 s3, $0x1;
	s0 =	sadd.s32 s17, s16  }
0x99: {  	s4 =	simm.s32 $0x0;
	s18 =	sshll.u32 s2, $0x1;
	s2 =	sadd.s32 s19, s0  }
0x9a: {  	[timem:s4], [sflag:s20] =	dma.local [hbm:s2], s18  }
0x9b: {  	_ =	swait.ge [sflag:s20], s18  }
0x9c: {  	s1 =	ssub.s32 $0x0, s18;
	[sflag:s20] =	ssyncset.done $0x0  }
0x9d: {  	[sflag:s20] =	ssyncadd.s32 s1;
	_ =	sdelay $0x1  }
0x9e: {  	s21 =	simm.s32 $0x1B8B  }
0x9f: {  	_ =	swait.ge [sflag:s21], $0x1  }
0xa0: {  	[sflag:s21] =	ssyncset.done $0x0  }
0xa1: {  	s23 =	simm.s32 $0x1B8E;
	s22 =	sld [smem:$0x3FFE];
	[sflag:s21] =	ssyncadd.s32 $0xFFFFFFFF  }
0xa2: {  	s24 =	simm.s32 $execute0_lowered;
	[smem:$0x3FD2] =	sst s23  }
0xa3: {  	s2 =	sshll.u32 s24, $0x1;
	_ =	strace $0x8000005B;
	[dreg:$0x1] =	wrdreg $0xFFFFFFFF  }
0xa4: {  	s25 =	simm.s32 $_size_execute0_lowered;
	s0 =	sadd.s32 s0, s2;
	[dreg:$0x0] =	wrdreg $0x0  }
0xa5: {  	s2 =	sshll.u32 s25, $0x1;
	[dreg:$0x2] =	wrdreg s0  }
0xa6: {  	[dreg:$0x3] =	wrdreg s2  }
0xa7: {  	[dreg:$0x4] =	wrdreg $0xC0  }
0xa8: {  	_ =	task [dreg:s4], $0x5FFFF  }
0xa9: {  	[dreg:$0x1] =	wrdreg $0xFFFFFFFF  }
0xaa: {  	[dreg:$0x0] =	wrdreg $0x60  }
0xab: {  	[dreg:$0x2] =	wrdreg s22  }
0xac: {  	[dreg:$0x3] =	wrdreg $0x9  }
0xad: {  	_ =	task.clear_ibuf [dreg:s4], $0x4FFFF;
	_ =	strace $0x9000005B  }
0xae: {  	s26 =	simm.s32 $0x9;
	_ =	strace $0x8000005D  }
0xaf: {  	_ =	swait.ge [sflag:s26], $0x1  }
0xb0: {  	[sflag:s26] =	ssyncadd.s32 $0xFFFFFFFF  }
0xb1: {  	_ =	strace $0x9000005D  }
0xb2: {  	_ =	sfence  }
0xb3: {  	s28 =	sld [smem:$0x0];
	_ =	sdelay $0x1  }
0xb4: {  	s29 =	srdreg.scid  }
0xb5: {  	s30 =	sshll.u32 s29, $0xD;
	s31 =	sshrl.u32 s29, $0x2  }
0xb6: {  	s1 =	sand.u32 $0x1, s29;
	s2 =	sand.u32 $0x4000, s30;
	s0 =	sadd.s32 s31, s28  }
0xb7: {  	s1 =	sor.u32 s2, s1;
	s0 =	sshll.u32 s0, $0x11  }
0xb8: {  	s0 =	sor.u32 s0, s1  }
0xb9: {  	s0 =	sadd.s32 $0x8F2B, s0  }
0xba: {  	[sflag:s0] =	ssyncadd.remote.s32 $0x1  }
0xbb: {  	_ =	sfence.sel $0xFFFF  }
0xbc: {  	[dreg:$0x0] =	wrdreg $0xFFFFFFFF;
	(pc) =	sbr.abs _section_cstart, $3  }
0xbd: {  	[dreg:$0x1] =	wrdreg $0xFFFFFFFF  }
0xbe: {  	_ =	task.clear_ibuf [dreg:s4], $0x2FFFF;
	_ =	strace $0x9FFFFFFF  }
0xbf: {  	(tm) =	ssettm $0x7FFFFFFF  }
tec
execute0_lowered:
.L_overlay_start_1:
0x0: {  	(tag) =	ssettag $0x1  }
0x1: {  	s0 =	rddreg [dreg:$0x0];
	s14 =	stileid.u32  }
0x2: {  	_ =	strace $0x8000005C;
	s2 =	simm.s32 $0x1;
	s1 =	smul.u32 $0x7, s14  }
0x3: {  	v1 =	vimm.s32 $0xFFFFFFFF;
	s3 =	smin.u32 s14, $0xD;
	[sflag:s2] =	ssyncpa.u1 $0x0  }
0x4: {  	[tilespmem:$0x10] =	vst v1;
	s1 =	sadd.s32 s3, s1  }
0x5: {  	v0 =	vimm.f32 $0.0e+00;
	p0 =	slt.u32 s14, $0xD;
	[tilespmem:$0x20] =	vst v1;
	s3 =	smul.u32 $0xFA0, s1;
	s1 =	simm.s32 $0x7D00  }
0x6: {  	[tilespmem:$0x30] =	vst v0;
	s1 =	simm.s32 @!p0 $0x6D60  }
0x7: {  	[tilespmem:$0x40] =	vst v0;
	s1 =	sadd.s32 s1, s3  }
0x8: {  	[tilespmem:$0x50] =	vst v0;
	s4 =	smin.u32 s1, $0x7A120  }
0x9: {  	[tilespmem:$0x60] =	vst v1;
	s9 =	ssub.s32 s4, s3  }
0xa: {  	s7 =	simm.s32 $0x2;
	s8 =	simm.s32 $0x8;
	[tilespmem:$0x70] =	vst v1;
	p0 =	sgt.s32 s9, $0x0  }
0xb: {  	s31 =	simm.s32 $0x9;
	s16 =	simm.s32 $0x0;
	[tilespmem:$0x80] =	vst v1;
	s9 =	simm.s32 @!p0 $0x0  }
0xc: {  	s17 =	simm.s32 $0xF0;
	s18 =	simm.s32 $0xFFFFFFFF;
	v1 =	vimm.s32 $0x0;
	[tilespmem:$0xB0] =	vst v0;
	s5 =	smulhi.u32 $0x10624DD3, s9  }
0xd: {  	s19 =	simm.s32 $0xFFFFE1C0;
	s20 =	simm.s32 $0xFFFFFFFE;
	s21 =	simm.s32 $0xF;
	[tilespmem:$0x90] =	vst v1  }
0xe: {  	[tilespmem:$0xA0] =	vst v1;
	[sflag:s7] =	ssyncpa.u1 $0x0;
	s7 =	simm.s32 $0x7;
	s10 =	sshrl.u32 s5, $0x8  }
0xf: {  	s25 =	simm.s32 $0x0;
	[sflag:s7] =	ssyncpa.u1 $0x0;
	s11 =	smul.u32 $0xFA0, s10  }
0x10: {  	s24 =	simm.s32 $0x0;
	s6 =	sadd.s32 $0x115000, s0;
	[sflag:s8] =	ssyncpa.u1 $0x0  }
.Ltmp0:
0x11: {  	[sflag:s31] =	ssyncpa.u1 $0x0;
	p0 =	sne.s32 s9, s11;
	(pc) =	sbr.rel .LBB2_1-.Ltmp0, $4  }
0x12: {  	s23 =	smov.u32 s3;
	s1 =	sadd.s32 $0x1BE400, s0;
	s2 =	simm.s32 @!p0 $0x0  }
0x13: {  	s5 =	sadd.s32 $0x105A00, s0;
	p0 =	por $0x0, $0x0;
	s9 =	sadd.s32 s2, s10  }
0x14: {  	vm0 =	vmmov $0xffff;
	v2 =	vlaneseq.u32;
	s10 =	sshll.u32 s14, $0x1;
	s14 =	sshllo.u32 s14, $0x1;
	s11 =	sadd.s32 $0x1, s9  }
0x15: {  	vm1 =	vmxor vm1, vm1;
	vm2 =	vmmov $0x1;
	vm3 =	vcmask $0x3F3C;
	s12 =	sadd.s32 $0x2, s9;
	s13 =	sor.u32 $0x81, s10;
	s15 =	sor.u32 $0x80, s10  }
.LBB2_9:
0x16: {  	p1 =	slt.u32 s24, $0x3  }
0x17: {  	s0 =	simm.s32 @!p1 $0x2  }
0x18: {  	_ =	swait.ge @!p1 [sflag:s0], $0xFA0  }
0x19: {  	[sflag:s0] =	ssyncset.done @!p1 $0x0  }
0x1a: {  	[sflag:s0] =	ssyncadd.s32 @!p1 $0xFFFFF060;
	s0 =	simm.s32 @!p1 $0x9  }
0x1b: {  	_ =	swait.ge @!p1 [sflag:s0], $0x10  }
0x1c: {  	[sflag:s0] =	ssyncset.done @!p1 $0x0  }
0x1d: {  	[sflag:s0] =	ssyncadd.s32 @!p1 $0xFFFFFFF0;
	p1 =	sne.s32 s24, s12  }
.Ltmp1:
0x1e: {  	s2 =	sadd.s32 $0xFA0, s23;
	(pc) =	sbr.rel @!p1 .LBB2_10-.Ltmp1, $4  }
0x1f: {  	s22 =	smov.u32 s3;
	s31 =	sadd.s32 $0x1, s24;
	s17 =	sadd.s32 $0xFA0, s17  }
0x20: {  	s18 =	sadd.s32 $0x1, s18;
	s25 =	smov.u32 s23;
	p2 =	slt.s32 s2, s4  }
0x21: {  	p0 =	por !p0, !p0;
	s19 =	sadd.s32 $0xFA0, s19;
	s22 =	smov.u32 @p2 s2  }
0x22: {  	s20 =	sadd.s32 $0x1, s20;
	s23 =	smov.u32 s22;
	s24 =	smov.u32 s31  }
.LBB2_1:
0x23: {  	p1 =	sge.u32 s24, s9  }
0x24: {  	s0 =	smulhi.u32 @!p1 $0xAAAAAAAB, s24;
	_ =	sdelay $0x1  }
0x25: {  	s0 =	sshrl.u32 @!p1 s0, $0x1  }
0x26: {  	s0 =	smul.u32 @!p1 $0x3, s0;
	_ =	sdelay $0x1  }
0x27: {  	s0 =	ssub.s32 @!p1 s24, s0  }
0x28: {  	s0 =	smul.u32 @!p1 $0x3E80, s0;
	_ =	sdelay $0x1  }
0x29: {  	s2 =	sshrl.u32 @!p1 s23, $0x3;
	s0 =	sshrl.u32 @!p1 s0, $0x2  }
0x2a: {  	s22 =	sand.u32 @!p1 $0x7, s23;
	s2 =	sadd.s32 @!p1 s5, s2;
	s0 =	sadd.s32 @!p1 $0x100, s0  }
0x2b: {  	[tilespmem:s0], [sflag:$0x7] =	stream.linear.gather @!p1 [hbm4b:s2+s22], $0xFA0, $0x38;
	[tilespmem:$0x8DC0] =	vst v63  }
0x2c: {  	s0 =	sadd.s32 $0xFFFFFFFF, s24  }
0x2d: {  	p1 =	sge.u32 s0, s9  }
.Ltmp2:
0x2e: {  	_ = 	snop;
	(pc) =	sbr.rel @p1 .LBB2_5-.Ltmp2, $1  }
0x2f: {  	_ =	sdelay $0x3  }
0x30: {  	s2 =	smulhi.u32 $0xAAAAAAAB, s0;
	_ =	sdelay $0x1  }
0x31: {  	s2 =	sshrl.u32 s2, $0x1  }
0x32: {  	s2 =	smul.u32 $0x3, s2;
	_ =	sdelay $0x1  }
0x33: {  	s2 =	ssub.s32 s0, s2  }
0x34: {  	s2 =	smul.u32 $0x3E80, s2  }
0x35: {  	_ =	swait.ge [sflag:s7], $0xFA0  }
0x36: {  	[sflag:s7] =	ssyncset.done $0x0;
	s2 =	sshrl.u32 s2, $0x2  }
0x37: {  	[sflag:s7] =	ssyncadd.s32 $0xFFFFF060;
	(ifvalue) =	ssetifvalue $0xFFFFFFFF;
	v3 =	vld.msk [tilespmem:s2+$0x100 ss:$0x1], $0xffff;
	_ =	sdelay $0x2  }
0x38: {  	s30 =	smulhi.u32 $0xAAAAAAAB, s18;
	p1 =	sne.s32 s24, $0x1  }
0x39: {  	v4 =	vimm.s32 @!p1 $0x0  }
0x3a: {  	s2 =	sshrl.u32 s30, $0x1;
	v4 =	vperm.xlane @!p1 v3, v4  }
0x3b: {  	s22 =	sshll.u32 s24, $0x4;
	s2 =	smul.u32 $0xFFFF4480, s2;
	vm4 =	vlt.u32 v3, $0x40000  }
0x3c: {  	s22 =	sand.u32 $0x10, s22;
	v3 =	vnsel vm4, $0xFFFFFFFE, v3;
	vm4 =	vlt.u32 @!p1 v4, $0x40000  }
0x3d: {  	s2 =	sshra.s32 s2, $0x2;
	[tilespmem:s22+$0x60] =	vst v3;
	v3 =	vnsel @!p1 vm4, $0xFFFFFFFE, v4  }
0x3e: {  	s28 =	sadd.s32 s2, s17;
	[tilespmem:$0x80] =	vst @!p1 v3  }
0x3f: {  	v3 =	vld.msk [tilespmem:s28+$0x0 ss:$0x1], $0xffff;
	_ =	sdelay $0x4  }
0x40: {  	(xrf1) =	vunique.msk.u32 $0xffff, v3;
	_ =	sdelay $0xd  }
0x41: {  	v4 =	vimm.s32 $0xFFFFFFFF;
	v5, _, _ =	vpop (xrf1)  }
0x42: {  	vm5 =	vne.s32 v3, v4;
	vm4 =	veq.s32 v5, v2  }
0x43: {  	vm6 =	vlt.u32 v3, $0x40000;
	vm4 =	vmand vm5, vm4  }
0x44: {  	vm4 =	vmand vm6, vm4  }
0x45: {  	v4 =	vnsel vm4, $0xFFFFFFFF, v3  }
0x46: {  	s31 =	sand.u32 $0x1, s0  }
0x47: {  	s0 =	simm.s32 $0xFA0;
	p1 =	seq.s32 s31, $0x1  }
0x48: {  	s0 =	simm.s32 @!p1 $0x0  }
0x49: {  	s26 =	sadd.s32 $0x3F70, s0;
	(ifvalue) =	ssetifvalue $0xFFFFFFFF  }
0x4a: {  	v3 =	vperm.xlane v3, v1;
	[tilespmem:s26], [sflag:$0x8] =	stream.indirect_vreg.gather [hbm4b:s1+s16], $0x1, v4, vm0, $0x4038;
	v4 =	vnsel vm6, $0xFFFFFFFE, v4;
	[tilespmem:$0x8DC0] =	vst v63  }
0x4b: {  	s2 =	simm.s32 $0x0;
	s22 =	sadd.s32 $0xFFFFFFF0, s28;
	[tilespmem:s28+$0x0] =	vst v4  }
.LBB2_3:
0x4c: {  	v4 =	vld.msk [tilespmem:s22+$0x0 ss:$0x1], $0xffff;
	s2 =	sadd.s32 $0x10, s2;
	v5 =	vmov v3;
	s28 =	smov.u32 s22  }
0x4d: {  	p1 =	slt.u32 s2, $0xF90;
	_ =	sdelay $0x4  }
0x4e: {  	v3 =	vperm.xlane v4, v1;
	(xrf1) =	vunique.msk.u32 $0xffff, v4;
	_ =	sdelay $0xd  }
0x4f: {  	v6, _, _ =	vpop (xrf1)  }
0x50: {  	vm5 =	vne.s32 v4, v5;
	vm4 =	veq.s32 v6, v2  }
0x51: {  	vm6 =	vlt.u32 v4, $0x40000;
	vm4 =	vmand vm5, vm4  }
0x52: {  	vm4 =	vmand vm6, vm4  }
0x53: {  	v4 =	vnsel vm4, $0xFFFFFFFF, v4  }
.Ltmp3:
0x54: {  	v5 =	vnsel vm6, $0xFFFFFFFE, v4;
	(pc) =	sbr.rel @p1 .LBB2_3-.Ltmp3, $3  }
0x55: {  	_ =	sdelay $0x1  }
0x56: {  	s22 =	sadd.s32 $0xFFFFFFF0, s22;
	s26 =	sadd.s32 $0xFFFFFFF0, s26;
	(ifvalue) =	ssetifvalue $0xFFFFFFFF  }
0x57: {  	[tilespmem:s26], [sflag:$0x8] =	stream.indirect_vreg.gather [hbm4b:s1+s16], $0x1, v4, vm0, $0x4038;
	[tilespmem:s28+$0x0] =	vst v5  }
0x58: {  	s2 =	sshrl.u32 s25, $0x3  }
0x59: {  	s0 =	sadd.s32 $0x4F20, s0;
	s2 =	sadd.s32 s6, s2  }
0x5a: {  	[tilespmem:s0], [sflag:$0x8] =	stream.linear.gather [hbm:s2], $0xFA0, $0x38;
	[tilespmem:$0x8DC0] =	vst v63  }
.LBB2_5:
0x5b: {  	p1 =	slt.u32 s24, $0x2  }
0x5c: {  	p2 =	sge.u32 @!p1 s24, s12  }
0x5d: {  	p1 =	por p1, p2  }
.Ltmp4:
0x5e: {  	_ = 	snop;
	(pc) =	sbr.rel @p1 .LBB2_9-.Ltmp4, $1  }
0x5f: {  	_ =	sdelay $0x3  }
0x60: {  	s0 =	sadd.s32 $0xFFFFFFFE, s24  }
0x61: {  	s2 =	smulhi.u32 $0xAAAAAAAB, s0;
	_ =	sdelay $0x1  }
0x62: {  	s2 =	sshrl.u32 s2, $0x1  }
0x63: {  	s2 =	smul.u32 $0x3, s2;
	_ =	sdelay $0x1  }
0x64: {  	s0 =	ssub.s32 s0, s2  }
0x65: {  	_ =	swait.ge [sflag:s8], $0x1F40;
	s0 =	smul.u32 $0xFA0, s0  }
0x66: {  	p1 =	sne.s32 s24, s11;
	[sflag:s8] =	ssyncset.done $0x0  }
0x67: {  	[sflag:s8] =	ssyncadd.s32 $0xFFFFE0C0;
	s2 =	sadd.s32 @!p1 $0x109F, s0  }
0x68: {  	[spmem:s13] =	stream.linear.scatter @!p1 [tilespmem:s2], [sflag:$0x1], $0x1, $0x38;
	[tilespmem:$0x8DC0] =	vst v63  }
0x69: {  	s2 =	simm.s32 @!p1 $0x1  }
0x6a: {  	_ =	swait.ge @!p1 [sflag:s2], $0x1  }
0x6b: {  	s22 =	sshll.u32 s24, $0x4;
	[sflag:s2] =	ssyncset.done @!p1 $0x0  }
0x6c: {  	s25 =	sand.u32 $0x10, s22;
	[sflag:s2] =	ssyncadd.s32 @!p1 $0xFFFFFFFF  }
0x6d: {  	s2 =	sxor.u32 $0x10, s25;
	v4 =	vld [tilespmem:s25+$0x10]  }
0x6e: {  	v5 =	vld [tilespmem:s2+$0x60]  }
0x6f: {  	v3 =	vld [tilespmem:$0x80];
	_ =	sdelay $0x2  }
0x70: {  	(v2sf) =	vpush v4, $0x0  }
0x71: {  	(v2sf) =	vpush v5, $0x0  }
0x72: {  	(v2sf) =	vpush v3, $0x0;
	_ =	sdelay $0xc  }
0x73: {  	s22 =	spop (v2sf)  }
0x74: {  	s26 =	spop (v2sf)  }
0x75: {  	s28 =	spop (v2sf)  }
0x76: {  	p2 =	seq.s32 s22, s26;
	p3 =	seq.s32 s28, s22  }
0x77: {  	p3 =	por p2, p3  }
0x78: {  	s26 =	sand.u32 $0x1, s24;
	v4 =	vpsel p3, $0xFFFFFFFF, v4  }
0x79: {  	s29 =	smul.u32 $0xFA0, s26;
	[tilespmem:s25+$0x10] =	vst.msk $0x1, v4  }
0x7a: {  	v4 =	vld [tilespmem:$0x30]  }
0x7b: {  	v5 =	vld [tilespmem:s29+$0x4F20]  }
0x7c: {  	v6 =	vld [tilespmem:s25+$0x40];
	_ =	sdelay $0x3  }
0x7d: {  	vm4 =	vmmov vm1;
	v5 =	vadd.f32 v5, v4  }
0x7e: {  	vm5 =	vmmov vm2;
	vm4 =	vmmov @p2 vm2;
	s22 =	sshll.u32 s26, $0x4;
	v4 =	vadd.f32 v6, v4  }
0x7f: {  	s26 =	sor.u32 $0x8DA0, s22;
	vm5 =	vmmov @p3 vm1;
	[tilespmem:s29+$0x4F20] =	vst.msk vm4, v5  }
0x80: {  	[tilespmem:s26+$0x0] =	vst.msk vm5, v4  }
0x81: {  	v4 =	vld [tilespmem:s29+$0x3F70];
	_ =	sdelay $0x3  }
0x82: {  	v5 =	vimm.f32 $0.0e+00  }
0x83: {  	v4 =	vshift.insert v4, v5, s21  }
0x84: {  	s22 =	sor.u32 $0x40, s2  }
0x85: {  	[tilespmem:s22+$0x0] =	vst.msk $0x1, v4  }
0x86: {  	[tilespmem:s29+$0x3F7F] =	vst.msk $0x1, v5  }
0x87: {  	v4 =	vld [tilespmem:s0+$0x1090];
	_ =	sdelay $0x1  }
0x88: {  	s22 =	smulhi.u32 $0xAAAAAAAB, s20;
	s0 =	simm.s32 $0x1  }
0x89: {  	s0 =	simm.s32 @!p0 $0x0  }
0x8a: {  	s22 =	sshrl.u32 s22, $0x1;
	s0 =	smul.u32 $0x3E80, s0  }
0x8b: {  	s22 =	smul.u32 $0xFFFF4480, s22;
	v4 =	vshift.insert v4, v1, s21  }
0x8c: {  	s0 =	sshrl.u32 s0, $0x2  }
0x8d: {  	s22 =	sshra.s32 s22, $0x2;
	s30 =	sadd.s32 $0x4F20, s0;
	[tilespmem:s2+$0x10] =	vst.msk $0x1, v4  }
0x8e: {  	s22 =	sadd.s32 s22, s19;
	v6 =	vld [tilespmem:s30+$0x0]  }
0x8f: {  	v7 =	vld [tilespmem:s22+$0x0];
	_ =	sdelay $0x3  }
0x90: {  	v5 =	vadd.f32 v6, v5  }
0x91: {  	vm4 =	vne.s32 v7, $0xFFFFFFFF  }
0x92: {  	(xrf2) =	vadd.seg.scan.f32 vm4, v5;
	_ =	sdelay $0x3  }
0x93: {  	s31 =	sadd.s32 $0x2FE0, s0;
	v5 =	vperm.xlane v4, v1  }
0x94: {  	v6 =	vld [tilespmem:s31+$0x0]  }
0x95: {  	vm5 =	veq.s32 v7, v3;
	vm6 =	veq.s32 v7, v5  }
0x96: {  	vm7 =	vgt.u32 v7, $0xFFFFFFFD;
	vm6 =	vmor vm6, vm5  }
0x97: {  	vm6 =	vmor vm6, vm7  }
0x98: {  	v9 =	vld [tilespmem:$0xA0];
	v7 =	vsel vm6, $0xFFFFFFFF, v7  }
0x99: {  	v10 =	vld [tilespmem:$0x90];
	v6 =	vsel vm5, $0x0, v6;
	v8, _, _ =	vpop (xrf2)  }
0x9a: {  	v6 =	vadd.f32 v8, v6  }
0x9b: {  	s0 =	sadd.s32 $0x6E60, s0  }
0x9c: {  	vm4 =	vmand vm4, vm3;
	[tilespmem:s0+$0x0] =	vst v6;
	(ifvalue) =	ssetifvalue $0xFFFFFFFF  }
0x9d: {  	vm6 =	veq.s32 v9, $0x1;
	[hbm4b:s1+s16] =	stream.indirect_vreg.scatter [tilespmem:s0], [sflag:$0x2], $0x1, v7, vm0, $0x4038;
	v7 =	vsel vm4, $0x0, v8;
	[tilespmem:$0x8DC0] =	vst v63  }
0x9e: {  	s2 =	simm.s32 $0x0;
	s22 =	sadd.s32 $0x10, s22;
	vm4 =	vmor vm6, vm5;
	v6 =	vsel vm5, v8, v10;
	v7 =	vshift.insert v7, v0, s21  }
.LBB2_7:
0x9f: {  	v8 =	vld [tilespmem:s22+$0x0];
	s30 =	sadd.s32 $0x10, s30  }
0xa0: {  	s31 =	sadd.s32 $0x10, s31;
	v9 =	vld [tilespmem:s30+$0x0]  }
0xa1: {  	s2 =	sadd.s32 $0x10, s2;
	v10 =	vld [tilespmem:s31+$0x0]  }
0xa2: {  	p2 =	slt.u32 s2, $0xF90;
	_ =	sdelay $0x2  }
0xa3: {  	v7 =	vadd.f32 v9, v7  }
0xa4: {  	vm5 =	vne.s32 v8, $0xFFFFFFFF  }
0xa5: {  	vm6 =	vmand vm5, vm3;
	(xrf2) =	vadd.seg.scan.f32 vm5, v7;
	_ =	sdelay $0x5  }
0xa6: {  	vm7 =	veq.s32 v8, v5;
	vm5 =	veq.s32 v8, v3  }
0xa7: {  	vm8 =	vgt.u32 v8, $0xFFFFFFFD;
	vm4 =	vmor vm4, vm5;
	vm7 =	vmor vm7, vm5  }
0xa8: {  	vm7 =	vmor vm7, vm8  }
0xa9: {  	v8 =	vsel vm7, $0xFFFFFFFF, v8  }
.Ltmp5:
0xaa: {  	v7 =	vsel vm5, $0x0, v10;
	v9, _, _ =	vpop (xrf2);
	(pc) =	sbr.rel @p2 .LBB2_7-.Ltmp5, $4  }
0xab: {  	v6 =	vsel vm5, v9, v6;
	v10 =	vadd.f32 v9, v7;
	v7 =	vsel vm6, $0x0, v9  }
0xac: {  	s0 =	sadd.s32 $0x10, s0;
	v7 =	vshift.insert v7, v0, s21  }
0xad: {  	s22 =	sadd.s32 $0x10, s22;
	[tilespmem:s0+$0x0] =	vst v10;
	(ifvalue) =	ssetifvalue $0xFFFFFFFF  }
0xae: {  	[hbm4b:s1+s16] =	stream.indirect_vreg.scatter [tilespmem:s0], [sflag:$0x2], $0x1, v8, vm0, $0x4038;
	[tilespmem:$0x8DC0] =	vst v63  }
0xaf: {  	v3 =	vld [tilespmem:s29+$0x7DF0];
	_ =	sdelay $0x4  }
0xb0: {  	v3 =	vshift.insert v3, v0, s21  }
0xb1: {  	s0 =	simm.s32 $0x30  }
0xb2: {  	[tilespmem:s0+$0x0] =	vst.msk $0x1, v3  }
0xb3: {  	v3 =	vsel vm4, $0x1, v1;
	[tilespmem:$0x90] =	vst v6  }
0xb4: {  	s0 =	sadd.s32 @!p1 $0x7DFF, s29;
	[tilespmem:$0xA0] =	vst v3  }
0xb5: {  	[spmem:s14] =	stream.linear.scatter @!p1 [tilespmem:s0], [sflag:$0x1], $0x1, $0x38;
	[tilespmem:$0x8DC0] =	vst v63  }
0xb6: {  	s0 =	simm.s32 @!p1 $0x1  }
0xb7: {  	v3 =	vmctz.xlane @!p1 vm4;
	_ =	swait.ge @!p1 [sflag:s0], $0x1  }
0xb8: {  	(v2sf) =	vpush @!p1 v4, $0x0  }
0xb9: {  	(v2sf) =	vpush @!p1 v3, $0x0;
	_ =	sdelay $0xd  }
0xba: {  	s2 =	spop @!p1 (v2sf)  }
0xbb: {  	s22 =	spop @!p1 (v2sf)  }
0xbc: {  	p2 =	sne.s32 @!p1 s28, s2;
	p3 =	slt.s32 @!p1 s22, $0xF  }
0xbd: {  	[sflag:s0] =	ssyncset.done @!p1 $0x0;
	p2 =	por p2, p1;
	p3 =	por !p3, p1  }
0xbe: {  	[sflag:s0] =	ssyncadd.s32 @!p1 $0xFFFFFFFF;
	v3 =	vimm.s32 @!p2 $0xFFFFFFFF;
	s22 =	simm.s32 @p3 $0xF  }
0xbf: {  	[tilespmem:$0x80] =	vst @!p2 v3;
	s2 =	sadd.s32 @!p1 $0x90, s22  }
0xc0: {  	[spmem:s10] =	stream.linear.scatter @!p1 [tilespmem:s2], [sflag:$0x1], $0x1, $0x38;
	[tilespmem:$0x8DC0] =	vst v63  }
0xc1: {  	_ =	swait.ge @!p1 [sflag:s0], $0x1  }
0xc2: {  	[sflag:s0] =	ssyncset.done @!p1 $0x0  }
0xc3: {  	s2 =	simm.s32 @!p1 $0x80;
	[sflag:s0] =	ssyncadd.s32 @!p1 $0xFFFFFFFF  }
0xc4: {  	[spmem:s15] =	stream.linear.scatter @!p1 [tilespmem:s2], [sflag:$0x1], $0x1, $0x38;
	[tilespmem:$0x8DC0] =	vst v63  }
0xc5: {  	_ =	swait.ge @!p1 [sflag:s0], $0x1  }
0xc6: {  	[sflag:s0] =	ssyncset.done @!p1 $0x0  }
0xc7: {  	[sflag:s0] =	ssyncadd.s32 @!p1 $0xFFFFFFFF;
	(ifvalue) =	ssetifvalue $0xFFFFFFFF;
	v3 =	vld [tilespmem:s25+$0x10];
	_ =	sdelay $0x3  }
.Ltmp6:
0xc8: {  	_ = 	snop;
	(pc) =	sbr.rel .LBB2_9-.Ltmp6, $3  }
0xc9: {  	_ =	sdelay $0x1  }
0xca: {  	(ifvalue) =	ssetifvalue $0xFFFFFFFF  }
0xcb: {  	[hbm4b:s1+s16] =	stream.indirect_vreg.scatter [tilespmem:s26], [sflag:$0x9], $0x1, v3, vm0, $0x4038;
	[tilespmem:$0x8DC0] =	vst v63  }
.LBB2_10:
0xcc: {  	_ =	sfence.sel $0x180000  }
0xcd: {  	s0 =	simm.s32 $0x7;
	[bflag:$0x0] =	sbarrier.arrive $0xFFFF  }
0xce: {  	s26 =	simm.s32 $0x8;
	[sflag:s0] =	ssyncpa.u1 $0x1  }
0xcf: {  	s28 =	simm.s32 $0x9;
	[sflag:s26] =	ssyncpa.u1 $0x1  }
0xd0: {  	[sflag:s28] =	ssyncpa.u1 $0x1  }
0xd1: {  	_ =	sfence.stream.spmem  }
0xd2: {  	s29 =	simm.s32 $0x3;
	[bflag:$0x0] =	sbarrier.arrive $0xFFFF  }
0xd3: {  	s30 =	simm.s32 $0x4;
	[sflag:s29] =	ssyncpa.u1 $0x1  }
0xd4: {  	s31 =	simm.s32 $0x3C;
	s2 =	stileid.u32;
	[sflag:s30] =	ssyncpa.u1 $0x1  }
0xd5: {  	p0 =	sne.s32 s2, $0x0;
	[sflag:s31] =	ssyncpa.u1 $0x1  }
0xd6: {  	s0 =	simm.s32 @p0 $0x1;
	_ =	sfence @p0  }
0xd7: {  	[sflag:s0] =	ssyncpa.u1 @p0 $0x1;
	s0 =	simm.s32 @p0 $0x2  }
0xd8: {  	[sflag:s0] =	ssyncpa.u1 @p0 $0x1  }
0xd9: {  	_ =	strace @p0 $0x9000005C  }
0xda: {  	[bflag:$0x2] =	sbarrier.arrive @p0 $0xFFFF  }
0xdb: {  	_ =	shalt @p0  }
.LBB2_11:
0xdc: {  	_ =	sfence.stream.spmem;
	s0 =	simm.s32 $0x5  }
0xdd: {  	s2 =	simm.s32 $0x80;
	s3 =	simm.s32 $0xC0;
	[sflag:s0] =	ssyncpa.u1 $0x0  }
0xde: {  	[tilespmem:s3], [sflag:$0x5] =	stream.linear.gather [spmem:s2], $0x20, $0x38;
	[tilespmem:$0x8DC0] =	vst v63  }
0xdf: {  	s2 =	simm.s32 $0x0;
	s3 =	simm.s32 $0xE0  }
0xe0: {  	[tilespmem:s3], [sflag:$0x5] =	stream.linear.gather [spmem:s2], $0x20, $0x38;
	[tilespmem:$0x8DC0] =	vst v63  }
.Ltmp7:
0xe1: {  	_ = 	snop;
	(pc) =	sbr.rel .LBB2_12-.Ltmp7, $4  }
0xe2: {  	_ =	swait.ge [sflag:s0], $0x40  }
0xe3: {  	[sflag:s0] =	ssyncset.done $0x0  }
0xe4: {  	s31 =	simm.s32 $0x6;
	[sflag:s0] =	ssyncadd.s32 $0xFFFFFFC0  }
0xe5: {  	s4 =	simm.s32 $0x0;
	[sflag:s31] =	ssyncpa.u1 $0x0  }
.LBB2_17:
0xe6: {  	p0 =	sgt.u32 s5, $0x3FFFF  }
0xe7: {  	s0 =	sshrl.u32 @!p0 s5, $0x3  }
0xe8: {  	s5 =	sand.u32 @!p0 $0x7, s5;
	s6 =	simm.s32 @!p0 $0xB0;
	s0 =	sadd.s32 @!p0 s1, s0  }
0xe9: {  	[tilespmem:s6], [sflag:$0x6] =	stream.linear.gather @!p0 [hbm4b:s0+s5], $0x1, $0x38;
	[tilespmem:$0x8DC0] =	vst v63  }
0xea: {  	s0 =	simm.s32 @!p0 $0x6  }
0xeb: {  	_ =	swait.ge @!p0 [sflag:s0], $0x1  }
0xec: {  	[sflag:s0] =	ssyncset.done @!p0 $0x0  }
0xed: {  	[sflag:s0] =	ssyncadd.s32 @!p0 $0xFFFFFFFF  }
0xee: {  	v2 =	vmov @!p0 s4;
	v1 =	vld.msk @!p0 [tilespmem:$0xB0], $0x1;
	_ =	sdelay $0x3  }
0xef: {  	s0 =	simm.s32 @!p0 $0xE0  }
0xf0: {  	[tilespmem:v2+s0+$0x0], v1 =	vst.idx.ret.add.f32.msk @!p0 $0x1, v1  }
0xf1: {  	[tilespmem:s2+$0xC0] =	vst.msk $0x1, v0  }
0xf2: {  	v0 =	vld.msk [tilespmem:s4+$0xE0], $0x1;
	_ =	sdelay $0x4  }
0xf3: {  	[tilespmem:s2+$0xE0] =	vst.msk $0x1, v0;
	s2 =	sadd.s32 $0x1, s2  }
.LBB2_19:
0xf4: {  	s4 =	sadd.s32 $0x1, s4  }
0xf5: {  	p0 =	sne.s32 s4, $0x20  }
.Ltmp8:
0xf6: {  	_ = 	snop;
	(pc) =	sbr.rel @!p0 .LBB2_20-.Ltmp8, $1  }
0xf7: {  	_ =	sdelay $0x3  }
.LBB2_12:
0xf8: {  	v0 =	vld.msk [tilespmem:s4+$0xC0], $0x1;
	_ =	sdelay $0x4  }
0xf9: {  	(v2sf) =	vpush v0, $0x0;
	_ =	sdelay $0xe  }
0xfa: {  	s5 =	spop (v2sf)  }
0xfb: {  	p0 =	seq.s32 s5, $0xFFFFFFFF  }
.Ltmp9:
0xfc: {  	_ = 	snop;
	(pc) =	sbr.rel @p0 .LBB2_19-.Ltmp9, $1  }
0xfd: {  	_ =	sdelay $0x3  }
0xfe: {  	p0 =	slt.s32 s2, $0x1  }
.Ltmp10:
0xff: {  	_ = 	snop;
	(pc) =	sbr.rel @p0 .LBB2_17-.Ltmp10, $1  }
0x100: {  	_ =	sdelay $0x3  }
0x101: {  	s0 =	simm.s32 $0xC0;
	p0 =	por $0x0, $0x0  }
0x102: {  	v1 =	vld.msk @!p0 [tilespmem:s0+$0x0], $0x1;
	_ =	sdelay $0x4  }
0x103: {  	(v2sf) =	vpush @!p0 v1, $0x0;
	_ =	sdelay $0xd  }
0x104: {  	p2 =	sne.s32 s2, $0x1  }
.Ltmp11:
0x105: {  	s6 =	spop @!p0 (v2sf);
	(pc) =	sbr.rel @!p2 .LBB2_16-.Ltmp11, $4  }
0x106: {  	p1 =	seq.s32 @!p0 s5, s6  }
0x107: {  	s6 =	simm.s32 $0x0;
	p1 =	por !p1, p0  }
0x108: {  	s8 =	simm.s32 $0xFFFFFFFF;
	s6 =	simm.s32 @p1 $0xFFFFFFFF  }
0x109: {  	s7 =	simm.s32 $0x1;
	s6 =	smov.u32 @p0 s8  }
.LBB2_15:
0x10a: {  	s8 =	smov.u32 s6;
	p0 =	sne.s32 s6, $0xFFFFFFFF  }
0x10b: {  	s0 =	sadd.s32 $0x1, s0;
	s6 =	smov.u32 s7;
	s7 =	sadd.s32 $0x1, s7  }
0x10c: {  	p1 =	sne.s32 s2, s7;
	v1 =	vld.msk @!p0 [tilespmem:s0+$0x0], $0x1;
	_ =	sdelay $0x4  }
0x10d: {  	(v2sf) =	vpush @!p0 v1, $0x0;
	_ =	sdelay $0xe  }
.Ltmp12:
0x10e: {  	s9 =	spop @!p0 (v2sf);
	(pc) =	sbr.rel @p1 .LBB2_15-.Ltmp12, $4  }
0x10f: {  	p2 =	seq.s32 @!p0 s5, s9  }
0x110: {  	p2 =	por !p2, p0  }
0x111: {  	s6 =	simm.s32 @p2 $0xFFFFFFFF  }
0x112: {  	s6 =	smov.u32 @p0 s8  }
.LBB2_16:
0x113: {  	p0 =	sne.s32 s6, $0xFFFFFFFF  }
.Ltmp13:
0x114: {  	_ = 	snop;
	(pc) =	sbr.rel @!p0 .LBB2_17-.Ltmp13, $1  }
0x115: {  	_ =	sdelay $0x3  }
0x116: {  	v0 =	vld.msk [tilespmem:s4+$0xE0], $0x1;
	v1 =	vmov s6  }
.Ltmp14:
0x117: {  	_ = 	snop;
	(pc) =	sbr.rel .LBB2_19-.Ltmp14, $2  }
0x118: {  	_ =	sdelay $0x2  }
0x119: {  	[tilespmem:v1+s3+$0x0], v0 =	vst.idx.ret.add.f32.msk $0x1, v0  }
.LBB2_20:
0x11a: {  	p0 =	slt.s32 s2, $0x1  }
.Ltmp15:
0x11b: {  	_ = 	snop;
	(pc) =	sbr.rel @p0 .LBB2_24-.Ltmp15, $3  }
0x11c: {  	_ =	sdelay $0x1  }
0x11d: {  	s0 =	simm.s32 $0x6  }
0x11e: {  	s3 =	simm.s32 $0x0;
	[sflag:s0] =	ssyncpa.u1 $0x1  }
0x11f: {  	s0 =	simm.s32 $0xC0  }
0x120: {  	v0 =	vld.msk [tilespmem:s0+$0x0], $0x1;
	_ =	sdelay $0x4  }
0x121: {  	(v2sf) =	vpush v0, $0x0;
	_ =	sdelay $0xe  }
0x122: {  	s2 =	sadd.s32 $0xFFFFFFFF, s2;
	s4 =	spop (v2sf)  }
0x123: {  	p1 =	sne.s32 s2, $0x0;
	p0 =	sgt.u32 s4, $0x3FFFF  }
.Ltmp16:
0x124: {  	s5 =	sshrl.u32 @!p0 s4, $0x3;
	(pc) =	sbr.rel @!p1 .LBB2_23-.Ltmp16, $4  }
0x125: {  	s0 =	simm.s32 $0xE0;
	s4 =	sand.u32 @!p0 $0x7, s4;
	s5 =	sadd.s32 @!p0 s1, s5  }
0x126: {  	[hbm4b:s5+s4] =	stream.linear.scatter @!p0 [tilespmem:s0], [sflag:$0x5], $0x1, $0x38;
	[tilespmem:$0x8DC0] =	vst v63  }
0x127: {  	s5 =	simm.s32 $0x0  }
0x128: {  	s4 =	simm.s32 $0xC1;
	s5 =	simm.s32 @!p0 $0x4  }
.LBB2_22:
0x129: {  	v0 =	vld.msk [tilespmem:s4+$0x0], $0x1;
	s2 =	sadd.s32 $0xFFFFFFFF, s2;
	s3 =	sadd.s32 s3, s5  }
0x12a: {  	p0 =	sne.s32 s2, $0x0;
	_ =	sdelay $0x3  }
0x12b: {  	(v2sf) =	vpush v0, $0x0;
	_ =	sdelay $0xe  }
.Ltmp17:
0x12c: {  	s6 =	spop (v2sf);
	(pc) =	sbr.rel @p0 .LBB2_22-.Ltmp17, $4  }
0x12d: {  	s5 =	simm.s32 $0x0;
	p1 =	sgt.u32 s6, $0x3FFFF  }
0x12e: {  	s0 =	sadd.s32 $0x1, s0;
	s5 =	simm.s32 @!p1 $0x4;
	s7 =	sshrl.u32 @!p1 s6, $0x3  }
0x12f: {  	s4 =	sadd.s32 $0x1, s4;
	s6 =	sand.u32 @!p1 $0x7, s6;
	s7 =	sadd.s32 @!p1 s1, s7  }
0x130: {  	[hbm4b:s7+s6] =	stream.linear.scatter @!p1 [tilespmem:s0], [sflag:$0x5], $0x1, $0x38;
	[tilespmem:$0x8DC0] =	vst v63  }
.LBB2_23:
0x131: {  	s0 =	sadd.s32 s3, s5  }
0x132: {  	s3 =	sshrl.u32 s0, $0x2  }
.LBB2_24:
0x133: {  	s0 =	simm.s32 $0x5  }
0x134: {  	_ =	swait.ge [sflag:s0], s3  }
0x135: {  	s1 =	ssub.s32 $0x0, s3;
	[sflag:s0] =	ssyncset.done $0x0  }
0x136: {  	[sflag:s0] =	ssyncadd.s32 s1  }
0x137: {  	[sflag:s0] =	ssyncpa.u1 $0x1  }
0x138: {  	s29 =	simm.s32 $0x1;
	_ =	sfence  }
0x139: {  	s30 =	simm.s32 $0x2;
	[sflag:s29] =	ssyncpa.u1 $0x1  }
0x13a: {  	[sflag:s30] =	ssyncpa.u1 $0x1  }
0x13b: {  	_ =	strace $0x9000005C  }
0x13c: {  	[bflag:$0x2] =	sbarrier.arrive $0xFFFF  }
0x13d: {  	s31 =	rddreg [dreg:$0x1]  }
0x13e: {  	s0 =	sadd.s32 $0x100000, s31  }
0x13f: {  	[sflag:s0] =	ssyncadd.tile.s32 $0x1;
	_ =	shalt  }
.Lfunc_end2:
_tile_overlayer_lowered:
.L_overlay_start_2:
0x140: {  	(tag) =	ssettag $0x2  }
0x141: {  	s0 =	rddreg [dreg:$0x0];
	s2 =	stileid.u32  }
0x142: {  	s1 =	rddreg [dreg:$0x1];
	p0 =	sne.s32 s2, $0x0  }
0x143: {  	s3 =	rddreg [dreg:$0x2];
	[bflag:$0x3] =	sbarrier.arrive $0xFFFF;
	s2 =	simm.s32 @!p0 $0x1C01  }
0x144: {  	[timem:s3], [sflag:s2] =	dma.local @!p0 [hbm:s0], s1  }
0x145: {  	s0 =	simm.s32 @!p0 $0x1  }
0x146: {  	_ =	swait.ge @!p0 [sflag:s0], s1  }
0x147: {  	s1 =	ssub.s32 @!p0 $0x0, s1;
	[sflag:s0] =	ssyncset.done @!p0 $0x0  }
0x148: {  	[sflag:s0] =	ssyncadd.s32 @!p0 s1  }
0x149: {  	[bflag:$0x3] =	sbarrier.arrive $0xFFFF  }
0x14a: {  	_ =	shalt  }

// kernel: scatter_offload_async_start
scs
__scs_entry_jumppad:
0x0: {  	(pc) =	sbr.rel $0x88, $3  }
0x1: {  	(tag) =	ssettag $0x0;
	lr =	simm.s32 $0x1  }
0x2: {  	[smem:$0x3F9E] =	sst lr;
	_ =	strace $0xD0000000  }
0x3: {  	_ = 	snop  }
0x4: {  	_ = 	snop  }
0x5: {  	_ = 	snop  }
0x6: {  	_ = 	snop  }
0x7: {  	_ = 	snop  }
__scs_overlays_trampoline_lowered:
0x8: {  	[smem:$0x3FAD] =	sst s0  }
0x9: {  	[smem:$0x3FAE] =	sst s1  }
0xa: {  	[smem:$0x3FAF] =	sst s2  }
0xb: {  	[smem:$0x3FB0] =	sst s3  }
0xc: {  	[smem:$0x3FB1] =	sst s4  }
0xd: {  	[smem:$0x3FB2] =	sst s5  }
0xe: {  	[smem:$0x3FB3] =	sst s6  }
0xf: {  	[smem:$0x3FB4] =	sst s7  }
0x10: {  	[smem:$0x3FB5] =	sst s8  }
0x11: {  	[smem:$0x3FB6] =	sst s9;
	s0 =	simm.s32 @!p0 $0x0  }
0x12: {  	s1 =	sld [smem:$0x3F9C];
	s0 =	simm.s32 @p0 $0x1  }
0x13: {  	[smem:$0x3FB7] =	sst s0;
	s0 =	simm.s32 @!p1 $0x0  }
0x14: {  	s2 =	sld [smem:$0x3F9B];
	s0 =	simm.s32 @p1 $0x1  }
0x15: {  	[smem:$0x3FB8] =	sst s0;
	s0 =	simm.s32 @!p2 $0x0  }
0x16: {  	s3 =	sld [smem:$0x3FDB];
	s0 =	simm.s32 @p2 $0x1  }
0x17: {  	s4 =	simm.s32 $0x1BF5;
	[smem:$0x3FBA] =	sst s0  }
0x18: {  	s0 =	sld [smem:$0x3F9D];
	_ =	swait.ge [sflag:s4], $0x0  }
0x19: {  	s7 =	sld [smem:$0x3F9E]  }
0x1a: {  	s8 =	sadd.s32 $0xFFFFE003, lr  }
0x1b: {  	s9 =	sadd.s32 $0xFFFFFEF7, lr;
	s5 =	simm.s32 $0xFFFFFFFF;
	p2 =	slt.u32 s8, $0xFFFFF086  }
0x1c: {  	p1 =	slt.u32 s9, $0xF7A;
	s5 =	simm.s32 @!p2 $0x0  }
0x1d: {  	s5 =	simm.s32 @p1 $0x1;
	p0 =	seq.s32 s7, s2  }
0x1e: {  	s7 =	smul.u32 @!p0 $0xF7A, s2;
	p2 =	seq.s32 @!p0 s5, $0x0  }
0x1f: {  	s9 =	smul.u32 $0xF7A, s1;
	s8 =	simm.s32 @!p0 $0x1BF5;
	p2 =	por !p2, p0  }
0x20: {  	[sflag:s8] =	ssyncset.s32 @!p0 $0xFFFFF086;
	s6 =	sadd.s32 @!p0 s3, s7;
	s7 =	simm.s32 @!p0 $0x108  }
0x21: {  	s3 =	sadd.s32 s3, s9;
	s6 =	sadd.s32 @!p0 $0x88, s6;
	s7 =	simm.s32 @p2 $0x1082  }
0x22: {  	[simem:s7], [sflag:s8] =	dma.local @!p0 [hbm:s6], $0xF7A  }
0x23: {  	s9 =	sor.u32 $0xD0000000, s2;
	s6 =	simm.s32 $0x108;
	_ =	swait.ge @!p0 [sflag:s8], $0x0  }
0x24: {  	s3 =	sadd.s32 $0x88, s3;
	s6 =	simm.s32 @!p1 $0x1082;
	[sflag:s4] =	ssyncset.s32 $0xFFFFF086  }
0x25: {  	[simem:s6], [sflag:s4] =	dma.local [hbm:s3], $0xF7A  }
0x26: {  	[smem:$0x3F9E] =	sst s1;
	(tag) =	ssettag s2;
	_ =	strace s9  }
0x27: {  	s1 =	sld [smem:$0x3FAE]  }
0x28: {  	s2 =	sld [smem:$0x3FAF]  }
0x29: {  	s4 =	sld [smem:$0x3FB1]  }
0x2a: {  	p0 =	seq.s32 s5, $0x0;
	s5 =	sld [smem:$0x3FB2]  }
0x2b: {  	s6 =	sld [smem:$0x3FB3]  }
0x2c: {  	s7 =	sld [smem:$0x3FB4]  }
0x2d: {  	s3 =	simm.s32 $0x108;
	s8 =	sld [smem:$0x3FB5]  }
0x2e: {  	s3 =	simm.s32 @!p0 $0x1082;
	s9 =	sld [smem:$0x3FB6]  }
0x2f: {  	lr =	sadd.s32 s0, s3;
	s0 =	sld [smem:$0x3FAD]  }
0x30: {  	s3 =	sld [smem:$0x3FB0]  }
0x31: {  	[smem:$0x3FB9] =	sst s10  }
0x32: {  	s10 =	sld [smem:$0x3FB7];
	_ =	sdelay $0x3  }
0x33: {  	p0 =	seq.s32 s10, $0x1;
	s10 =	sld [smem:$0x3FB9];
	_ =	sdelay $0x3  }
0x34: {  	[smem:$0x3FB9] =	sst s10  }
0x35: {  	s10 =	sld [smem:$0x3FB8];
	_ =	sdelay $0x3  }
0x36: {  	p1 =	seq.s32 s10, $0x1;
	s10 =	sld [smem:$0x3FB9];
	_ =	sdelay $0x3  }
0x37: {  	[smem:$0x3FB9] =	sst s10  }
0x38: {  	s10 =	sld [smem:$0x3FBA]  }
0x39: {  	_ = 	snop;
	(pc) =	sbr.ind lr, $3  }
0x3a: {  	_ = 	snop  }
0x3b: {  	_ = 	snop  }
0x3c: {  	p2 =	seq.s32 s10, $0x1;
	s10 =	sld [smem:$0x3FB9]  }
0x3d: {  	_ =	shalt  }
0x3e: {  	_ =	shalt  }
0x3f: {  	_ =	shalt  }
0x40: {  	_ =	shalt  }
0x41: {  	_ =	shalt  }
0x42: {  	_ =	shalt  }
0x43: {  	_ =	shalt  }
0x44: {  	_ =	shalt  }
0x45: {  	_ =	shalt  }
0x46: {  	_ =	shalt  }
0x47: {  	_ =	shalt  }
0x48: {  	_ =	shalt  }
0x49: {  	_ =	shalt  }
0x4a: {  	_ =	shalt  }
0x4b: {  	_ =	shalt  }
0x4c: {  	_ =	shalt  }
0x4d: {  	_ =	shalt  }
0x4e: {  	_ =	shalt  }
0x4f: {  	_ =	shalt  }
0x50: {  	_ =	shalt  }
0x51: {  	_ =	shalt  }
0x52: {  	_ =	shalt  }
0x53: {  	_ =	shalt  }
0x54: {  	_ =	shalt  }
0x55: {  	_ =	shalt  }
0x56: {  	_ =	shalt  }
0x57: {  	_ =	shalt  }
0x58: {  	_ =	shalt  }
0x59: {  	_ =	shalt  }
0x5a: {  	_ =	shalt  }
0x5b: {  	_ =	shalt  }
0x5c: {  	_ =	shalt  }
0x5d: {  	_ =	shalt  }
0x5e: {  	_ =	shalt  }
0x5f: {  	_ =	shalt  }
0x60: {  	_ =	shalt  }
0x61: {  	_ =	shalt  }
0x62: {  	_ =	shalt  }
0x63: {  	_ =	shalt  }
0x64: {  	_ =	shalt  }
0x65: {  	_ =	shalt  }
0x66: {  	_ =	shalt  }
0x67: {  	_ =	shalt  }
0x68: {  	_ =	shalt  }
0x69: {  	_ =	shalt  }
0x6a: {  	_ =	shalt  }
0x6b: {  	_ =	shalt  }
0x6c: {  	_ =	shalt  }
0x6d: {  	_ =	shalt  }
0x6e: {  	_ =	shalt  }
0x6f: {  	_ =	shalt  }
0x70: {  	_ =	shalt  }
0x71: {  	_ =	shalt  }
0x72: {  	_ =	shalt  }
0x73: {  	_ =	shalt  }
0x74: {  	_ =	shalt  }
0x75: {  	_ =	shalt  }
0x76: {  	_ =	shalt  }
0x77: {  	_ =	shalt  }
0x78: {  	_ =	shalt  }
0x79: {  	_ =	shalt  }
0x7a: {  	_ =	shalt  }
0x7b: {  	_ =	shalt  }
0x7c: {  	_ =	shalt  }
0x7d: {  	_ =	shalt  }
0x7e: {  	_ =	shalt  }
0x7f: {  	_ =	shalt  }
0x80: {  	_ =	shalt  }
0x81: {  	_ =	shalt  }
0x82: {  	_ =	shalt  }
0x83: {  	_ =	shalt  }
0x84: {  	_ =	shalt  }
0x85: {  	_ =	shalt  }
0x86: {  	_ =	shalt  }
0x87: {  	_ =	shalt  }
.Lfunc_end0:
.L_simem_size_0:
called_computation_lowered:
.L_overlay_start_0:
0x88: {  	s0 =	sld [smem:$0x3FD9]  }
0x89: {  	s1 =	sld [smem:$0x3FFE];
	_ =	sdelay $0x3  }
0x8a: {  	s0 =	sadd.s32 s1, s0  }
0x8b: {  	[smem:$0x3FC5] =	sst s0  }
0x8c: {  	_ = 	snop  }
0x8d: {  	s0 =	sld [smem:$0x3FD0];
	(tm) =	ssettm $0x1  }
0x8e: {  	s16 =	sld [smem:$0x3FFB];
	_ =	sdelay $0x3  }
0x8f: {  	_ =	strace s16  }
0x90: {  	s1 =	sld [smem:$0x3FFC];
	_ =	sdelay $0x3  }
0x91: {  	_ =	strace s1  }
0x92: {  	s1 =	sld [smem:$0x3FFD];
	_ =	sdelay $0x3  }
0x93: {  	_ =	strace s1  }
0x94: {  	_ =	strace $0x8FFFFFFF  }
0x95: {  	s17 =	sld [smem:$0x3FDB];
	_ =	sdelay $0x1  }
0x96: {  	s2 =	simm.s32 $_scs_section_size  }
0x97: {  	s3 =	simm.s32 $_size__tile_overlayer_lowered;
	s4 =	simm.s32 $_tile_overlayer_lowered  }
0x98: {  	s20 =	simm.s32 $0x1BFF;
	s19 =	sshll.u32 s4, $0x1;
	s1 =	sadd.s32 s2, s17  }
0x99: {  	s5 =	simm.s32 $0x0;
	s18 =	sshll.u32 s3, $0x1;
	s3 =	sadd.s32 s19, s1  }
0x9a: {  	[timem:s5], [sflag:s20] =	dma.local [hbm:s3], s18  }
0x9b: {  	_ =	swait.ge [sflag:s20], s18  }
0x9c: {  	s2 =	ssub.s32 $0x0, s18;
	[sflag:s20] =	ssyncset.done $0x0  }
0x9d: {  	[sflag:s20] =	ssyncadd.s32 s2;
	_ =	sdelay $0x1  }
0x9e: {  	s21 =	simm.s32 $0x1B8B  }
0x9f: {  	_ =	swait.ge [sflag:s21], $0x1  }
0xa0: {  	[sflag:s21] =	ssyncset.done $0x0  }
0xa1: {  	s23 =	simm.s32 $0x1B8E;
	s22 =	sld [smem:$0x3FFE];
	[sflag:s21] =	ssyncadd.s32 $0xFFFFFFFF  }
0xa2: {  	s24 =	simm.s32 $execute0_lowered;
	[smem:$0x3FD2] =	sst s23  }
0xa3: {  	s3 =	sshll.u32 s24, $0x1;
	_ =	strace $0x80000046;
	[dreg:$0x1] =	wrdreg $0xFFFFFFFF  }
0xa4: {  	s25 =	simm.s32 $_size_execute0_lowered;
	s1 =	sadd.s32 s1, s3;
	[dreg:$0x0] =	wrdreg $0x0  }
0xa5: {  	s3 =	sshll.u32 s25, $0x1;
	[dreg:$0x2] =	wrdreg s1  }
0xa6: {  	[dreg:$0x3] =	wrdreg s3  }
0xa7: {  	[dreg:$0x4] =	wrdreg $0xC0  }
0xa8: {  	_ =	task [dreg:s5], $0x5FFFF  }
0xa9: {  	[dreg:$0x1] =	wrdreg $0xFFFFFFFF  }
0xaa: {  	[dreg:$0x0] =	wrdreg $0x60  }
0xab: {  	[dreg:$0x2] =	wrdreg s22  }
0xac: {  	[dreg:$0x3] =	wrdreg s0  }
0xad: {  	[dreg:$0x4] =	wrdreg $0x9  }
0xae: {  	_ =	task.clear_ibuf [dreg:s5], $0x5FFFF;
	_ =	strace $0x90000046  }
0xaf: {  	s26 =	simm.s32 $0x9;
	_ =	strace $0x80000048  }
0xb0: {  	_ =	swait.ge [sflag:s26], $0x1  }
0xb1: {  	[sflag:s26] =	ssyncadd.s32 $0xFFFFFFFF  }
0xb2: {  	_ =	strace $0x90000048  }
0xb3: {  	_ =	sfence  }
0xb4: {  	s28 =	sld [smem:$0x0];
	_ =	sdelay $0x1  }
0xb5: {  	s29 =	srdreg.scid  }
0xb6: {  	s30 =	sshll.u32 s29, $0xD;
	s31 =	sshrl.u32 s29, $0x2  }
0xb7: {  	s2 =	sand.u32 $0x4000, s30;
	s1 =	sand.u32 $0x1, s29;
	s0 =	sadd.s32 s31, s28  }
0xb8: {  	s1 =	sor.u32 s2, s1;
	s0 =	sshll.u32 s0, $0x11  }
0xb9: {  	s0 =	sor.u32 s0, s1  }
0xba: {  	s0 =	sadd.s32 $0x8F2B, s0  }
0xbb: {  	[sflag:s0] =	ssyncadd.remote.s32 $0x1  }
0xbc: {  	_ =	sfence.sel $0xFFFF  }
0xbd: {  	[dreg:$0x0] =	wrdreg $0xFFFFFFFF;
	(pc) =	sbr.abs _section_cstart, $3  }
0xbe: {  	[dreg:$0x1] =	wrdreg $0xFFFFFFFF  }
0xbf: {  	_ =	task.clear_ibuf [dreg:s5], $0x2FFFF;
	_ =	strace $0x9FFFFFFF  }
0xc0: {  	(tm) =	ssettm $0x7FFFFFFF  }
0xc1: {  	_ =	shalt  }
tec
execute0_lowered:
.L_overlay_start_1:
0x0: {  	(tag) =	ssettag $0x1  }
0x1: {  	s0 =	rddreg [dreg:$0x0];
	s14 =	stileid.u32  }
0x2: {  	s3 =	rddreg [dreg:$0x1];
	s1 =	smul.u32 $0x7, s14  }
0x3: {  	_ =	strace $0x80000047;
	s2 =	simm.s32 $0x1;
	s4 =	smin.u32 s14, $0xD  }
0x4: {  	v1 =	vimm.s32 $0xFFFFFFFF;
	[sflag:s2] =	ssyncpa.u1 $0x0;
	s1 =	sadd.s32 s4, s1  }
0x5: {  	p0 =	slt.u32 s14, $0xD;
	[tilespmem:$0x10] =	vst v1;
	s4 =	smul.u32 $0xFA0, s1;
	s1 =	simm.s32 $0x7D00  }
0x6: {  	v0 =	vimm.f32 $0.0e+00;
	[tilespmem:$0x20] =	vst v1;
	s1 =	simm.s32 @!p0 $0x6D60  }
0x7: {  	[tilespmem:$0x30] =	vst v0;
	s1 =	sadd.s32 s1, s4  }
0x8: {  	[tilespmem:$0x40] =	vst v0;
	s5 =	smin.u32 s1, $0x7A120  }
0x9: {  	[tilespmem:$0x50] =	vst v0;
	s9 =	ssub.s32 s5, s4  }
0xa: {  	s7 =	simm.s32 $0x2;
	[tilespmem:$0x60] =	vst v1;
	p0 =	sgt.s32 s9, $0x0  }
0xb: {  	s8 =	simm.s32 $0x8;
	s31 =	simm.s32 $0x9;
	[tilespmem:$0x70] =	vst v1;
	s9 =	simm.s32 @!p0 $0x0  }
0xc: {  	s16 =	simm.s32 $0x0;
	s17 =	simm.s32 $0xF0;
	[tilespmem:$0x80] =	vst v1;
	s30 =	smulhi.u32 $0x10624DD3, s9  }
0xd: {  	s18 =	simm.s32 $0xFFFFFFFF;
	s19 =	simm.s32 $0xFFFFE1C0;
	s20 =	simm.s32 $0xFFFFFFFE;
	v1 =	vimm.s32 $0x0;
	[tilespmem:$0xB0] =	vst v0  }
0xe: {  	s21 =	simm.s32 $0xF;
	s25 =	simm.s32 $0x0;
	[tilespmem:$0x90] =	vst v1;
	s10 =	sshrl.u32 s30, $0x8  }
0xf: {  	[tilespmem:$0xA0] =	vst v1;
	[sflag:s7] =	ssyncpa.u1 $0x0;
	s7 =	simm.s32 $0x7;
	s11 =	smul.u32 $0xFA0, s10  }
0x10: {  	s24 =	simm.s32 $0x0;
	s6 =	sadd.s32 $0x190000, s0;
	[sflag:s7] =	ssyncpa.u1 $0x0  }
.Ltmp0:
0x11: {  	[sflag:s8] =	ssyncpa.u1 $0x0;
	p0 =	sne.s32 s9, s11;
	(pc) =	sbr.rel .LBB2_1-.Ltmp0, $4  }
0x12: {  	[sflag:s31] =	ssyncpa.u1 $0x0;
	s23 =	smov.u32 s4;
	s2 =	simm.s32 @!p0 $0x0  }
0x13: {  	s1 =	sadd.s32 $0x1BE400, s0;
	p0 =	por $0x0, $0x0;
	s9 =	sadd.s32 s2, s10  }
0x14: {  	vm0 =	vmmov $0xffff;
	v2 =	vlaneseq.u32;
	s10 =	sshll.u32 s14, $0x1;
	s14 =	sshllo.u32 s14, $0x1;
	s11 =	sadd.s32 $0x1, s9  }
0x15: {  	vm1 =	vmxor vm1, vm1;
	vm2 =	vmmov $0x1;
	vm3 =	vcmask $0x3F3C;
	s12 =	sadd.s32 $0x2, s9;
	s13 =	sor.u32 $0x81, s10;
	s15 =	sor.u32 $0x80, s10  }
.LBB2_9:
0x16: {  	p1 =	slt.u32 s24, $0x3  }
0x17: {  	s0 =	simm.s32 @!p1 $0x2  }
0x18: {  	_ =	swait.ge @!p1 [sflag:s0], $0xFA0  }
0x19: {  	[sflag:s0] =	ssyncset.done @!p1 $0x0  }
0x1a: {  	[sflag:s0] =	ssyncadd.s32 @!p1 $0xFFFFF060;
	s0 =	simm.s32 @!p1 $0x9  }
0x1b: {  	_ =	swait.ge @!p1 [sflag:s0], $0x10  }
0x1c: {  	[sflag:s0] =	ssyncset.done @!p1 $0x0  }
0x1d: {  	[sflag:s0] =	ssyncadd.s32 @!p1 $0xFFFFFFF0;
	p1 =	sne.s32 s24, s12  }
.Ltmp1:
0x1e: {  	s2 =	sadd.s32 $0xFA0, s23;
	(pc) =	sbr.rel @!p1 .LBB2_10-.Ltmp1, $4  }
0x1f: {  	s22 =	smov.u32 s4;
	s31 =	sadd.s32 $0x1, s24;
	s17 =	sadd.s32 $0xFA0, s17  }
0x20: {  	s18 =	sadd.s32 $0x1, s18;
	s25 =	smov.u32 s23;
	p2 =	slt.s32 s2, s5  }
0x21: {  	p0 =	por !p0, !p0;
	s19 =	sadd.s32 $0xFA0, s19;
	s22 =	smov.u32 @p2 s2  }
0x22: {  	s20 =	sadd.s32 $0x1, s20;
	s23 =	smov.u32 s22;
	s24 =	smov.u32 s31  }
.LBB2_1:
0x23: {  	p1 =	sge.u32 s24, s9  }
0x24: {  	s0 =	smulhi.u32 @!p1 $0xAAAAAAAB, s24;
	_ =	sdelay $0x1  }
0x25: {  	s0 =	sshrl.u32 @!p1 s0, $0x1  }
0x26: {  	s0 =	smul.u32 @!p1 $0x3, s0;
	_ =	sdelay $0x1  }
0x27: {  	s0 =	ssub.s32 @!p1 s24, s0  }
0x28: {  	s0 =	smul.u32 @!p1 $0x3E80, s0;
	_ =	sdelay $0x1  }
0x29: {  	s2 =	sshrl.u32 @!p1 s23, $0x3;
	s0 =	sshrl.u32 @!p1 s0, $0x2  }
0x2a: {  	s22 =	sand.u32 @!p1 $0x7, s23;
	s2 =	sadd.s32 @!p1 s3, s2;
	s0 =	sadd.s32 @!p1 $0x100, s0  }
0x2b: {  	[tilespmem:s0], [sflag:$0x7] =	stream.linear.gather @!p1 [hbm4b:s2+s22], $0xFA0, $0x38;
	[tilespmem:$0x8DC0] =	vst v63  }
0x2c: {  	s0 =	sadd.s32 $0xFFFFFFFF, s24  }
0x2d: {  	p1 =	sge.u32 s0, s9  }
.Ltmp2:
0x2e: {  	_ = 	snop;
	(pc) =	sbr.rel @p1 .LBB2_5-.Ltmp2, $1  }
0x2f: {  	_ =	sdelay $0x3  }
0x30: {  	s2 =	smulhi.u32 $0xAAAAAAAB, s0;
	_ =	sdelay $0x1  }
0x31: {  	s2 =	sshrl.u32 s2, $0x1  }
0x32: {  	s2 =	smul.u32 $0x3, s2;
	_ =	sdelay $0x1  }
0x33: {  	s2 =	ssub.s32 s0, s2  }
0x34: {  	s2 =	smul.u32 $0x3E80, s2  }
0x35: {  	_ =	swait.ge [sflag:s7], $0xFA0  }
0x36: {  	[sflag:s7] =	ssyncset.done $0x0;
	s2 =	sshrl.u32 s2, $0x2  }
0x37: {  	[sflag:s7] =	ssyncadd.s32 $0xFFFFF060;
	(ifvalue) =	ssetifvalue $0xFFFFFFFF;
	v3 =	vld.msk [tilespmem:s2+$0x100 ss:$0x1], $0xffff;
	_ =	sdelay $0x2  }
0x38: {  	s30 =	smulhi.u32 $0xAAAAAAAB, s18;
	p1 =	sne.s32 s24, $0x1  }
0x39: {  	v4 =	vimm.s32 @!p1 $0x0  }
0x3a: {  	s2 =	sshrl.u32 s30, $0x1;
	v4 =	vperm.xlane @!p1 v3, v4  }
0x3b: {  	s22 =	sshll.u32 s24, $0x4;
	s2 =	smul.u32 $0xFFFF4480, s2;
	vm4 =	vlt.u32 v3, $0x40000  }
0x3c: {  	s22 =	sand.u32 $0x10, s22;
	v3 =	vnsel vm4, $0xFFFFFFFE, v3;
	vm4 =	vlt.u32 @!p1 v4, $0x40000  }
0x3d: {  	s2 =	sshra.s32 s2, $0x2;
	[tilespmem:s22+$0x60] =	vst v3;
	v3 =	vnsel @!p1 vm4, $0xFFFFFFFE, v4  }
0x3e: {  	s28 =	sadd.s32 s2, s17;
	[tilespmem:$0x80] =	vst @!p1 v3  }
0x3f: {  	v3 =	vld.msk [tilespmem:s28+$0x0 ss:$0x1], $0xffff;
	_ =	sdelay $0x4  }
0x40: {  	(xrf1) =	vunique.msk.u32 $0xffff, v3;
	_ =	sdelay $0xd  }
0x41: {  	v4 =	vimm.s32 $0xFFFFFFFF;
	v5, _, _ =	vpop (xrf1)  }
0x42: {  	vm5 =	vne.s32 v3, v4;
	vm4 =	veq.s32 v5, v2  }
0x43: {  	vm6 =	vlt.u32 v3, $0x40000;
	vm4 =	vmand vm5, vm4  }
0x44: {  	vm4 =	vmand vm6, vm4  }
0x45: {  	v4 =	vnsel vm4, $0xFFFFFFFF, v3  }
0x46: {  	s31 =	sand.u32 $0x1, s0  }
0x47: {  	s0 =	simm.s32 $0xFA0;
	p1 =	seq.s32 s31, $0x1  }
0x48: {  	s0 =	simm.s32 @!p1 $0x0  }
0x49: {  	s26 =	sadd.s32 $0x3F70, s0;
	(ifvalue) =	ssetifvalue $0xFFFFFFFF  }
0x4a: {  	v3 =	vperm.xlane v3, v1;
	[tilespmem:s26], [sflag:$0x8] =	stream.indirect_vreg.gather [hbm4b:s1+s16], $0x1, v4, vm0, $0x4038;
	v4 =	vnsel vm6, $0xFFFFFFFE, v4;
	[tilespmem:$0x8DC0] =	vst v63  }
0x4b: {  	s2 =	simm.s32 $0x0;
	s22 =	sadd.s32 $0xFFFFFFF0, s28;
	[tilespmem:s28+$0x0] =	vst v4  }
.LBB2_3:
0x4c: {  	v4 =	vld.msk [tilespmem:s22+$0x0 ss:$0x1], $0xffff;
	s2 =	sadd.s32 $0x10, s2;
	v5 =	vmov v3;
	s28 =	smov.u32 s22  }
0x4d: {  	p1 =	slt.u32 s2, $0xF90;
	_ =	sdelay $0x4  }
0x4e: {  	v3 =	vperm.xlane v4, v1;
	(xrf1) =	vunique.msk.u32 $0xffff, v4;
	_ =	sdelay $0xd  }
0x4f: {  	v6, _, _ =	vpop (xrf1)  }
0x50: {  	vm5 =	vne.s32 v4, v5;
	vm4 =	veq.s32 v6, v2  }
0x51: {  	vm6 =	vlt.u32 v4, $0x40000;
	vm4 =	vmand vm5, vm4  }
0x52: {  	vm4 =	vmand vm6, vm4  }
0x53: {  	v4 =	vnsel vm4, $0xFFFFFFFF, v4  }
.Ltmp3:
0x54: {  	v5 =	vnsel vm6, $0xFFFFFFFE, v4;
	(pc) =	sbr.rel @p1 .LBB2_3-.Ltmp3, $3  }
0x55: {  	_ =	sdelay $0x1  }
0x56: {  	s22 =	sadd.s32 $0xFFFFFFF0, s22;
	s26 =	sadd.s32 $0xFFFFFFF0, s26;
	(ifvalue) =	ssetifvalue $0xFFFFFFFF  }
0x57: {  	[tilespmem:s26], [sflag:$0x8] =	stream.indirect_vreg.gather [hbm4b:s1+s16], $0x1, v4, vm0, $0x4038;
	[tilespmem:s28+$0x0] =	vst v5  }
0x58: {  	s2 =	sshrl.u32 s25, $0x3  }
0x59: {  	s0 =	sadd.s32 $0x4F20, s0;
	s2 =	sadd.s32 s6, s2  }
0x5a: {  	[tilespmem:s0], [sflag:$0x8] =	stream.linear.gather [hbm:s2], $0xFA0, $0x38;
	[tilespmem:$0x8DC0] =	vst v63  }
.LBB2_5:
0x5b: {  	p1 =	slt.u32 s24, $0x2  }
0x5c: {  	p2 =	sge.u32 @!p1 s24, s12  }
0x5d: {  	p1 =	por p1, p2  }
.Ltmp4:
0x5e: {  	_ = 	snop;
	(pc) =	sbr.rel @p1 .LBB2_9-.Ltmp4, $1  }
0x5f: {  	_ =	sdelay $0x3  }
0x60: {  	s0 =	sadd.s32 $0xFFFFFFFE, s24  }
0x61: {  	s2 =	smulhi.u32 $0xAAAAAAAB, s0;
	_ =	sdelay $0x1  }
0x62: {  	s2 =	sshrl.u32 s2, $0x1  }
0x63: {  	s2 =	smul.u32 $0x3, s2;
	_ =	sdelay $0x1  }
0x64: {  	s0 =	ssub.s32 s0, s2  }
0x65: {  	_ =	swait.ge [sflag:s8], $0x1F40;
	s0 =	smul.u32 $0xFA0, s0  }
0x66: {  	p1 =	sne.s32 s24, s11;
	[sflag:s8] =	ssyncset.done $0x0  }
0x67: {  	[sflag:s8] =	ssyncadd.s32 $0xFFFFE0C0;
	s2 =	sadd.s32 @!p1 $0x109F, s0  }
0x68: {  	[spmem:s13] =	stream.linear.scatter @!p1 [tilespmem:s2], [sflag:$0x1], $0x1, $0x38;
	[tilespmem:$0x8DC0] =	vst v63  }
0x69: {  	s2 =	simm.s32 @!p1 $0x1  }
0x6a: {  	_ =	swait.ge @!p1 [sflag:s2], $0x1  }
0x6b: {  	s22 =	sshll.u32 s24, $0x4;
	[sflag:s2] =	ssyncset.done @!p1 $0x0  }
0x6c: {  	s25 =	sand.u32 $0x10, s22;
	[sflag:s2] =	ssyncadd.s32 @!p1 $0xFFFFFFFF  }
0x6d: {  	s2 =	sxor.u32 $0x10, s25;
	v4 =	vld [tilespmem:s25+$0x10]  }
0x6e: {  	v5 =	vld [tilespmem:s2+$0x60]  }
0x6f: {  	v3 =	vld [tilespmem:$0x80];
	_ =	sdelay $0x2  }
0x70: {  	(v2sf) =	vpush v4, $0x0  }
0x71: {  	(v2sf) =	vpush v5, $0x0  }
0x72: {  	(v2sf) =	vpush v3, $0x0;
	_ =	sdelay $0xc  }
0x73: {  	s22 =	spop (v2sf)  }
0x74: {  	s26 =	spop (v2sf)  }
0x75: {  	s28 =	spop (v2sf)  }
0x76: {  	p2 =	seq.s32 s22, s26;
	p3 =	seq.s32 s28, s22  }
0x77: {  	p3 =	por p2, p3  }
0x78: {  	s26 =	sand.u32 $0x1, s24;
	v4 =	vpsel p3, $0xFFFFFFFF, v4  }
0x79: {  	s29 =	smul.u32 $0xFA0, s26;
	[tilespmem:s25+$0x10] =	vst.msk $0x1, v4  }
0x7a: {  	v4 =	vld [tilespmem:$0x30]  }
0x7b: {  	v5 =	vld [tilespmem:s29+$0x4F20]  }
0x7c: {  	v6 =	vld [tilespmem:s25+$0x40];
	_ =	sdelay $0x3  }
0x7d: {  	vm4 =	vmmov vm1;
	v5 =	vadd.f32 v5, v4  }
0x7e: {  	vm5 =	vmmov vm2;
	vm4 =	vmmov @p2 vm2;
	s22 =	sshll.u32 s26, $0x4;
	v4 =	vadd.f32 v6, v4  }
0x7f: {  	s26 =	sor.u32 $0x8DA0, s22;
	vm5 =	vmmov @p3 vm1;
	[tilespmem:s29+$0x4F20] =	vst.msk vm4, v5  }
0x80: {  	[tilespmem:s26+$0x0] =	vst.msk vm5, v4  }
0x81: {  	v4 =	vld [tilespmem:s29+$0x3F70];
	_ =	sdelay $0x3  }
0x82: {  	v5 =	vimm.f32 $0.0e+00  }
0x83: {  	v4 =	vshift.insert v4, v5, s21  }
0x84: {  	s22 =	sor.u32 $0x40, s2  }
0x85: {  	[tilespmem:s22+$0x0] =	vst.msk $0x1, v4  }
0x86: {  	[tilespmem:s29+$0x3F7F] =	vst.msk $0x1, v5  }
0x87: {  	v4 =	vld [tilespmem:s0+$0x1090];
	_ =	sdelay $0x1  }
0x88: {  	s22 =	smulhi.u32 $0xAAAAAAAB, s20;
	s0 =	simm.s32 $0x1  }
0x89: {  	s0 =	simm.s32 @!p0 $0x0  }
0x8a: {  	s22 =	sshrl.u32 s22, $0x1;
	s0 =	smul.u32 $0x3E80, s0  }
0x8b: {  	s22 =	smul.u32 $0xFFFF4480, s22;
	v4 =	vshift.insert v4, v1, s21  }
0x8c: {  	s0 =	sshrl.u32 s0, $0x2  }
0x8d: {  	s22 =	sshra.s32 s22, $0x2;
	s30 =	sadd.s32 $0x4F20, s0;
	[tilespmem:s2+$0x10] =	vst.msk $0x1, v4  }
0x8e: {  	s22 =	sadd.s32 s22, s19;
	v6 =	vld [tilespmem:s30+$0x0]  }
0x8f: {  	v7 =	vld [tilespmem:s22+$0x0];
	_ =	sdelay $0x3  }
0x90: {  	v5 =	vadd.f32 v6, v5  }
0x91: {  	vm4 =	vne.s32 v7, $0xFFFFFFFF  }
0x92: {  	(xrf2) =	vadd.seg.scan.f32 vm4, v5;
	_ =	sdelay $0x3  }
0x93: {  	s31 =	sadd.s32 $0x2FE0, s0;
	v5 =	vperm.xlane v4, v1  }
0x94: {  	v6 =	vld [tilespmem:s31+$0x0]  }
0x95: {  	vm5 =	veq.s32 v7, v3;
	vm6 =	veq.s32 v7, v5  }
0x96: {  	vm7 =	vgt.u32 v7, $0xFFFFFFFD;
	vm6 =	vmor vm6, vm5  }
0x97: {  	vm6 =	vmor vm6, vm7  }
0x98: {  	v9 =	vld [tilespmem:$0xA0];
	v7 =	vsel vm6, $0xFFFFFFFF, v7  }
0x99: {  	v10 =	vld [tilespmem:$0x90];
	v6 =	vsel vm5, $0x0, v6;
	v8, _, _ =	vpop (xrf2)  }
0x9a: {  	v6 =	vadd.f32 v8, v6  }
0x9b: {  	s0 =	sadd.s32 $0x6E60, s0  }
0x9c: {  	vm4 =	vmand vm4, vm3;
	[tilespmem:s0+$0x0] =	vst v6;
	(ifvalue) =	ssetifvalue $0xFFFFFFFF  }
0x9d: {  	vm6 =	veq.s32 v9, $0x1;
	[hbm4b:s1+s16] =	stream.indirect_vreg.scatter [tilespmem:s0], [sflag:$0x2], $0x1, v7, vm0, $0x4038;
	v7 =	vsel vm4, $0x0, v8;
	[tilespmem:$0x8DC0] =	vst v63  }
0x9e: {  	s2 =	simm.s32 $0x0;
	s22 =	sadd.s32 $0x10, s22;
	vm4 =	vmor vm6, vm5;
	v6 =	vsel vm5, v8, v10;
	v7 =	vshift.insert v7, v0, s21  }
.LBB2_7:
0x9f: {  	v8 =	vld [tilespmem:s22+$0x0];
	s30 =	sadd.s32 $0x10, s30  }
0xa0: {  	s31 =	sadd.s32 $0x10, s31;
	v9 =	vld [tilespmem:s30+$0x0]  }
0xa1: {  	s2 =	sadd.s32 $0x10, s2;
	v10 =	vld [tilespmem:s31+$0x0]  }
0xa2: {  	p2 =	slt.u32 s2, $0xF90;
	_ =	sdelay $0x2  }
0xa3: {  	v7 =	vadd.f32 v9, v7  }
0xa4: {  	vm5 =	vne.s32 v8, $0xFFFFFFFF  }
0xa5: {  	vm6 =	vmand vm5, vm3;
	(xrf2) =	vadd.seg.scan.f32 vm5, v7;
	_ =	sdelay $0x5  }
0xa6: {  	vm7 =	veq.s32 v8, v5;
	vm5 =	veq.s32 v8, v3  }
0xa7: {  	vm8 =	vgt.u32 v8, $0xFFFFFFFD;
	vm4 =	vmor vm4, vm5;
	vm7 =	vmor vm7, vm5  }
0xa8: {  	vm7 =	vmor vm7, vm8  }
0xa9: {  	v8 =	vsel vm7, $0xFFFFFFFF, v8  }
.Ltmp5:
0xaa: {  	v7 =	vsel vm5, $0x0, v10;
	v9, _, _ =	vpop (xrf2);
	(pc) =	sbr.rel @p2 .LBB2_7-.Ltmp5, $4  }
0xab: {  	v6 =	vsel vm5, v9, v6;
	v10 =	vadd.f32 v9, v7;
	v7 =	vsel vm6, $0x0, v9  }
0xac: {  	s0 =	sadd.s32 $0x10, s0;
	v7 =	vshift.insert v7, v0, s21  }
0xad: {  	s22 =	sadd.s32 $0x10, s22;
	[tilespmem:s0+$0x0] =	vst v10;
	(ifvalue) =	ssetifvalue $0xFFFFFFFF  }
0xae: {  	[hbm4b:s1+s16] =	stream.indirect_vreg.scatter [tilespmem:s0], [sflag:$0x2], $0x1, v8, vm0, $0x4038;
	[tilespmem:$0x8DC0] =	vst v63  }
0xaf: {  	v3 =	vld [tilespmem:s29+$0x7DF0];
	_ =	sdelay $0x4  }
0xb0: {  	v3 =	vshift.insert v3, v0, s21  }
0xb1: {  	s0 =	simm.s32 $0x30  }
0xb2: {  	[tilespmem:s0+$0x0] =	vst.msk $0x1, v3  }
0xb3: {  	v3 =	vsel vm4, $0x1, v1;
	[tilespmem:$0x90] =	vst v6  }
0xb4: {  	s0 =	sadd.s32 @!p1 $0x7DFF, s29;
	[tilespmem:$0xA0] =	vst v3  }
0xb5: {  	[spmem:s14] =	stream.linear.scatter @!p1 [tilespmem:s0], [sflag:$0x1], $0x1, $0x38;
	[tilespmem:$0x8DC0] =	vst v63  }
0xb6: {  	s0 =	simm.s32 @!p1 $0x1  }
0xb7: {  	v3 =	vmctz.xlane @!p1 vm4;
	_ =	swait.ge @!p1 [sflag:s0], $0x1  }
0xb8: {  	(v2sf) =	vpush @!p1 v4, $0x0  }
0xb9: {  	(v2sf) =	vpush @!p1 v3, $0x0;
	_ =	sdelay $0xd  }
0xba: {  	s2 =	spop @!p1 (v2sf)  }
0xbb: {  	s22 =	spop @!p1 (v2sf)  }
0xbc: {  	p2 =	sne.s32 @!p1 s28, s2;
	p3 =	slt.s32 @!p1 s22, $0xF  }
0xbd: {  	[sflag:s0] =	ssyncset.done @!p1 $0x0;
	p2 =	por p2, p1;
	p3 =	por !p3, p1  }
0xbe: {  	[sflag:s0] =	ssyncadd.s32 @!p1 $0xFFFFFFFF;
	v3 =	vimm.s32 @!p2 $0xFFFFFFFF;
	s22 =	simm.s32 @p3 $0xF  }
0xbf: {  	[tilespmem:$0x80] =	vst @!p2 v3;
	s2 =	sadd.s32 @!p1 $0x90, s22  }
0xc0: {  	[spmem:s10] =	stream.linear.scatter @!p1 [tilespmem:s2], [sflag:$0x1], $0x1, $0x38;
	[tilespmem:$0x8DC0] =	vst v63  }
0xc1: {  	_ =	swait.ge @!p1 [sflag:s0], $0x1  }
0xc2: {  	[sflag:s0] =	ssyncset.done @!p1 $0x0  }
0xc3: {  	s2 =	simm.s32 @!p1 $0x80;
	[sflag:s0] =	ssyncadd.s32 @!p1 $0xFFFFFFFF  }
0xc4: {  	[spmem:s15] =	stream.linear.scatter @!p1 [tilespmem:s2], [sflag:$0x1], $0x1, $0x38;
	[tilespmem:$0x8DC0] =	vst v63  }
0xc5: {  	_ =	swait.ge @!p1 [sflag:s0], $0x1  }
0xc6: {  	[sflag:s0] =	ssyncset.done @!p1 $0x0  }
0xc7: {  	[sflag:s0] =	ssyncadd.s32 @!p1 $0xFFFFFFFF;
	(ifvalue) =	ssetifvalue $0xFFFFFFFF;
	v3 =	vld [tilespmem:s25+$0x10];
	_ =	sdelay $0x3  }
.Ltmp6:
0xc8: {  	_ = 	snop;
	(pc) =	sbr.rel .LBB2_9-.Ltmp6, $3  }
0xc9: {  	_ =	sdelay $0x1  }
0xca: {  	(ifvalue) =	ssetifvalue $0xFFFFFFFF  }
0xcb: {  	[hbm4b:s1+s16] =	stream.indirect_vreg.scatter [tilespmem:s26], [sflag:$0x9], $0x1, v3, vm0, $0x4038;
	[tilespmem:$0x8DC0] =	vst v63  }
.LBB2_10:
0xcc: {  	_ =	sfence.sel $0x180000  }
0xcd: {  	s0 =	simm.s32 $0x7;
	[bflag:$0x0] =	sbarrier.arrive $0xFFFF  }
0xce: {  	s26 =	simm.s32 $0x8;
	[sflag:s0] =	ssyncpa.u1 $0x1  }
0xcf: {  	s28 =	simm.s32 $0x9;
	[sflag:s26] =	ssyncpa.u1 $0x1  }
0xd0: {  	[sflag:s28] =	ssyncpa.u1 $0x1  }
0xd1: {  	_ =	sfence.stream.spmem  }
0xd2: {  	s29 =	simm.s32 $0x3;
	[bflag:$0x0] =	sbarrier.arrive $0xFFFF  }
0xd3: {  	s30 =	simm.s32 $0x4;
	[sflag:s29] =	ssyncpa.u1 $0x1  }
0xd4: {  	s31 =	simm.s32 $0x3C;
	s2 =	stileid.u32;
	[sflag:s30] =	ssyncpa.u1 $0x1  }
0xd5: {  	p0 =	sne.s32 s2, $0x0;
	[sflag:s31] =	ssyncpa.u1 $0x1  }
0xd6: {  	s0 =	simm.s32 @p0 $0x1;
	_ =	sfence @p0  }
0xd7: {  	[sflag:s0] =	ssyncpa.u1 @p0 $0x1;
	s0 =	simm.s32 @p0 $0x2  }
0xd8: {  	[sflag:s0] =	ssyncpa.u1 @p0 $0x1  }
0xd9: {  	_ =	strace @p0 $0x90000047  }
0xda: {  	[bflag:$0x2] =	sbarrier.arrive @p0 $0xFFFF  }
0xdb: {  	_ =	shalt @p0  }
.LBB2_11:
0xdc: {  	_ =	sfence.stream.spmem;
	s0 =	simm.s32 $0x5  }
0xdd: {  	s2 =	simm.s32 $0x80;
	s3 =	simm.s32 $0xC0;
	[sflag:s0] =	ssyncpa.u1 $0x0  }
0xde: {  	[tilespmem:s3], [sflag:$0x5] =	stream.linear.gather [spmem:s2], $0x20, $0x38;
	[tilespmem:$0x8DC0] =	vst v63  }
0xdf: {  	s2 =	simm.s32 $0x0;
	s3 =	simm.s32 $0xE0  }
0xe0: {  	[tilespmem:s3], [sflag:$0x5] =	stream.linear.gather [spmem:s2], $0x20, $0x38;
	[tilespmem:$0x8DC0] =	vst v63  }
.Ltmp7:
0xe1: {  	_ = 	snop;
	(pc) =	sbr.rel .LBB2_12-.Ltmp7, $4  }
0xe2: {  	_ =	swait.ge [sflag:s0], $0x40  }
0xe3: {  	[sflag:s0] =	ssyncset.done $0x0  }
0xe4: {  	s31 =	simm.s32 $0x6;
	[sflag:s0] =	ssyncadd.s32 $0xFFFFFFC0  }
0xe5: {  	s4 =	simm.s32 $0x0;
	[sflag:s31] =	ssyncpa.u1 $0x0  }
.LBB2_17:
0xe6: {  	p0 =	sgt.u32 s5, $0x3FFFF  }
0xe7: {  	s0 =	sshrl.u32 @!p0 s5, $0x3  }
0xe8: {  	s5 =	sand.u32 @!p0 $0x7, s5;
	s6 =	simm.s32 @!p0 $0xB0;
	s0 =	sadd.s32 @!p0 s1, s0  }
0xe9: {  	[tilespmem:s6], [sflag:$0x6] =	stream.linear.gather @!p0 [hbm4b:s0+s5], $0x1, $0x38;
	[tilespmem:$0x8DC0] =	vst v63  }
0xea: {  	s0 =	simm.s32 @!p0 $0x6  }
0xeb: {  	_ =	swait.ge @!p0 [sflag:s0], $0x1  }
0xec: {  	[sflag:s0] =	ssyncset.done @!p0 $0x0  }
0xed: {  	[sflag:s0] =	ssyncadd.s32 @!p0 $0xFFFFFFFF  }
0xee: {  	v2 =	vmov @!p0 s4;
	v1 =	vld.msk @!p0 [tilespmem:$0xB0], $0x1;
	_ =	sdelay $0x3  }
0xef: {  	s0 =	simm.s32 @!p0 $0xE0  }
0xf0: {  	[tilespmem:v2+s0+$0x0], v1 =	vst.idx.ret.add.f32.msk @!p0 $0x1, v1  }
0xf1: {  	[tilespmem:s2+$0xC0] =	vst.msk $0x1, v0  }
0xf2: {  	v0 =	vld.msk [tilespmem:s4+$0xE0], $0x1;
	_ =	sdelay $0x4  }
0xf3: {  	[tilespmem:s2+$0xE0] =	vst.msk $0x1, v0;
	s2 =	sadd.s32 $0x1, s2  }
.LBB2_19:
0xf4: {  	s4 =	sadd.s32 $0x1, s4  }
0xf5: {  	p0 =	sne.s32 s4, $0x20  }
.Ltmp8:
0xf6: {  	_ = 	snop;
	(pc) =	sbr.rel @!p0 .LBB2_20-.Ltmp8, $1  }
0xf7: {  	_ =	sdelay $0x3  }
.LBB2_12:
0xf8: {  	v0 =	vld.msk [tilespmem:s4+$0xC0], $0x1;
	_ =	sdelay $0x4  }
0xf9: {  	(v2sf) =	vpush v0, $0x0;
	_ =	sdelay $0xe  }
0xfa: {  	s5 =	spop (v2sf)  }
0xfb: {  	p0 =	seq.s32 s5, $0xFFFFFFFF  }
.Ltmp9:
0xfc: {  	_ = 	snop;
	(pc) =	sbr.rel @p0 .LBB2_19-.Ltmp9, $1  }
0xfd: {  	_ =	sdelay $0x3  }
0xfe: {  	p0 =	slt.s32 s2, $0x1  }
.Ltmp10:
0xff: {  	_ = 	snop;
	(pc) =	sbr.rel @p0 .LBB2_17-.Ltmp10, $1  }
0x100: {  	_ =	sdelay $0x3  }
0x101: {  	s0 =	simm.s32 $0xC0;
	p0 =	por $0x0, $0x0  }
0x102: {  	v1 =	vld.msk @!p0 [tilespmem:s0+$0x0], $0x1;
	_ =	sdelay $0x4  }
0x103: {  	(v2sf) =	vpush @!p0 v1, $0x0;
	_ =	sdelay $0xd  }
0x104: {  	p2 =	sne.s32 s2, $0x1  }
.Ltmp11:
0x105: {  	s6 =	spop @!p0 (v2sf);
	(pc) =	sbr.rel @!p2 .LBB2_16-.Ltmp11, $4  }
0x106: {  	p1 =	seq.s32 @!p0 s5, s6  }
0x107: {  	s6 =	simm.s32 $0x0;
	p1 =	por !p1, p0  }
0x108: {  	s8 =	simm.s32 $0xFFFFFFFF;
	s6 =	simm.s32 @p1 $0xFFFFFFFF  }
0x109: {  	s7 =	simm.s32 $0x1;
	s6 =	smov.u32 @p0 s8  }
.LBB2_15:
0x10a: {  	s8 =	smov.u32 s6;
	p0 =	sne.s32 s6, $0xFFFFFFFF  }
0x10b: {  	s0 =	sadd.s32 $0x1, s0;
	s6 =	smov.u32 s7;
	s7 =	sadd.s32 $0x1, s7  }
0x10c: {  	p1 =	sne.s32 s2, s7;
	v1 =	vld.msk @!p0 [tilespmem:s0+$0x0], $0x1;
	_ =	sdelay $0x4  }
0x10d: {  	(v2sf) =	vpush @!p0 v1, $0x0;
	_ =	sdelay $0xe  }
.Ltmp12:
0x10e: {  	s9 =	spop @!p0 (v2sf);
	(pc) =	sbr.rel @p1 .LBB2_15-.Ltmp12, $4  }
0x10f: {  	p2 =	seq.s32 @!p0 s5, s9  }
0x110: {  	p2 =	por !p2, p0  }
0x111: {  	s6 =	simm.s32 @p2 $0xFFFFFFFF  }
0x112: {  	s6 =	smov.u32 @p0 s8  }
.LBB2_16:
0x113: {  	p0 =	sne.s32 s6, $0xFFFFFFFF  }
.Ltmp13:
0x114: {  	_ = 	snop;
	(pc) =	sbr.rel @!p0 .LBB2_17-.Ltmp13, $1  }
0x115: {  	_ =	sdelay $0x3  }
0x116: {  	v0 =	vld.msk [tilespmem:s4+$0xE0], $0x1;
	v1 =	vmov s6  }
.Ltmp14:
0x117: {  	_ = 	snop;
	(pc) =	sbr.rel .LBB2_19-.Ltmp14, $2  }
0x118: {  	_ =	sdelay $0x2  }
0x119: {  	[tilespmem:v1+s3+$0x0], v0 =	vst.idx.ret.add.f32.msk $0x1, v0  }
.LBB2_20:
0x11a: {  	p0 =	slt.s32 s2, $0x1  }
.Ltmp15:
0x11b: {  	_ = 	snop;
	(pc) =	sbr.rel @p0 .LBB2_24-.Ltmp15, $3  }
0x11c: {  	_ =	sdelay $0x1  }
0x11d: {  	s0 =	simm.s32 $0x6  }
0x11e: {  	s3 =	simm.s32 $0x0;
	[sflag:s0] =	ssyncpa.u1 $0x1  }
0x11f: {  	s0 =	simm.s32 $0xC0  }
0x120: {  	v0 =	vld.msk [tilespmem:s0+$0x0], $0x1;
	_ =	sdelay $0x4  }
0x121: {  	(v2sf) =	vpush v0, $0x0;
	_ =	sdelay $0xe  }
0x122: {  	s2 =	sadd.s32 $0xFFFFFFFF, s2;
	s4 =	spop (v2sf)  }
0x123: {  	p1 =	sne.s32 s2, $0x0;
	p0 =	sgt.u32 s4, $0x3FFFF  }
.Ltmp16:
0x124: {  	s5 =	sshrl.u32 @!p0 s4, $0x3;
	(pc) =	sbr.rel @!p1 .LBB2_23-.Ltmp16, $4  }
0x125: {  	s0 =	simm.s32 $0xE0;
	s4 =	sand.u32 @!p0 $0x7, s4;
	s5 =	sadd.s32 @!p0 s1, s5  }
0x126: {  	[hbm4b:s5+s4] =	stream.linear.scatter @!p0 [tilespmem:s0], [sflag:$0x5], $0x1, $0x38;
	[tilespmem:$0x8DC0] =	vst v63  }
0x127: {  	s5 =	simm.s32 $0x0  }
0x128: {  	s4 =	simm.s32 $0xC1;
	s5 =	simm.s32 @!p0 $0x4  }
.LBB2_22:
0x129: {  	v0 =	vld.msk [tilespmem:s4+$0x0], $0x1;
	s2 =	sadd.s32 $0xFFFFFFFF, s2;
	s3 =	sadd.s32 s3, s5  }
0x12a: {  	p0 =	sne.s32 s2, $0x0;
	_ =	sdelay $0x3  }
0x12b: {  	(v2sf) =	vpush v0, $0x0;
	_ =	sdelay $0xe  }
.Ltmp17:
0x12c: {  	s6 =	spop (v2sf);
	(pc) =	sbr.rel @p0 .LBB2_22-.Ltmp17, $4  }
0x12d: {  	s5 =	simm.s32 $0x0;
	p1 =	sgt.u32 s6, $0x3FFFF  }
0x12e: {  	s0 =	sadd.s32 $0x1, s0;
	s5 =	simm.s32 @!p1 $0x4;
	s7 =	sshrl.u32 @!p1 s6, $0x3  }
0x12f: {  	s4 =	sadd.s32 $0x1, s4;
	s6 =	sand.u32 @!p1 $0x7, s6;
	s7 =	sadd.s32 @!p1 s1, s7  }
0x130: {  	[hbm4b:s7+s6] =	stream.linear.scatter @!p1 [tilespmem:s0], [sflag:$0x5], $0x1, $0x38;
	[tilespmem:$0x8DC0] =	vst v63  }
.LBB2_23:
0x131: {  	s0 =	sadd.s32 s3, s5  }
0x132: {  	s3 =	sshrl.u32 s0, $0x2  }
.LBB2_24:
0x133: {  	s0 =	simm.s32 $0x5  }
0x134: {  	_ =	swait.ge [sflag:s0], s3  }
0x135: {  	s1 =	ssub.s32 $0x0, s3;
	[sflag:s0] =	ssyncset.done $0x0  }
0x136: {  	[sflag:s0] =	ssyncadd.s32 s1  }
0x137: {  	[sflag:s0] =	ssyncpa.u1 $0x1  }
0x138: {  	s29 =	simm.s32 $0x1;
	_ =	sfence  }
0x139: {  	s30 =	simm.s32 $0x2;
	[sflag:s29] =	ssyncpa.u1 $0x1  }
0x13a: {  	[sflag:s30] =	ssyncpa.u1 $0x1  }
0x13b: {  	_ =	strace $0x90000047  }
0x13c: {  	[bflag:$0x2] =	sbarrier.arrive $0xFFFF  }
0x13d: {  	s31 =	rddreg [dreg:$0x2]  }
0x13e: {  	s0 =	sadd.s32 $0x100000, s31  }
0x13f: {  	[sflag:s0] =	ssyncadd.tile.s32 $0x1;
	_ =	shalt  }
.Lfunc_end2:
_tile_overlayer_lowered:
.L_overlay_start_2:
0x140: {  	(tag) =	ssettag $0x2  }
0x141: {  	s0 =	rddreg [dreg:$0x0];
	s2 =	stileid.u32  }
0x142: {  	s1 =	rddreg [dreg:$0x1];
	p0 =	sne.s32 s2, $0x0  }
0x143: {  	s3 =	rddreg [dreg:$0x2];
	[bflag:$0x3] =	sbarrier.arrive $0xFFFF;
	s2 =	simm.s32 @!p0 $0x1C01  }
0x144: {  	[timem:s3], [sflag:s2] =	dma.local @!p0 [hbm:s0], s1  }
0x145: {  	s0 =	simm.s32 @!p0 $0x1  }
0x146: {  	_ =	swait.ge @!p0 [sflag:s0], s1  }
0x147: {  	s1 =	ssub.s32 @!p0 $0x0, s1;
	[sflag:s0] =	ssyncset.done @!p0 $0x0  }
0x148: {  	[sflag:s0] =	ssyncadd.s32 @!p0 s1  }
0x149: {  	[bflag:$0x3] =	sbarrier.arrive $0xFFFF  }
0x14a: {  	_ =	shalt  }

</sc_bundles>
